<compile_context>
chip_gen: v7x
topology: tpu7x:2x2x1
jax: 0.10.2.dev20260603
libtpu: 0.0.44.dev20260713+nightly
codegen_flags: <defaults>
</compile_context>

<pallas_src>
import functools

import jax
import jax.numpy as jnp
from jax import lax
from jax.experimental import pallas as pl
from jax.experimental.pallas import tpu as pltpu
from jax.experimental.pallas import tpu_sc as plsc

VS = 100
YP, ZP = 104, 128
MP = VS * YP * ZP
N = 4 * 128 * 128
HB = MP // 2
DUMP = 3072
ACC_N = HB + DUMP
NTILES = 16
TSLICE = ACC_N // NTILES
ZCH = TSLICE // 4
PPT = N // NTILES
NROW = PPT // 128
XB = 4


def _vox_idx_body(p_ref, m_ref, r_ref, o_ref):
    p = p_ref[...]
    m = m_ref[...].reshape(1, 3)[:, :, None]
    r = r_ref[...].reshape(1, 3)[:, :, None]
    e = jnp.clip(jnp.floor((p - m) / r), 0.0, float(VS - 1)).astype(jnp.int32)
    o_ref[...] = (e[:, 0:1, :] * (YP * ZP) + e[:, 1:2, :] * ZP + e[:, 2:3, :])


def _vox_idx(pcd_r, bb_min, res):
    B = pcd_r.shape[0]
    return pl.pallas_call(
        _vox_idx_body,
        grid=(B,),
        in_specs=[
            pl.BlockSpec((1, 3, N), lambda b: (b, 0, 0)),
            pl.BlockSpec((1, 1, 3), lambda b: (b, 0, 0)),
            pl.BlockSpec((1, 1, 3), lambda b: (b, 0, 0)),
        ],
        out_specs=pl.BlockSpec((1, 1, N), lambda b: (b, 0, 0)),
        out_shape=jax.ShapeDtypeStruct((B, 1, N), jnp.int32),
    )(pcd_r, bb_min.reshape(B, 1, 3), res.reshape(B, 1, 3))


def _fin_compute(s, j, o_ref):
    cnt = s[:, 6, :, :VS, :VS]
    rden = 1.0 / jnp.maximum(cnt, 1.0)
    for c in range(6):
        o_ref[:, c] = s[:, c, :, :VS, :VS] * rden
    dv = jnp.float32(1.0 / (VS - 1))
    sh = (1, XB, VS, VS)
    xg = (j * XB + lax.broadcasted_iota(jnp.int32, sh, 1)).astype(jnp.float32)
    o_ref[:, 6] = xg * dv
    o_ref[:, 7] = lax.broadcasted_iota(jnp.int32, sh, 2).astype(jnp.float32) * dv
    o_ref[:, 8] = lax.broadcasted_iota(jnp.int32, sh, 3).astype(jnp.float32) * dv
    o_ref[:, 9] = (cnt > 0.0).astype(jnp.float32)


def _fin_body(s_ref, o_ref):
    _fin_compute(s_ref[...], pl.program_id(0), o_ref)


def _fin_body_carry(s_ref, c_ref, o_ref):
    del c_ref
    _fin_compute(s_ref[...], pl.program_id(0), o_ref)


def _finalize_b(sums_b, carry, b, B):
    out_shape = jax.ShapeDtypeStruct((B, 10, VS, VS, VS), jnp.float32)
    in_specs = [pl.BlockSpec((1, 7, XB, YP, ZP), lambda j: (0, 0, j, 0, 0))]
    out_spec = pl.BlockSpec((1, 10, XB, VS, VS), lambda j, b=b: (b, 0, j, 0, 0))
    if carry is None:
        return pl.pallas_call(
            _fin_body, grid=(VS // XB,), in_specs=in_specs,
            out_specs=out_spec, out_shape=out_shape)(sums_b)
    in_specs.append(pl.BlockSpec(memory_space=pl.ANY))
    return pl.pallas_call(
        _fin_body_carry, grid=(VS // XB,), in_specs=in_specs,
        out_specs=out_spec, out_shape=out_shape,
        input_output_aliases={1: 0})(sums_b, carry)


def _sc_scatter(idx1, pcd1, rgb1, bq):
    mesh = plsc.VectorSubcoreMesh(core_axis_name="c", subcore_axis_name="s")

    @functools.partial(
        pl.kernel,
        out_type=jax.ShapeDtypeStruct((7 * MP,), jnp.float32),
        mesh=mesh,
        scratch_types=[
            pltpu.VMEM_SHARED((ACC_N,), jnp.float32),
            pltpu.VMEM_SHARED((ACC_N,), jnp.float32),
            pltpu.VMEM((PPT,), jnp.int32),
            pltpu.VMEM((PPT,), jnp.int32),
            pltpu.VMEM((PPT,), jnp.float32),
            pltpu.VMEM((ZCH,), jnp.float32),
            pltpu.VMEM((PPT,), jnp.float32),
            pltpu.SemaphoreType.DMA,
        ],
    )
    def sck(idx_hbm, pcd_hbm, rgb_hbm, out_hbm,
            a0, a1, idx_s, lidx, vals, zbuf, ones, zsem):
        cid = lax.axis_index("c")
        sid = lax.axis_index("s")
        hbase = cid * HB
        pbase = sid * PPT
        accs = (a0, a1)

        zv = jnp.zeros((16,), jnp.float32)

        def _zfill(i, _):
            zbuf[pl.ds(i * 16, 16)] = zv
            return 0
        lax.fori_loop(0, ZCH // 16, _zfill, 0)
        ov = jnp.full((16,), 1.0, jnp.float32)

        def _ofill(g, _):
            ones[pl.ds(g * 16, 16)] = ov
            return 0
        lax.fori_loop(0, PPT // 16, _ofill, 0)

        i16 = lax.iota(jnp.int32, 16)

        def localize(b):
            pltpu.sync_copy(idx_hbm.at[pl.ds(b * N + pbase, PPT)], idx_s)

            def _l(g, _):
                iv = idx_s[pl.ds(g * 16, 16)]
                li = iv - hbase
                inr = (li >= 0) & (li < HB)
                dump = HB + ((g * 16 + i16) & (2048 - 1))
                lidx[pl.ds(g * 16, 16)] = jnp.where(inr, li, dump)
                return 0
            lax.fori_loop(0, PPT // 16, _l, 0)

        def run_round(b, chans):
            plsc.subcore_barrier()
            handles = [
                pltpu.async_copy(
                    zbuf, a.at[pl.ds(sid * TSLICE + i * ZCH, ZCH)], zsem)
                for a in accs[:len(chans)]
                for i in range(TSLICE // ZCH)
            ]
            for h in handles:
                h.wait()
            plsc.subcore_barrier()
            for k, ch in enumerate(chans):
                if ch == 6:
                    pltpu.sync_copy(ones, accs[k].at[lidx], add=True)
                else:
                    h = pcd_hbm if ch < 3 else rgb_hbm
                    pltpu.sync_copy(
                        h.at[pl.ds((b * 3 + ch % 3) * N + pbase, PPT)], vals)
                    pltpu.sync_copy(vals, accs[k].at[lidx], add=True)
            plsc.subcore_barrier()
            for k, ch in enumerate(chans):
                @pl.when(sid == k)
                def _():
                    pltpu.sync_copy(
                        accs[k].at[pl.ds(0, HB)],
                        out_hbm.at[pl.ds(ch * MP + cid * HB, HB)])

        localize(bq)
        run_round(bq, (6, 0))
        run_round(bq, (1, 2))
        run_round(bq, (3, 4))
        run_round(bq, (5,))
        plsc.subcore_barrier()

    return sck(idx1, pcd1, rgb1)


def kernel(rgb, pcd, bounds, depth, proprio, camera_extrinsics,
           camera_intrinsics, lang_goal_emb, lang_token_embs):
    B = pcd.shape[1]
    pcd_r = jnp.transpose(pcd, (1, 2, 0, 3, 4)).reshape(B, 3, N)
    rgb_r = jnp.transpose(rgb, (1, 2, 0, 3, 4)).reshape(B, 3, N)
    bb_min = bounds[:, :3]
    res = (bounds[:, 3:] - bb_min) / float(VS)
    idxv = _vox_idx(pcd_r, bb_min, res)
    idx1 = idxv.reshape(B * N)
    pcd1 = pcd_r.reshape(B * 3 * N)
    rgb1 = rgb_r.reshape(B * 3 * N)
    out = None
    for b in range(B):
        sums_b = _sc_scatter(idx1, pcd1, rgb1, b).reshape(1, 7, VS, YP, ZP)
        out = _finalize_b(sums_b, out, b, B)
    return out

# --- scband reference (transcript-rebuilt; emitter-appended) ---
"""Pipeline reference for scband-qfunction-63745904607480 (READ-ONLY COPY).

The authoritative reference and input builder live on the scoring server;
editing this copy changes nothing except your own understanding.
"""

import jax, jax.numpy as jnp
import numpy as np

VOXEL_SIZE = 100
NC, B, H, W = 4, 4, 128, 128

def setup_inputs(seed: int = 0) -> dict:
    key = jax.random.key(seed)
    k1, k2, k3, k4, k5, k6, k7, k8 = jax.random.split(key, 8)
    rgb = jax.random.uniform(k1, (NC, B, 3, H, W), dtype=jnp.float32)
    pcd = jax.random.uniform(k2, (NC, B, 3, H, W), dtype=jnp.float32)
    bounds = jnp.tile(jnp.array([0.0, 0.0, 0.0, 1.0, 1.0, 1.0], dtype=jnp.float32)[None, :], (B, 1))
    depth = jax.random.uniform(k3, (NC, B, 1, H, W), dtype=jnp.float32)
    proprio = jax.random.normal(k4, (B, 4), dtype=jnp.float32)
    camera_extrinsics = jax.random.normal(k5, (NC, B, 4, 4), dtype=jnp.float32)
    camera_intrinsics = jax.random.normal(k6, (NC, B, 3, 3), dtype=jnp.float32)
    lang_goal_emb = jax.random.normal(k7, (B, 1024), dtype=jnp.float32)
    lang_token_embs = jax.random.normal(k8, (B, 77, 512), dtype=jnp.float32)
    return {"rgb": rgb, "pcd": pcd, "bounds": bounds, "depth": depth, "proprio": proprio,
            "camera_extrinsics": camera_extrinsics, "camera_intrinsics": camera_intrinsics,
            "lang_goal_emb": lang_goal_emb, "lang_token_embs": lang_token_embs}


def _voxelize(coords, feats, bounds, vs):
    # coords [B, N, 3], feats [B, N, F], bounds [B, 6]
    Bb, N, _ = coords.shape
    Ff = feats.shape[-1]
    bb_min = bounds[:, :3][:, None, :]
    bb_max = bounds[:, 3:][:, None, :]
    res = (bb_max - bb_min) / float(vs)
    idx = jnp.floor((coords - bb_min) / res)
    idx = jnp.clip(idx, 0, vs - 1).astype(jnp.int32)
    flat = idx[..., 0] * vs * vs + idx[..., 1] * vs + idx[..., 2]  # [B, N]
    vals = jnp.concatenate([coords, feats, jnp.ones((Bb, N, 1), coords.dtype)], axis=-1)

    def per_batch(fl, vl):
        return jax.ops.segment_sum(vl, fl, num_segments=vs * vs * vs)

    sums = jax.vmap(per_batch)(flat, vals)  # [B, vs^3, 3+F+1]
    count = sums[..., -1:]
    denom = jnp.maximum(count, 1.0)
    mean = sums[..., :-1] / denom
    occ = (count > 0).astype(coords.dtype)
    g = jnp.arange(vs)
    gx, gy, gz = jnp.meshgrid(g, g, g, indexing='ij')
    pos = jnp.stack([gx, gy, gz], -1).reshape(-1, 3).astype(coords.dtype) / float(vs - 1)
    pos = jnp.broadcast_to(pos[None], (Bb, vs * vs * vs, 3))
    voxel = jnp.concatenate([mean, pos, occ], -1)  # [B, vs^3, 3+F+3+1]
    voxel = voxel.reshape(Bb, vs, vs, vs, 3 + Ff + 4)
    density = count.reshape(Bb, vs, vs, vs, 1)
    return voxel, density


def reference(rgb, pcd, bounds, depth, proprio, camera_extrinsics, camera_intrinsics, lang_goal_emb, lang_token_embs):
    nc, b = rgb.shape[0], rgb.shape[1]
    # pcd_flat = cat of per-camera [B, H*W, 3]
    pcd_flat = jnp.concatenate([jnp.transpose(pcd[i], (0, 2, 3, 1)).reshape(b, -1, 3) for i in range(nc)], axis=1)
    feat_size = rgb.shape[2]
    flat_imag_features = jnp.concatenate([jnp.transpose(rgb[i], (0, 2, 3, 1)).reshape(b, -1, feat_size) for i in range(nc)], axis=1)
    voxel_grid, voxel_density = _voxelize(pcd_flat, flat_imag_features, bounds, VOXEL_SIZE)
    voxel_grid = jnp.transpose(voxel_grid, (0, 4, 1, 2, 3))
    voxel_grid = jax.lax.stop_gradient(voxel_grid)  # matches .detach() in the torch code
    return voxel_grid

if __name__ == "__main__":
    import jax
    _d = setup_inputs()
    print(jax.jit(kernel)(*tuple(_d.values())))

</pallas_src>

<mosaic_0001>
#map = affine_map<(d0, d1) -> (0)>
module attributes {stable_mosaic.version = 14 : i64} {
  func.func @sck(%arg0: i32, %arg1: i32, %arg2: memref<262144xi32, #tpu.memory_space<hbm>>, %arg3: memref<786432xf32, #tpu.memory_space<hbm>>, %arg4: memref<786432xf32, #tpu.memory_space<hbm>>, %arg5: memref<9318400xf32, #tpu.memory_space<hbm>>, %arg6: memref<668672xf32, #tpu.memory_space<vmem_shared>>, %arg7: memref<668672xf32, #tpu.memory_space<vmem_shared>>, %arg8: memref<4096xi32, #tpu.memory_space<vmem>>, %arg9: memref<4096xi32, #tpu.memory_space<vmem>>, %arg10: memref<4096xf32, #tpu.memory_space<vmem>>, %arg11: memref<10448xf32, #tpu.memory_space<vmem>>, %arg12: memref<4096xf32, #tpu.memory_space<vmem>>, %arg13: memref<!tpu.dma_semaphore, #tpu.memory_space<semaphore_mem>>) attributes {dimension_semantics = [#tpu.dimension_semantics<core_parallel>, #tpu.dimension_semantics<subcore_parallel>], iteration_bounds = array<i64: 2, 16>, scalar_prefetch = 0 : i64, scratch_operands = 8 : i64, tpu.core_type = #tpu.core_type<sc_vector_subcore>, window_params = [{transform_indices = #map}, {transform_indices = #map}, {transform_indices = #map}, {transform_indices = #map}]} {
    %mul3A = arith.constant 665600 : i32
    %mul3A_0 = arith.muli %arg0, %mul3A : i32
    %mul3A_1 = arith.constant 4096 : i32
    %mul3A_2 = arith.muli %arg1, %mul3A_1 : i32
    %broadcast_in_dim3A = arith.constant 0.000000e+00 : f32
    %broadcast_in_dim3A_3 = vector.broadcast %broadcast_in_dim3A : f32 to vector<16xf32>
    %scan3A = arith.constant 0 : i32
    %scan3A_4 = arith.constant 0 : i32
    %scan3A_5 = arith.constant 653 : i32
    %scan3A_6 = arith.addi %scan3A_4, %scan3A_5 : i32
    %scan3A_7 = arith.constant 1 : i32
    %scan3A_8 = scf.for %scan3A_305 = %scan3A_4 to %scan3A_6 step %scan3A_7 iter_args(%scan3A_306 = %scan3A) -> (i32)  : i32 {
      %mul3A_307 = arith.constant 16 : i32
      %mul3A_308 = arith.muli %scan3A_305, %mul3A_307 : i32
      %swap3A = arith.index_cast %mul3A_308 : i32 to index
      %swap3A_309 = tpu.vector_load %arg11[%swap3A] {strides = array<i32>} : memref<10448xf32, #tpu.memory_space<vmem>>, vector<16xf32>,
      %swap3A_310 = vector.shape_cast %swap3A_309 : vector<16xf32> to vector<16xf32>
      %swap3A_311 = vector.shape_cast %broadcast_in_dim3A_3 : vector<16xf32> to vector<16xf32>
      tpu.vector_store %arg11[%swap3A], %swap3A_311 {strides = array<i32>} : memref<10448xf32, #tpu.memory_space<vmem>>, vector<16xf32>,
      %scan3A_312 = arith.constant 0 : i32
      scf.yield %scan3A_312 : i32
    }
    %scan3A_9 = arith.constant 653 : i32
    %broadcast_in_dim3A_10 = arith.constant 1.000000e+00 : f32
    %broadcast_in_dim3A_11 = vector.broadcast %broadcast_in_dim3A_10 : f32 to vector<16xf32>
    %scan3A_12 = arith.constant 0 : i32
    %scan3A_13 = arith.constant 0 : i32
    %scan3A_14 = arith.constant 256 : i32
    %scan3A_15 = arith.addi %scan3A_13, %scan3A_14 : i32
    %scan3A_16 = arith.constant 1 : i32
    %scan3A_17 = scf.for %scan3A_305 = %scan3A_13 to %scan3A_15 step %scan3A_16 iter_args(%scan3A_306 = %scan3A_12) -> (i32)  : i32 {
      %mul3A_307 = arith.constant 16 : i32
      %mul3A_308 = arith.muli %scan3A_305, %mul3A_307 : i32
      %swap3A = arith.index_cast %mul3A_308 : i32 to index
      %swap3A_309 = tpu.vector_load %arg12[%swap3A] {strides = array<i32>} : memref<4096xf32, #tpu.memory_space<vmem>>, vector<16xf32>,
      %swap3A_310 = vector.shape_cast %swap3A_309 : vector<16xf32> to vector<16xf32>
      %swap3A_311 = vector.shape_cast %broadcast_in_dim3A_11 : vector<16xf32> to vector<16xf32>
      tpu.vector_store %arg12[%swap3A], %swap3A_311 {strides = array<i32>} : memref<4096xf32, #tpu.memory_space<vmem>>, vector<16xf32>,
      %scan3A_312 = arith.constant 0 : i32
      scf.yield %scan3A_312 : i32
    }
    %scan3A_18 = arith.constant 256 : i32
    %iota3A = tpu.iota {dimensions = array<i32: 0>} : vector<16xi32>
    %add3A = arith.constant 65536 : i32
    %add3A_19 = arith.addi %add3A, %mul3A_2 : i32
    "tpu.region"() ({
      %run_scoped3A = tpu.sem_alloc : memref<!tpu.dma_semaphore, #tpu.memory_space<semaphore_mem>>
      %dma_start3A_305 = tpu.memref_slice %arg2[%add3A_19] : memref<262144xi32, #tpu.memory_space<hbm>> -> memref<4096xi32, #tpu.memory_space<hbm>>
      %dma_start3A_306 = tpu.memref_slice %arg2[%add3A_19] : memref<262144xi32, #tpu.memory_space<hbm>> -> memref<4096xi32, #tpu.memory_space<hbm>>
      tpu.enqueue_dma source(%dma_start3A_306 : memref<4096xi32, #tpu.memory_space<hbm>>) target(%arg8 : memref<4096xi32, #tpu.memory_space<vmem>>) target_semaphore(%run_scoped3A : memref<!tpu.dma_semaphore, #tpu.memory_space<semaphore_mem>>)
      %dma_wait3A_307 = tpu.memref_slice %arg2[%add3A_19] : memref<262144xi32, #tpu.memory_space<hbm>> -> memref<4096xi32, #tpu.memory_space<hbm>>
      %dma_wait3A_308 = tpu.memref_slice %arg2[%add3A_19] : memref<262144xi32, #tpu.memory_space<hbm>> -> memref<4096xi32, #tpu.memory_space<hbm>>
      tpu.wait_dma2 semaphore(%run_scoped3A : memref<!tpu.dma_semaphore, #tpu.memory_space<semaphore_mem>>) src(%dma_wait3A_308 : memref<4096xi32, #tpu.memory_space<hbm>>) dst(%arg8 : memref<4096xi32, #tpu.memory_space<vmem>>)
      tpu.yield
    }) : () -> ()
    %scan3A_20 = arith.constant 0 : i32
    %scan3A_21 = arith.constant 0 : i32
    %scan3A_22 = arith.constant 256 : i32
    %scan3A_23 = arith.addi %scan3A_21, %scan3A_22 : i32
    %scan3A_24 = arith.constant 1 : i32
    %scan3A_25 = scf.for %scan3A_305 = %scan3A_21 to %scan3A_23 step %scan3A_24 iter_args(%scan3A_306 = %scan3A_20) -> (i32)  : i32 {
      %mul3A_307 = arith.constant 16 : i32
      %mul3A_308 = arith.muli %scan3A_305, %mul3A_307 : i32
      %get3A = arith.index_cast %mul3A_308 : i32 to index
      %get3A_309 = tpu.vector_load %arg8[%get3A] {strides = array<i32>} : memref<4096xi32, #tpu.memory_space<vmem>>, vector<16xi32>,
      %get3A_310 = vector.shape_cast %get3A_309 : vector<16xi32> to vector<16xi32>
      %sub3A = vector.broadcast %mul3A_0 : i32 to vector<16xi32>
      %sub3A_311 = arith.subi %get3A_310, %sub3A : vector<16xi32>
      %ge3A = arith.constant 0 : i32
      %ge3A_312 = vector.broadcast %ge3A : i32 to vector<16xi32>
      %ge3A_313 = arith.cmpi sge, %sub3A_311, %ge3A_312 : vector<16xi32>
      %lt3A = arith.constant 665600 : i32
      %lt3A_314 = vector.broadcast %lt3A : i32 to vector<16xi32>
      %lt3A_315 = arith.cmpi slt, %sub3A_311, %lt3A_314 : vector<16xi32>
      %and3A = arith.andi %ge3A_313, %lt3A_315 : vector<16xi1>
      %mul3A_316 = arith.constant 16 : i32
      %mul3A_317 = arith.muli %scan3A_305, %mul3A_316 : i32
      %add3A_318 = vector.broadcast %mul3A_317 : i32 to vector<16xi32>
      %add3A_319 = arith.addi %add3A_318, %iota3A : vector<16xi32>
      %and3A_320 = arith.constant 2047 : i32
      %and3A_321 = vector.broadcast %and3A_320 : i32 to vector<16xi32>
      %and3A_322 = arith.andi %add3A_319, %and3A_321 : vector<16xi32>
      %add3A_323 = arith.constant 665600 : i32
      %add3A_324 = vector.broadcast %add3A_323 : i32 to vector<16xi32>
      %add3A_325 = arith.addi %add3A_324, %and3A_322 : vector<16xi32>
      %select_n3A = arith.select %and3A, %sub3A_311, %add3A_325 : vector<16xi1>, vector<16xi32>
      %mul3A_326 = arith.constant 16 : i32
      %mul3A_327 = arith.muli %scan3A_305, %mul3A_326 : i32
      %swap3A = arith.index_cast %mul3A_327 : i32 to index
      %swap3A_328 = tpu.vector_load %arg9[%swap3A] {strides = array<i32>} : memref<4096xi32, #tpu.memory_space<vmem>>, vector<16xi32>,
      %swap3A_329 = vector.shape_cast %swap3A_328 : vector<16xi32> to vector<16xi32>
      %swap3A_330 = vector.shape_cast %select_n3A : vector<16xi32> to vector<16xi32>
      tpu.vector_store %arg9[%swap3A], %swap3A_330 {strides = array<i32>} : memref<4096xi32, #tpu.memory_space<vmem>>, vector<16xi32>,
      %scan3A_331 = arith.constant 0 : i32
      scf.yield %scan3A_331 : i32
    }
    %scan3A_26 = arith.constant 256 : i32
    %barrier3A = arith.constant 0 : index
    tpu.barrier barrier_id(%barrier3A)
    %mul3A_27 = arith.constant 41792 : i32
    %mul3A_28 = arith.muli %arg1, %mul3A_27 : i32
    %add3A_29 = arith.constant 0 : i32
    %add3A_30 = arith.addi %mul3A_28, %add3A_29 : i32
    %dma_start3A = tpu.memref_slice %arg6[%add3A_30] : memref<668672xf32, #tpu.memory_space<vmem_shared>> -> memref<10448xf32, #tpu.memory_space<vmem_shared>>
    %dma_start3A_31 = tpu.memref_slice %arg6[%add3A_30] : memref<668672xf32, #tpu.memory_space<vmem_shared>> -> memref<10448xf32, #tpu.memory_space<vmem_shared>>
    tpu.enqueue_dma source(%arg11 : memref<10448xf32, #tpu.memory_space<vmem>>) target(%dma_start3A_31 : memref<10448xf32, #tpu.memory_space<vmem_shared>>) target_semaphore(%arg13 : memref<!tpu.dma_semaphore, #tpu.memory_space<semaphore_mem>>)
    %mul3A_32 = arith.constant 41792 : i32
    %mul3A_33 = arith.muli %arg1, %mul3A_32 : i32
    %add3A_34 = arith.constant 10448 : i32
    %add3A_35 = arith.addi %mul3A_33, %add3A_34 : i32
    %dma_start3A_36 = tpu.memref_slice %arg6[%add3A_35] : memref<668672xf32, #tpu.memory_space<vmem_shared>> -> memref<10448xf32, #tpu.memory_space<vmem_shared>>
    %dma_start3A_37 = tpu.memref_slice %arg6[%add3A_35] : memref<668672xf32, #tpu.memory_space<vmem_shared>> -> memref<10448xf32, #tpu.memory_space<vmem_shared>>
    tpu.enqueue_dma source(%arg11 : memref<10448xf32, #tpu.memory_space<vmem>>) target(%dma_start3A_37 : memref<10448xf32, #tpu.memory_space<vmem_shared>>) target_semaphore(%arg13 : memref<!tpu.dma_semaphore, #tpu.memory_space<semaphore_mem>>)
    %mul3A_38 = arith.constant 41792 : i32
    %mul3A_39 = arith.muli %arg1, %mul3A_38 : i32
    %add3A_40 = arith.constant 20896 : i32
    %add3A_41 = arith.addi %mul3A_39, %add3A_40 : i32
    %dma_start3A_42 = tpu.memref_slice %arg6[%add3A_41] : memref<668672xf32, #tpu.memory_space<vmem_shared>> -> memref<10448xf32, #tpu.memory_space<vmem_shared>>
    %dma_start3A_43 = tpu.memref_slice %arg6[%add3A_41] : memref<668672xf32, #tpu.memory_space<vmem_shared>> -> memref<10448xf32, #tpu.memory_space<vmem_shared>>
    tpu.enqueue_dma source(%arg11 : memref<10448xf32, #tpu.memory_space<vmem>>) target(%dma_start3A_43 : memref<10448xf32, #tpu.memory_space<vmem_shared>>) target_semaphore(%arg13 : memref<!tpu.dma_semaphore, #tpu.memory_space<semaphore_mem>>)
    %mul3A_44 = arith.constant 41792 : i32
    %mul3A_45 = arith.muli %arg1, %mul3A_44 : i32
    %add3A_46 = arith.constant 31344 : i32
    %add3A_47 = arith.addi %mul3A_45, %add3A_46 : i32
    %dma_start3A_48 = tpu.memref_slice %arg6[%add3A_47] : memref<668672xf32, #tpu.memory_space<vmem_shared>> -> memref<10448xf32, #tpu.memory_space<vmem_shared>>
    %dma_start3A_49 = tpu.memref_slice %arg6[%add3A_47] : memref<668672xf32, #tpu.memory_space<vmem_shared>> -> memref<10448xf32, #tpu.memory_space<vmem_shared>>
    tpu.enqueue_dma source(%arg11 : memref<10448xf32, #tpu.memory_space<vmem>>) target(%dma_start3A_49 : memref<10448xf32, #tpu.memory_space<vmem_shared>>) target_semaphore(%arg13 : memref<!tpu.dma_semaphore, #tpu.memory_space<semaphore_mem>>)
    %mul3A_50 = arith.constant 41792 : i32
    %mul3A_51 = arith.muli %arg1, %mul3A_50 : i32
    %add3A_52 = arith.constant 0 : i32
    %add3A_53 = arith.addi %mul3A_51, %add3A_52 : i32
    %dma_start3A_54 = tpu.memref_slice %arg7[%add3A_53] : memref<668672xf32, #tpu.memory_space<vmem_shared>> -> memref<10448xf32, #tpu.memory_space<vmem_shared>>
    %dma_start3A_55 = tpu.memref_slice %arg7[%add3A_53] : memref<668672xf32, #tpu.memory_space<vmem_shared>> -> memref<10448xf32, #tpu.memory_space<vmem_shared>>
    tpu.enqueue_dma source(%arg11 : memref<10448xf32, #tpu.memory_space<vmem>>) target(%dma_start3A_55 : memref<10448xf32, #tpu.memory_space<vmem_shared>>) target_semaphore(%arg13 : memref<!tpu.dma_semaphore, #tpu.memory_space<semaphore_mem>>)
    %mul3A_56 = arith.constant 41792 : i32
    %mul3A_57 = arith.muli %arg1, %mul3A_56 : i32
    %add3A_58 = arith.constant 10448 : i32
    %add3A_59 = arith.addi %mul3A_57, %add3A_58 : i32
    %dma_start3A_60 = tpu.memref_slice %arg7[%add3A_59] : memref<668672xf32, #tpu.memory_space<vmem_shared>> -> memref<10448xf32, #tpu.memory_space<vmem_shared>>
    %dma_start3A_61 = tpu.memref_slice %arg7[%add3A_59] : memref<668672xf32, #tpu.memory_space<vmem_shared>> -> memref<10448xf32, #tpu.memory_space<vmem_shared>>
    tpu.enqueue_dma source(%arg11 : memref<10448xf32, #tpu.memory_space<vmem>>) target(%dma_start3A_61 : memref<10448xf32, #tpu.memory_space<vmem_shared>>) target_semaphore(%arg13 : memref<!tpu.dma_semaphore, #tpu.memory_space<semaphore_mem>>)
    %mul3A_62 = arith.constant 41792 : i32
    %mul3A_63 = arith.muli %arg1, %mul3A_62 : i32
    %add3A_64 = arith.constant 20896 : i32
    %add3A_65 = arith.addi %mul3A_63, %add3A_64 : i32
    %dma_start3A_66 = tpu.memref_slice %arg7[%add3A_65] : memref<668672xf32, #tpu.memory_space<vmem_shared>> -> memref<10448xf32, #tpu.memory_space<vmem_shared>>
    %dma_start3A_67 = tpu.memref_slice %arg7[%add3A_65] : memref<668672xf32, #tpu.memory_space<vmem_shared>> -> memref<10448xf32, #tpu.memory_space<vmem_shared>>
    tpu.enqueue_dma source(%arg11 : memref<10448xf32, #tpu.memory_space<vmem>>) target(%dma_start3A_67 : memref<10448xf32, #tpu.memory_space<vmem_shared>>) target_semaphore(%arg13 : memref<!tpu.dma_semaphore, #tpu.memory_space<semaphore_mem>>)
    %mul3A_68 = arith.constant 41792 : i32
    %mul3A_69 = arith.muli %arg1, %mul3A_68 : i32
    %add3A_70 = arith.constant 31344 : i32
    %add3A_71 = arith.addi %mul3A_69, %add3A_70 : i32
    %dma_start3A_72 = tpu.memref_slice %arg7[%add3A_71] : memref<668672xf32, #tpu.memory_space<vmem_shared>> -> memref<10448xf32, #tpu.memory_space<vmem_shared>>
    %dma_start3A_73 = tpu.memref_slice %arg7[%add3A_71] : memref<668672xf32, #tpu.memory_space<vmem_shared>> -> memref<10448xf32, #tpu.memory_space<vmem_shared>>
    tpu.enqueue_dma source(%arg11 : memref<10448xf32, #tpu.memory_space<vmem>>) target(%dma_start3A_73 : memref<10448xf32, #tpu.memory_space<vmem_shared>>) target_semaphore(%arg13 : memref<!tpu.dma_semaphore, #tpu.memory_space<semaphore_mem>>)
    %dma_wait3A = tpu.memref_slice %arg6[%add3A_30] : memref<668672xf32, #tpu.memory_space<vmem_shared>> -> memref<10448xf32, #tpu.memory_space<vmem_shared>>
    %dma_wait3A_74 = tpu.memref_slice %arg6[%add3A_30] : memref<668672xf32, #tpu.memory_space<vmem_shared>> -> memref<10448xf32, #tpu.memory_space<vmem_shared>>
    tpu.wait_dma2 semaphore(%arg13 : memref<!tpu.dma_semaphore, #tpu.memory_space<semaphore_mem>>) src(%arg11 : memref<10448xf32, #tpu.memory_space<vmem>>) dst(%dma_wait3A_74 : memref<10448xf32, #tpu.memory_space<vmem_shared>>)
    %dma_wait3A_75 = tpu.memref_slice %arg6[%add3A_35] : memref<668672xf32, #tpu.memory_space<vmem_shared>> -> memref<10448xf32, #tpu.memory_space<vmem_shared>>
    %dma_wait3A_76 = tpu.memref_slice %arg6[%add3A_35] : memref<668672xf32, #tpu.memory_space<vmem_shared>> -> memref<10448xf32, #tpu.memory_space<vmem_shared>>
    tpu.wait_dma2 semaphore(%arg13 : memref<!tpu.dma_semaphore, #tpu.memory_space<semaphore_mem>>) src(%arg11 : memref<10448xf32, #tpu.memory_space<vmem>>) dst(%dma_wait3A_76 : memref<10448xf32, #tpu.memory_space<vmem_shared>>)
    %dma_wait3A_77 = tpu.memref_slice %arg6[%add3A_41] : memref<668672xf32, #tpu.memory_space<vmem_shared>> -> memref<10448xf32, #tpu.memory_space<vmem_shared>>
    %dma_wait3A_78 = tpu.memref_slice %arg6[%add3A_41] : memref<668672xf32, #tpu.memory_space<vmem_shared>> -> memref<10448xf32, #tpu.memory_space<vmem_shared>>
    tpu.wait_dma2 semaphore(%arg13 : memref<!tpu.dma_semaphore, #tpu.memory_space<semaphore_mem>>) src(%arg11 : memref<10448xf32, #tpu.memory_space<vmem>>) dst(%dma_wait3A_78 : memref<10448xf32, #tpu.memory_space<vmem_shared>>)
    %dma_wait3A_79 = tpu.memref_slice %arg6[%add3A_47] : memref<668672xf32, #tpu.memory_space<vmem_shared>> -> memref<10448xf32, #tpu.memory_space<vmem_shared>>
    %dma_wait3A_80 = tpu.memref_slice %arg6[%add3A_47] : memref<668672xf32, #tpu.memory_space<vmem_shared>> -> memref<10448xf32, #tpu.memory_space<vmem_shared>>
    tpu.wait_dma2 semaphore(%arg13 : memref<!tpu.dma_semaphore, #tpu.memory_space<semaphore_mem>>) src(%arg11 : memref<10448xf32, #tpu.memory_space<vmem>>) dst(%dma_wait3A_80 : memref<10448xf32, #tpu.memory_space<vmem_shared>>)
    %dma_wait3A_81 = tpu.memref_slice %arg7[%add3A_53] : memref<668672xf32, #tpu.memory_space<vmem_shared>> -> memref<10448xf32, #tpu.memory_space<vmem_shared>>
    %dma_wait3A_82 = tpu.memref_slice %arg7[%add3A_53] : memref<668672xf32, #tpu.memory_space<vmem_shared>> -> memref<10448xf32, #tpu.memory_space<vmem_shared>>
    tpu.wait_dma2 semaphore(%arg13 : memref<!tpu.dma_semaphore, #tpu.memory_space<semaphore_mem>>) src(%arg11 : memref<10448xf32, #tpu.memory_space<vmem>>) dst(%dma_wait3A_82 : memref<10448xf32, #tpu.memory_space<vmem_shared>>)
    %dma_wait3A_83 = tpu.memref_slice %arg7[%add3A_59] : memref<668672xf32, #tpu.memory_space<vmem_shared>> -> memref<10448xf32, #tpu.memory_space<vmem_shared>>
    %dma_wait3A_84 = tpu.memref_slice %arg7[%add3A_59] : memref<668672xf32, #tpu.memory_space<vmem_shared>> -> memref<10448xf32, #tpu.memory_space<vmem_shared>>
    tpu.wait_dma2 semaphore(%arg13 : memref<!tpu.dma_semaphore, #tpu.memory_space<semaphore_mem>>) src(%arg11 : memref<10448xf32, #tpu.memory_space<vmem>>) dst(%dma_wait3A_84 : memref<10448xf32, #tpu.memory_space<vmem_shared>>)
    %dma_wait3A_85 = tpu.memref_slice %arg7[%add3A_65] : memref<668672xf32, #tpu.memory_space<vmem_shared>> -> memref<10448xf32, #tpu.memory_space<vmem_shared>>
    %dma_wait3A_86 = tpu.memref_slice %arg7[%add3A_65] : memref<668672xf32, #tpu.memory_space<vmem_shared>> -> memref<10448xf32, #tpu.memory_space<vmem_shared>>
    tpu.wait_dma2 semaphore(%arg13 : memref<!tpu.dma_semaphore, #tpu.memory_space<semaphore_mem>>) src(%arg11 : memref<10448xf32, #tpu.memory_space<vmem>>) dst(%dma_wait3A_86 : memref<10448xf32, #tpu.memory_space<vmem_shared>>)
    %dma_wait3A_87 = tpu.memref_slice %arg7[%add3A_71] : memref<668672xf32, #tpu.memory_space<vmem_shared>> -> memref<10448xf32, #tpu.memory_space<vmem_shared>>
    %dma_wait3A_88 = tpu.memref_slice %arg7[%add3A_71] : memref<668672xf32, #tpu.memory_space<vmem_shared>> -> memref<10448xf32, #tpu.memory_space<vmem_shared>>
    tpu.wait_dma2 semaphore(%arg13 : memref<!tpu.dma_semaphore, #tpu.memory_space<semaphore_mem>>) src(%arg11 : memref<10448xf32, #tpu.memory_space<vmem>>) dst(%dma_wait3A_88 : memref<10448xf32, #tpu.memory_space<vmem_shared>>)
    %barrier3A_89 = arith.constant 0 : index
    tpu.barrier barrier_id(%barrier3A_89)
    "tpu.region"() ({
      %run_scoped3A = tpu.sem_alloc : memref<!tpu.dma_semaphore, #tpu.memory_space<semaphore_mem>>
      %dma_start3A_305 = arith.constant 0 : i32
      %dma_start3A_306 = tpu.memref_slice %arg6[%dma_start3A_305] : memref<668672xf32, #tpu.memory_space<vmem_shared>> -> memref<668672xf32, #tpu.memory_space<vmem_shared>>
      tpu.enqueue_indirect_dma source(%arg12 : memref<4096xf32, #tpu.memory_space<vmem>>) target(%dma_start3A_306 : memref<668672xf32, #tpu.memory_space<vmem_shared>>) offsets(%arg9 : memref<4096xi32, #tpu.memory_space<vmem>>) semaphore(%run_scoped3A : memref<!tpu.dma_semaphore, #tpu.memory_space<semaphore_mem>>) {add = true}
      %dma_wait3A_307 = arith.constant 0 : i32
      %dma_wait3A_308 = tpu.memref_slice %arg6[%dma_wait3A_307] : memref<668672xf32, #tpu.memory_space<vmem_shared>> -> memref<668672xf32, #tpu.memory_space<vmem_shared>>
      tpu.wait_indirect_dma semaphore(%run_scoped3A : memref<!tpu.dma_semaphore, #tpu.memory_space<semaphore_mem>>) src(%arg12 : memref<4096xf32, #tpu.memory_space<vmem>>) dst(%dma_wait3A_308 : memref<668672xf32, #tpu.memory_space<vmem_shared>>)
      tpu.yield
    }) : () -> ()
    %add3A_90 = arith.constant 196608 : i32
    %add3A_91 = arith.addi %add3A_90, %mul3A_2 : i32
    "tpu.region"() ({
      %run_scoped3A = tpu.sem_alloc : memref<!tpu.dma_semaphore, #tpu.memory_space<semaphore_mem>>
      %dma_start3A_305 = tpu.memref_slice %arg3[%add3A_91] : memref<786432xf32, #tpu.memory_space<hbm>> -> memref<4096xf32, #tpu.memory_space<hbm>>
      %dma_start3A_306 = tpu.memref_slice %arg3[%add3A_91] : memref<786432xf32, #tpu.memory_space<hbm>> -> memref<4096xf32, #tpu.memory_space<hbm>>
      tpu.enqueue_dma source(%dma_start3A_306 : memref<4096xf32, #tpu.memory_space<hbm>>) target(%arg10 : memref<4096xf32, #tpu.memory_space<vmem>>) target_semaphore(%run_scoped3A : memref<!tpu.dma_semaphore, #tpu.memory_space<semaphore_mem>>)
      %dma_wait3A_307 = tpu.memref_slice %arg3[%add3A_91] : memref<786432xf32, #tpu.memory_space<hbm>> -> memref<4096xf32, #tpu.memory_space<hbm>>
      %dma_wait3A_308 = tpu.memref_slice %arg3[%add3A_91] : memref<786432xf32, #tpu.memory_space<hbm>> -> memref<4096xf32, #tpu.memory_space<hbm>>
      tpu.wait_dma2 semaphore(%run_scoped3A : memref<!tpu.dma_semaphore, #tpu.memory_space<semaphore_mem>>) src(%dma_wait3A_308 : memref<4096xf32, #tpu.memory_space<hbm>>) dst(%arg10 : memref<4096xf32, #tpu.memory_space<vmem>>)
      tpu.yield
    }) : () -> ()
    "tpu.region"() ({
      %run_scoped3A = tpu.sem_alloc : memref<!tpu.dma_semaphore, #tpu.memory_space<semaphore_mem>>
      %dma_start3A_305 = arith.constant 0 : i32
      %dma_start3A_306 = tpu.memref_slice %arg7[%dma_start3A_305] : memref<668672xf32, #tpu.memory_space<vmem_shared>> -> memref<668672xf32, #tpu.memory_space<vmem_shared>>
      tpu.enqueue_indirect_dma source(%arg10 : memref<4096xf32, #tpu.memory_space<vmem>>) target(%dma_start3A_306 : memref<668672xf32, #tpu.memory_space<vmem_shared>>) offsets(%arg9 : memref<4096xi32, #tpu.memory_space<vmem>>) semaphore(%run_scoped3A : memref<!tpu.dma_semaphore, #tpu.memory_space<semaphore_mem>>) {add = true}
      %dma_wait3A_307 = arith.constant 0 : i32
      %dma_wait3A_308 = tpu.memref_slice %arg7[%dma_wait3A_307] : memref<668672xf32, #tpu.memory_space<vmem_shared>> -> memref<668672xf32, #tpu.memory_space<vmem_shared>>
      tpu.wait_indirect_dma semaphore(%run_scoped3A : memref<!tpu.dma_semaphore, #tpu.memory_space<semaphore_mem>>) src(%arg10 : memref<4096xf32, #tpu.memory_space<vmem>>) dst(%dma_wait3A_308 : memref<668672xf32, #tpu.memory_space<vmem_shared>>)
      tpu.yield
    }) : () -> ()
    %barrier3A_92 = arith.constant 0 : index
    tpu.barrier barrier_id(%barrier3A_92)
    %eq3A = arith.constant 0 : i32
    %eq3A_93 = arith.cmpi eq, %arg1, %eq3A : i32
    %convert_element_type3A = arith.extui %eq3A_93 : i1 to i32
    %cond3A = arith.constant 0 : i32
    %cond3A_94 = arith.cmpi ne, %convert_element_type3A, %cond3A : i32
    scf.if %cond3A_94 {
      %mul3A_305 = arith.constant 665600 : i32
      %mul3A_306 = arith.muli %arg0, %mul3A_305 : i32
      %add3A_307 = arith.constant 7987200 : i32
      %add3A_308 = arith.addi %add3A_307, %mul3A_306 : i32
      "tpu.region"() ({
        %run_scoped3A = tpu.sem_alloc : memref<!tpu.dma_semaphore, #tpu.memory_space<semaphore_mem>>
        %dma_start3A_309 = tpu.memref_slice %arg5[%add3A_308] : memref<9318400xf32, #tpu.memory_space<hbm>> -> memref<665600xf32, #tpu.memory_space<hbm>>
        %dma_start3A_310 = arith.constant 0 : i32
        %dma_start3A_311 = tpu.memref_slice %arg6[%dma_start3A_310] : memref<668672xf32, #tpu.memory_space<vmem_shared>> -> memref<665600xf32, #tpu.memory_space<vmem_shared>>
        tpu.enqueue_dma source(%dma_start3A_311 : memref<665600xf32, #tpu.memory_space<vmem_shared>>) target(%dma_start3A_309 : memref<665600xf32, #tpu.memory_space<hbm>>) target_semaphore(%run_scoped3A : memref<!tpu.dma_semaphore, #tpu.memory_space<semaphore_mem>>)
        %dma_wait3A_312 = tpu.memref_slice %arg5[%add3A_308] : memref<9318400xf32, #tpu.memory_space<hbm>> -> memref<665600xf32, #tpu.memory_space<hbm>>
        %dma_wait3A_313 = arith.constant 0 : i32
        %dma_wait3A_314 = tpu.memref_slice %arg6[%dma_wait3A_313] : memref<668672xf32, #tpu.memory_space<vmem_shared>> -> memref<665600xf32, #tpu.memory_space<vmem_shared>>
        tpu.wait_dma2 semaphore(%run_scoped3A : memref<!tpu.dma_semaphore, #tpu.memory_space<semaphore_mem>>) src(%dma_wait3A_314 : memref<665600xf32, #tpu.memory_space<vmem_shared>>) dst(%dma_wait3A_312 : memref<665600xf32, #tpu.memory_space<hbm>>)
        tpu.yield
      }) : () -> ()
    } else {
    }
    %eq3A_95 = arith.constant 1 : i32
    %eq3A_96 = arith.cmpi eq, %arg1, %eq3A_95 : i32
    %convert_element_type3A_97 = arith.extui %eq3A_96 : i1 to i32
    %cond3A_98 = arith.constant 0 : i32
    %cond3A_99 = arith.cmpi ne, %convert_element_type3A_97, %cond3A_98 : i32
    scf.if %cond3A_99 {
      %mul3A_305 = arith.constant 665600 : i32
      %mul3A_306 = arith.muli %arg0, %mul3A_305 : i32
      %add3A_307 = arith.constant 0 : i32
      %add3A_308 = arith.addi %add3A_307, %mul3A_306 : i32
      "tpu.region"() ({
        %run_scoped3A = tpu.sem_alloc : memref<!tpu.dma_semaphore, #tpu.memory_space<semaphore_mem>>
        %dma_start3A_309 = tpu.memref_slice %arg5[%add3A_308] : memref<9318400xf32, #tpu.memory_space<hbm>> -> memref<665600xf32, #tpu.memory_space<hbm>>
        %dma_start3A_310 = arith.constant 0 : i32
        %dma_start3A_311 = tpu.memref_slice %arg7[%dma_start3A_310] : memref<668672xf32, #tpu.memory_space<vmem_shared>> -> memref<665600xf32, #tpu.memory_space<vmem_shared>>
        tpu.enqueue_dma source(%dma_start3A_311 : memref<665600xf32, #tpu.memory_space<vmem_shared>>) target(%dma_start3A_309 : memref<665600xf32, #tpu.memory_space<hbm>>) target_semaphore(%run_scoped3A : memref<!tpu.dma_semaphore, #tpu.memory_space<semaphore_mem>>)
        %dma_wait3A_312 = tpu.memref_slice %arg5[%add3A_308] : memref<9318400xf32, #tpu.memory_space<hbm>> -> memref<665600xf32, #tpu.memory_space<hbm>>
        %dma_wait3A_313 = arith.constant 0 : i32
        %dma_wait3A_314 = tpu.memref_slice %arg7[%dma_wait3A_313] : memref<668672xf32, #tpu.memory_space<vmem_shared>> -> memref<665600xf32, #tpu.memory_space<vmem_shared>>
        tpu.wait_dma2 semaphore(%run_scoped3A : memref<!tpu.dma_semaphore, #tpu.memory_space<semaphore_mem>>) src(%dma_wait3A_314 : memref<665600xf32, #tpu.memory_space<vmem_shared>>) dst(%dma_wait3A_312 : memref<665600xf32, #tpu.memory_space<hbm>>)
        tpu.yield
      }) : () -> ()
    } else {
    }
    %barrier3A_100 = arith.constant 0 : index
    tpu.barrier barrier_id(%barrier3A_100)
    %mul3A_101 = arith.constant 41792 : i32
    %mul3A_102 = arith.muli %arg1, %mul3A_101 : i32
    %add3A_103 = arith.constant 0 : i32
    %add3A_104 = arith.addi %mul3A_102, %add3A_103 : i32
    %dma_start3A_105 = tpu.memref_slice %arg6[%add3A_104] : memref<668672xf32, #tpu.memory_space<vmem_shared>> -> memref<10448xf32, #tpu.memory_space<vmem_shared>>
    %dma_start3A_106 = tpu.memref_slice %arg6[%add3A_104] : memref<668672xf32, #tpu.memory_space<vmem_shared>> -> memref<10448xf32, #tpu.memory_space<vmem_shared>>
    tpu.enqueue_dma source(%arg11 : memref<10448xf32, #tpu.memory_space<vmem>>) target(%dma_start3A_106 : memref<10448xf32, #tpu.memory_space<vmem_shared>>) target_semaphore(%arg13 : memref<!tpu.dma_semaphore, #tpu.memory_space<semaphore_mem>>)
    %mul3A_107 = arith.constant 41792 : i32
    %mul3A_108 = arith.muli %arg1, %mul3A_107 : i32
    %add3A_109 = arith.constant 10448 : i32
    %add3A_110 = arith.addi %mul3A_108, %add3A_109 : i32
    %dma_start3A_111 = tpu.memref_slice %arg6[%add3A_110] : memref<668672xf32, #tpu.memory_space<vmem_shared>> -> memref<10448xf32, #tpu.memory_space<vmem_shared>>
    %dma_start3A_112 = tpu.memref_slice %arg6[%add3A_110] : memref<668672xf32, #tpu.memory_space<vmem_shared>> -> memref<10448xf32, #tpu.memory_space<vmem_shared>>
    tpu.enqueue_dma source(%arg11 : memref<10448xf32, #tpu.memory_space<vmem>>) target(%dma_start3A_112 : memref<10448xf32, #tpu.memory_space<vmem_shared>>) target_semaphore(%arg13 : memref<!tpu.dma_semaphore, #tpu.memory_space<semaphore_mem>>)
    %mul3A_113 = arith.constant 41792 : i32
    %mul3A_114 = arith.muli %arg1, %mul3A_113 : i32
    %add3A_115 = arith.constant 20896 : i32
    %add3A_116 = arith.addi %mul3A_114, %add3A_115 : i32
    %dma_start3A_117 = tpu.memref_slice %arg6[%add3A_116] : memref<668672xf32, #tpu.memory_space<vmem_shared>> -> memref<10448xf32, #tpu.memory_space<vmem_shared>>
    %dma_start3A_118 = tpu.memref_slice %arg6[%add3A_116] : memref<668672xf32, #tpu.memory_space<vmem_shared>> -> memref<10448xf32, #tpu.memory_space<vmem_shared>>
    tpu.enqueue_dma source(%arg11 : memref<10448xf32, #tpu.memory_space<vmem>>) target(%dma_start3A_118 : memref<10448xf32, #tpu.memory_space<vmem_shared>>) target_semaphore(%arg13 : memref<!tpu.dma_semaphore, #tpu.memory_space<semaphore_mem>>)
    %mul3A_119 = arith.constant 41792 : i32
    %mul3A_120 = arith.muli %arg1, %mul3A_119 : i32
    %add3A_121 = arith.constant 31344 : i32
    %add3A_122 = arith.addi %mul3A_120, %add3A_121 : i32
    %dma_start3A_123 = tpu.memref_slice %arg6[%add3A_122] : memref<668672xf32, #tpu.memory_space<vmem_shared>> -> memref<10448xf32, #tpu.memory_space<vmem_shared>>
    %dma_start3A_124 = tpu.memref_slice %arg6[%add3A_122] : memref<668672xf32, #tpu.memory_space<vmem_shared>> -> memref<10448xf32, #tpu.memory_space<vmem_shared>>
    tpu.enqueue_dma source(%arg11 : memref<10448xf32, #tpu.memory_space<vmem>>) target(%dma_start3A_124 : memref<10448xf32, #tpu.memory_space<vmem_shared>>) target_semaphore(%arg13 : memref<!tpu.dma_semaphore, #tpu.memory_space<semaphore_mem>>)
    %mul3A_125 = arith.constant 41792 : i32
    %mul3A_126 = arith.muli %arg1, %mul3A_125 : i32
    %add3A_127 = arith.constant 0 : i32
    %add3A_128 = arith.addi %mul3A_126, %add3A_127 : i32
    %dma_start3A_129 = tpu.memref_slice %arg7[%add3A_128] : memref<668672xf32, #tpu.memory_space<vmem_shared>> -> memref<10448xf32, #tpu.memory_space<vmem_shared>>
    %dma_start3A_130 = tpu.memref_slice %arg7[%add3A_128] : memref<668672xf32, #tpu.memory_space<vmem_shared>> -> memref<10448xf32, #tpu.memory_space<vmem_shared>>
    tpu.enqueue_dma source(%arg11 : memref<10448xf32, #tpu.memory_space<vmem>>) target(%dma_start3A_130 : memref<10448xf32, #tpu.memory_space<vmem_shared>>) target_semaphore(%arg13 : memref<!tpu.dma_semaphore, #tpu.memory_space<semaphore_mem>>)
    %mul3A_131 = arith.constant 41792 : i32
    %mul3A_132 = arith.muli %arg1, %mul3A_131 : i32
    %add3A_133 = arith.constant 10448 : i32
    %add3A_134 = arith.addi %mul3A_132, %add3A_133 : i32
    %dma_start3A_135 = tpu.memref_slice %arg7[%add3A_134] : memref<668672xf32, #tpu.memory_space<vmem_shared>> -> memref<10448xf32, #tpu.memory_space<vmem_shared>>
    %dma_start3A_136 = tpu.memref_slice %arg7[%add3A_134] : memref<668672xf32, #tpu.memory_space<vmem_shared>> -> memref<10448xf32, #tpu.memory_space<vmem_shared>>
    tpu.enqueue_dma source(%arg11 : memref<10448xf32, #tpu.memory_space<vmem>>) target(%dma_start3A_136 : memref<10448xf32, #tpu.memory_space<vmem_shared>>) target_semaphore(%arg13 : memref<!tpu.dma_semaphore, #tpu.memory_space<semaphore_mem>>)
    %mul3A_137 = arith.constant 41792 : i32
    %mul3A_138 = arith.muli %arg1, %mul3A_137 : i32
    %add3A_139 = arith.constant 20896 : i32
    %add3A_140 = arith.addi %mul3A_138, %add3A_139 : i32
    %dma_start3A_141 = tpu.memref_slice %arg7[%add3A_140] : memref<668672xf32, #tpu.memory_space<vmem_shared>> -> memref<10448xf32, #tpu.memory_space<vmem_shared>>
    %dma_start3A_142 = tpu.memref_slice %arg7[%add3A_140] : memref<668672xf32, #tpu.memory_space<vmem_shared>> -> memref<10448xf32, #tpu.memory_space<vmem_shared>>
    tpu.enqueue_dma source(%arg11 : memref<10448xf32, #tpu.memory_space<vmem>>) target(%dma_start3A_142 : memref<10448xf32, #tpu.memory_space<vmem_shared>>) target_semaphore(%arg13 : memref<!tpu.dma_semaphore, #tpu.memory_space<semaphore_mem>>)
    %mul3A_143 = arith.constant 41792 : i32
    %mul3A_144 = arith.muli %arg1, %mul3A_143 : i32
    %add3A_145 = arith.constant 31344 : i32
    %add3A_146 = arith.addi %mul3A_144, %add3A_145 : i32
    %dma_start3A_147 = tpu.memref_slice %arg7[%add3A_146] : memref<668672xf32, #tpu.memory_space<vmem_shared>> -> memref<10448xf32, #tpu.memory_space<vmem_shared>>
    %dma_start3A_148 = tpu.memref_slice %arg7[%add3A_146] : memref<668672xf32, #tpu.memory_space<vmem_shared>> -> memref<10448xf32, #tpu.memory_space<vmem_shared>>
    tpu.enqueue_dma source(%arg11 : memref<10448xf32, #tpu.memory_space<vmem>>) target(%dma_start3A_148 : memref<10448xf32, #tpu.memory_space<vmem_shared>>) target_semaphore(%arg13 : memref<!tpu.dma_semaphore, #tpu.memory_space<semaphore_mem>>)
    %dma_wait3A_149 = tpu.memref_slice %arg6[%add3A_104] : memref<668672xf32, #tpu.memory_space<vmem_shared>> -> memref<10448xf32, #tpu.memory_space<vmem_shared>>
    %dma_wait3A_150 = tpu.memref_slice %arg6[%add3A_104] : memref<668672xf32, #tpu.memory_space<vmem_shared>> -> memref<10448xf32, #tpu.memory_space<vmem_shared>>
    tpu.wait_dma2 semaphore(%arg13 : memref<!tpu.dma_semaphore, #tpu.memory_space<semaphore_mem>>) src(%arg11 : memref<10448xf32, #tpu.memory_space<vmem>>) dst(%dma_wait3A_150 : memref<10448xf32, #tpu.memory_space<vmem_shared>>)
    %dma_wait3A_151 = tpu.memref_slice %arg6[%add3A_110] : memref<668672xf32, #tpu.memory_space<vmem_shared>> -> memref<10448xf32, #tpu.memory_space<vmem_shared>>
    %dma_wait3A_152 = tpu.memref_slice %arg6[%add3A_110] : memref<668672xf32, #tpu.memory_space<vmem_shared>> -> memref<10448xf32, #tpu.memory_space<vmem_shared>>
    tpu.wait_dma2 semaphore(%arg13 : memref<!tpu.dma_semaphore, #tpu.memory_space<semaphore_mem>>) src(%arg11 : memref<10448xf32, #tpu.memory_space<vmem>>) dst(%dma_wait3A_152 : memref<10448xf32, #tpu.memory_space<vmem_shared>>)
    %dma_wait3A_153 = tpu.memref_slice %arg6[%add3A_116] : memref<668672xf32, #tpu.memory_space<vmem_shared>> -> memref<10448xf32, #tpu.memory_space<vmem_shared>>
    %dma_wait3A_154 = tpu.memref_slice %arg6[%add3A_116] : memref<668672xf32, #tpu.memory_space<vmem_shared>> -> memref<10448xf32, #tpu.memory_space<vmem_shared>>
    tpu.wait_dma2 semaphore(%arg13 : memref<!tpu.dma_semaphore, #tpu.memory_space<semaphore_mem>>) src(%arg11 : memref<10448xf32, #tpu.memory_space<vmem>>) dst(%dma_wait3A_154 : memref<10448xf32, #tpu.memory_space<vmem_shared>>)
    %dma_wait3A_155 = tpu.memref_slice %arg6[%add3A_122] : memref<668672xf32, #tpu.memory_space<vmem_shared>> -> memref<10448xf32, #tpu.memory_space<vmem_shared>>
    %dma_wait3A_156 = tpu.memref_slice %arg6[%add3A_122] : memref<668672xf32, #tpu.memory_space<vmem_shared>> -> memref<10448xf32, #tpu.memory_space<vmem_shared>>
    tpu.wait_dma2 semaphore(%arg13 : memref<!tpu.dma_semaphore, #tpu.memory_space<semaphore_mem>>) src(%arg11 : memref<10448xf32, #tpu.memory_space<vmem>>) dst(%dma_wait3A_156 : memref<10448xf32, #tpu.memory_space<vmem_shared>>)
    %dma_wait3A_157 = tpu.memref_slice %arg7[%add3A_128] : memref<668672xf32, #tpu.memory_space<vmem_shared>> -> memref<10448xf32, #tpu.memory_space<vmem_shared>>
    %dma_wait3A_158 = tpu.memref_slice %arg7[%add3A_128] : memref<668672xf32, #tpu.memory_space<vmem_shared>> -> memref<10448xf32, #tpu.memory_space<vmem_shared>>
    tpu.wait_dma2 semaphore(%arg13 : memref<!tpu.dma_semaphore, #tpu.memory_space<semaphore_mem>>) src(%arg11 : memref<10448xf32, #tpu.memory_space<vmem>>) dst(%dma_wait3A_158 : memref<10448xf32, #tpu.memory_space<vmem_shared>>)
    %dma_wait3A_159 = tpu.memref_slice %arg7[%add3A_134] : memref<668672xf32, #tpu.memory_space<vmem_shared>> -> memref<10448xf32, #tpu.memory_space<vmem_shared>>
    %dma_wait3A_160 = tpu.memref_slice %arg7[%add3A_134] : memref<668672xf32, #tpu.memory_space<vmem_shared>> -> memref<10448xf32, #tpu.memory_space<vmem_shared>>
    tpu.wait_dma2 semaphore(%arg13 : memref<!tpu.dma_semaphore, #tpu.memory_space<semaphore_mem>>) src(%arg11 : memref<10448xf32, #tpu.memory_space<vmem>>) dst(%dma_wait3A_160 : memref<10448xf32, #tpu.memory_space<vmem_shared>>)
    %dma_wait3A_161 = tpu.memref_slice %arg7[%add3A_140] : memref<668672xf32, #tpu.memory_space<vmem_shared>> -> memref<10448xf32, #tpu.memory_space<vmem_shared>>
    %dma_wait3A_162 = tpu.memref_slice %arg7[%add3A_140] : memref<668672xf32, #tpu.memory_space<vmem_shared>> -> memref<10448xf32, #tpu.memory_space<vmem_shared>>
    tpu.wait_dma2 semaphore(%arg13 : memref<!tpu.dma_semaphore, #tpu.memory_space<semaphore_mem>>) src(%arg11 : memref<10448xf32, #tpu.memory_space<vmem>>) dst(%dma_wait3A_162 : memref<10448xf32, #tpu.memory_space<vmem_shared>>)
    %dma_wait3A_163 = tpu.memref_slice %arg7[%add3A_146] : memref<668672xf32, #tpu.memory_space<vmem_shared>> -> memref<10448xf32, #tpu.memory_space<vmem_shared>>
    %dma_wait3A_164 = tpu.memref_slice %arg7[%add3A_146] : memref<668672xf32, #tpu.memory_space<vmem_shared>> -> memref<10448xf32, #tpu.memory_space<vmem_shared>>
    tpu.wait_dma2 semaphore(%arg13 : memref<!tpu.dma_semaphore, #tpu.memory_space<semaphore_mem>>) src(%arg11 : memref<10448xf32, #tpu.memory_space<vmem>>) dst(%dma_wait3A_164 : memref<10448xf32, #tpu.memory_space<vmem_shared>>)
    %barrier3A_165 = arith.constant 0 : index
    tpu.barrier barrier_id(%barrier3A_165)
    %add3A_166 = arith.constant 262144 : i32
    %add3A_167 = arith.addi %add3A_166, %mul3A_2 : i32
    "tpu.region"() ({
      %run_scoped3A = tpu.sem_alloc : memref<!tpu.dma_semaphore, #tpu.memory_space<semaphore_mem>>
      %dma_start3A_305 = tpu.memref_slice %arg3[%add3A_167] : memref<786432xf32, #tpu.memory_space<hbm>> -> memref<4096xf32, #tpu.memory_space<hbm>>
      %dma_start3A_306 = tpu.memref_slice %arg3[%add3A_167] : memref<786432xf32, #tpu.memory_space<hbm>> -> memref<4096xf32, #tpu.memory_space<hbm>>
      tpu.enqueue_dma source(%dma_start3A_306 : memref<4096xf32, #tpu.memory_space<hbm>>) target(%arg10 : memref<4096xf32, #tpu.memory_space<vmem>>) target_semaphore(%run_scoped3A : memref<!tpu.dma_semaphore, #tpu.memory_space<semaphore_mem>>)
      %dma_wait3A_307 = tpu.memref_slice %arg3[%add3A_167] : memref<786432xf32, #tpu.memory_space<hbm>> -> memref<4096xf32, #tpu.memory_space<hbm>>
      %dma_wait3A_308 = tpu.memref_slice %arg3[%add3A_167] : memref<786432xf32, #tpu.memory_space<hbm>> -> memref<4096xf32, #tpu.memory_space<hbm>>
      tpu.wait_dma2 semaphore(%run_scoped3A : memref<!tpu.dma_semaphore, #tpu.memory_space<semaphore_mem>>) src(%dma_wait3A_308 : memref<4096xf32, #tpu.memory_space<hbm>>) dst(%arg10 : memref<4096xf32, #tpu.memory_space<vmem>>)
      tpu.yield
    }) : () -> ()
    "tpu.region"() ({
      %run_scoped3A = tpu.sem_alloc : memref<!tpu.dma_semaphore, #tpu.memory_space<semaphore_mem>>
      %dma_start3A_305 = arith.constant 0 : i32
      %dma_start3A_306 = tpu.memref_slice %arg6[%dma_start3A_305] : memref<668672xf32, #tpu.memory_space<vmem_shared>> -> memref<668672xf32, #tpu.memory_space<vmem_shared>>
      tpu.enqueue_indirect_dma source(%arg10 : memref<4096xf32, #tpu.memory_space<vmem>>) target(%dma_start3A_306 : memref<668672xf32, #tpu.memory_space<vmem_shared>>) offsets(%arg9 : memref<4096xi32, #tpu.memory_space<vmem>>) semaphore(%run_scoped3A : memref<!tpu.dma_semaphore, #tpu.memory_space<semaphore_mem>>) {add = true}
      %dma_wait3A_307 = arith.constant 0 : i32
      %dma_wait3A_308 = tpu.memref_slice %arg6[%dma_wait3A_307] : memref<668672xf32, #tpu.memory_space<vmem_shared>> -> memref<668672xf32, #tpu.memory_space<vmem_shared>>
      tpu.wait_indirect_dma semaphore(%run_scoped3A : memref<!tpu.dma_semaphore, #tpu.memory_space<semaphore_mem>>) src(%arg10 : memref<4096xf32, #tpu.memory_space<vmem>>) dst(%dma_wait3A_308 : memref<668672xf32, #tpu.memory_space<vmem_shared>>)
      tpu.yield
    }) : () -> ()
    %add3A_168 = arith.constant 327680 : i32
    %add3A_169 = arith.addi %add3A_168, %mul3A_2 : i32
    "tpu.region"() ({
      %run_scoped3A = tpu.sem_alloc : memref<!tpu.dma_semaphore, #tpu.memory_space<semaphore_mem>>
      %dma_start3A_305 = tpu.memref_slice %arg3[%add3A_169] : memref<786432xf32, #tpu.memory_space<hbm>> -> memref<4096xf32, #tpu.memory_space<hbm>>
      %dma_start3A_306 = tpu.memref_slice %arg3[%add3A_169] : memref<786432xf32, #tpu.memory_space<hbm>> -> memref<4096xf32, #tpu.memory_space<hbm>>
      tpu.enqueue_dma source(%dma_start3A_306 : memref<4096xf32, #tpu.memory_space<hbm>>) target(%arg10 : memref<4096xf32, #tpu.memory_space<vmem>>) target_semaphore(%run_scoped3A : memref<!tpu.dma_semaphore, #tpu.memory_space<semaphore_mem>>)
      %dma_wait3A_307 = tpu.memref_slice %arg3[%add3A_169] : memref<786432xf32, #tpu.memory_space<hbm>> -> memref<4096xf32, #tpu.memory_space<hbm>>
      %dma_wait3A_308 = tpu.memref_slice %arg3[%add3A_169] : memref<786432xf32, #tpu.memory_space<hbm>> -> memref<4096xf32, #tpu.memory_space<hbm>>
      tpu.wait_dma2 semaphore(%run_scoped3A : memref<!tpu.dma_semaphore, #tpu.memory_space<semaphore_mem>>) src(%dma_wait3A_308 : memref<4096xf32, #tpu.memory_space<hbm>>) dst(%arg10 : memref<4096xf32, #tpu.memory_space<vmem>>)
      tpu.yield
    }) : () -> ()
    "tpu.region"() ({
      %run_scoped3A = tpu.sem_alloc : memref<!tpu.dma_semaphore, #tpu.memory_space<semaphore_mem>>
      %dma_start3A_305 = arith.constant 0 : i32
      %dma_start3A_306 = tpu.memref_slice %arg7[%dma_start3A_305] : memref<668672xf32, #tpu.memory_space<vmem_shared>> -> memref<668672xf32, #tpu.memory_space<vmem_shared>>
      tpu.enqueue_indirect_dma source(%arg10 : memref<4096xf32, #tpu.memory_space<vmem>>) target(%dma_start3A_306 : memref<668672xf32, #tpu.memory_space<vmem_shared>>) offsets(%arg9 : memref<4096xi32, #tpu.memory_space<vmem>>) semaphore(%run_scoped3A : memref<!tpu.dma_semaphore, #tpu.memory_space<semaphore_mem>>) {add = true}
      %dma_wait3A_307 = arith.constant 0 : i32
      %dma_wait3A_308 = tpu.memref_slice %arg7[%dma_wait3A_307] : memref<668672xf32, #tpu.memory_space<vmem_shared>> -> memref<668672xf32, #tpu.memory_space<vmem_shared>>
      tpu.wait_indirect_dma semaphore(%run_scoped3A : memref<!tpu.dma_semaphore, #tpu.memory_space<semaphore_mem>>) src(%arg10 : memref<4096xf32, #tpu.memory_space<vmem>>) dst(%dma_wait3A_308 : memref<668672xf32, #tpu.memory_space<vmem_shared>>)
      tpu.yield
    }) : () -> ()
    %barrier3A_170 = arith.constant 0 : index
    tpu.barrier barrier_id(%barrier3A_170)
    %eq3A_171 = arith.constant 0 : i32
    %eq3A_172 = arith.cmpi eq, %arg1, %eq3A_171 : i32
    %convert_element_type3A_173 = arith.extui %eq3A_172 : i1 to i32
    %cond3A_174 = arith.constant 0 : i32
    %cond3A_175 = arith.cmpi ne, %convert_element_type3A_173, %cond3A_174 : i32
    scf.if %cond3A_175 {
      %mul3A_305 = arith.constant 665600 : i32
      %mul3A_306 = arith.muli %arg0, %mul3A_305 : i32
      %add3A_307 = arith.constant 1331200 : i32
      %add3A_308 = arith.addi %add3A_307, %mul3A_306 : i32
      "tpu.region"() ({
        %run_scoped3A = tpu.sem_alloc : memref<!tpu.dma_semaphore, #tpu.memory_space<semaphore_mem>>
        %dma_start3A_309 = tpu.memref_slice %arg5[%add3A_308] : memref<9318400xf32, #tpu.memory_space<hbm>> -> memref<665600xf32, #tpu.memory_space<hbm>>
        %dma_start3A_310 = arith.constant 0 : i32
        %dma_start3A_311 = tpu.memref_slice %arg6[%dma_start3A_310] : memref<668672xf32, #tpu.memory_space<vmem_shared>> -> memref<665600xf32, #tpu.memory_space<vmem_shared>>
        tpu.enqueue_dma source(%dma_start3A_311 : memref<665600xf32, #tpu.memory_space<vmem_shared>>) target(%dma_start3A_309 : memref<665600xf32, #tpu.memory_space<hbm>>) target_semaphore(%run_scoped3A : memref<!tpu.dma_semaphore, #tpu.memory_space<semaphore_mem>>)
        %dma_wait3A_312 = tpu.memref_slice %arg5[%add3A_308] : memref<9318400xf32, #tpu.memory_space<hbm>> -> memref<665600xf32, #tpu.memory_space<hbm>>
        %dma_wait3A_313 = arith.constant 0 : i32
        %dma_wait3A_314 = tpu.memref_slice %arg6[%dma_wait3A_313] : memref<668672xf32, #tpu.memory_space<vmem_shared>> -> memref<665600xf32, #tpu.memory_space<vmem_shared>>
        tpu.wait_dma2 semaphore(%run_scoped3A : memref<!tpu.dma_semaphore, #tpu.memory_space<semaphore_mem>>) src(%dma_wait3A_314 : memref<665600xf32, #tpu.memory_space<vmem_shared>>) dst(%dma_wait3A_312 : memref<665600xf32, #tpu.memory_space<hbm>>)
        tpu.yield
      }) : () -> ()
    } else {
    }
    %eq3A_176 = arith.constant 1 : i32
    %eq3A_177 = arith.cmpi eq, %arg1, %eq3A_176 : i32
    %convert_element_type3A_178 = arith.extui %eq3A_177 : i1 to i32
    %cond3A_179 = arith.constant 0 : i32
    %cond3A_180 = arith.cmpi ne, %convert_element_type3A_178, %cond3A_179 : i32
    scf.if %cond3A_180 {
      %mul3A_305 = arith.constant 665600 : i32
      %mul3A_306 = arith.muli %arg0, %mul3A_305 : i32
      %add3A_307 = arith.constant 2662400 : i32
      %add3A_308 = arith.addi %add3A_307, %mul3A_306 : i32
      "tpu.region"() ({
        %run_scoped3A = tpu.sem_alloc : memref<!tpu.dma_semaphore, #tpu.memory_space<semaphore_mem>>
        %dma_start3A_309 = tpu.memref_slice %arg5[%add3A_308] : memref<9318400xf32, #tpu.memory_space<hbm>> -> memref<665600xf32, #tpu.memory_space<hbm>>
        %dma_start3A_310 = arith.constant 0 : i32
        %dma_start3A_311 = tpu.memref_slice %arg7[%dma_start3A_310] : memref<668672xf32, #tpu.memory_space<vmem_shared>> -> memref<665600xf32, #tpu.memory_space<vmem_shared>>
        tpu.enqueue_dma source(%dma_start3A_311 : memref<665600xf32, #tpu.memory_space<vmem_shared>>) target(%dma_start3A_309 : memref<665600xf32, #tpu.memory_space<hbm>>) target_semaphore(%run_scoped3A : memref<!tpu.dma_semaphore, #tpu.memory_space<semaphore_mem>>)
        %dma_wait3A_312 = tpu.memref_slice %arg5[%add3A_308] : memref<9318400xf32, #tpu.memory_space<hbm>> -> memref<665600xf32, #tpu.memory_space<hbm>>
        %dma_wait3A_313 = arith.constant 0 : i32
        %dma_wait3A_314 = tpu.memref_slice %arg7[%dma_wait3A_313] : memref<668672xf32, #tpu.memory_space<vmem_shared>> -> memref<665600xf32, #tpu.memory_space<vmem_shared>>
        tpu.wait_dma2 semaphore(%run_scoped3A : memref<!tpu.dma_semaphore, #tpu.memory_space<semaphore_mem>>) src(%dma_wait3A_314 : memref<665600xf32, #tpu.memory_space<vmem_shared>>) dst(%dma_wait3A_312 : memref<665600xf32, #tpu.memory_space<hbm>>)
        tpu.yield
      }) : () -> ()
    } else {
    }
    %barrier3A_181 = arith.constant 0 : index
    tpu.barrier barrier_id(%barrier3A_181)
    %mul3A_182 = arith.constant 41792 : i32
    %mul3A_183 = arith.muli %arg1, %mul3A_182 : i32
    %add3A_184 = arith.constant 0 : i32
    %add3A_185 = arith.addi %mul3A_183, %add3A_184 : i32
    %dma_start3A_186 = tpu.memref_slice %arg6[%add3A_185] : memref<668672xf32, #tpu.memory_space<vmem_shared>> -> memref<10448xf32, #tpu.memory_space<vmem_shared>>
    %dma_start3A_187 = tpu.memref_slice %arg6[%add3A_185] : memref<668672xf32, #tpu.memory_space<vmem_shared>> -> memref<10448xf32, #tpu.memory_space<vmem_shared>>
    tpu.enqueue_dma source(%arg11 : memref<10448xf32, #tpu.memory_space<vmem>>) target(%dma_start3A_187 : memref<10448xf32, #tpu.memory_space<vmem_shared>>) target_semaphore(%arg13 : memref<!tpu.dma_semaphore, #tpu.memory_space<semaphore_mem>>)
    %mul3A_188 = arith.constant 41792 : i32
    %mul3A_189 = arith.muli %arg1, %mul3A_188 : i32
    %add3A_190 = arith.constant 10448 : i32
    %add3A_191 = arith.addi %mul3A_189, %add3A_190 : i32
    %dma_start3A_192 = tpu.memref_slice %arg6[%add3A_191] : memref<668672xf32, #tpu.memory_space<vmem_shared>> -> memref<10448xf32, #tpu.memory_space<vmem_shared>>
    %dma_start3A_193 = tpu.memref_slice %arg6[%add3A_191] : memref<668672xf32, #tpu.memory_space<vmem_shared>> -> memref<10448xf32, #tpu.memory_space<vmem_shared>>
    tpu.enqueue_dma source(%arg11 : memref<10448xf32, #tpu.memory_space<vmem>>) target(%dma_start3A_193 : memref<10448xf32, #tpu.memory_space<vmem_shared>>) target_semaphore(%arg13 : memref<!tpu.dma_semaphore, #tpu.memory_space<semaphore_mem>>)
    %mul3A_194 = arith.constant 41792 : i32
    %mul3A_195 = arith.muli %arg1, %mul3A_194 : i32
    %add3A_196 = arith.constant 20896 : i32
    %add3A_197 = arith.addi %mul3A_195, %add3A_196 : i32
    %dma_start3A_198 = tpu.memref_slice %arg6[%add3A_197] : memref<668672xf32, #tpu.memory_space<vmem_shared>> -> memref<10448xf32, #tpu.memory_space<vmem_shared>>
    %dma_start3A_199 = tpu.memref_slice %arg6[%add3A_197] : memref<668672xf32, #tpu.memory_space<vmem_shared>> -> memref<10448xf32, #tpu.memory_space<vmem_shared>>
    tpu.enqueue_dma source(%arg11 : memref<10448xf32, #tpu.memory_space<vmem>>) target(%dma_start3A_199 : memref<10448xf32, #tpu.memory_space<vmem_shared>>) target_semaphore(%arg13 : memref<!tpu.dma_semaphore, #tpu.memory_space<semaphore_mem>>)
    %mul3A_200 = arith.constant 41792 : i32
    %mul3A_201 = arith.muli %arg1, %mul3A_200 : i32
    %add3A_202 = arith.constant 31344 : i32
    %add3A_203 = arith.addi %mul3A_201, %add3A_202 : i32
    %dma_start3A_204 = tpu.memref_slice %arg6[%add3A_203] : memref<668672xf32, #tpu.memory_space<vmem_shared>> -> memref<10448xf32, #tpu.memory_space<vmem_shared>>
    %dma_start3A_205 = tpu.memref_slice %arg6[%add3A_203] : memref<668672xf32, #tpu.memory_space<vmem_shared>> -> memref<10448xf32, #tpu.memory_space<vmem_shared>>
    tpu.enqueue_dma source(%arg11 : memref<10448xf32, #tpu.memory_space<vmem>>) target(%dma_start3A_205 : memref<10448xf32, #tpu.memory_space<vmem_shared>>) target_semaphore(%arg13 : memref<!tpu.dma_semaphore, #tpu.memory_space<semaphore_mem>>)
    %mul3A_206 = arith.constant 41792 : i32
    %mul3A_207 = arith.muli %arg1, %mul3A_206 : i32
    %add3A_208 = arith.constant 0 : i32
    %add3A_209 = arith.addi %mul3A_207, %add3A_208 : i32
    %dma_start3A_210 = tpu.memref_slice %arg7[%add3A_209] : memref<668672xf32, #tpu.memory_space<vmem_shared>> -> memref<10448xf32, #tpu.memory_space<vmem_shared>>
    %dma_start3A_211 = tpu.memref_slice %arg7[%add3A_209] : memref<668672xf32, #tpu.memory_space<vmem_shared>> -> memref<10448xf32, #tpu.memory_space<vmem_shared>>
    tpu.enqueue_dma source(%arg11 : memref<10448xf32, #tpu.memory_space<vmem>>) target(%dma_start3A_211 : memref<10448xf32, #tpu.memory_space<vmem_shared>>) target_semaphore(%arg13 : memref<!tpu.dma_semaphore, #tpu.memory_space<semaphore_mem>>)
    %mul3A_212 = arith.constant 41792 : i32
    %mul3A_213 = arith.muli %arg1, %mul3A_212 : i32
    %add3A_214 = arith.constant 10448 : i32
    %add3A_215 = arith.addi %mul3A_213, %add3A_214 : i32
    %dma_start3A_216 = tpu.memref_slice %arg7[%add3A_215] : memref<668672xf32, #tpu.memory_space<vmem_shared>> -> memref<10448xf32, #tpu.memory_space<vmem_shared>>
    %dma_start3A_217 = tpu.memref_slice %arg7[%add3A_215] : memref<668672xf32, #tpu.memory_space<vmem_shared>> -> memref<10448xf32, #tpu.memory_space<vmem_shared>>
    tpu.enqueue_dma source(%arg11 : memref<10448xf32, #tpu.memory_space<vmem>>) target(%dma_start3A_217 : memref<10448xf32, #tpu.memory_space<vmem_shared>>) target_semaphore(%arg13 : memref<!tpu.dma_semaphore, #tpu.memory_space<semaphore_mem>>)
    %mul3A_218 = arith.constant 41792 : i32
    %mul3A_219 = arith.muli %arg1, %mul3A_218 : i32
    %add3A_220 = arith.constant 20896 : i32
    %add3A_221 = arith.addi %mul3A_219, %add3A_220 : i32
    %dma_start3A_222 = tpu.memref_slice %arg7[%add3A_221] : memref<668672xf32, #tpu.memory_space<vmem_shared>> -> memref<10448xf32, #tpu.memory_space<vmem_shared>>
    %dma_start3A_223 = tpu.memref_slice %arg7[%add3A_221] : memref<668672xf32, #tpu.memory_space<vmem_shared>> -> memref<10448xf32, #tpu.memory_space<vmem_shared>>
    tpu.enqueue_dma source(%arg11 : memref<10448xf32, #tpu.memory_space<vmem>>) target(%dma_start3A_223 : memref<10448xf32, #tpu.memory_space<vmem_shared>>) target_semaphore(%arg13 : memref<!tpu.dma_semaphore, #tpu.memory_space<semaphore_mem>>)
    %mul3A_224 = arith.constant 41792 : i32
    %mul3A_225 = arith.muli %arg1, %mul3A_224 : i32
    %add3A_226 = arith.constant 31344 : i32
    %add3A_227 = arith.addi %mul3A_225, %add3A_226 : i32
    %dma_start3A_228 = tpu.memref_slice %arg7[%add3A_227] : memref<668672xf32, #tpu.memory_space<vmem_shared>> -> memref<10448xf32, #tpu.memory_space<vmem_shared>>
    %dma_start3A_229 = tpu.memref_slice %arg7[%add3A_227] : memref<668672xf32, #tpu.memory_space<vmem_shared>> -> memref<10448xf32, #tpu.memory_space<vmem_shared>>
    tpu.enqueue_dma source(%arg11 : memref<10448xf32, #tpu.memory_space<vmem>>) target(%dma_start3A_229 : memref<10448xf32, #tpu.memory_space<vmem_shared>>) target_semaphore(%arg13 : memref<!tpu.dma_semaphore, #tpu.memory_space<semaphore_mem>>)
    %dma_wait3A_230 = tpu.memref_slice %arg6[%add3A_185] : memref<668672xf32, #tpu.memory_space<vmem_shared>> -> memref<10448xf32, #tpu.memory_space<vmem_shared>>
    %dma_wait3A_231 = tpu.memref_slice %arg6[%add3A_185] : memref<668672xf32, #tpu.memory_space<vmem_shared>> -> memref<10448xf32, #tpu.memory_space<vmem_shared>>
    tpu.wait_dma2 semaphore(%arg13 : memref<!tpu.dma_semaphore, #tpu.memory_space<semaphore_mem>>) src(%arg11 : memref<10448xf32, #tpu.memory_space<vmem>>) dst(%dma_wait3A_231 : memref<10448xf32, #tpu.memory_space<vmem_shared>>)
    %dma_wait3A_232 = tpu.memref_slice %arg6[%add3A_191] : memref<668672xf32, #tpu.memory_space<vmem_shared>> -> memref<10448xf32, #tpu.memory_space<vmem_shared>>
    %dma_wait3A_233 = tpu.memref_slice %arg6[%add3A_191] : memref<668672xf32, #tpu.memory_space<vmem_shared>> -> memref<10448xf32, #tpu.memory_space<vmem_shared>>
    tpu.wait_dma2 semaphore(%arg13 : memref<!tpu.dma_semaphore, #tpu.memory_space<semaphore_mem>>) src(%arg11 : memref<10448xf32, #tpu.memory_space<vmem>>) dst(%dma_wait3A_233 : memref<10448xf32, #tpu.memory_space<vmem_shared>>)
    %dma_wait3A_234 = tpu.memref_slice %arg6[%add3A_197] : memref<668672xf32, #tpu.memory_space<vmem_shared>> -> memref<10448xf32, #tpu.memory_space<vmem_shared>>
    %dma_wait3A_235 = tpu.memref_slice %arg6[%add3A_197] : memref<668672xf32, #tpu.memory_space<vmem_shared>> -> memref<10448xf32, #tpu.memory_space<vmem_shared>>
    tpu.wait_dma2 semaphore(%arg13 : memref<!tpu.dma_semaphore, #tpu.memory_space<semaphore_mem>>) src(%arg11 : memref<10448xf32, #tpu.memory_space<vmem>>) dst(%dma_wait3A_235 : memref<10448xf32, #tpu.memory_space<vmem_shared>>)
    %dma_wait3A_236 = tpu.memref_slice %arg6[%add3A_203] : memref<668672xf32, #tpu.memory_space<vmem_shared>> -> memref<10448xf32, #tpu.memory_space<vmem_shared>>
    %dma_wait3A_237 = tpu.memref_slice %arg6[%add3A_203] : memref<668672xf32, #tpu.memory_space<vmem_shared>> -> memref<10448xf32, #tpu.memory_space<vmem_shared>>
    tpu.wait_dma2 semaphore(%arg13 : memref<!tpu.dma_semaphore, #tpu.memory_space<semaphore_mem>>) src(%arg11 : memref<10448xf32, #tpu.memory_space<vmem>>) dst(%dma_wait3A_237 : memref<10448xf32, #tpu.memory_space<vmem_shared>>)
    %dma_wait3A_238 = tpu.memref_slice %arg7[%add3A_209] : memref<668672xf32, #tpu.memory_space<vmem_shared>> -> memref<10448xf32, #tpu.memory_space<vmem_shared>>
    %dma_wait3A_239 = tpu.memref_slice %arg7[%add3A_209] : memref<668672xf32, #tpu.memory_space<vmem_shared>> -> memref<10448xf32, #tpu.memory_space<vmem_shared>>
    tpu.wait_dma2 semaphore(%arg13 : memref<!tpu.dma_semaphore, #tpu.memory_space<semaphore_mem>>) src(%arg11 : memref<10448xf32, #tpu.memory_space<vmem>>) dst(%dma_wait3A_239 : memref<10448xf32, #tpu.memory_space<vmem_shared>>)
    %dma_wait3A_240 = tpu.memref_slice %arg7[%add3A_215] : memref<668672xf32, #tpu.memory_space<vmem_shared>> -> memref<10448xf32, #tpu.memory_space<vmem_shared>>
    %dma_wait3A_241 = tpu.memref_slice %arg7[%add3A_215] : memref<668672xf32, #tpu.memory_space<vmem_shared>> -> memref<10448xf32, #tpu.memory_space<vmem_shared>>
    tpu.wait_dma2 semaphore(%arg13 : memref<!tpu.dma_semaphore, #tpu.memory_space<semaphore_mem>>) src(%arg11 : memref<10448xf32, #tpu.memory_space<vmem>>) dst(%dma_wait3A_241 : memref<10448xf32, #tpu.memory_space<vmem_shared>>)
    %dma_wait3A_242 = tpu.memref_slice %arg7[%add3A_221] : memref<668672xf32, #tpu.memory_space<vmem_shared>> -> memref<10448xf32, #tpu.memory_space<vmem_shared>>
    %dma_wait3A_243 = tpu.memref_slice %arg7[%add3A_221] : memref<668672xf32, #tpu.memory_space<vmem_shared>> -> memref<10448xf32, #tpu.memory_space<vmem_shared>>
    tpu.wait_dma2 semaphore(%arg13 : memref<!tpu.dma_semaphore, #tpu.memory_space<semaphore_mem>>) src(%arg11 : memref<10448xf32, #tpu.memory_space<vmem>>) dst(%dma_wait3A_243 : memref<10448xf32, #tpu.memory_space<vmem_shared>>)
    %dma_wait3A_244 = tpu.memref_slice %arg7[%add3A_227] : memref<668672xf32, #tpu.memory_space<vmem_shared>> -> memref<10448xf32, #tpu.memory_space<vmem_shared>>
    %dma_wait3A_245 = tpu.memref_slice %arg7[%add3A_227] : memref<668672xf32, #tpu.memory_space<vmem_shared>> -> memref<10448xf32, #tpu.memory_space<vmem_shared>>
    tpu.wait_dma2 semaphore(%arg13 : memref<!tpu.dma_semaphore, #tpu.memory_space<semaphore_mem>>) src(%arg11 : memref<10448xf32, #tpu.memory_space<vmem>>) dst(%dma_wait3A_245 : memref<10448xf32, #tpu.memory_space<vmem_shared>>)
    %barrier3A_246 = arith.constant 0 : index
    tpu.barrier barrier_id(%barrier3A_246)
    %add3A_247 = arith.constant 196608 : i32
    %add3A_248 = arith.addi %add3A_247, %mul3A_2 : i32
    "tpu.region"() ({
      %run_scoped3A = tpu.sem_alloc : memref<!tpu.dma_semaphore, #tpu.memory_space<semaphore_mem>>
      %dma_start3A_305 = tpu.memref_slice %arg4[%add3A_248] : memref<786432xf32, #tpu.memory_space<hbm>> -> memref<4096xf32, #tpu.memory_space<hbm>>
      %dma_start3A_306 = tpu.memref_slice %arg4[%add3A_248] : memref<786432xf32, #tpu.memory_space<hbm>> -> memref<4096xf32, #tpu.memory_space<hbm>>
      tpu.enqueue_dma source(%dma_start3A_306 : memref<4096xf32, #tpu.memory_space<hbm>>) target(%arg10 : memref<4096xf32, #tpu.memory_space<vmem>>) target_semaphore(%run_scoped3A : memref<!tpu.dma_semaphore, #tpu.memory_space<semaphore_mem>>)
      %dma_wait3A_307 = tpu.memref_slice %arg4[%add3A_248] : memref<786432xf32, #tpu.memory_space<hbm>> -> memref<4096xf32, #tpu.memory_space<hbm>>
      %dma_wait3A_308 = tpu.memref_slice %arg4[%add3A_248] : memref<786432xf32, #tpu.memory_space<hbm>> -> memref<4096xf32, #tpu.memory_space<hbm>>
      tpu.wait_dma2 semaphore(%run_scoped3A : memref<!tpu.dma_semaphore, #tpu.memory_space<semaphore_mem>>) src(%dma_wait3A_308 : memref<4096xf32, #tpu.memory_space<hbm>>) dst(%arg10 : memref<4096xf32, #tpu.memory_space<vmem>>)
      tpu.yield
    }) : () -> ()
    "tpu.region"() ({
      %run_scoped3A = tpu.sem_alloc : memref<!tpu.dma_semaphore, #tpu.memory_space<semaphore_mem>>
      %dma_start3A_305 = arith.constant 0 : i32
      %dma_start3A_306 = tpu.memref_slice %arg6[%dma_start3A_305] : memref<668672xf32, #tpu.memory_space<vmem_shared>> -> memref<668672xf32, #tpu.memory_space<vmem_shared>>
      tpu.enqueue_indirect_dma source(%arg10 : memref<4096xf32, #tpu.memory_space<vmem>>) target(%dma_start3A_306 : memref<668672xf32, #tpu.memory_space<vmem_shared>>) offsets(%arg9 : memref<4096xi32, #tpu.memory_space<vmem>>) semaphore(%run_scoped3A : memref<!tpu.dma_semaphore, #tpu.memory_space<semaphore_mem>>) {add = true}
      %dma_wait3A_307 = arith.constant 0 : i32
      %dma_wait3A_308 = tpu.memref_slice %arg6[%dma_wait3A_307] : memref<668672xf32, #tpu.memory_space<vmem_shared>> -> memref<668672xf32, #tpu.memory_space<vmem_shared>>
      tpu.wait_indirect_dma semaphore(%run_scoped3A : memref<!tpu.dma_semaphore, #tpu.memory_space<semaphore_mem>>) src(%arg10 : memref<4096xf32, #tpu.memory_space<vmem>>) dst(%dma_wait3A_308 : memref<668672xf32, #tpu.memory_space<vmem_shared>>)
      tpu.yield
    }) : () -> ()
    %add3A_249 = arith.constant 262144 : i32
    %add3A_250 = arith.addi %add3A_249, %mul3A_2 : i32
    "tpu.region"() ({
      %run_scoped3A = tpu.sem_alloc : memref<!tpu.dma_semaphore, #tpu.memory_space<semaphore_mem>>
      %dma_start3A_305 = tpu.memref_slice %arg4[%add3A_250] : memref<786432xf32, #tpu.memory_space<hbm>> -> memref<4096xf32, #tpu.memory_space<hbm>>
      %dma_start3A_306 = tpu.memref_slice %arg4[%add3A_250] : memref<786432xf32, #tpu.memory_space<hbm>> -> memref<4096xf32, #tpu.memory_space<hbm>>
      tpu.enqueue_dma source(%dma_start3A_306 : memref<4096xf32, #tpu.memory_space<hbm>>) target(%arg10 : memref<4096xf32, #tpu.memory_space<vmem>>) target_semaphore(%run_scoped3A : memref<!tpu.dma_semaphore, #tpu.memory_space<semaphore_mem>>)
      %dma_wait3A_307 = tpu.memref_slice %arg4[%add3A_250] : memref<786432xf32, #tpu.memory_space<hbm>> -> memref<4096xf32, #tpu.memory_space<hbm>>
      %dma_wait3A_308 = tpu.memref_slice %arg4[%add3A_250] : memref<786432xf32, #tpu.memory_space<hbm>> -> memref<4096xf32, #tpu.memory_space<hbm>>
      tpu.wait_dma2 semaphore(%run_scoped3A : memref<!tpu.dma_semaphore, #tpu.memory_space<semaphore_mem>>) src(%dma_wait3A_308 : memref<4096xf32, #tpu.memory_space<hbm>>) dst(%arg10 : memref<4096xf32, #tpu.memory_space<vmem>>)
      tpu.yield
    }) : () -> ()
    "tpu.region"() ({
      %run_scoped3A = tpu.sem_alloc : memref<!tpu.dma_semaphore, #tpu.memory_space<semaphore_mem>>
      %dma_start3A_305 = arith.constant 0 : i32
      %dma_start3A_306 = tpu.memref_slice %arg7[%dma_start3A_305] : memref<668672xf32, #tpu.memory_space<vmem_shared>> -> memref<668672xf32, #tpu.memory_space<vmem_shared>>
      tpu.enqueue_indirect_dma source(%arg10 : memref<4096xf32, #tpu.memory_space<vmem>>) target(%dma_start3A_306 : memref<668672xf32, #tpu.memory_space<vmem_shared>>) offsets(%arg9 : memref<4096xi32, #tpu.memory_space<vmem>>) semaphore(%run_scoped3A : memref<!tpu.dma_semaphore, #tpu.memory_space<semaphore_mem>>) {add = true}
      %dma_wait3A_307 = arith.constant 0 : i32
      %dma_wait3A_308 = tpu.memref_slice %arg7[%dma_wait3A_307] : memref<668672xf32, #tpu.memory_space<vmem_shared>> -> memref<668672xf32, #tpu.memory_space<vmem_shared>>
      tpu.wait_indirect_dma semaphore(%run_scoped3A : memref<!tpu.dma_semaphore, #tpu.memory_space<semaphore_mem>>) src(%arg10 : memref<4096xf32, #tpu.memory_space<vmem>>) dst(%dma_wait3A_308 : memref<668672xf32, #tpu.memory_space<vmem_shared>>)
      tpu.yield
    }) : () -> ()
    %barrier3A_251 = arith.constant 0 : index
    tpu.barrier barrier_id(%barrier3A_251)
    %eq3A_252 = arith.constant 0 : i32
    %eq3A_253 = arith.cmpi eq, %arg1, %eq3A_252 : i32
    %convert_element_type3A_254 = arith.extui %eq3A_253 : i1 to i32
    %cond3A_255 = arith.constant 0 : i32
    %cond3A_256 = arith.cmpi ne, %convert_element_type3A_254, %cond3A_255 : i32
    scf.if %cond3A_256 {
      %mul3A_305 = arith.constant 665600 : i32
      %mul3A_306 = arith.muli %arg0, %mul3A_305 : i32
      %add3A_307 = arith.constant 3993600 : i32
      %add3A_308 = arith.addi %add3A_307, %mul3A_306 : i32
      "tpu.region"() ({
        %run_scoped3A = tpu.sem_alloc : memref<!tpu.dma_semaphore, #tpu.memory_space<semaphore_mem>>
        %dma_start3A_309 = tpu.memref_slice %arg5[%add3A_308] : memref<9318400xf32, #tpu.memory_space<hbm>> -> memref<665600xf32, #tpu.memory_space<hbm>>
        %dma_start3A_310 = arith.constant 0 : i32
        %dma_start3A_311 = tpu.memref_slice %arg6[%dma_start3A_310] : memref<668672xf32, #tpu.memory_space<vmem_shared>> -> memref<665600xf32, #tpu.memory_space<vmem_shared>>
        tpu.enqueue_dma source(%dma_start3A_311 : memref<665600xf32, #tpu.memory_space<vmem_shared>>) target(%dma_start3A_309 : memref<665600xf32, #tpu.memory_space<hbm>>) target_semaphore(%run_scoped3A : memref<!tpu.dma_semaphore, #tpu.memory_space<semaphore_mem>>)
        %dma_wait3A_312 = tpu.memref_slice %arg5[%add3A_308] : memref<9318400xf32, #tpu.memory_space<hbm>> -> memref<665600xf32, #tpu.memory_space<hbm>>
        %dma_wait3A_313 = arith.constant 0 : i32
        %dma_wait3A_314 = tpu.memref_slice %arg6[%dma_wait3A_313] : memref<668672xf32, #tpu.memory_space<vmem_shared>> -> memref<665600xf32, #tpu.memory_space<vmem_shared>>
        tpu.wait_dma2 semaphore(%run_scoped3A : memref<!tpu.dma_semaphore, #tpu.memory_space<semaphore_mem>>) src(%dma_wait3A_314 : memref<665600xf32, #tpu.memory_space<vmem_shared>>) dst(%dma_wait3A_312 : memref<665600xf32, #tpu.memory_space<hbm>>)
        tpu.yield
      }) : () -> ()
    } else {
    }
    %eq3A_257 = arith.constant 1 : i32
    %eq3A_258 = arith.cmpi eq, %arg1, %eq3A_257 : i32
    %convert_element_type3A_259 = arith.extui %eq3A_258 : i1 to i32
    %cond3A_260 = arith.constant 0 : i32
    %cond3A_261 = arith.cmpi ne, %convert_element_type3A_259, %cond3A_260 : i32
    scf.if %cond3A_261 {
      %mul3A_305 = arith.constant 665600 : i32
      %mul3A_306 = arith.muli %arg0, %mul3A_305 : i32
      %add3A_307 = arith.constant 5324800 : i32
      %add3A_308 = arith.addi %add3A_307, %mul3A_306 : i32
      "tpu.region"() ({
        %run_scoped3A = tpu.sem_alloc : memref<!tpu.dma_semaphore, #tpu.memory_space<semaphore_mem>>
        %dma_start3A_309 = tpu.memref_slice %arg5[%add3A_308] : memref<9318400xf32, #tpu.memory_space<hbm>> -> memref<665600xf32, #tpu.memory_space<hbm>>
        %dma_start3A_310 = arith.constant 0 : i32
        %dma_start3A_311 = tpu.memref_slice %arg7[%dma_start3A_310] : memref<668672xf32, #tpu.memory_space<vmem_shared>> -> memref<665600xf32, #tpu.memory_space<vmem_shared>>
        tpu.enqueue_dma source(%dma_start3A_311 : memref<665600xf32, #tpu.memory_space<vmem_shared>>) target(%dma_start3A_309 : memref<665600xf32, #tpu.memory_space<hbm>>) target_semaphore(%run_scoped3A : memref<!tpu.dma_semaphore, #tpu.memory_space<semaphore_mem>>)
        %dma_wait3A_312 = tpu.memref_slice %arg5[%add3A_308] : memref<9318400xf32, #tpu.memory_space<hbm>> -> memref<665600xf32, #tpu.memory_space<hbm>>
        %dma_wait3A_313 = arith.constant 0 : i32
        %dma_wait3A_314 = tpu.memref_slice %arg7[%dma_wait3A_313] : memref<668672xf32, #tpu.memory_space<vmem_shared>> -> memref<665600xf32, #tpu.memory_space<vmem_shared>>
        tpu.wait_dma2 semaphore(%run_scoped3A : memref<!tpu.dma_semaphore, #tpu.memory_space<semaphore_mem>>) src(%dma_wait3A_314 : memref<665600xf32, #tpu.memory_space<vmem_shared>>) dst(%dma_wait3A_312 : memref<665600xf32, #tpu.memory_space<hbm>>)
        tpu.yield
      }) : () -> ()
    } else {
    }
    %barrier3A_262 = arith.constant 0 : index
    tpu.barrier barrier_id(%barrier3A_262)
    %mul3A_263 = arith.constant 41792 : i32
    %mul3A_264 = arith.muli %arg1, %mul3A_263 : i32
    %add3A_265 = arith.constant 0 : i32
    %add3A_266 = arith.addi %mul3A_264, %add3A_265 : i32
    %dma_start3A_267 = tpu.memref_slice %arg6[%add3A_266] : memref<668672xf32, #tpu.memory_space<vmem_shared>> -> memref<10448xf32, #tpu.memory_space<vmem_shared>>
    %dma_start3A_268 = tpu.memref_slice %arg6[%add3A_266] : memref<668672xf32, #tpu.memory_space<vmem_shared>> -> memref<10448xf32, #tpu.memory_space<vmem_shared>>
    tpu.enqueue_dma source(%arg11 : memref<10448xf32, #tpu.memory_space<vmem>>) target(%dma_start3A_268 : memref<10448xf32, #tpu.memory_space<vmem_shared>>) target_semaphore(%arg13 : memref<!tpu.dma_semaphore, #tpu.memory_space<semaphore_mem>>)
    %mul3A_269 = arith.constant 41792 : i32
    %mul3A_270 = arith.muli %arg1, %mul3A_269 : i32
    %add3A_271 = arith.constant 10448 : i32
    %add3A_272 = arith.addi %mul3A_270, %add3A_271 : i32
    %dma_start3A_273 = tpu.memref_slice %arg6[%add3A_272] : memref<668672xf32, #tpu.memory_space<vmem_shared>> -> memref<10448xf32, #tpu.memory_space<vmem_shared>>
    %dma_start3A_274 = tpu.memref_slice %arg6[%add3A_272] : memref<668672xf32, #tpu.memory_space<vmem_shared>> -> memref<10448xf32, #tpu.memory_space<vmem_shared>>
    tpu.enqueue_dma source(%arg11 : memref<10448xf32, #tpu.memory_space<vmem>>) target(%dma_start3A_274 : memref<10448xf32, #tpu.memory_space<vmem_shared>>) target_semaphore(%arg13 : memref<!tpu.dma_semaphore, #tpu.memory_space<semaphore_mem>>)
    %mul3A_275 = arith.constant 41792 : i32
    %mul3A_276 = arith.muli %arg1, %mul3A_275 : i32
    %add3A_277 = arith.constant 20896 : i32
    %add3A_278 = arith.addi %mul3A_276, %add3A_277 : i32
    %dma_start3A_279 = tpu.memref_slice %arg6[%add3A_278] : memref<668672xf32, #tpu.memory_space<vmem_shared>> -> memref<10448xf32, #tpu.memory_space<vmem_shared>>
    %dma_start3A_280 = tpu.memref_slice %arg6[%add3A_278] : memref<668672xf32, #tpu.memory_space<vmem_shared>> -> memref<10448xf32, #tpu.memory_space<vmem_shared>>
    tpu.enqueue_dma source(%arg11 : memref<10448xf32, #tpu.memory_space<vmem>>) target(%dma_start3A_280 : memref<10448xf32, #tpu.memory_space<vmem_shared>>) target_semaphore(%arg13 : memref<!tpu.dma_semaphore, #tpu.memory_space<semaphore_mem>>)
    %mul3A_281 = arith.constant 41792 : i32
    %mul3A_282 = arith.muli %arg1, %mul3A_281 : i32
    %add3A_283 = arith.constant 31344 : i32
    %add3A_284 = arith.addi %mul3A_282, %add3A_283 : i32
    %dma_start3A_285 = tpu.memref_slice %arg6[%add3A_284] : memref<668672xf32, #tpu.memory_space<vmem_shared>> -> memref<10448xf32, #tpu.memory_space<vmem_shared>>
    %dma_start3A_286 = tpu.memref_slice %arg6[%add3A_284] : memref<668672xf32, #tpu.memory_space<vmem_shared>> -> memref<10448xf32, #tpu.memory_space<vmem_shared>>
    tpu.enqueue_dma source(%arg11 : memref<10448xf32, #tpu.memory_space<vmem>>) target(%dma_start3A_286 : memref<10448xf32, #tpu.memory_space<vmem_shared>>) target_semaphore(%arg13 : memref<!tpu.dma_semaphore, #tpu.memory_space<semaphore_mem>>)
    %dma_wait3A_287 = tpu.memref_slice %arg6[%add3A_266] : memref<668672xf32, #tpu.memory_space<vmem_shared>> -> memref<10448xf32, #tpu.memory_space<vmem_shared>>
    %dma_wait3A_288 = tpu.memref_slice %arg6[%add3A_266] : memref<668672xf32, #tpu.memory_space<vmem_shared>> -> memref<10448xf32, #tpu.memory_space<vmem_shared>>
    tpu.wait_dma2 semaphore(%arg13 : memref<!tpu.dma_semaphore, #tpu.memory_space<semaphore_mem>>) src(%arg11 : memref<10448xf32, #tpu.memory_space<vmem>>) dst(%dma_wait3A_288 : memref<10448xf32, #tpu.memory_space<vmem_shared>>)
    %dma_wait3A_289 = tpu.memref_slice %arg6[%add3A_272] : memref<668672xf32, #tpu.memory_space<vmem_shared>> -> memref<10448xf32, #tpu.memory_space<vmem_shared>>
    %dma_wait3A_290 = tpu.memref_slice %arg6[%add3A_272] : memref<668672xf32, #tpu.memory_space<vmem_shared>> -> memref<10448xf32, #tpu.memory_space<vmem_shared>>
    tpu.wait_dma2 semaphore(%arg13 : memref<!tpu.dma_semaphore, #tpu.memory_space<semaphore_mem>>) src(%arg11 : memref<10448xf32, #tpu.memory_space<vmem>>) dst(%dma_wait3A_290 : memref<10448xf32, #tpu.memory_space<vmem_shared>>)
    %dma_wait3A_291 = tpu.memref_slice %arg6[%add3A_278] : memref<668672xf32, #tpu.memory_space<vmem_shared>> -> memref<10448xf32, #tpu.memory_space<vmem_shared>>
    %dma_wait3A_292 = tpu.memref_slice %arg6[%add3A_278] : memref<668672xf32, #tpu.memory_space<vmem_shared>> -> memref<10448xf32, #tpu.memory_space<vmem_shared>>
    tpu.wait_dma2 semaphore(%arg13 : memref<!tpu.dma_semaphore, #tpu.memory_space<semaphore_mem>>) src(%arg11 : memref<10448xf32, #tpu.memory_space<vmem>>) dst(%dma_wait3A_292 : memref<10448xf32, #tpu.memory_space<vmem_shared>>)
    %dma_wait3A_293 = tpu.memref_slice %arg6[%add3A_284] : memref<668672xf32, #tpu.memory_space<vmem_shared>> -> memref<10448xf32, #tpu.memory_space<vmem_shared>>
    %dma_wait3A_294 = tpu.memref_slice %arg6[%add3A_284] : memref<668672xf32, #tpu.memory_space<vmem_shared>> -> memref<10448xf32, #tpu.memory_space<vmem_shared>>
    tpu.wait_dma2 semaphore(%arg13 : memref<!tpu.dma_semaphore, #tpu.memory_space<semaphore_mem>>) src(%arg11 : memref<10448xf32, #tpu.memory_space<vmem>>) dst(%dma_wait3A_294 : memref<10448xf32, #tpu.memory_space<vmem_shared>>)
    %barrier3A_295 = arith.constant 0 : index
    tpu.barrier barrier_id(%barrier3A_295)
    %add3A_296 = arith.constant 327680 : i32
    %add3A_297 = arith.addi %add3A_296, %mul3A_2 : i32
    "tpu.region"() ({
      %run_scoped3A = tpu.sem_alloc : memref<!tpu.dma_semaphore, #tpu.memory_space<semaphore_mem>>
      %dma_start3A_305 = tpu.memref_slice %arg4[%add3A_297] : memref<786432xf32, #tpu.memory_space<hbm>> -> memref<4096xf32, #tpu.memory_space<hbm>>
      %dma_start3A_306 = tpu.memref_slice %arg4[%add3A_297] : memref<786432xf32, #tpu.memory_space<hbm>> -> memref<4096xf32, #tpu.memory_space<hbm>>
      tpu.enqueue_dma source(%dma_start3A_306 : memref<4096xf32, #tpu.memory_space<hbm>>) target(%arg10 : memref<4096xf32, #tpu.memory_space<vmem>>) target_semaphore(%run_scoped3A : memref<!tpu.dma_semaphore, #tpu.memory_space<semaphore_mem>>)
      %dma_wait3A_307 = tpu.memref_slice %arg4[%add3A_297] : memref<786432xf32, #tpu.memory_space<hbm>> -> memref<4096xf32, #tpu.memory_space<hbm>>
      %dma_wait3A_308 = tpu.memref_slice %arg4[%add3A_297] : memref<786432xf32, #tpu.memory_space<hbm>> -> memref<4096xf32, #tpu.memory_space<hbm>>
      tpu.wait_dma2 semaphore(%run_scoped3A : memref<!tpu.dma_semaphore, #tpu.memory_space<semaphore_mem>>) src(%dma_wait3A_308 : memref<4096xf32, #tpu.memory_space<hbm>>) dst(%arg10 : memref<4096xf32, #tpu.memory_space<vmem>>)
      tpu.yield
    }) : () -> ()
    "tpu.region"() ({
      %run_scoped3A = tpu.sem_alloc : memref<!tpu.dma_semaphore, #tpu.memory_space<semaphore_mem>>
      %dma_start3A_305 = arith.constant 0 : i32
      %dma_start3A_306 = tpu.memref_slice %arg6[%dma_start3A_305] : memref<668672xf32, #tpu.memory_space<vmem_shared>> -> memref<668672xf32, #tpu.memory_space<vmem_shared>>
      tpu.enqueue_indirect_dma source(%arg10 : memref<4096xf32, #tpu.memory_space<vmem>>) target(%dma_start3A_306 : memref<668672xf32, #tpu.memory_space<vmem_shared>>) offsets(%arg9 : memref<4096xi32, #tpu.memory_space<vmem>>) semaphore(%run_scoped3A : memref<!tpu.dma_semaphore, #tpu.memory_space<semaphore_mem>>) {add = true}
      %dma_wait3A_307 = arith.constant 0 : i32
      %dma_wait3A_308 = tpu.memref_slice %arg6[%dma_wait3A_307] : memref<668672xf32, #tpu.memory_space<vmem_shared>> -> memref<668672xf32, #tpu.memory_space<vmem_shared>>
      tpu.wait_indirect_dma semaphore(%run_scoped3A : memref<!tpu.dma_semaphore, #tpu.memory_space<semaphore_mem>>) src(%arg10 : memref<4096xf32, #tpu.memory_space<vmem>>) dst(%dma_wait3A_308 : memref<668672xf32, #tpu.memory_space<vmem_shared>>)
      tpu.yield
    }) : () -> ()
    %barrier3A_298 = arith.constant 0 : index
    tpu.barrier barrier_id(%barrier3A_298)
    %eq3A_299 = arith.constant 0 : i32
    %eq3A_300 = arith.cmpi eq, %arg1, %eq3A_299 : i32
    %convert_element_type3A_301 = arith.extui %eq3A_300 : i1 to i32
    %cond3A_302 = arith.constant 0 : i32
    %cond3A_303 = arith.cmpi ne, %convert_element_type3A_301, %cond3A_302 : i32
    scf.if %cond3A_303 {
      %mul3A_305 = arith.constant 665600 : i32
      %mul3A_306 = arith.muli %arg0, %mul3A_305 : i32
      %add3A_307 = arith.constant 6656000 : i32
      %add3A_308 = arith.addi %add3A_307, %mul3A_306 : i32
      "tpu.region"() ({
        %run_scoped3A = tpu.sem_alloc : memref<!tpu.dma_semaphore, #tpu.memory_space<semaphore_mem>>
        %dma_start3A_309 = tpu.memref_slice %arg5[%add3A_308] : memref<9318400xf32, #tpu.memory_space<hbm>> -> memref<665600xf32, #tpu.memory_space<hbm>>
        %dma_start3A_310 = arith.constant 0 : i32
        %dma_start3A_311 = tpu.memref_slice %arg6[%dma_start3A_310] : memref<668672xf32, #tpu.memory_space<vmem_shared>> -> memref<665600xf32, #tpu.memory_space<vmem_shared>>
        tpu.enqueue_dma source(%dma_start3A_311 : memref<665600xf32, #tpu.memory_space<vmem_shared>>) target(%dma_start3A_309 : memref<665600xf32, #tpu.memory_space<hbm>>) target_semaphore(%run_scoped3A : memref<!tpu.dma_semaphore, #tpu.memory_space<semaphore_mem>>)
        %dma_wait3A_312 = tpu.memref_slice %arg5[%add3A_308] : memref<9318400xf32, #tpu.memory_space<hbm>> -> memref<665600xf32, #tpu.memory_space<hbm>>
        %dma_wait3A_313 = arith.constant 0 : i32
        %dma_wait3A_314 = tpu.memref_slice %arg6[%dma_wait3A_313] : memref<668672xf32, #tpu.memory_space<vmem_shared>> -> memref<665600xf32, #tpu.memory_space<vmem_shared>>
        tpu.wait_dma2 semaphore(%run_scoped3A : memref<!tpu.dma_semaphore, #tpu.memory_space<semaphore_mem>>) src(%dma_wait3A_314 : memref<665600xf32, #tpu.memory_space<vmem_shared>>) dst(%dma_wait3A_312 : memref<665600xf32, #tpu.memory_space<hbm>>)
        tpu.yield
      }) : () -> ()
    } else {
    }
    %barrier3A_304 = arith.constant 0 : index
    tpu.barrier barrier_id(%barrier3A_304)
    return
  }
}

#map = affine_map<(d0, d1) -> (0)>
module attributes {stable_mosaic.version = 14 : i64} {
  func.func @sck(%arg0: i32, %arg1: i32, %arg2: memref<262144xi32, #tpu.memory_space<hbm>>, %arg3: memref<786432xf32, #tpu.memory_space<hbm>>, %arg4: memref<786432xf32, #tpu.memory_space<hbm>>, %arg5: memref<9318400xf32, #tpu.memory_space<hbm>>, %arg6: memref<668672xf32, #tpu.memory_space<vmem_shared>>, %arg7: memref<668672xf32, #tpu.memory_space<vmem_shared>>, %arg8: memref<4096xi32, #tpu.memory_space<vmem>>, %arg9: memref<4096xi32, #tpu.memory_space<vmem>>, %arg10: memref<4096xf32, #tpu.memory_space<vmem>>, %arg11: memref<10448xf32, #tpu.memory_space<vmem>>, %arg12: memref<4096xf32, #tpu.memory_space<vmem>>, %arg13: memref<!tpu.dma_semaphore, #tpu.memory_space<semaphore_mem>>) attributes {dimension_semantics = [#tpu.dimension_semantics<core_parallel>, #tpu.dimension_semantics<subcore_parallel>], iteration_bounds = array<i64: 2, 16>, scalar_prefetch = 0 : i64, scratch_operands = 8 : i64, tpu.core_type = #tpu.core_type<sc_vector_subcore>, window_params = [{transform_indices = #map}, {transform_indices = #map}, {transform_indices = #map}, {transform_indices = #map}]} {
    %mul3A = arith.constant 665600 : i32
    %mul3A_0 = arith.muli %arg0, %mul3A : i32
    %mul3A_1 = arith.constant 4096 : i32
    %mul3A_2 = arith.muli %arg1, %mul3A_1 : i32
    %broadcast_in_dim3A = arith.constant 0.000000e+00 : f32
    %broadcast_in_dim3A_3 = vector.broadcast %broadcast_in_dim3A : f32 to vector<16xf32>
    %scan3A = arith.constant 0 : i32
    %scan3A_4 = arith.constant 0 : i32
    %scan3A_5 = arith.constant 653 : i32
    %scan3A_6 = arith.addi %scan3A_4, %scan3A_5 : i32
    %scan3A_7 = arith.constant 1 : i32
    %scan3A_8 = scf.for %scan3A_305 = %scan3A_4 to %scan3A_6 step %scan3A_7 iter_args(%scan3A_306 = %scan3A) -> (i32)  : i32 {
      %mul3A_307 = arith.constant 16 : i32
      %mul3A_308 = arith.muli %scan3A_305, %mul3A_307 : i32
      %swap3A = arith.index_cast %mul3A_308 : i32 to index
      %swap3A_309 = tpu.vector_load %arg11[%swap3A] {strides = array<i32>} : memref<10448xf32, #tpu.memory_space<vmem>>, vector<16xf32>,
      %swap3A_310 = vector.shape_cast %swap3A_309 : vector<16xf32> to vector<16xf32>
      %swap3A_311 = vector.shape_cast %broadcast_in_dim3A_3 : vector<16xf32> to vector<16xf32>
      tpu.vector_store %arg11[%swap3A], %swap3A_311 {strides = array<i32>} : memref<10448xf32, #tpu.memory_space<vmem>>, vector<16xf32>,
      %scan3A_312 = arith.constant 0 : i32
      scf.yield %scan3A_312 : i32
    }
    %scan3A_9 = arith.constant 653 : i32
    %broadcast_in_dim3A_10 = arith.constant 1.000000e+00 : f32
    %broadcast_in_dim3A_11 = vector.broadcast %broadcast_in_dim3A_10 : f32 to vector<16xf32>
    %scan3A_12 = arith.constant 0 : i32
    %scan3A_13 = arith.constant 0 : i32
    %scan3A_14 = arith.constant 256 : i32
    %scan3A_15 = arith.addi %scan3A_13, %scan3A_14 : i32
    %scan3A_16 = arith.constant 1 : i32
    %scan3A_17 = scf.for %scan3A_305 = %scan3A_13 to %scan3A_15 step %scan3A_16 iter_args(%scan3A_306 = %scan3A_12) -> (i32)  : i32 {
      %mul3A_307 = arith.constant 16 : i32
      %mul3A_308 = arith.muli %scan3A_305, %mul3A_307 : i32
      %swap3A = arith.index_cast %mul3A_308 : i32 to index
      %swap3A_309 = tpu.vector_load %arg12[%swap3A] {strides = array<i32>} : memref<4096xf32, #tpu.memory_space<vmem>>, vector<16xf32>,
      %swap3A_310 = vector.shape_cast %swap3A_309 : vector<16xf32> to vector<16xf32>
      %swap3A_311 = vector.shape_cast %broadcast_in_dim3A_11 : vector<16xf32> to vector<16xf32>
      tpu.vector_store %arg12[%swap3A], %swap3A_311 {strides = array<i32>} : memref<4096xf32, #tpu.memory_space<vmem>>, vector<16xf32>,
      %scan3A_312 = arith.constant 0 : i32
      scf.yield %scan3A_312 : i32
    }
    %scan3A_18 = arith.constant 256 : i32
    %iota3A = tpu.iota {dimensions = array<i32: 0>} : vector<16xi32>
    %add3A = arith.constant 0 : i32
    %add3A_19 = arith.addi %add3A, %mul3A_2 : i32
    "tpu.region"() ({
      %run_scoped3A = tpu.sem_alloc : memref<!tpu.dma_semaphore, #tpu.memory_space<semaphore_mem>>
      %dma_start3A_305 = tpu.memref_slice %arg2[%add3A_19] : memref<262144xi32, #tpu.memory_space<hbm>> -> memref<4096xi32, #tpu.memory_space<hbm>>
      %dma_start3A_306 = tpu.memref_slice %arg2[%add3A_19] : memref<262144xi32, #tpu.memory_space<hbm>> -> memref<4096xi32, #tpu.memory_space<hbm>>
      tpu.enqueue_dma source(%dma_start3A_306 : memref<4096xi32, #tpu.memory_space<hbm>>) target(%arg8 : memref<4096xi32, #tpu.memory_space<vmem>>) target_semaphore(%run_scoped3A : memref<!tpu.dma_semaphore, #tpu.memory_space<semaphore_mem>>)
      %dma_wait3A_307 = tpu.memref_slice %arg2[%add3A_19] : memref<262144xi32, #tpu.memory_space<hbm>> -> memref<4096xi32, #tpu.memory_space<hbm>>
      %dma_wait3A_308 = tpu.memref_slice %arg2[%add3A_19] : memref<262144xi32, #tpu.memory_space<hbm>> -> memref<4096xi32, #tpu.memory_space<hbm>>
      tpu.wait_dma2 semaphore(%run_scoped3A : memref<!tpu.dma_semaphore, #tpu.memory_space<semaphore_mem>>) src(%dma_wait3A_308 : memref<4096xi32, #tpu.memory_space<hbm>>) dst(%arg8 : memref<4096xi32, #tpu.memory_space<vmem>>)
      tpu.yield
    }) : () -> ()
    %scan3A_20 = arith.constant 0 : i32
    %scan3A_21 = arith.constant 0 : i32
    %scan3A_22 = arith.constant 256 : i32
    %scan3A_23 = arith.addi %scan3A_21, %scan3A_22 : i32
    %scan3A_24 = arith.constant 1 : i32
    %scan3A_25 = scf.for %scan3A_305 = %scan3A_21 to %scan3A_23 step %scan3A_24 iter_args(%scan3A_306 = %scan3A_20) -> (i32)  : i32 {
      %mul3A_307 = arith.constant 16 : i32
      %mul3A_308 = arith.muli %scan3A_305, %mul3A_307 : i32
      %get3A = arith.index_cast %mul3A_308 : i32 to index
      %get3A_309 = tpu.vector_load %arg8[%get3A] {strides = array<i32>} : memref<4096xi32, #tpu.memory_space<vmem>>, vector<16xi32>,
      %get3A_310 = vector.shape_cast %get3A_309 : vector<16xi32> to vector<16xi32>
      %sub3A = vector.broadcast %mul3A_0 : i32 to vector<16xi32>
      %sub3A_311 = arith.subi %get3A_310, %sub3A : vector<16xi32>
      %ge3A = arith.constant 0 : i32
      %ge3A_312 = vector.broadcast %ge3A : i32 to vector<16xi32>
      %ge3A_313 = arith.cmpi sge, %sub3A_311, %ge3A_312 : vector<16xi32>
      %lt3A = arith.constant 665600 : i32
      %lt3A_314 = vector.broadcast %lt3A : i32 to vector<16xi32>
      %lt3A_315 = arith.cmpi slt, %sub3A_311, %lt3A_314 : vector<16xi32>
      %and3A = arith.andi %ge3A_313, %lt3A_315 : vector<16xi1>
      %mul3A_316 = arith.constant 16 : i32
      %mul3A_317 = arith.muli %scan3A_305, %mul3A_316 : i32
      %add3A_318 = vector.broadcast %mul3A_317 : i32 to vector<16xi32>
      %add3A_319 = arith.addi %add3A_318, %iota3A : vector<16xi32>
      %and3A_320 = arith.constant 2047 : i32
      %and3A_321 = vector.broadcast %and3A_320 : i32 to vector<16xi32>
      %and3A_322 = arith.andi %add3A_319, %and3A_321 : vector<16xi32>
      %add3A_323 = arith.constant 665600 : i32
      %add3A_324 = vector.broadcast %add3A_323 : i32 to vector<16xi32>
      %add3A_325 = arith.addi %add3A_324, %and3A_322 : vector<16xi32>
      %select_n3A = arith.select %and3A, %sub3A_311, %add3A_325 : vector<16xi1>, vector<16xi32>
      %mul3A_326 = arith.constant 16 : i32
      %mul3A_327 = arith.muli %scan3A_305, %mul3A_326 : i32
      %swap3A = arith.index_cast %mul3A_327 : i32 to index
      %swap3A_328 = tpu.vector_load %arg9[%swap3A] {strides = array<i32>} : memref<4096xi32, #tpu.memory_space<vmem>>, vector<16xi32>,
      %swap3A_329 = vector.shape_cast %swap3A_328 : vector<16xi32> to vector<16xi32>
      %swap3A_330 = vector.shape_cast %select_n3A : vector<16xi32> to vector<16xi32>
      tpu.vector_store %arg9[%swap3A], %swap3A_330 {strides = array<i32>} : memref<4096xi32, #tpu.memory_space<vmem>>, vector<16xi32>,
      %scan3A_331 = arith.constant 0 : i32
      scf.yield %scan3A_331 : i32
    }
    %scan3A_26 = arith.constant 256 : i32
    %barrier3A = arith.constant 0 : index
    tpu.barrier barrier_id(%barrier3A)
    %mul3A_27 = arith.constant 41792 : i32
    %mul3A_28 = arith.muli %arg1, %mul3A_27 : i32
    %add3A_29 = arith.constant 0 : i32
    %add3A_30 = arith.addi %mul3A_28, %add3A_29 : i32
    %dma_start3A = tpu.memref_slice %arg6[%add3A_30] : memref<668672xf32, #tpu.memory_space<vmem_shared>> -> memref<10448xf32, #tpu.memory_space<vmem_shared>>
    %dma_start3A_31 = tpu.memref_slice %arg6[%add3A_30] : memref<668672xf32, #tpu.memory_space<vmem_shared>> -> memref<10448xf32, #tpu.memory_space<vmem_shared>>
    tpu.enqueue_dma source(%arg11 : memref<10448xf32, #tpu.memory_space<vmem>>) target(%dma_start3A_31 : memref<10448xf32, #tpu.memory_space<vmem_shared>>) target_semaphore(%arg13 : memref<!tpu.dma_semaphore, #tpu.memory_space<semaphore_mem>>)
    %mul3A_32 = arith.constant 41792 : i32
    %mul3A_33 = arith.muli %arg1, %mul3A_32 : i32
    %add3A_34 = arith.constant 10448 : i32
    %add3A_35 = arith.addi %mul3A_33, %add3A_34 : i32
    %dma_start3A_36 = tpu.memref_slice %arg6[%add3A_35] : memref<668672xf32, #tpu.memory_space<vmem_shared>> -> memref<10448xf32, #tpu.memory_space<vmem_shared>>
    %dma_start3A_37 = tpu.memref_slice %arg6[%add3A_35] : memref<668672xf32, #tpu.memory_space<vmem_shared>> -> memref<10448xf32, #tpu.memory_space<vmem_shared>>
    tpu.enqueue_dma source(%arg11 : memref<10448xf32, #tpu.memory_space<vmem>>) target(%dma_start3A_37 : memref<10448xf32, #tpu.memory_space<vmem_shared>>) target_semaphore(%arg13 : memref<!tpu.dma_semaphore, #tpu.memory_space<semaphore_mem>>)
    %mul3A_38 = arith.constant 41792 : i32
    %mul3A_39 = arith.muli %arg1, %mul3A_38 : i32
    %add3A_40 = arith.constant 20896 : i32
    %add3A_41 = arith.addi %mul3A_39, %add3A_40 : i32
    %dma_start3A_42 = tpu.memref_slice %arg6[%add3A_41] : memref<668672xf32, #tpu.memory_space<vmem_shared>> -> memref<10448xf32, #tpu.memory_space<vmem_shared>>
    %dma_start3A_43 = tpu.memref_slice %arg6[%add3A_41] : memref<668672xf32, #tpu.memory_space<vmem_shared>> -> memref<10448xf32, #tpu.memory_space<vmem_shared>>
    tpu.enqueue_dma source(%arg11 : memref<10448xf32, #tpu.memory_space<vmem>>) target(%dma_start3A_43 : memref<10448xf32, #tpu.memory_space<vmem_shared>>) target_semaphore(%arg13 : memref<!tpu.dma_semaphore, #tpu.memory_space<semaphore_mem>>)
    %mul3A_44 = arith.constant 41792 : i32
    %mul3A_45 = arith.muli %arg1, %mul3A_44 : i32
    %add3A_46 = arith.constant 31344 : i32
    %add3A_47 = arith.addi %mul3A_45, %add3A_46 : i32
    %dma_start3A_48 = tpu.memref_slice %arg6[%add3A_47] : memref<668672xf32, #tpu.memory_space<vmem_shared>> -> memref<10448xf32, #tpu.memory_space<vmem_shared>>
    %dma_start3A_49 = tpu.memref_slice %arg6[%add3A_47] : memref<668672xf32, #tpu.memory_space<vmem_shared>> -> memref<10448xf32, #tpu.memory_space<vmem_shared>>
    tpu.enqueue_dma source(%arg11 : memref<10448xf32, #tpu.memory_space<vmem>>) target(%dma_start3A_49 : memref<10448xf32, #tpu.memory_space<vmem_shared>>) target_semaphore(%arg13 : memref<!tpu.dma_semaphore, #tpu.memory_space<semaphore_mem>>)
    %mul3A_50 = arith.constant 41792 : i32
    %mul3A_51 = arith.muli %arg1, %mul3A_50 : i32
    %add3A_52 = arith.constant 0 : i32
    %add3A_53 = arith.addi %mul3A_51, %add3A_52 : i32
    %dma_start3A_54 = tpu.memref_slice %arg7[%add3A_53] : memref<668672xf32, #tpu.memory_space<vmem_shared>> -> memref<10448xf32, #tpu.memory_space<vmem_shared>>
    %dma_start3A_55 = tpu.memref_slice %arg7[%add3A_53] : memref<668672xf32, #tpu.memory_space<vmem_shared>> -> memref<10448xf32, #tpu.memory_space<vmem_shared>>
    tpu.enqueue_dma source(%arg11 : memref<10448xf32, #tpu.memory_space<vmem>>) target(%dma_start3A_55 : memref<10448xf32, #tpu.memory_space<vmem_shared>>) target_semaphore(%arg13 : memref<!tpu.dma_semaphore, #tpu.memory_space<semaphore_mem>>)
    %mul3A_56 = arith.constant 41792 : i32
    %mul3A_57 = arith.muli %arg1, %mul3A_56 : i32
    %add3A_58 = arith.constant 10448 : i32
    %add3A_59 = arith.addi %mul3A_57, %add3A_58 : i32
    %dma_start3A_60 = tpu.memref_slice %arg7[%add3A_59] : memref<668672xf32, #tpu.memory_space<vmem_shared>> -> memref<10448xf32, #tpu.memory_space<vmem_shared>>
    %dma_start3A_61 = tpu.memref_slice %arg7[%add3A_59] : memref<668672xf32, #tpu.memory_space<vmem_shared>> -> memref<10448xf32, #tpu.memory_space<vmem_shared>>
    tpu.enqueue_dma source(%arg11 : memref<10448xf32, #tpu.memory_space<vmem>>) target(%dma_start3A_61 : memref<10448xf32, #tpu.memory_space<vmem_shared>>) target_semaphore(%arg13 : memref<!tpu.dma_semaphore, #tpu.memory_space<semaphore_mem>>)
    %mul3A_62 = arith.constant 41792 : i32
    %mul3A_63 = arith.muli %arg1, %mul3A_62 : i32
    %add3A_64 = arith.constant 20896 : i32
    %add3A_65 = arith.addi %mul3A_63, %add3A_64 : i32
    %dma_start3A_66 = tpu.memref_slice %arg7[%add3A_65] : memref<668672xf32, #tpu.memory_space<vmem_shared>> -> memref<10448xf32, #tpu.memory_space<vmem_shared>>
    %dma_start3A_67 = tpu.memref_slice %arg7[%add3A_65] : memref<668672xf32, #tpu.memory_space<vmem_shared>> -> memref<10448xf32, #tpu.memory_space<vmem_shared>>
    tpu.enqueue_dma source(%arg11 : memref<10448xf32, #tpu.memory_space<vmem>>) target(%dma_start3A_67 : memref<10448xf32, #tpu.memory_space<vmem_shared>>) target_semaphore(%arg13 : memref<!tpu.dma_semaphore, #tpu.memory_space<semaphore_mem>>)
    %mul3A_68 = arith.constant 41792 : i32
    %mul3A_69 = arith.muli %arg1, %mul3A_68 : i32
    %add3A_70 = arith.constant 31344 : i32
    %add3A_71 = arith.addi %mul3A_69, %add3A_70 : i32
    %dma_start3A_72 = tpu.memref_slice %arg7[%add3A_71] : memref<668672xf32, #tpu.memory_space<vmem_shared>> -> memref<10448xf32, #tpu.memory_space<vmem_shared>>
    %dma_start3A_73 = tpu.memref_slice %arg7[%add3A_71] : memref<668672xf32, #tpu.memory_space<vmem_shared>> -> memref<10448xf32, #tpu.memory_space<vmem_shared>>
    tpu.enqueue_dma source(%arg11 : memref<10448xf32, #tpu.memory_space<vmem>>) target(%dma_start3A_73 : memref<10448xf32, #tpu.memory_space<vmem_shared>>) target_semaphore(%arg13 : memref<!tpu.dma_semaphore, #tpu.memory_space<semaphore_mem>>)
    %dma_wait3A = tpu.memref_slice %arg6[%add3A_30] : memref<668672xf32, #tpu.memory_space<vmem_shared>> -> memref<10448xf32, #tpu.memory_space<vmem_shared>>
    %dma_wait3A_74 = tpu.memref_slice %arg6[%add3A_30] : memref<668672xf32, #tpu.memory_space<vmem_shared>> -> memref<10448xf32, #tpu.memory_space<vmem_shared>>
    tpu.wait_dma2 semaphore(%arg13 : memref<!tpu.dma_semaphore, #tpu.memory_space<semaphore_mem>>) src(%arg11 : memref<10448xf32, #tpu.memory_space<vmem>>) dst(%dma_wait3A_74 : memref<10448xf32, #tpu.memory_space<vmem_shared>>)
    %dma_wait3A_75 = tpu.memref_slice %arg6[%add3A_35] : memref<668672xf32, #tpu.memory_space<vmem_shared>> -> memref<10448xf32, #tpu.memory_space<vmem_shared>>
    %dma_wait3A_76 = tpu.memref_slice %arg6[%add3A_35] : memref<668672xf32, #tpu.memory_space<vmem_shared>> -> memref<10448xf32, #tpu.memory_space<vmem_shared>>
    tpu.wait_dma2 semaphore(%arg13 : memref<!tpu.dma_semaphore, #tpu.memory_space<semaphore_mem>>) src(%arg11 : memref<10448xf32, #tpu.memory_space<vmem>>) dst(%dma_wait3A_76 : memref<10448xf32, #tpu.memory_space<vmem_shared>>)
    %dma_wait3A_77 = tpu.memref_slice %arg6[%add3A_41] : memref<668672xf32, #tpu.memory_space<vmem_shared>> -> memref<10448xf32, #tpu.memory_space<vmem_shared>>
    %dma_wait3A_78 = tpu.memref_slice %arg6[%add3A_41] : memref<668672xf32, #tpu.memory_space<vmem_shared>> -> memref<10448xf32, #tpu.memory_space<vmem_shared>>
    tpu.wait_dma2 semaphore(%arg13 : memref<!tpu.dma_semaphore, #tpu.memory_space<semaphore_mem>>) src(%arg11 : memref<10448xf32, #tpu.memory_space<vmem>>) dst(%dma_wait3A_78 : memref<10448xf32, #tpu.memory_space<vmem_shared>>)
    %dma_wait3A_79 = tpu.memref_slice %arg6[%add3A_47] : memref<668672xf32, #tpu.memory_space<vmem_shared>> -> memref<10448xf32, #tpu.memory_space<vmem_shared>>
    %dma_wait3A_80 = tpu.memref_slice %arg6[%add3A_47] : memref<668672xf32, #tpu.memory_space<vmem_shared>> -> memref<10448xf32, #tpu.memory_space<vmem_shared>>
    tpu.wait_dma2 semaphore(%arg13 : memref<!tpu.dma_semaphore, #tpu.memory_space<semaphore_mem>>) src(%arg11 : memref<10448xf32, #tpu.memory_space<vmem>>) dst(%dma_wait3A_80 : memref<10448xf32, #tpu.memory_space<vmem_shared>>)
    %dma_wait3A_81 = tpu.memref_slice %arg7[%add3A_53] : memref<668672xf32, #tpu.memory_space<vmem_shared>> -> memref<10448xf32, #tpu.memory_space<vmem_shared>>
    %dma_wait3A_82 = tpu.memref_slice %arg7[%add3A_53] : memref<668672xf32, #tpu.memory_space<vmem_shared>> -> memref<10448xf32, #tpu.memory_space<vmem_shared>>
    tpu.wait_dma2 semaphore(%arg13 : memref<!tpu.dma_semaphore, #tpu.memory_space<semaphore_mem>>) src(%arg11 : memref<10448xf32, #tpu.memory_space<vmem>>) dst(%dma_wait3A_82 : memref<10448xf32, #tpu.memory_space<vmem_shared>>)
    %dma_wait3A_83 = tpu.memref_slice %arg7[%add3A_59] : memref<668672xf32, #tpu.memory_space<vmem_shared>> -> memref<10448xf32, #tpu.memory_space<vmem_shared>>
    %dma_wait3A_84 = tpu.memref_slice %arg7[%add3A_59] : memref<668672xf32, #tpu.memory_space<vmem_shared>> -> memref<10448xf32, #tpu.memory_space<vmem_shared>>
    tpu.wait_dma2 semaphore(%arg13 : memref<!tpu.dma_semaphore, #tpu.memory_space<semaphore_mem>>) src(%arg11 : memref<10448xf32, #tpu.memory_space<vmem>>) dst(%dma_wait3A_84 : memref<10448xf32, #tpu.memory_space<vmem_shared>>)
    %dma_wait3A_85 = tpu.memref_slice %arg7[%add3A_65] : memref<668672xf32, #tpu.memory_space<vmem_shared>> -> memref<10448xf32, #tpu.memory_space<vmem_shared>>
    %dma_wait3A_86 = tpu.memref_slice %arg7[%add3A_65] : memref<668672xf32, #tpu.memory_space<vmem_shared>> -> memref<10448xf32, #tpu.memory_space<vmem_shared>>
    tpu.wait_dma2 semaphore(%arg13 : memref<!tpu.dma_semaphore, #tpu.memory_space<semaphore_mem>>) src(%arg11 : memref<10448xf32, #tpu.memory_space<vmem>>) dst(%dma_wait3A_86 : memref<10448xf32, #tpu.memory_space<vmem_shared>>)
    %dma_wait3A_87 = tpu.memref_slice %arg7[%add3A_71] : memref<668672xf32, #tpu.memory_space<vmem_shared>> -> memref<10448xf32, #tpu.memory_space<vmem_shared>>
    %dma_wait3A_88 = tpu.memref_slice %arg7[%add3A_71] : memref<668672xf32, #tpu.memory_space<vmem_shared>> -> memref<10448xf32, #tpu.memory_space<vmem_shared>>
    tpu.wait_dma2 semaphore(%arg13 : memref<!tpu.dma_semaphore, #tpu.memory_space<semaphore_mem>>) src(%arg11 : memref<10448xf32, #tpu.memory_space<vmem>>) dst(%dma_wait3A_88 : memref<10448xf32, #tpu.memory_space<vmem_shared>>)
    %barrier3A_89 = arith.constant 0 : index
    tpu.barrier barrier_id(%barrier3A_89)
    "tpu.region"() ({
      %run_scoped3A = tpu.sem_alloc : memref<!tpu.dma_semaphore, #tpu.memory_space<semaphore_mem>>
      %dma_start3A_305 = arith.constant 0 : i32
      %dma_start3A_306 = tpu.memref_slice %arg6[%dma_start3A_305] : memref<668672xf32, #tpu.memory_space<vmem_shared>> -> memref<668672xf32, #tpu.memory_space<vmem_shared>>
      tpu.enqueue_indirect_dma source(%arg12 : memref<4096xf32, #tpu.memory_space<vmem>>) target(%dma_start3A_306 : memref<668672xf32, #tpu.memory_space<vmem_shared>>) offsets(%arg9 : memref<4096xi32, #tpu.memory_space<vmem>>) semaphore(%run_scoped3A : memref<!tpu.dma_semaphore, #tpu.memory_space<semaphore_mem>>) {add = true}
      %dma_wait3A_307 = arith.constant 0 : i32
      %dma_wait3A_308 = tpu.memref_slice %arg6[%dma_wait3A_307] : memref<668672xf32, #tpu.memory_space<vmem_shared>> -> memref<668672xf32, #tpu.memory_space<vmem_shared>>
      tpu.wait_indirect_dma semaphore(%run_scoped3A : memref<!tpu.dma_semaphore, #tpu.memory_space<semaphore_mem>>) src(%arg12 : memref<4096xf32, #tpu.memory_space<vmem>>) dst(%dma_wait3A_308 : memref<668672xf32, #tpu.memory_space<vmem_shared>>)
      tpu.yield
    }) : () -> ()
    %add3A_90 = arith.constant 0 : i32
    %add3A_91 = arith.addi %add3A_90, %mul3A_2 : i32
    "tpu.region"() ({
      %run_scoped3A = tpu.sem_alloc : memref<!tpu.dma_semaphore, #tpu.memory_space<semaphore_mem>>
      %dma_start3A_305 = tpu.memref_slice %arg3[%add3A_91] : memref<786432xf32, #tpu.memory_space<hbm>> -> memref<4096xf32, #tpu.memory_space<hbm>>
      %dma_start3A_306 = tpu.memref_slice %arg3[%add3A_91] : memref<786432xf32, #tpu.memory_space<hbm>> -> memref<4096xf32, #tpu.memory_space<hbm>>
      tpu.enqueue_dma source(%dma_start3A_306 : memref<4096xf32, #tpu.memory_space<hbm>>) target(%arg10 : memref<4096xf32, #tpu.memory_space<vmem>>) target_semaphore(%run_scoped3A : memref<!tpu.dma_semaphore, #tpu.memory_space<semaphore_mem>>)
      %dma_wait3A_307 = tpu.memref_slice %arg3[%add3A_91] : memref<786432xf32, #tpu.memory_space<hbm>> -> memref<4096xf32, #tpu.memory_space<hbm>>
      %dma_wait3A_308 = tpu.memref_slice %arg3[%add3A_91] : memref<786432xf32, #tpu.memory_space<hbm>> -> memref<4096xf32, #tpu.memory_space<hbm>>
      tpu.wait_dma2 semaphore(%run_scoped3A : memref<!tpu.dma_semaphore, #tpu.memory_space<semaphore_mem>>) src(%dma_wait3A_308 : memref<4096xf32, #tpu.memory_space<hbm>>) dst(%arg10 : memref<4096xf32, #tpu.memory_space<vmem>>)
      tpu.yield
    }) : () -> ()
    "tpu.region"() ({
      %run_scoped3A = tpu.sem_alloc : memref<!tpu.dma_semaphore, #tpu.memory_space<semaphore_mem>>
      %dma_start3A_305 = arith.constant 0 : i32
      %dma_start3A_306 = tpu.memref_slice %arg7[%dma_start3A_305] : memref<668672xf32, #tpu.memory_space<vmem_shared>> -> memref<668672xf32, #tpu.memory_space<vmem_shared>>
      tpu.enqueue_indirect_dma source(%arg10 : memref<4096xf32, #tpu.memory_space<vmem>>) target(%dma_start3A_306 : memref<668672xf32, #tpu.memory_space<vmem_shared>>) offsets(%arg9 : memref<4096xi32, #tpu.memory_space<vmem>>) semaphore(%run_scoped3A : memref<!tpu.dma_semaphore, #tpu.memory_space<semaphore_mem>>) {add = true}
      %dma_wait3A_307 = arith.constant 0 : i32
      %dma_wait3A_308 = tpu.memref_slice %arg7[%dma_wait3A_307] : memref<668672xf32, #tpu.memory_space<vmem_shared>> -> memref<668672xf32, #tpu.memory_space<vmem_shared>>
      tpu.wait_indirect_dma semaphore(%run_scoped3A : memref<!tpu.dma_semaphore, #tpu.memory_space<semaphore_mem>>) src(%arg10 : memref<4096xf32, #tpu.memory_space<vmem>>) dst(%dma_wait3A_308 : memref<668672xf32, #tpu.memory_space<vmem_shared>>)
      tpu.yield
    }) : () -> ()
    %barrier3A_92 = arith.constant 0 : index
    tpu.barrier barrier_id(%barrier3A_92)
    %eq3A = arith.constant 0 : i32
    %eq3A_93 = arith.cmpi eq, %arg1, %eq3A : i32
    %convert_element_type3A = arith.extui %eq3A_93 : i1 to i32
    %cond3A = arith.constant 0 : i32
    %cond3A_94 = arith.cmpi ne, %convert_element_type3A, %cond3A : i32
    scf.if %cond3A_94 {
      %mul3A_305 = arith.constant 665600 : i32
      %mul3A_306 = arith.muli %arg0, %mul3A_305 : i32
      %add3A_307 = arith.constant 7987200 : i32
      %add3A_308 = arith.addi %add3A_307, %mul3A_306 : i32
      "tpu.region"() ({
        %run_scoped3A = tpu.sem_alloc : memref<!tpu.dma_semaphore, #tpu.memory_space<semaphore_mem>>
        %dma_start3A_309 = tpu.memref_slice %arg5[%add3A_308] : memref<9318400xf32, #tpu.memory_space<hbm>> -> memref<665600xf32, #tpu.memory_space<hbm>>
        %dma_start3A_310 = arith.constant 0 : i32
        %dma_start3A_311 = tpu.memref_slice %arg6[%dma_start3A_310] : memref<668672xf32, #tpu.memory_space<vmem_shared>> -> memref<665600xf32, #tpu.memory_space<vmem_shared>>
        tpu.enqueue_dma source(%dma_start3A_311 : memref<665600xf32, #tpu.memory_space<vmem_shared>>) target(%dma_start3A_309 : memref<665600xf32, #tpu.memory_space<hbm>>) target_semaphore(%run_scoped3A : memref<!tpu.dma_semaphore, #tpu.memory_space<semaphore_mem>>)
        %dma_wait3A_312 = tpu.memref_slice %arg5[%add3A_308] : memref<9318400xf32, #tpu.memory_space<hbm>> -> memref<665600xf32, #tpu.memory_space<hbm>>
        %dma_wait3A_313 = arith.constant 0 : i32
        %dma_wait3A_314 = tpu.memref_slice %arg6[%dma_wait3A_313] : memref<668672xf32, #tpu.memory_space<vmem_shared>> -> memref<665600xf32, #tpu.memory_space<vmem_shared>>
        tpu.wait_dma2 semaphore(%run_scoped3A : memref<!tpu.dma_semaphore, #tpu.memory_space<semaphore_mem>>) src(%dma_wait3A_314 : memref<665600xf32, #tpu.memory_space<vmem_shared>>) dst(%dma_wait3A_312 : memref<665600xf32, #tpu.memory_space<hbm>>)
        tpu.yield
      }) : () -> ()
    } else {
    }
    %eq3A_95 = arith.constant 1 : i32
    %eq3A_96 = arith.cmpi eq, %arg1, %eq3A_95 : i32
    %convert_element_type3A_97 = arith.extui %eq3A_96 : i1 to i32
    %cond3A_98 = arith.constant 0 : i32
    %cond3A_99 = arith.cmpi ne, %convert_element_type3A_97, %cond3A_98 : i32
    scf.if %cond3A_99 {
      %mul3A_305 = arith.constant 665600 : i32
      %mul3A_306 = arith.muli %arg0, %mul3A_305 : i32
      %add3A_307 = arith.constant 0 : i32
      %add3A_308 = arith.addi %add3A_307, %mul3A_306 : i32
      "tpu.region"() ({
        %run_scoped3A = tpu.sem_alloc : memref<!tpu.dma_semaphore, #tpu.memory_space<semaphore_mem>>
        %dma_start3A_309 = tpu.memref_slice %arg5[%add3A_308] : memref<9318400xf32, #tpu.memory_space<hbm>> -> memref<665600xf32, #tpu.memory_space<hbm>>
        %dma_start3A_310 = arith.constant 0 : i32
        %dma_start3A_311 = tpu.memref_slice %arg7[%dma_start3A_310] : memref<668672xf32, #tpu.memory_space<vmem_shared>> -> memref<665600xf32, #tpu.memory_space<vmem_shared>>
        tpu.enqueue_dma source(%dma_start3A_311 : memref<665600xf32, #tpu.memory_space<vmem_shared>>) target(%dma_start3A_309 : memref<665600xf32, #tpu.memory_space<hbm>>) target_semaphore(%run_scoped3A : memref<!tpu.dma_semaphore, #tpu.memory_space<semaphore_mem>>)
        %dma_wait3A_312 = tpu.memref_slice %arg5[%add3A_308] : memref<9318400xf32, #tpu.memory_space<hbm>> -> memref<665600xf32, #tpu.memory_space<hbm>>
        %dma_wait3A_313 = arith.constant 0 : i32
        %dma_wait3A_314 = tpu.memref_slice %arg7[%dma_wait3A_313] : memref<668672xf32, #tpu.memory_space<vmem_shared>> -> memref<665600xf32, #tpu.memory_space<vmem_shared>>
        tpu.wait_dma2 semaphore(%run_scoped3A : memref<!tpu.dma_semaphore, #tpu.memory_space<semaphore_mem>>) src(%dma_wait3A_314 : memref<665600xf32, #tpu.memory_space<vmem_shared>>) dst(%dma_wait3A_312 : memref<665600xf32, #tpu.memory_space<hbm>>)
        tpu.yield
      }) : () -> ()
    } else {
    }
    %barrier3A_100 = arith.constant 0 : index
    tpu.barrier barrier_id(%barrier3A_100)
    %mul3A_101 = arith.constant 41792 : i32
    %mul3A_102 = arith.muli %arg1, %mul3A_101 : i32
    %add3A_103 = arith.constant 0 : i32
    %add3A_104 = arith.addi %mul3A_102, %add3A_103 : i32
    %dma_start3A_105 = tpu.memref_slice %arg6[%add3A_104] : memref<668672xf32, #tpu.memory_space<vmem_shared>> -> memref<10448xf32, #tpu.memory_space<vmem_shared>>
    %dma_start3A_106 = tpu.memref_slice %arg6[%add3A_104] : memref<668672xf32, #tpu.memory_space<vmem_shared>> -> memref<10448xf32, #tpu.memory_space<vmem_shared>>
    tpu.enqueue_dma source(%arg11 : memref<10448xf32, #tpu.memory_space<vmem>>) target(%dma_start3A_106 : memref<10448xf32, #tpu.memory_space<vmem_shared>>) target_semaphore(%arg13 : memref<!tpu.dma_semaphore, #tpu.memory_space<semaphore_mem>>)
    %mul3A_107 = arith.constant 41792 : i32
    %mul3A_108 = arith.muli %arg1, %mul3A_107 : i32
    %add3A_109 = arith.constant 10448 : i32
    %add3A_110 = arith.addi %mul3A_108, %add3A_109 : i32
    %dma_start3A_111 = tpu.memref_slice %arg6[%add3A_110] : memref<668672xf32, #tpu.memory_space<vmem_shared>> -> memref<10448xf32, #tpu.memory_space<vmem_shared>>
    %dma_start3A_112 = tpu.memref_slice %arg6[%add3A_110] : memref<668672xf32, #tpu.memory_space<vmem_shared>> -> memref<10448xf32, #tpu.memory_space<vmem_shared>>
    tpu.enqueue_dma source(%arg11 : memref<10448xf32, #tpu.memory_space<vmem>>) target(%dma_start3A_112 : memref<10448xf32, #tpu.memory_space<vmem_shared>>) target_semaphore(%arg13 : memref<!tpu.dma_semaphore, #tpu.memory_space<semaphore_mem>>)
    %mul3A_113 = arith.constant 41792 : i32
    %mul3A_114 = arith.muli %arg1, %mul3A_113 : i32
    %add3A_115 = arith.constant 20896 : i32
    %add3A_116 = arith.addi %mul3A_114, %add3A_115 : i32
    %dma_start3A_117 = tpu.memref_slice %arg6[%add3A_116] : memref<668672xf32, #tpu.memory_space<vmem_shared>> -> memref<10448xf32, #tpu.memory_space<vmem_shared>>
    %dma_start3A_118 = tpu.memref_slice %arg6[%add3A_116] : memref<668672xf32, #tpu.memory_space<vmem_shared>> -> memref<10448xf32, #tpu.memory_space<vmem_shared>>
    tpu.enqueue_dma source(%arg11 : memref<10448xf32, #tpu.memory_space<vmem>>) target(%dma_start3A_118 : memref<10448xf32, #tpu.memory_space<vmem_shared>>) target_semaphore(%arg13 : memref<!tpu.dma_semaphore, #tpu.memory_space<semaphore_mem>>)
    %mul3A_119 = arith.constant 41792 : i32
    %mul3A_120 = arith.muli %arg1, %mul3A_119 : i32
    %add3A_121 = arith.constant 31344 : i32
    %add3A_122 = arith.addi %mul3A_120, %add3A_121 : i32
    %dma_start3A_123 = tpu.memref_slice %arg6[%add3A_122] : memref<668672xf32, #tpu.memory_space<vmem_shared>> -> memref<10448xf32, #tpu.memory_space<vmem_shared>>
    %dma_start3A_124 = tpu.memref_slice %arg6[%add3A_122] : memref<668672xf32, #tpu.memory_space<vmem_shared>> -> memref<10448xf32, #tpu.memory_space<vmem_shared>>
    tpu.enqueue_dma source(%arg11 : memref<10448xf32, #tpu.memory_space<vmem>>) target(%dma_start3A_124 : memref<10448xf32, #tpu.memory_space<vmem_shared>>) target_semaphore(%arg13 : memref<!tpu.dma_semaphore, #tpu.memory_space<semaphore_mem>>)
    %mul3A_125 = arith.constant 41792 : i32
    %mul3A_126 = arith.muli %arg1, %mul3A_125 : i32
    %add3A_127 = arith.constant 0 : i32
    %add3A_128 = arith.addi %mul3A_126, %add3A_127 : i32
    %dma_start3A_129 = tpu.memref_slice %arg7[%add3A_128] : memref<668672xf32, #tpu.memory_space<vmem_shared>> -> memref<10448xf32, #tpu.memory_space<vmem_shared>>
    %dma_start3A_130 = tpu.memref_slice %arg7[%add3A_128] : memref<668672xf32, #tpu.memory_space<vmem_shared>> -> memref<10448xf32, #tpu.memory_space<vmem_shared>>
    tpu.enqueue_dma source(%arg11 : memref<10448xf32, #tpu.memory_space<vmem>>) target(%dma_start3A_130 : memref<10448xf32, #tpu.memory_space<vmem_shared>>) target_semaphore(%arg13 : memref<!tpu.dma_semaphore, #tpu.memory_space<semaphore_mem>>)
    %mul3A_131 = arith.constant 41792 : i32
    %mul3A_132 = arith.muli %arg1, %mul3A_131 : i32
    %add3A_133 = arith.constant 10448 : i32
    %add3A_134 = arith.addi %mul3A_132, %add3A_133 : i32
    %dma_start3A_135 = tpu.memref_slice %arg7[%add3A_134] : memref<668672xf32, #tpu.memory_space<vmem_shared>> -> memref<10448xf32, #tpu.memory_space<vmem_shared>>
    %dma_start3A_136 = tpu.memref_slice %arg7[%add3A_134] : memref<668672xf32, #tpu.memory_space<vmem_shared>> -> memref<10448xf32, #tpu.memory_space<vmem_shared>>
    tpu.enqueue_dma source(%arg11 : memref<10448xf32, #tpu.memory_space<vmem>>) target(%dma_start3A_136 : memref<10448xf32, #tpu.memory_space<vmem_shared>>) target_semaphore(%arg13 : memref<!tpu.dma_semaphore, #tpu.memory_space<semaphore_mem>>)
    %mul3A_137 = arith.constant 41792 : i32
    %mul3A_138 = arith.muli %arg1, %mul3A_137 : i32
    %add3A_139 = arith.constant 20896 : i32
    %add3A_140 = arith.addi %mul3A_138, %add3A_139 : i32
    %dma_start3A_141 = tpu.memref_slice %arg7[%add3A_140] : memref<668672xf32, #tpu.memory_space<vmem_shared>> -> memref<10448xf32, #tpu.memory_space<vmem_shared>>
    %dma_start3A_142 = tpu.memref_slice %arg7[%add3A_140] : memref<668672xf32, #tpu.memory_space<vmem_shared>> -> memref<10448xf32, #tpu.memory_space<vmem_shared>>
    tpu.enqueue_dma source(%arg11 : memref<10448xf32, #tpu.memory_space<vmem>>) target(%dma_start3A_142 : memref<10448xf32, #tpu.memory_space<vmem_shared>>) target_semaphore(%arg13 : memref<!tpu.dma_semaphore, #tpu.memory_space<semaphore_mem>>)
    %mul3A_143 = arith.constant 41792 : i32
    %mul3A_144 = arith.muli %arg1, %mul3A_143 : i32
    %add3A_145 = arith.constant 31344 : i32
    %add3A_146 = arith.addi %mul3A_144, %add3A_145 : i32
    %dma_start3A_147 = tpu.memref_slice %arg7[%add3A_146] : memref<668672xf32, #tpu.memory_space<vmem_shared>> -> memref<10448xf32, #tpu.memory_space<vmem_shared>>
    %dma_start3A_148 = tpu.memref_slice %arg7[%add3A_146] : memref<668672xf32, #tpu.memory_space<vmem_shared>> -> memref<10448xf32, #tpu.memory_space<vmem_shared>>
    tpu.enqueue_dma source(%arg11 : memref<10448xf32, #tpu.memory_space<vmem>>) target(%dma_start3A_148 : memref<10448xf32, #tpu.memory_space<vmem_shared>>) target_semaphore(%arg13 : memref<!tpu.dma_semaphore, #tpu.memory_space<semaphore_mem>>)
    %dma_wait3A_149 = tpu.memref_slice %arg6[%add3A_104] : memref<668672xf32, #tpu.memory_space<vmem_shared>> -> memref<10448xf32, #tpu.memory_space<vmem_shared>>
    %dma_wait3A_150 = tpu.memref_slice %arg6[%add3A_104] : memref<668672xf32, #tpu.memory_space<vmem_shared>> -> memref<10448xf32, #tpu.memory_space<vmem_shared>>
    tpu.wait_dma2 semaphore(%arg13 : memref<!tpu.dma_semaphore, #tpu.memory_space<semaphore_mem>>) src(%arg11 : memref<10448xf32, #tpu.memory_space<vmem>>) dst(%dma_wait3A_150 : memref<10448xf32, #tpu.memory_space<vmem_shared>>)
    %dma_wait3A_151 = tpu.memref_slice %arg6[%add3A_110] : memref<668672xf32, #tpu.memory_space<vmem_shared>> -> memref<10448xf32, #tpu.memory_space<vmem_shared>>
    %dma_wait3A_152 = tpu.memref_slice %arg6[%add3A_110] : memref<668672xf32, #tpu.memory_space<vmem_shared>> -> memref<10448xf32, #tpu.memory_space<vmem_shared>>
    tpu.wait_dma2 semaphore(%arg13 : memref<!tpu.dma_semaphore, #tpu.memory_space<semaphore_mem>>) src(%arg11 : memref<10448xf32, #tpu.memory_space<vmem>>) dst(%dma_wait3A_152 : memref<10448xf32, #tpu.memory_space<vmem_shared>>)
    %dma_wait3A_153 = tpu.memref_slice %arg6[%add3A_116] : memref<668672xf32, #tpu.memory_space<vmem_shared>> -> memref<10448xf32, #tpu.memory_space<vmem_shared>>
    %dma_wait3A_154 = tpu.memref_slice %arg6[%add3A_116] : memref<668672xf32, #tpu.memory_space<vmem_shared>> -> memref<10448xf32, #tpu.memory_space<vmem_shared>>
    tpu.wait_dma2 semaphore(%arg13 : memref<!tpu.dma_semaphore, #tpu.memory_space<semaphore_mem>>) src(%arg11 : memref<10448xf32, #tpu.memory_space<vmem>>) dst(%dma_wait3A_154 : memref<10448xf32, #tpu.memory_space<vmem_shared>>)
    %dma_wait3A_155 = tpu.memref_slice %arg6[%add3A_122] : memref<668672xf32, #tpu.memory_space<vmem_shared>> -> memref<10448xf32, #tpu.memory_space<vmem_shared>>
    %dma_wait3A_156 = tpu.memref_slice %arg6[%add3A_122] : memref<668672xf32, #tpu.memory_space<vmem_shared>> -> memref<10448xf32, #tpu.memory_space<vmem_shared>>
    tpu.wait_dma2 semaphore(%arg13 : memref<!tpu.dma_semaphore, #tpu.memory_space<semaphore_mem>>) src(%arg11 : memref<10448xf32, #tpu.memory_space<vmem>>) dst(%dma_wait3A_156 : memref<10448xf32, #tpu.memory_space<vmem_shared>>)
    %dma_wait3A_157 = tpu.memref_slice %arg7[%add3A_128] : memref<668672xf32, #tpu.memory_space<vmem_shared>> -> memref<10448xf32, #tpu.memory_space<vmem_shared>>
    %dma_wait3A_158 = tpu.memref_slice %arg7[%add3A_128] : memref<668672xf32, #tpu.memory_space<vmem_shared>> -> memref<10448xf32, #tpu.memory_space<vmem_shared>>
    tpu.wait_dma2 semaphore(%arg13 : memref<!tpu.dma_semaphore, #tpu.memory_space<semaphore_mem>>) src(%arg11 : memref<10448xf32, #tpu.memory_space<vmem>>) dst(%dma_wait3A_158 : memref<10448xf32, #tpu.memory_space<vmem_shared>>)
    %dma_wait3A_159 = tpu.memref_slice %arg7[%add3A_134] : memref<668672xf32, #tpu.memory_space<vmem_shared>> -> memref<10448xf32, #tpu.memory_space<vmem_shared>>
    %dma_wait3A_160 = tpu.memref_slice %arg7[%add3A_134] : memref<668672xf32, #tpu.memory_space<vmem_shared>> -> memref<10448xf32, #tpu.memory_space<vmem_shared>>
    tpu.wait_dma2 semaphore(%arg13 : memref<!tpu.dma_semaphore, #tpu.memory_space<semaphore_mem>>) src(%arg11 : memref<10448xf32, #tpu.memory_space<vmem>>) dst(%dma_wait3A_160 : memref<10448xf32, #tpu.memory_space<vmem_shared>>)
    %dma_wait3A_161 = tpu.memref_slice %arg7[%add3A_140] : memref<668672xf32, #tpu.memory_space<vmem_shared>> -> memref<10448xf32, #tpu.memory_space<vmem_shared>>
    %dma_wait3A_162 = tpu.memref_slice %arg7[%add3A_140] : memref<668672xf32, #tpu.memory_space<vmem_shared>> -> memref<10448xf32, #tpu.memory_space<vmem_shared>>
    tpu.wait_dma2 semaphore(%arg13 : memref<!tpu.dma_semaphore, #tpu.memory_space<semaphore_mem>>) src(%arg11 : memref<10448xf32, #tpu.memory_space<vmem>>) dst(%dma_wait3A_162 : memref<10448xf32, #tpu.memory_space<vmem_shared>>)
    %dma_wait3A_163 = tpu.memref_slice %arg7[%add3A_146] : memref<668672xf32, #tpu.memory_space<vmem_shared>> -> memref<10448xf32, #tpu.memory_space<vmem_shared>>
    %dma_wait3A_164 = tpu.memref_slice %arg7[%add3A_146] : memref<668672xf32, #tpu.memory_space<vmem_shared>> -> memref<10448xf32, #tpu.memory_space<vmem_shared>>
    tpu.wait_dma2 semaphore(%arg13 : memref<!tpu.dma_semaphore, #tpu.memory_space<semaphore_mem>>) src(%arg11 : memref<10448xf32, #tpu.memory_space<vmem>>) dst(%dma_wait3A_164 : memref<10448xf32, #tpu.memory_space<vmem_shared>>)
    %barrier3A_165 = arith.constant 0 : index
    tpu.barrier barrier_id(%barrier3A_165)
    %add3A_166 = arith.constant 65536 : i32
    %add3A_167 = arith.addi %add3A_166, %mul3A_2 : i32
    "tpu.region"() ({
      %run_scoped3A = tpu.sem_alloc : memref<!tpu.dma_semaphore, #tpu.memory_space<semaphore_mem>>
      %dma_start3A_305 = tpu.memref_slice %arg3[%add3A_167] : memref<786432xf32, #tpu.memory_space<hbm>> -> memref<4096xf32, #tpu.memory_space<hbm>>
      %dma_start3A_306 = tpu.memref_slice %arg3[%add3A_167] : memref<786432xf32, #tpu.memory_space<hbm>> -> memref<4096xf32, #tpu.memory_space<hbm>>
      tpu.enqueue_dma source(%dma_start3A_306 : memref<4096xf32, #tpu.memory_space<hbm>>) target(%arg10 : memref<4096xf32, #tpu.memory_space<vmem>>) target_semaphore(%run_scoped3A : memref<!tpu.dma_semaphore, #tpu.memory_space<semaphore_mem>>)
      %dma_wait3A_307 = tpu.memref_slice %arg3[%add3A_167] : memref<786432xf32, #tpu.memory_space<hbm>> -> memref<4096xf32, #tpu.memory_space<hbm>>
      %dma_wait3A_308 = tpu.memref_slice %arg3[%add3A_167] : memref<786432xf32, #tpu.memory_space<hbm>> -> memref<4096xf32, #tpu.memory_space<hbm>>
      tpu.wait_dma2 semaphore(%run_scoped3A : memref<!tpu.dma_semaphore, #tpu.memory_space<semaphore_mem>>) src(%dma_wait3A_308 : memref<4096xf32, #tpu.memory_space<hbm>>) dst(%arg10 : memref<4096xf32, #tpu.memory_space<vmem>>)
      tpu.yield
    }) : () -> ()
    "tpu.region"() ({
      %run_scoped3A = tpu.sem_alloc : memref<!tpu.dma_semaphore, #tpu.memory_space<semaphore_mem>>
      %dma_start3A_305 = arith.constant 0 : i32
      %dma_start3A_306 = tpu.memref_slice %arg6[%dma_start3A_305] : memref<668672xf32, #tpu.memory_space<vmem_shared>> -> memref<668672xf32, #tpu.memory_space<vmem_shared>>
      tpu.enqueue_indirect_dma source(%arg10 : memref<4096xf32, #tpu.memory_space<vmem>>) target(%dma_start3A_306 : memref<668672xf32, #tpu.memory_space<vmem_shared>>) offsets(%arg9 : memref<4096xi32, #tpu.memory_space<vmem>>) semaphore(%run_scoped3A : memref<!tpu.dma_semaphore, #tpu.memory_space<semaphore_mem>>) {add = true}
      %dma_wait3A_307 = arith.constant 0 : i32
      %dma_wait3A_308 = tpu.memref_slice %arg6[%dma_wait3A_307] : memref<668672xf32, #tpu.memory_space<vmem_shared>> -> memref<668672xf32, #tpu.memory_space<vmem_shared>>
      tpu.wait_indirect_dma semaphore(%run_scoped3A : memref<!tpu.dma_semaphore, #tpu.memory_space<semaphore_mem>>) src(%arg10 : memref<4096xf32, #tpu.memory_space<vmem>>) dst(%dma_wait3A_308 : memref<668672xf32, #tpu.memory_space<vmem_shared>>)
      tpu.yield
    }) : () -> ()
    %add3A_168 = arith.constant 131072 : i32
    %add3A_169 = arith.addi %add3A_168, %mul3A_2 : i32
    "tpu.region"() ({
      %run_scoped3A = tpu.sem_alloc : memref<!tpu.dma_semaphore, #tpu.memory_space<semaphore_mem>>
      %dma_start3A_305 = tpu.memref_slice %arg3[%add3A_169] : memref<786432xf32, #tpu.memory_space<hbm>> -> memref<4096xf32, #tpu.memory_space<hbm>>
      %dma_start3A_306 = tpu.memref_slice %arg3[%add3A_169] : memref<786432xf32, #tpu.memory_space<hbm>> -> memref<4096xf32, #tpu.memory_space<hbm>>
      tpu.enqueue_dma source(%dma_start3A_306 : memref<4096xf32, #tpu.memory_space<hbm>>) target(%arg10 : memref<4096xf32, #tpu.memory_space<vmem>>) target_semaphore(%run_scoped3A : memref<!tpu.dma_semaphore, #tpu.memory_space<semaphore_mem>>)
      %dma_wait3A_307 = tpu.memref_slice %arg3[%add3A_169] : memref<786432xf32, #tpu.memory_space<hbm>> -> memref<4096xf32, #tpu.memory_space<hbm>>
      %dma_wait3A_308 = tpu.memref_slice %arg3[%add3A_169] : memref<786432xf32, #tpu.memory_space<hbm>> -> memref<4096xf32, #tpu.memory_space<hbm>>
      tpu.wait_dma2 semaphore(%run_scoped3A : memref<!tpu.dma_semaphore, #tpu.memory_space<semaphore_mem>>) src(%dma_wait3A_308 : memref<4096xf32, #tpu.memory_space<hbm>>) dst(%arg10 : memref<4096xf32, #tpu.memory_space<vmem>>)
      tpu.yield
    }) : () -> ()
    "tpu.region"() ({
      %run_scoped3A = tpu.sem_alloc : memref<!tpu.dma_semaphore, #tpu.memory_space<semaphore_mem>>
      %dma_start3A_305 = arith.constant 0 : i32
      %dma_start3A_306 = tpu.memref_slice %arg7[%dma_start3A_305] : memref<668672xf32, #tpu.memory_space<vmem_shared>> -> memref<668672xf32, #tpu.memory_space<vmem_shared>>
      tpu.enqueue_indirect_dma source(%arg10 : memref<4096xf32, #tpu.memory_space<vmem>>) target(%dma_start3A_306 : memref<668672xf32, #tpu.memory_space<vmem_shared>>) offsets(%arg9 : memref<4096xi32, #tpu.memory_space<vmem>>) semaphore(%run_scoped3A : memref<!tpu.dma_semaphore, #tpu.memory_space<semaphore_mem>>) {add = true}
      %dma_wait3A_307 = arith.constant 0 : i32
      %dma_wait3A_308 = tpu.memref_slice %arg7[%dma_wait3A_307] : memref<668672xf32, #tpu.memory_space<vmem_shared>> -> memref<668672xf32, #tpu.memory_space<vmem_shared>>
      tpu.wait_indirect_dma semaphore(%run_scoped3A : memref<!tpu.dma_semaphore, #tpu.memory_space<semaphore_mem>>) src(%arg10 : memref<4096xf32, #tpu.memory_space<vmem>>) dst(%dma_wait3A_308 : memref<668672xf32, #tpu.memory_space<vmem_shared>>)
      tpu.yield
    }) : () -> ()
    %barrier3A_170 = arith.constant 0 : index
    tpu.barrier barrier_id(%barrier3A_170)
    %eq3A_171 = arith.constant 0 : i32
    %eq3A_172 = arith.cmpi eq, %arg1, %eq3A_171 : i32
    %convert_element_type3A_173 = arith.extui %eq3A_172 : i1 to i32
    %cond3A_174 = arith.constant 0 : i32
    %cond3A_175 = arith.cmpi ne, %convert_element_type3A_173, %cond3A_174 : i32
    scf.if %cond3A_175 {
      %mul3A_305 = arith.constant 665600 : i32
      %mul3A_306 = arith.muli %arg0, %mul3A_305 : i32
      %add3A_307 = arith.constant 1331200 : i32
      %add3A_308 = arith.addi %add3A_307, %mul3A_306 : i32
      "tpu.region"() ({
        %run_scoped3A = tpu.sem_alloc : memref<!tpu.dma_semaphore, #tpu.memory_space<semaphore_mem>>
        %dma_start3A_309 = tpu.memref_slice %arg5[%add3A_308] : memref<9318400xf32, #tpu.memory_space<hbm>> -> memref<665600xf32, #tpu.memory_space<hbm>>
        %dma_start3A_310 = arith.constant 0 : i32
        %dma_start3A_311 = tpu.memref_slice %arg6[%dma_start3A_310] : memref<668672xf32, #tpu.memory_space<vmem_shared>> -> memref<665600xf32, #tpu.memory_space<vmem_shared>>
        tpu.enqueue_dma source(%dma_start3A_311 : memref<665600xf32, #tpu.memory_space<vmem_shared>>) target(%dma_start3A_309 : memref<665600xf32, #tpu.memory_space<hbm>>) target_semaphore(%run_scoped3A : memref<!tpu.dma_semaphore, #tpu.memory_space<semaphore_mem>>)
        %dma_wait3A_312 = tpu.memref_slice %arg5[%add3A_308] : memref<9318400xf32, #tpu.memory_space<hbm>> -> memref<665600xf32, #tpu.memory_space<hbm>>
        %dma_wait3A_313 = arith.constant 0 : i32
        %dma_wait3A_314 = tpu.memref_slice %arg6[%dma_wait3A_313] : memref<668672xf32, #tpu.memory_space<vmem_shared>> -> memref<665600xf32, #tpu.memory_space<vmem_shared>>
        tpu.wait_dma2 semaphore(%run_scoped3A : memref<!tpu.dma_semaphore, #tpu.memory_space<semaphore_mem>>) src(%dma_wait3A_314 : memref<665600xf32, #tpu.memory_space<vmem_shared>>) dst(%dma_wait3A_312 : memref<665600xf32, #tpu.memory_space<hbm>>)
        tpu.yield
      }) : () -> ()
    } else {
    }
    %eq3A_176 = arith.constant 1 : i32
    %eq3A_177 = arith.cmpi eq, %arg1, %eq3A_176 : i32
    %convert_element_type3A_178 = arith.extui %eq3A_177 : i1 to i32
    %cond3A_179 = arith.constant 0 : i32
    %cond3A_180 = arith.cmpi ne, %convert_element_type3A_178, %cond3A_179 : i32
    scf.if %cond3A_180 {
      %mul3A_305 = arith.constant 665600 : i32
      %mul3A_306 = arith.muli %arg0, %mul3A_305 : i32
      %add3A_307 = arith.constant 2662400 : i32
      %add3A_308 = arith.addi %add3A_307, %mul3A_306 : i32
      "tpu.region"() ({
        %run_scoped3A = tpu.sem_alloc : memref<!tpu.dma_semaphore, #tpu.memory_space<semaphore_mem>>
        %dma_start3A_309 = tpu.memref_slice %arg5[%add3A_308] : memref<9318400xf32, #tpu.memory_space<hbm>> -> memref<665600xf32, #tpu.memory_space<hbm>>
        %dma_start3A_310 = arith.constant 0 : i32
        %dma_start3A_311 = tpu.memref_slice %arg7[%dma_start3A_310] : memref<668672xf32, #tpu.memory_space<vmem_shared>> -> memref<665600xf32, #tpu.memory_space<vmem_shared>>
        tpu.enqueue_dma source(%dma_start3A_311 : memref<665600xf32, #tpu.memory_space<vmem_shared>>) target(%dma_start3A_309 : memref<665600xf32, #tpu.memory_space<hbm>>) target_semaphore(%run_scoped3A : memref<!tpu.dma_semaphore, #tpu.memory_space<semaphore_mem>>)
        %dma_wait3A_312 = tpu.memref_slice %arg5[%add3A_308] : memref<9318400xf32, #tpu.memory_space<hbm>> -> memref<665600xf32, #tpu.memory_space<hbm>>
        %dma_wait3A_313 = arith.constant 0 : i32
        %dma_wait3A_314 = tpu.memref_slice %arg7[%dma_wait3A_313] : memref<668672xf32, #tpu.memory_space<vmem_shared>> -> memref<665600xf32, #tpu.memory_space<vmem_shared>>
        tpu.wait_dma2 semaphore(%run_scoped3A : memref<!tpu.dma_semaphore, #tpu.memory_space<semaphore_mem>>) src(%dma_wait3A_314 : memref<665600xf32, #tpu.memory_space<vmem_shared>>) dst(%dma_wait3A_312 : memref<665600xf32, #tpu.memory_space<hbm>>)
        tpu.yield
      }) : () -> ()
    } else {
    }
    %barrier3A_181 = arith.constant 0 : index
    tpu.barrier barrier_id(%barrier3A_181)
    %mul3A_182 = arith.constant 41792 : i32
    %mul3A_183 = arith.muli %arg1, %mul3A_182 : i32
    %add3A_184 = arith.constant 0 : i32
    %add3A_185 = arith.addi %mul3A_183, %add3A_184 : i32
    %dma_start3A_186 = tpu.memref_slice %arg6[%add3A_185] : memref<668672xf32, #tpu.memory_space<vmem_shared>> -> memref<10448xf32, #tpu.memory_space<vmem_shared>>
    %dma_start3A_187 = tpu.memref_slice %arg6[%add3A_185] : memref<668672xf32, #tpu.memory_space<vmem_shared>> -> memref<10448xf32, #tpu.memory_space<vmem_shared>>
    tpu.enqueue_dma source(%arg11 : memref<10448xf32, #tpu.memory_space<vmem>>) target(%dma_start3A_187 : memref<10448xf32, #tpu.memory_space<vmem_shared>>) target_semaphore(%arg13 : memref<!tpu.dma_semaphore, #tpu.memory_space<semaphore_mem>>)
    %mul3A_188 = arith.constant 41792 : i32
    %mul3A_189 = arith.muli %arg1, %mul3A_188 : i32
    %add3A_190 = arith.constant 10448 : i32
    %add3A_191 = arith.addi %mul3A_189, %add3A_190 : i32
    %dma_start3A_192 = tpu.memref_slice %arg6[%add3A_191] : memref<668672xf32, #tpu.memory_space<vmem_shared>> -> memref<10448xf32, #tpu.memory_space<vmem_shared>>
    %dma_start3A_193 = tpu.memref_slice %arg6[%add3A_191] : memref<668672xf32, #tpu.memory_space<vmem_shared>> -> memref<10448xf32, #tpu.memory_space<vmem_shared>>
    tpu.enqueue_dma source(%arg11 : memref<10448xf32, #tpu.memory_space<vmem>>) target(%dma_start3A_193 : memref<10448xf32, #tpu.memory_space<vmem_shared>>) target_semaphore(%arg13 : memref<!tpu.dma_semaphore, #tpu.memory_space<semaphore_mem>>)
    %mul3A_194 = arith.constant 41792 : i32
    %mul3A_195 = arith.muli %arg1, %mul3A_194 : i32
    %add3A_196 = arith.constant 20896 : i32
    %add3A_197 = arith.addi %mul3A_195, %add3A_196 : i32
    %dma_start3A_198 = tpu.memref_slice %arg6[%add3A_197] : memref<668672xf32, #tpu.memory_space<vmem_shared>> -> memref<10448xf32, #tpu.memory_space<vmem_shared>>
    %dma_start3A_199 = tpu.memref_slice %arg6[%add3A_197] : memref<668672xf32, #tpu.memory_space<vmem_shared>> -> memref<10448xf32, #tpu.memory_space<vmem_shared>>
    tpu.enqueue_dma source(%arg11 : memref<10448xf32, #tpu.memory_space<vmem>>) target(%dma_start3A_199 : memref<10448xf32, #tpu.memory_space<vmem_shared>>) target_semaphore(%arg13 : memref<!tpu.dma_semaphore, #tpu.memory_space<semaphore_mem>>)
    %mul3A_200 = arith.constant 41792 : i32
    %mul3A_201 = arith.muli %arg1, %mul3A_200 : i32
    %add3A_202 = arith.constant 31344 : i32
    %add3A_203 = arith.addi %mul3A_201, %add3A_202 : i32
    %dma_start3A_204 = tpu.memref_slice %arg6[%add3A_203] : memref<668672xf32, #tpu.memory_space<vmem_shared>> -> memref<10448xf32, #tpu.memory_space<vmem_shared>>
    %dma_start3A_205 = tpu.memref_slice %arg6[%add3A_203] : memref<668672xf32, #tpu.memory_space<vmem_shared>> -> memref<10448xf32, #tpu.memory_space<vmem_shared>>
    tpu.enqueue_dma source(%arg11 : memref<10448xf32, #tpu.memory_space<vmem>>) target(%dma_start3A_205 : memref<10448xf32, #tpu.memory_space<vmem_shared>>) target_semaphore(%arg13 : memref<!tpu.dma_semaphore, #tpu.memory_space<semaphore_mem>>)
    %mul3A_206 = arith.constant 41792 : i32
    %mul3A_207 = arith.muli %arg1, %mul3A_206 : i32
    %add3A_208 = arith.constant 0 : i32
    %add3A_209 = arith.addi %mul3A_207, %add3A_208 : i32
    %dma_start3A_210 = tpu.memref_slice %arg7[%add3A_209] : memref<668672xf32, #tpu.memory_space<vmem_shared>> -> memref<10448xf32, #tpu.memory_space<vmem_shared>>
    %dma_start3A_211 = tpu.memref_slice %arg7[%add3A_209] : memref<668672xf32, #tpu.memory_space<vmem_shared>> -> memref<10448xf32, #tpu.memory_space<vmem_shared>>
    tpu.enqueue_dma source(%arg11 : memref<10448xf32, #tpu.memory_space<vmem>>) target(%dma_start3A_211 : memref<10448xf32, #tpu.memory_space<vmem_shared>>) target_semaphore(%arg13 : memref<!tpu.dma_semaphore, #tpu.memory_space<semaphore_mem>>)
    %mul3A_212 = arith.constant 41792 : i32
    %mul3A_213 = arith.muli %arg1, %mul3A_212 : i32
    %add3A_214 = arith.constant 10448 : i32
    %add3A_215 = arith.addi %mul3A_213, %add3A_214 : i32
    %dma_start3A_216 = tpu.memref_slice %arg7[%add3A_215] : memref<668672xf32, #tpu.memory_space<vmem_shared>> -> memref<10448xf32, #tpu.memory_space<vmem_shared>>
    %dma_start3A_217 = tpu.memref_slice %arg7[%add3A_215] : memref<668672xf32, #tpu.memory_space<vmem_shared>> -> memref<10448xf32, #tpu.memory_space<vmem_shared>>
    tpu.enqueue_dma source(%arg11 : memref<10448xf32, #tpu.memory_space<vmem>>) target(%dma_start3A_217 : memref<10448xf32, #tpu.memory_space<vmem_shared>>) target_semaphore(%arg13 : memref<!tpu.dma_semaphore, #tpu.memory_space<semaphore_mem>>)
    %mul3A_218 = arith.constant 41792 : i32
    %mul3A_219 = arith.muli %arg1, %mul3A_218 : i32
    %add3A_220 = arith.constant 20896 : i32
    %add3A_221 = arith.addi %mul3A_219, %add3A_220 : i32
    %dma_start3A_222 = tpu.memref_slice %arg7[%add3A_221] : memref<668672xf32, #tpu.memory_space<vmem_shared>> -> memref<10448xf32, #tpu.memory_space<vmem_shared>>
    %dma_start3A_223 = tpu.memref_slice %arg7[%add3A_221] : memref<668672xf32, #tpu.memory_space<vmem_shared>> -> memref<10448xf32, #tpu.memory_space<vmem_shared>>
    tpu.enqueue_dma source(%arg11 : memref<10448xf32, #tpu.memory_space<vmem>>) target(%dma_start3A_223 : memref<10448xf32, #tpu.memory_space<vmem_shared>>) target_semaphore(%arg13 : memref<!tpu.dma_semaphore, #tpu.memory_space<semaphore_mem>>)
    %mul3A_224 = arith.constant 41792 : i32
    %mul3A_225 = arith.muli %arg1, %mul3A_224 : i32
    %add3A_226 = arith.constant 31344 : i32
    %add3A_227 = arith.addi %mul3A_225, %add3A_226 : i32
    %dma_start3A_228 = tpu.memref_slice %arg7[%add3A_227] : memref<668672xf32, #tpu.memory_space<vmem_shared>> -> memref<10448xf32, #tpu.memory_space<vmem_shared>>
    %dma_start3A_229 = tpu.memref_slice %arg7[%add3A_227] : memref<668672xf32, #tpu.memory_space<vmem_shared>> -> memref<10448xf32, #tpu.memory_space<vmem_shared>>
    tpu.enqueue_dma source(%arg11 : memref<10448xf32, #tpu.memory_space<vmem>>) target(%dma_start3A_229 : memref<10448xf32, #tpu.memory_space<vmem_shared>>) target_semaphore(%arg13 : memref<!tpu.dma_semaphore, #tpu.memory_space<semaphore_mem>>)
    %dma_wait3A_230 = tpu.memref_slice %arg6[%add3A_185] : memref<668672xf32, #tpu.memory_space<vmem_shared>> -> memref<10448xf32, #tpu.memory_space<vmem_shared>>
    %dma_wait3A_231 = tpu.memref_slice %arg6[%add3A_185] : memref<668672xf32, #tpu.memory_space<vmem_shared>> -> memref<10448xf32, #tpu.memory_space<vmem_shared>>
    tpu.wait_dma2 semaphore(%arg13 : memref<!tpu.dma_semaphore, #tpu.memory_space<semaphore_mem>>) src(%arg11 : memref<10448xf32, #tpu.memory_space<vmem>>) dst(%dma_wait3A_231 : memref<10448xf32, #tpu.memory_space<vmem_shared>>)
    %dma_wait3A_232 = tpu.memref_slice %arg6[%add3A_191] : memref<668672xf32, #tpu.memory_space<vmem_shared>> -> memref<10448xf32, #tpu.memory_space<vmem_shared>>
    %dma_wait3A_233 = tpu.memref_slice %arg6[%add3A_191] : memref<668672xf32, #tpu.memory_space<vmem_shared>> -> memref<10448xf32, #tpu.memory_space<vmem_shared>>
    tpu.wait_dma2 semaphore(%arg13 : memref<!tpu.dma_semaphore, #tpu.memory_space<semaphore_mem>>) src(%arg11 : memref<10448xf32, #tpu.memory_space<vmem>>) dst(%dma_wait3A_233 : memref<10448xf32, #tpu.memory_space<vmem_shared>>)
    %dma_wait3A_234 = tpu.memref_slice %arg6[%add3A_197] : memref<668672xf32, #tpu.memory_space<vmem_shared>> -> memref<10448xf32, #tpu.memory_space<vmem_shared>>
    %dma_wait3A_235 = tpu.memref_slice %arg6[%add3A_197] : memref<668672xf32, #tpu.memory_space<vmem_shared>> -> memref<10448xf32, #tpu.memory_space<vmem_shared>>
    tpu.wait_dma2 semaphore(%arg13 : memref<!tpu.dma_semaphore, #tpu.memory_space<semaphore_mem>>) src(%arg11 : memref<10448xf32, #tpu.memory_space<vmem>>) dst(%dma_wait3A_235 : memref<10448xf32, #tpu.memory_space<vmem_shared>>)
    %dma_wait3A_236 = tpu.memref_slice %arg6[%add3A_203] : memref<668672xf32, #tpu.memory_space<vmem_shared>> -> memref<10448xf32, #tpu.memory_space<vmem_shared>>
    %dma_wait3A_237 = tpu.memref_slice %arg6[%add3A_203] : memref<668672xf32, #tpu.memory_space<vmem_shared>> -> memref<10448xf32, #tpu.memory_space<vmem_shared>>
    tpu.wait_dma2 semaphore(%arg13 : memref<!tpu.dma_semaphore, #tpu.memory_space<semaphore_mem>>) src(%arg11 : memref<10448xf32, #tpu.memory_space<vmem>>) dst(%dma_wait3A_237 : memref<10448xf32, #tpu.memory_space<vmem_shared>>)
    %dma_wait3A_238 = tpu.memref_slice %arg7[%add3A_209] : memref<668672xf32, #tpu.memory_space<vmem_shared>> -> memref<10448xf32, #tpu.memory_space<vmem_shared>>
    %dma_wait3A_239 = tpu.memref_slice %arg7[%add3A_209] : memref<668672xf32, #tpu.memory_space<vmem_shared>> -> memref<10448xf32, #tpu.memory_space<vmem_shared>>
    tpu.wait_dma2 semaphore(%arg13 : memref<!tpu.dma_semaphore, #tpu.memory_space<semaphore_mem>>) src(%arg11 : memref<10448xf32, #tpu.memory_space<vmem>>) dst(%dma_wait3A_239 : memref<10448xf32, #tpu.memory_space<vmem_shared>>)
    %dma_wait3A_240 = tpu.memref_slice %arg7[%add3A_215] : memref<668672xf32, #tpu.memory_space<vmem_shared>> -> memref<10448xf32, #tpu.memory_space<vmem_shared>>
    %dma_wait3A_241 = tpu.memref_slice %arg7[%add3A_215] : memref<668672xf32, #tpu.memory_space<vmem_shared>> -> memref<10448xf32, #tpu.memory_space<vmem_shared>>
    tpu.wait_dma2 semaphore(%arg13 : memref<!tpu.dma_semaphore, #tpu.memory_space<semaphore_mem>>) src(%arg11 : memref<10448xf32, #tpu.memory_space<vmem>>) dst(%dma_wait3A_241 : memref<10448xf32, #tpu.memory_space<vmem_shared>>)
    %dma_wait3A_242 = tpu.memref_slice %arg7[%add3A_221] : memref<668672xf32, #tpu.memory_space<vmem_shared>> -> memref<10448xf32, #tpu.memory_space<vmem_shared>>
    %dma_wait3A_243 = tpu.memref_slice %arg7[%add3A_221] : memref<668672xf32, #tpu.memory_space<vmem_shared>> -> memref<10448xf32, #tpu.memory_space<vmem_shared>>
    tpu.wait_dma2 semaphore(%arg13 : memref<!tpu.dma_semaphore, #tpu.memory_space<semaphore_mem>>) src(%arg11 : memref<10448xf32, #tpu.memory_space<vmem>>) dst(%dma_wait3A_243 : memref<10448xf32, #tpu.memory_space<vmem_shared>>)
    %dma_wait3A_244 = tpu.memref_slice %arg7[%add3A_227] : memref<668672xf32, #tpu.memory_space<vmem_shared>> -> memref<10448xf32, #tpu.memory_space<vmem_shared>>
    %dma_wait3A_245 = tpu.memref_slice %arg7[%add3A_227] : memref<668672xf32, #tpu.memory_space<vmem_shared>> -> memref<10448xf32, #tpu.memory_space<vmem_shared>>
    tpu.wait_dma2 semaphore(%arg13 : memref<!tpu.dma_semaphore, #tpu.memory_space<semaphore_mem>>) src(%arg11 : memref<10448xf32, #tpu.memory_space<vmem>>) dst(%dma_wait3A_245 : memref<10448xf32, #tpu.memory_space<vmem_shared>>)
    %barrier3A_246 = arith.constant 0 : index
    tpu.barrier barrier_id(%barrier3A_246)
    %add3A_247 = arith.constant 0 : i32
    %add3A_248 = arith.addi %add3A_247, %mul3A_2 : i32
    "tpu.region"() ({
      %run_scoped3A = tpu.sem_alloc : memref<!tpu.dma_semaphore, #tpu.memory_space<semaphore_mem>>
      %dma_start3A_305 = tpu.memref_slice %arg4[%add3A_248] : memref<786432xf32, #tpu.memory_space<hbm>> -> memref<4096xf32, #tpu.memory_space<hbm>>
      %dma_start3A_306 = tpu.memref_slice %arg4[%add3A_248] : memref<786432xf32, #tpu.memory_space<hbm>> -> memref<4096xf32, #tpu.memory_space<hbm>>
      tpu.enqueue_dma source(%dma_start3A_306 : memref<4096xf32, #tpu.memory_space<hbm>>) target(%arg10 : memref<4096xf32, #tpu.memory_space<vmem>>) target_semaphore(%run_scoped3A : memref<!tpu.dma_semaphore, #tpu.memory_space<semaphore_mem>>)
      %dma_wait3A_307 = tpu.memref_slice %arg4[%add3A_248] : memref<786432xf32, #tpu.memory_space<hbm>> -> memref<4096xf32, #tpu.memory_space<hbm>>
      %dma_wait3A_308 = tpu.memref_slice %arg4[%add3A_248] : memref<786432xf32, #tpu.memory_space<hbm>> -> memref<4096xf32, #tpu.memory_space<hbm>>
      tpu.wait_dma2 semaphore(%run_scoped3A : memref<!tpu.dma_semaphore, #tpu.memory_space<semaphore_mem>>) src(%dma_wait3A_308 : memref<4096xf32, #tpu.memory_space<hbm>>) dst(%arg10 : memref<4096xf32, #tpu.memory_space<vmem>>)
      tpu.yield
    }) : () -> ()
    "tpu.region"() ({
      %run_scoped3A = tpu.sem_alloc : memref<!tpu.dma_semaphore, #tpu.memory_space<semaphore_mem>>
      %dma_start3A_305 = arith.constant 0 : i32
      %dma_start3A_306 = tpu.memref_slice %arg6[%dma_start3A_305] : memref<668672xf32, #tpu.memory_space<vmem_shared>> -> memref<668672xf32, #tpu.memory_space<vmem_shared>>
      tpu.enqueue_indirect_dma source(%arg10 : memref<4096xf32, #tpu.memory_space<vmem>>) target(%dma_start3A_306 : memref<668672xf32, #tpu.memory_space<vmem_shared>>) offsets(%arg9 : memref<4096xi32, #tpu.memory_space<vmem>>) semaphore(%run_scoped3A : memref<!tpu.dma_semaphore, #tpu.memory_space<semaphore_mem>>) {add = true}
      %dma_wait3A_307 = arith.constant 0 : i32
      %dma_wait3A_308 = tpu.memref_slice %arg6[%dma_wait3A_307] : memref<668672xf32, #tpu.memory_space<vmem_shared>> -> memref<668672xf32, #tpu.memory_space<vmem_shared>>
      tpu.wait_indirect_dma semaphore(%run_scoped3A : memref<!tpu.dma_semaphore, #tpu.memory_space<semaphore_mem>>) src(%arg10 : memref<4096xf32, #tpu.memory_space<vmem>>) dst(%dma_wait3A_308 : memref<668672xf32, #tpu.memory_space<vmem_shared>>)
      tpu.yield
    }) : () -> ()
    %add3A_249 = arith.constant 65536 : i32
    %add3A_250 = arith.addi %add3A_249, %mul3A_2 : i32
    "tpu.region"() ({
      %run_scoped3A = tpu.sem_alloc : memref<!tpu.dma_semaphore, #tpu.memory_space<semaphore_mem>>
      %dma_start3A_305 = tpu.memref_slice %arg4[%add3A_250] : memref<786432xf32, #tpu.memory_space<hbm>> -> memref<4096xf32, #tpu.memory_space<hbm>>
      %dma_start3A_306 = tpu.memref_slice %arg4[%add3A_250] : memref<786432xf32, #tpu.memory_space<hbm>> -> memref<4096xf32, #tpu.memory_space<hbm>>
      tpu.enqueue_dma source(%dma_start3A_306 : memref<4096xf32, #tpu.memory_space<hbm>>) target(%arg10 : memref<4096xf32, #tpu.memory_space<vmem>>) target_semaphore(%run_scoped3A : memref<!tpu.dma_semaphore, #tpu.memory_space<semaphore_mem>>)
      %dma_wait3A_307 = tpu.memref_slice %arg4[%add3A_250] : memref<786432xf32, #tpu.memory_space<hbm>> -> memref<4096xf32, #tpu.memory_space<hbm>>
      %dma_wait3A_308 = tpu.memref_slice %arg4[%add3A_250] : memref<786432xf32, #tpu.memory_space<hbm>> -> memref<4096xf32, #tpu.memory_space<hbm>>
      tpu.wait_dma2 semaphore(%run_scoped3A : memref<!tpu.dma_semaphore, #tpu.memory_space<semaphore_mem>>) src(%dma_wait3A_308 : memref<4096xf32, #tpu.memory_space<hbm>>) dst(%arg10 : memref<4096xf32, #tpu.memory_space<vmem>>)
      tpu.yield
    }) : () -> ()
    "tpu.region"() ({
      %run_scoped3A = tpu.sem_alloc : memref<!tpu.dma_semaphore, #tpu.memory_space<semaphore_mem>>
      %dma_start3A_305 = arith.constant 0 : i32
      %dma_start3A_306 = tpu.memref_slice %arg7[%dma_start3A_305] : memref<668672xf32, #tpu.memory_space<vmem_shared>> -> memref<668672xf32, #tpu.memory_space<vmem_shared>>
      tpu.enqueue_indirect_dma source(%arg10 : memref<4096xf32, #tpu.memory_space<vmem>>) target(%dma_start3A_306 : memref<668672xf32, #tpu.memory_space<vmem_shared>>) offsets(%arg9 : memref<4096xi32, #tpu.memory_space<vmem>>) semaphore(%run_scoped3A : memref<!tpu.dma_semaphore, #tpu.memory_space<semaphore_mem>>) {add = true}
      %dma_wait3A_307 = arith.constant 0 : i32
      %dma_wait3A_308 = tpu.memref_slice %arg7[%dma_wait3A_307] : memref<668672xf32, #tpu.memory_space<vmem_shared>> -> memref<668672xf32, #tpu.memory_space<vmem_shared>>
      tpu.wait_indirect_dma semaphore(%run_scoped3A : memref<!tpu.dma_semaphore, #tpu.memory_space<semaphore_mem>>) src(%arg10 : memref<4096xf32, #tpu.memory_space<vmem>>) dst(%dma_wait3A_308 : memref<668672xf32, #tpu.memory_space<vmem_shared>>)
      tpu.yield
    }) : () -> ()
    %barrier3A_251 = arith.constant 0 : index
    tpu.barrier barrier_id(%barrier3A_251)
    %eq3A_252 = arith.constant 0 : i32
    %eq3A_253 = arith.cmpi eq, %arg1, %eq3A_252 : i32
    %convert_element_type3A_254 = arith.extui %eq3A_253 : i1 to i32
    %cond3A_255 = arith.constant 0 : i32
    %cond3A_256 = arith.cmpi ne, %convert_element_type3A_254, %cond3A_255 : i32
    scf.if %cond3A_256 {
      %mul3A_305 = arith.constant 665600 : i32
      %mul3A_306 = arith.muli %arg0, %mul3A_305 : i32
      %add3A_307 = arith.constant 3993600 : i32
      %add3A_308 = arith.addi %add3A_307, %mul3A_306 : i32
      "tpu.region"() ({
        %run_scoped3A = tpu.sem_alloc : memref<!tpu.dma_semaphore, #tpu.memory_space<semaphore_mem>>
        %dma_start3A_309 = tpu.memref_slice %arg5[%add3A_308] : memref<9318400xf32, #tpu.memory_space<hbm>> -> memref<665600xf32, #tpu.memory_space<hbm>>
        %dma_start3A_310 = arith.constant 0 : i32
        %dma_start3A_311 = tpu.memref_slice %arg6[%dma_start3A_310] : memref<668672xf32, #tpu.memory_space<vmem_shared>> -> memref<665600xf32, #tpu.memory_space<vmem_shared>>
        tpu.enqueue_dma source(%dma_start3A_311 : memref<665600xf32, #tpu.memory_space<vmem_shared>>) target(%dma_start3A_309 : memref<665600xf32, #tpu.memory_space<hbm>>) target_semaphore(%run_scoped3A : memref<!tpu.dma_semaphore, #tpu.memory_space<semaphore_mem>>)
        %dma_wait3A_312 = tpu.memref_slice %arg5[%add3A_308] : memref<9318400xf32, #tpu.memory_space<hbm>> -> memref<665600xf32, #tpu.memory_space<hbm>>
        %dma_wait3A_313 = arith.constant 0 : i32
        %dma_wait3A_314 = tpu.memref_slice %arg6[%dma_wait3A_313] : memref<668672xf32, #tpu.memory_space<vmem_shared>> -> memref<665600xf32, #tpu.memory_space<vmem_shared>>
        tpu.wait_dma2 semaphore(%run_scoped3A : memref<!tpu.dma_semaphore, #tpu.memory_space<semaphore_mem>>) src(%dma_wait3A_314 : memref<665600xf32, #tpu.memory_space<vmem_shared>>) dst(%dma_wait3A_312 : memref<665600xf32, #tpu.memory_space<hbm>>)
        tpu.yield
      }) : () -> ()
    } else {
    }
    %eq3A_257 = arith.constant 1 : i32
    %eq3A_258 = arith.cmpi eq, %arg1, %eq3A_257 : i32
    %convert_element_type3A_259 = arith.extui %eq3A_258 : i1 to i32
    %cond3A_260 = arith.constant 0 : i32
    %cond3A_261 = arith.cmpi ne, %convert_element_type3A_259, %cond3A_260 : i32
    scf.if %cond3A_261 {
      %mul3A_305 = arith.constant 665600 : i32
      %mul3A_306 = arith.muli %arg0, %mul3A_305 : i32
      %add3A_307 = arith.constant 5324800 : i32
      %add3A_308 = arith.addi %add3A_307, %mul3A_306 : i32
      "tpu.region"() ({
        %run_scoped3A = tpu.sem_alloc : memref<!tpu.dma_semaphore, #tpu.memory_space<semaphore_mem>>
        %dma_start3A_309 = tpu.memref_slice %arg5[%add3A_308] : memref<9318400xf32, #tpu.memory_space<hbm>> -> memref<665600xf32, #tpu.memory_space<hbm>>
        %dma_start3A_310 = arith.constant 0 : i32
        %dma_start3A_311 = tpu.memref_slice %arg7[%dma_start3A_310] : memref<668672xf32, #tpu.memory_space<vmem_shared>> -> memref<665600xf32, #tpu.memory_space<vmem_shared>>
        tpu.enqueue_dma source(%dma_start3A_311 : memref<665600xf32, #tpu.memory_space<vmem_shared>>) target(%dma_start3A_309 : memref<665600xf32, #tpu.memory_space<hbm>>) target_semaphore(%run_scoped3A : memref<!tpu.dma_semaphore, #tpu.memory_space<semaphore_mem>>)
        %dma_wait3A_312 = tpu.memref_slice %arg5[%add3A_308] : memref<9318400xf32, #tpu.memory_space<hbm>> -> memref<665600xf32, #tpu.memory_space<hbm>>
        %dma_wait3A_313 = arith.constant 0 : i32
        %dma_wait3A_314 = tpu.memref_slice %arg7[%dma_wait3A_313] : memref<668672xf32, #tpu.memory_space<vmem_shared>> -> memref<665600xf32, #tpu.memory_space<vmem_shared>>
        tpu.wait_dma2 semaphore(%run_scoped3A : memref<!tpu.dma_semaphore, #tpu.memory_space<semaphore_mem>>) src(%dma_wait3A_314 : memref<665600xf32, #tpu.memory_space<vmem_shared>>) dst(%dma_wait3A_312 : memref<665600xf32, #tpu.memory_space<hbm>>)
        tpu.yield
      }) : () -> ()
    } else {
    }
    %barrier3A_262 = arith.constant 0 : index
    tpu.barrier barrier_id(%barrier3A_262)
    %mul3A_263 = arith.constant 41792 : i32
    %mul3A_264 = arith.muli %arg1, %mul3A_263 : i32
    %add3A_265 = arith.constant 0 : i32
    %add3A_266 = arith.addi %mul3A_264, %add3A_265 : i32
    %dma_start3A_267 = tpu.memref_slice %arg6[%add3A_266] : memref<668672xf32, #tpu.memory_space<vmem_shared>> -> memref<10448xf32, #tpu.memory_space<vmem_shared>>
    %dma_start3A_268 = tpu.memref_slice %arg6[%add3A_266] : memref<668672xf32, #tpu.memory_space<vmem_shared>> -> memref<10448xf32, #tpu.memory_space<vmem_shared>>
    tpu.enqueue_dma source(%arg11 : memref<10448xf32, #tpu.memory_space<vmem>>) target(%dma_start3A_268 : memref<10448xf32, #tpu.memory_space<vmem_shared>>) target_semaphore(%arg13 : memref<!tpu.dma_semaphore, #tpu.memory_space<semaphore_mem>>)
    %mul3A_269 = arith.constant 41792 : i32
    %mul3A_270 = arith.muli %arg1, %mul3A_269 : i32
    %add3A_271 = arith.constant 10448 : i32
    %add3A_272 = arith.addi %mul3A_270, %add3A_271 : i32
    %dma_start3A_273 = tpu.memref_slice %arg6[%add3A_272] : memref<668672xf32, #tpu.memory_space<vmem_shared>> -> memref<10448xf32, #tpu.memory_space<vmem_shared>>
    %dma_start3A_274 = tpu.memref_slice %arg6[%add3A_272] : memref<668672xf32, #tpu.memory_space<vmem_shared>> -> memref<10448xf32, #tpu.memory_space<vmem_shared>>
    tpu.enqueue_dma source(%arg11 : memref<10448xf32, #tpu.memory_space<vmem>>) target(%dma_start3A_274 : memref<10448xf32, #tpu.memory_space<vmem_shared>>) target_semaphore(%arg13 : memref<!tpu.dma_semaphore, #tpu.memory_space<semaphore_mem>>)
    %mul3A_275 = arith.constant 41792 : i32
    %mul3A_276 = arith.muli %arg1, %mul3A_275 : i32
    %add3A_277 = arith.constant 20896 : i32
    %add3A_278 = arith.addi %mul3A_276, %add3A_277 : i32
    %dma_start3A_279 = tpu.memref_slice %arg6[%add3A_278] : memref<668672xf32, #tpu.memory_space<vmem_shared>> -> memref<10448xf32, #tpu.memory_space<vmem_shared>>
    %dma_start3A_280 = tpu.memref_slice %arg6[%add3A_278] : memref<668672xf32, #tpu.memory_space<vmem_shared>> -> memref<10448xf32, #tpu.memory_space<vmem_shared>>
    tpu.enqueue_dma source(%arg11 : memref<10448xf32, #tpu.memory_space<vmem>>) target(%dma_start3A_280 : memref<10448xf32, #tpu.memory_space<vmem_shared>>) target_semaphore(%arg13 : memref<!tpu.dma_semaphore, #tpu.memory_space<semaphore_mem>>)
    %mul3A_281 = arith.constant 41792 : i32
    %mul3A_282 = arith.muli %arg1, %mul3A_281 : i32
    %add3A_283 = arith.constant 31344 : i32
    %add3A_284 = arith.addi %mul3A_282, %add3A_283 : i32
    %dma_start3A_285 = tpu.memref_slice %arg6[%add3A_284] : memref<668672xf32, #tpu.memory_space<vmem_shared>> -> memref<10448xf32, #tpu.memory_space<vmem_shared>>
    %dma_start3A_286 = tpu.memref_slice %arg6[%add3A_284] : memref<668672xf32, #tpu.memory_space<vmem_shared>> -> memref<10448xf32, #tpu.memory_space<vmem_shared>>
    tpu.enqueue_dma source(%arg11 : memref<10448xf32, #tpu.memory_space<vmem>>) target(%dma_start3A_286 : memref<10448xf32, #tpu.memory_space<vmem_shared>>) target_semaphore(%arg13 : memref<!tpu.dma_semaphore, #tpu.memory_space<semaphore_mem>>)
    %dma_wait3A_287 = tpu.memref_slice %arg6[%add3A_266] : memref<668672xf32, #tpu.memory_space<vmem_shared>> -> memref<10448xf32, #tpu.memory_space<vmem_shared>>
    %dma_wait3A_288 = tpu.memref_slice %arg6[%add3A_266] : memref<668672xf32, #tpu.memory_space<vmem_shared>> -> memref<10448xf32, #tpu.memory_space<vmem_shared>>
    tpu.wait_dma2 semaphore(%arg13 : memref<!tpu.dma_semaphore, #tpu.memory_space<semaphore_mem>>) src(%arg11 : memref<10448xf32, #tpu.memory_space<vmem>>) dst(%dma_wait3A_288 : memref<10448xf32, #tpu.memory_space<vmem_shared>>)
    %dma_wait3A_289 = tpu.memref_slice %arg6[%add3A_272] : memref<668672xf32, #tpu.memory_space<vmem_shared>> -> memref<10448xf32, #tpu.memory_space<vmem_shared>>
    %dma_wait3A_290 = tpu.memref_slice %arg6[%add3A_272] : memref<668672xf32, #tpu.memory_space<vmem_shared>> -> memref<10448xf32, #tpu.memory_space<vmem_shared>>
    tpu.wait_dma2 semaphore(%arg13 : memref<!tpu.dma_semaphore, #tpu.memory_space<semaphore_mem>>) src(%arg11 : memref<10448xf32, #tpu.memory_space<vmem>>) dst(%dma_wait3A_290 : memref<10448xf32, #tpu.memory_space<vmem_shared>>)
    %dma_wait3A_291 = tpu.memref_slice %arg6[%add3A_278] : memref<668672xf32, #tpu.memory_space<vmem_shared>> -> memref<10448xf32, #tpu.memory_space<vmem_shared>>
    %dma_wait3A_292 = tpu.memref_slice %arg6[%add3A_278] : memref<668672xf32, #tpu.memory_space<vmem_shared>> -> memref<10448xf32, #tpu.memory_space<vmem_shared>>
    tpu.wait_dma2 semaphore(%arg13 : memref<!tpu.dma_semaphore, #tpu.memory_space<semaphore_mem>>) src(%arg11 : memref<10448xf32, #tpu.memory_space<vmem>>) dst(%dma_wait3A_292 : memref<10448xf32, #tpu.memory_space<vmem_shared>>)
    %dma_wait3A_293 = tpu.memref_slice %arg6[%add3A_284] : memref<668672xf32, #tpu.memory_space<vmem_shared>> -> memref<10448xf32, #tpu.memory_space<vmem_shared>>
    %dma_wait3A_294 = tpu.memref_slice %arg6[%add3A_284] : memref<668672xf32, #tpu.memory_space<vmem_shared>> -> memref<10448xf32, #tpu.memory_space<vmem_shared>>
    tpu.wait_dma2 semaphore(%arg13 : memref<!tpu.dma_semaphore, #tpu.memory_space<semaphore_mem>>) src(%arg11 : memref<10448xf32, #tpu.memory_space<vmem>>) dst(%dma_wait3A_294 : memref<10448xf32, #tpu.memory_space<vmem_shared>>)
    %barrier3A_295 = arith.constant 0 : index
    tpu.barrier barrier_id(%barrier3A_295)
    %add3A_296 = arith.constant 131072 : i32
    %add3A_297 = arith.addi %add3A_296, %mul3A_2 : i32
    "tpu.region"() ({
      %run_scoped3A = tpu.sem_alloc : memref<!tpu.dma_semaphore, #tpu.memory_space<semaphore_mem>>
      %dma_start3A_305 = tpu.memref_slice %arg4[%add3A_297] : memref<786432xf32, #tpu.memory_space<hbm>> -> memref<4096xf32, #tpu.memory_space<hbm>>
      %dma_start3A_306 = tpu.memref_slice %arg4[%add3A_297] : memref<786432xf32, #tpu.memory_space<hbm>> -> memref<4096xf32, #tpu.memory_space<hbm>>
      tpu.enqueue_dma source(%dma_start3A_306 : memref<4096xf32, #tpu.memory_space<hbm>>) target(%arg10 : memref<4096xf32, #tpu.memory_space<vmem>>) target_semaphore(%run_scoped3A : memref<!tpu.dma_semaphore, #tpu.memory_space<semaphore_mem>>)
      %dma_wait3A_307 = tpu.memref_slice %arg4[%add3A_297] : memref<786432xf32, #tpu.memory_space<hbm>> -> memref<4096xf32, #tpu.memory_space<hbm>>
      %dma_wait3A_308 = tpu.memref_slice %arg4[%add3A_297] : memref<786432xf32, #tpu.memory_space<hbm>> -> memref<4096xf32, #tpu.memory_space<hbm>>
      tpu.wait_dma2 semaphore(%run_scoped3A : memref<!tpu.dma_semaphore, #tpu.memory_space<semaphore_mem>>) src(%dma_wait3A_308 : memref<4096xf32, #tpu.memory_space<hbm>>) dst(%arg10 : memref<4096xf32, #tpu.memory_space<vmem>>)
      tpu.yield
    }) : () -> ()
    "tpu.region"() ({
      %run_scoped3A = tpu.sem_alloc : memref<!tpu.dma_semaphore, #tpu.memory_space<semaphore_mem>>
      %dma_start3A_305 = arith.constant 0 : i32
      %dma_start3A_306 = tpu.memref_slice %arg6[%dma_start3A_305] : memref<668672xf32, #tpu.memory_space<vmem_shared>> -> memref<668672xf32, #tpu.memory_space<vmem_shared>>
      tpu.enqueue_indirect_dma source(%arg10 : memref<4096xf32, #tpu.memory_space<vmem>>) target(%dma_start3A_306 : memref<668672xf32, #tpu.memory_space<vmem_shared>>) offsets(%arg9 : memref<4096xi32, #tpu.memory_space<vmem>>) semaphore(%run_scoped3A : memref<!tpu.dma_semaphore, #tpu.memory_space<semaphore_mem>>) {add = true}
      %dma_wait3A_307 = arith.constant 0 : i32
      %dma_wait3A_308 = tpu.memref_slice %arg6[%dma_wait3A_307] : memref<668672xf32, #tpu.memory_space<vmem_shared>> -> memref<668672xf32, #tpu.memory_space<vmem_shared>>
      tpu.wait_indirect_dma semaphore(%run_scoped3A : memref<!tpu.dma_semaphore, #tpu.memory_space<semaphore_mem>>) src(%arg10 : memref<4096xf32, #tpu.memory_space<vmem>>) dst(%dma_wait3A_308 : memref<668672xf32, #tpu.memory_space<vmem_shared>>)
      tpu.yield
    }) : () -> ()
    %barrier3A_298 = arith.constant 0 : index
    tpu.barrier barrier_id(%barrier3A_298)
    %eq3A_299 = arith.constant 0 : i32
    %eq3A_300 = arith.cmpi eq, %arg1, %eq3A_299 : i32
    %convert_element_type3A_301 = arith.extui %eq3A_300 : i1 to i32
    %cond3A_302 = arith.constant 0 : i32
    %cond3A_303 = arith.cmpi ne, %convert_element_type3A_301, %cond3A_302 : i32
    scf.if %cond3A_303 {
      %mul3A_305 = arith.constant 665600 : i32
      %mul3A_306 = arith.muli %arg0, %mul3A_305 : i32
      %add3A_307 = arith.constant 6656000 : i32
      %add3A_308 = arith.addi %add3A_307, %mul3A_306 : i32
      "tpu.region"() ({
        %run_scoped3A = tpu.sem_alloc : memref<!tpu.dma_semaphore, #tpu.memory_space<semaphore_mem>>
        %dma_start3A_309 = tpu.memref_slice %arg5[%add3A_308] : memref<9318400xf32, #tpu.memory_space<hbm>> -> memref<665600xf32, #tpu.memory_space<hbm>>
        %dma_start3A_310 = arith.constant 0 : i32
        %dma_start3A_311 = tpu.memref_slice %arg6[%dma_start3A_310] : memref<668672xf32, #tpu.memory_space<vmem_shared>> -> memref<665600xf32, #tpu.memory_space<vmem_shared>>
        tpu.enqueue_dma source(%dma_start3A_311 : memref<665600xf32, #tpu.memory_space<vmem_shared>>) target(%dma_start3A_309 : memref<665600xf32, #tpu.memory_space<hbm>>) target_semaphore(%run_scoped3A : memref<!tpu.dma_semaphore, #tpu.memory_space<semaphore_mem>>)
        %dma_wait3A_312 = tpu.memref_slice %arg5[%add3A_308] : memref<9318400xf32, #tpu.memory_space<hbm>> -> memref<665600xf32, #tpu.memory_space<hbm>>
        %dma_wait3A_313 = arith.constant 0 : i32
        %dma_wait3A_314 = tpu.memref_slice %arg6[%dma_wait3A_313] : memref<668672xf32, #tpu.memory_space<vmem_shared>> -> memref<665600xf32, #tpu.memory_space<vmem_shared>>
        tpu.wait_dma2 semaphore(%run_scoped3A : memref<!tpu.dma_semaphore, #tpu.memory_space<semaphore_mem>>) src(%dma_wait3A_314 : memref<665600xf32, #tpu.memory_space<vmem_shared>>) dst(%dma_wait3A_312 : memref<665600xf32, #tpu.memory_space<hbm>>)
        tpu.yield
      }) : () -> ()
    } else {
    }
    %barrier3A_304 = arith.constant 0 : index
    tpu.barrier barrier_id(%barrier3A_304)
    return
  }
}

#map = affine_map<(d0, d1) -> (0)>
module attributes {stable_mosaic.version = 14 : i64} {
  func.func @sck(%arg0: i32, %arg1: i32, %arg2: memref<262144xi32, #tpu.memory_space<hbm>>, %arg3: memref<786432xf32, #tpu.memory_space<hbm>>, %arg4: memref<786432xf32, #tpu.memory_space<hbm>>, %arg5: memref<9318400xf32, #tpu.memory_space<hbm>>, %arg6: memref<668672xf32, #tpu.memory_space<vmem_shared>>, %arg7: memref<668672xf32, #tpu.memory_space<vmem_shared>>, %arg8: memref<4096xi32, #tpu.memory_space<vmem>>, %arg9: memref<4096xi32, #tpu.memory_space<vmem>>, %arg10: memref<4096xf32, #tpu.memory_space<vmem>>, %arg11: memref<10448xf32, #tpu.memory_space<vmem>>, %arg12: memref<4096xf32, #tpu.memory_space<vmem>>, %arg13: memref<!tpu.dma_semaphore, #tpu.memory_space<semaphore_mem>>) attributes {dimension_semantics = [#tpu.dimension_semantics<core_parallel>, #tpu.dimension_semantics<subcore_parallel>], iteration_bounds = array<i64: 2, 16>, scalar_prefetch = 0 : i64, scratch_operands = 8 : i64, tpu.core_type = #tpu.core_type<sc_vector_subcore>, window_params = [{transform_indices = #map}, {transform_indices = #map}, {transform_indices = #map}, {transform_indices = #map}]} {
    %mul3A = arith.constant 665600 : i32
    %mul3A_0 = arith.muli %arg0, %mul3A : i32
    %mul3A_1 = arith.constant 4096 : i32
    %mul3A_2 = arith.muli %arg1, %mul3A_1 : i32
    %broadcast_in_dim3A = arith.constant 0.000000e+00 : f32
    %broadcast_in_dim3A_3 = vector.broadcast %broadcast_in_dim3A : f32 to vector<16xf32>
    %scan3A = arith.constant 0 : i32
    %scan3A_4 = arith.constant 0 : i32
    %scan3A_5 = arith.constant 653 : i32
    %scan3A_6 = arith.addi %scan3A_4, %scan3A_5 : i32
    %scan3A_7 = arith.constant 1 : i32
    %scan3A_8 = scf.for %scan3A_305 = %scan3A_4 to %scan3A_6 step %scan3A_7 iter_args(%scan3A_306 = %scan3A) -> (i32)  : i32 {
      %mul3A_307 = arith.constant 16 : i32
      %mul3A_308 = arith.muli %scan3A_305, %mul3A_307 : i32
      %swap3A = arith.index_cast %mul3A_308 : i32 to index
      %swap3A_309 = tpu.vector_load %arg11[%swap3A] {strides = array<i32>} : memref<10448xf32, #tpu.memory_space<vmem>>, vector<16xf32>,
      %swap3A_310 = vector.shape_cast %swap3A_309 : vector<16xf32> to vector<16xf32>
      %swap3A_311 = vector.shape_cast %broadcast_in_dim3A_3 : vector<16xf32> to vector<16xf32>
      tpu.vector_store %arg11[%swap3A], %swap3A_311 {strides = array<i32>} : memref<10448xf32, #tpu.memory_space<vmem>>, vector<16xf32>,
      %scan3A_312 = arith.constant 0 : i32
      scf.yield %scan3A_312 : i32
    }
    %scan3A_9 = arith.constant 653 : i32
    %broadcast_in_dim3A_10 = arith.constant 1.000000e+00 : f32
    %broadcast_in_dim3A_11 = vector.broadcast %broadcast_in_dim3A_10 : f32 to vector<16xf32>
    %scan3A_12 = arith.constant 0 : i32
    %scan3A_13 = arith.constant 0 : i32
    %scan3A_14 = arith.constant 256 : i32
    %scan3A_15 = arith.addi %scan3A_13, %scan3A_14 : i32
    %scan3A_16 = arith.constant 1 : i32
    %scan3A_17 = scf.for %scan3A_305 = %scan3A_13 to %scan3A_15 step %scan3A_16 iter_args(%scan3A_306 = %scan3A_12) -> (i32)  : i32 {
      %mul3A_307 = arith.constant 16 : i32
      %mul3A_308 = arith.muli %scan3A_305, %mul3A_307 : i32
      %swap3A = arith.index_cast %mul3A_308 : i32 to index
      %swap3A_309 = tpu.vector_load %arg12[%swap3A] {strides = array<i32>} : memref<4096xf32, #tpu.memory_space<vmem>>, vector<16xf32>,
      %swap3A_310 = vector.shape_cast %swap3A_309 : vector<16xf32> to vector<16xf32>
      %swap3A_311 = vector.shape_cast %broadcast_in_dim3A_11 : vector<16xf32> to vector<16xf32>
      tpu.vector_store %arg12[%swap3A], %swap3A_311 {strides = array<i32>} : memref<4096xf32, #tpu.memory_space<vmem>>, vector<16xf32>,
      %scan3A_312 = arith.constant 0 : i32
      scf.yield %scan3A_312 : i32
    }
    %scan3A_18 = arith.constant 256 : i32
    %iota3A = tpu.iota {dimensions = array<i32: 0>} : vector<16xi32>
    %add3A = arith.constant 131072 : i32
    %add3A_19 = arith.addi %add3A, %mul3A_2 : i32
    "tpu.region"() ({
      %run_scoped3A = tpu.sem_alloc : memref<!tpu.dma_semaphore, #tpu.memory_space<semaphore_mem>>
      %dma_start3A_305 = tpu.memref_slice %arg2[%add3A_19] : memref<262144xi32, #tpu.memory_space<hbm>> -> memref<4096xi32, #tpu.memory_space<hbm>>
      %dma_start3A_306 = tpu.memref_slice %arg2[%add3A_19] : memref<262144xi32, #tpu.memory_space<hbm>> -> memref<4096xi32, #tpu.memory_space<hbm>>
      tpu.enqueue_dma source(%dma_start3A_306 : memref<4096xi32, #tpu.memory_space<hbm>>) target(%arg8 : memref<4096xi32, #tpu.memory_space<vmem>>) target_semaphore(%run_scoped3A : memref<!tpu.dma_semaphore, #tpu.memory_space<semaphore_mem>>)
      %dma_wait3A_307 = tpu.memref_slice %arg2[%add3A_19] : memref<262144xi32, #tpu.memory_space<hbm>> -> memref<4096xi32, #tpu.memory_space<hbm>>
      %dma_wait3A_308 = tpu.memref_slice %arg2[%add3A_19] : memref<262144xi32, #tpu.memory_space<hbm>> -> memref<4096xi32, #tpu.memory_space<hbm>>
      tpu.wait_dma2 semaphore(%run_scoped3A : memref<!tpu.dma_semaphore, #tpu.memory_space<semaphore_mem>>) src(%dma_wait3A_308 : memref<4096xi32, #tpu.memory_space<hbm>>) dst(%arg8 : memref<4096xi32, #tpu.memory_space<vmem>>)
      tpu.yield
    }) : () -> ()
    %scan3A_20 = arith.constant 0 : i32
    %scan3A_21 = arith.constant 0 : i32
    %scan3A_22 = arith.constant 256 : i32
    %scan3A_23 = arith.addi %scan3A_21, %scan3A_22 : i32
    %scan3A_24 = arith.constant 1 : i32
    %scan3A_25 = scf.for %scan3A_305 = %scan3A_21 to %scan3A_23 step %scan3A_24 iter_args(%scan3A_306 = %scan3A_20) -> (i32)  : i32 {
      %mul3A_307 = arith.constant 16 : i32
      %mul3A_308 = arith.muli %scan3A_305, %mul3A_307 : i32
      %get3A = arith.index_cast %mul3A_308 : i32 to index
      %get3A_309 = tpu.vector_load %arg8[%get3A] {strides = array<i32>} : memref<4096xi32, #tpu.memory_space<vmem>>, vector<16xi32>,
      %get3A_310 = vector.shape_cast %get3A_309 : vector<16xi32> to vector<16xi32>
      %sub3A = vector.broadcast %mul3A_0 : i32 to vector<16xi32>
      %sub3A_311 = arith.subi %get3A_310, %sub3A : vector<16xi32>
      %ge3A = arith.constant 0 : i32
      %ge3A_312 = vector.broadcast %ge3A : i32 to vector<16xi32>
      %ge3A_313 = arith.cmpi sge, %sub3A_311, %ge3A_312 : vector<16xi32>
      %lt3A = arith.constant 665600 : i32
      %lt3A_314 = vector.broadcast %lt3A : i32 to vector<16xi32>
      %lt3A_315 = arith.cmpi slt, %sub3A_311, %lt3A_314 : vector<16xi32>
      %and3A = arith.andi %ge3A_313, %lt3A_315 : vector<16xi1>
      %mul3A_316 = arith.constant 16 : i32
      %mul3A_317 = arith.muli %scan3A_305, %mul3A_316 : i32
      %add3A_318 = vector.broadcast %mul3A_317 : i32 to vector<16xi32>
      %add3A_319 = arith.addi %add3A_318, %iota3A : vector<16xi32>
      %and3A_320 = arith.constant 2047 : i32
      %and3A_321 = vector.broadcast %and3A_320 : i32 to vector<16xi32>
      %and3A_322 = arith.andi %add3A_319, %and3A_321 : vector<16xi32>
      %add3A_323 = arith.constant 665600 : i32
      %add3A_324 = vector.broadcast %add3A_323 : i32 to vector<16xi32>
      %add3A_325 = arith.addi %add3A_324, %and3A_322 : vector<16xi32>
      %select_n3A = arith.select %and3A, %sub3A_311, %add3A_325 : vector<16xi1>, vector<16xi32>
      %mul3A_326 = arith.constant 16 : i32
      %mul3A_327 = arith.muli %scan3A_305, %mul3A_326 : i32
      %swap3A = arith.index_cast %mul3A_327 : i32 to index
      %swap3A_328 = tpu.vector_load %arg9[%swap3A] {strides = array<i32>} : memref<4096xi32, #tpu.memory_space<vmem>>, vector<16xi32>,
      %swap3A_329 = vector.shape_cast %swap3A_328 : vector<16xi32> to vector<16xi32>
      %swap3A_330 = vector.shape_cast %select_n3A : vector<16xi32> to vector<16xi32>
      tpu.vector_store %arg9[%swap3A], %swap3A_330 {strides = array<i32>} : memref<4096xi32, #tpu.memory_space<vmem>>, vector<16xi32>,
      %scan3A_331 = arith.constant 0 : i32
      scf.yield %scan3A_331 : i32
    }
    %scan3A_26 = arith.constant 256 : i32
    %barrier3A = arith.constant 0 : index
    tpu.barrier barrier_id(%barrier3A)
    %mul3A_27 = arith.constant 41792 : i32
    %mul3A_28 = arith.muli %arg1, %mul3A_27 : i32
    %add3A_29 = arith.constant 0 : i32
    %add3A_30 = arith.addi %mul3A_28, %add3A_29 : i32
    %dma_start3A = tpu.memref_slice %arg6[%add3A_30] : memref<668672xf32, #tpu.memory_space<vmem_shared>> -> memref<10448xf32, #tpu.memory_space<vmem_shared>>
    %dma_start3A_31 = tpu.memref_slice %arg6[%add3A_30] : memref<668672xf32, #tpu.memory_space<vmem_shared>> -> memref<10448xf32, #tpu.memory_space<vmem_shared>>
    tpu.enqueue_dma source(%arg11 : memref<10448xf32, #tpu.memory_space<vmem>>) target(%dma_start3A_31 : memref<10448xf32, #tpu.memory_space<vmem_shared>>) target_semaphore(%arg13 : memref<!tpu.dma_semaphore, #tpu.memory_space<semaphore_mem>>)
    %mul3A_32 = arith.constant 41792 : i32
    %mul3A_33 = arith.muli %arg1, %mul3A_32 : i32
    %add3A_34 = arith.constant 10448 : i32
    %add3A_35 = arith.addi %mul3A_33, %add3A_34 : i32
    %dma_start3A_36 = tpu.memref_slice %arg6[%add3A_35] : memref<668672xf32, #tpu.memory_space<vmem_shared>> -> memref<10448xf32, #tpu.memory_space<vmem_shared>>
    %dma_start3A_37 = tpu.memref_slice %arg6[%add3A_35] : memref<668672xf32, #tpu.memory_space<vmem_shared>> -> memref<10448xf32, #tpu.memory_space<vmem_shared>>
    tpu.enqueue_dma source(%arg11 : memref<10448xf32, #tpu.memory_space<vmem>>) target(%dma_start3A_37 : memref<10448xf32, #tpu.memory_space<vmem_shared>>) target_semaphore(%arg13 : memref<!tpu.dma_semaphore, #tpu.memory_space<semaphore_mem>>)
    %mul3A_38 = arith.constant 41792 : i32
    %mul3A_39 = arith.muli %arg1, %mul3A_38 : i32
    %add3A_40 = arith.constant 20896 : i32
    %add3A_41 = arith.addi %mul3A_39, %add3A_40 : i32
    %dma_start3A_42 = tpu.memref_slice %arg6[%add3A_41] : memref<668672xf32, #tpu.memory_space<vmem_shared>> -> memref<10448xf32, #tpu.memory_space<vmem_shared>>
    %dma_start3A_43 = tpu.memref_slice %arg6[%add3A_41] : memref<668672xf32, #tpu.memory_space<vmem_shared>> -> memref<10448xf32, #tpu.memory_space<vmem_shared>>
    tpu.enqueue_dma source(%arg11 : memref<10448xf32, #tpu.memory_space<vmem>>) target(%dma_start3A_43 : memref<10448xf32, #tpu.memory_space<vmem_shared>>) target_semaphore(%arg13 : memref<!tpu.dma_semaphore, #tpu.memory_space<semaphore_mem>>)
    %mul3A_44 = arith.constant 41792 : i32
    %mul3A_45 = arith.muli %arg1, %mul3A_44 : i32
    %add3A_46 = arith.constant 31344 : i32
    %add3A_47 = arith.addi %mul3A_45, %add3A_46 : i32
    %dma_start3A_48 = tpu.memref_slice %arg6[%add3A_47] : memref<668672xf32, #tpu.memory_space<vmem_shared>> -> memref<10448xf32, #tpu.memory_space<vmem_shared>>
    %dma_start3A_49 = tpu.memref_slice %arg6[%add3A_47] : memref<668672xf32, #tpu.memory_space<vmem_shared>> -> memref<10448xf32, #tpu.memory_space<vmem_shared>>
    tpu.enqueue_dma source(%arg11 : memref<10448xf32, #tpu.memory_space<vmem>>) target(%dma_start3A_49 : memref<10448xf32, #tpu.memory_space<vmem_shared>>) target_semaphore(%arg13 : memref<!tpu.dma_semaphore, #tpu.memory_space<semaphore_mem>>)
    %mul3A_50 = arith.constant 41792 : i32
    %mul3A_51 = arith.muli %arg1, %mul3A_50 : i32
    %add3A_52 = arith.constant 0 : i32
    %add3A_53 = arith.addi %mul3A_51, %add3A_52 : i32
    %dma_start3A_54 = tpu.memref_slice %arg7[%add3A_53] : memref<668672xf32, #tpu.memory_space<vmem_shared>> -> memref<10448xf32, #tpu.memory_space<vmem_shared>>
    %dma_start3A_55 = tpu.memref_slice %arg7[%add3A_53] : memref<668672xf32, #tpu.memory_space<vmem_shared>> -> memref<10448xf32, #tpu.memory_space<vmem_shared>>
    tpu.enqueue_dma source(%arg11 : memref<10448xf32, #tpu.memory_space<vmem>>) target(%dma_start3A_55 : memref<10448xf32, #tpu.memory_space<vmem_shared>>) target_semaphore(%arg13 : memref<!tpu.dma_semaphore, #tpu.memory_space<semaphore_mem>>)
    %mul3A_56 = arith.constant 41792 : i32
    %mul3A_57 = arith.muli %arg1, %mul3A_56 : i32
    %add3A_58 = arith.constant 10448 : i32
    %add3A_59 = arith.addi %mul3A_57, %add3A_58 : i32
    %dma_start3A_60 = tpu.memref_slice %arg7[%add3A_59] : memref<668672xf32, #tpu.memory_space<vmem_shared>> -> memref<10448xf32, #tpu.memory_space<vmem_shared>>
    %dma_start3A_61 = tpu.memref_slice %arg7[%add3A_59] : memref<668672xf32, #tpu.memory_space<vmem_shared>> -> memref<10448xf32, #tpu.memory_space<vmem_shared>>
    tpu.enqueue_dma source(%arg11 : memref<10448xf32, #tpu.memory_space<vmem>>) target(%dma_start3A_61 : memref<10448xf32, #tpu.memory_space<vmem_shared>>) target_semaphore(%arg13 : memref<!tpu.dma_semaphore, #tpu.memory_space<semaphore_mem>>)
    %mul3A_62 = arith.constant 41792 : i32
    %mul3A_63 = arith.muli %arg1, %mul3A_62 : i32
    %add3A_64 = arith.constant 20896 : i32
    %add3A_65 = arith.addi %mul3A_63, %add3A_64 : i32
    %dma_start3A_66 = tpu.memref_slice %arg7[%add3A_65] : memref<668672xf32, #tpu.memory_space<vmem_shared>> -> memref<10448xf32, #tpu.memory_space<vmem_shared>>
    %dma_start3A_67 = tpu.memref_slice %arg7[%add3A_65] : memref<668672xf32, #tpu.memory_space<vmem_shared>> -> memref<10448xf32, #tpu.memory_space<vmem_shared>>
    tpu.enqueue_dma source(%arg11 : memref<10448xf32, #tpu.memory_space<vmem>>) target(%dma_start3A_67 : memref<10448xf32, #tpu.memory_space<vmem_shared>>) target_semaphore(%arg13 : memref<!tpu.dma_semaphore, #tpu.memory_space<semaphore_mem>>)
    %mul3A_68 = arith.constant 41792 : i32
    %mul3A_69 = arith.muli %arg1, %mul3A_68 : i32
    %add3A_70 = arith.constant 31344 : i32
    %add3A_71 = arith.addi %mul3A_69, %add3A_70 : i32
    %dma_start3A_72 = tpu.memref_slice %arg7[%add3A_71] : memref<668672xf32, #tpu.memory_space<vmem_shared>> -> memref<10448xf32, #tpu.memory_space<vmem_shared>>
    %dma_start3A_73 = tpu.memref_slice %arg7[%add3A_71] : memref<668672xf32, #tpu.memory_space<vmem_shared>> -> memref<10448xf32, #tpu.memory_space<vmem_shared>>
    tpu.enqueue_dma source(%arg11 : memref<10448xf32, #tpu.memory_space<vmem>>) target(%dma_start3A_73 : memref<10448xf32, #tpu.memory_space<vmem_shared>>) target_semaphore(%arg13 : memref<!tpu.dma_semaphore, #tpu.memory_space<semaphore_mem>>)
    %dma_wait3A = tpu.memref_slice %arg6[%add3A_30] : memref<668672xf32, #tpu.memory_space<vmem_shared>> -> memref<10448xf32, #tpu.memory_space<vmem_shared>>
    %dma_wait3A_74 = tpu.memref_slice %arg6[%add3A_30] : memref<668672xf32, #tpu.memory_space<vmem_shared>> -> memref<10448xf32, #tpu.memory_space<vmem_shared>>
    tpu.wait_dma2 semaphore(%arg13 : memref<!tpu.dma_semaphore, #tpu.memory_space<semaphore_mem>>) src(%arg11 : memref<10448xf32, #tpu.memory_space<vmem>>) dst(%dma_wait3A_74 : memref<10448xf32, #tpu.memory_space<vmem_shared>>)
    %dma_wait3A_75 = tpu.memref_slice %arg6[%add3A_35] : memref<668672xf32, #tpu.memory_space<vmem_shared>> -> memref<10448xf32, #tpu.memory_space<vmem_shared>>
    %dma_wait3A_76 = tpu.memref_slice %arg6[%add3A_35] : memref<668672xf32, #tpu.memory_space<vmem_shared>> -> memref<10448xf32, #tpu.memory_space<vmem_shared>>
    tpu.wait_dma2 semaphore(%arg13 : memref<!tpu.dma_semaphore, #tpu.memory_space<semaphore_mem>>) src(%arg11 : memref<10448xf32, #tpu.memory_space<vmem>>) dst(%dma_wait3A_76 : memref<10448xf32, #tpu.memory_space<vmem_shared>>)
    %dma_wait3A_77 = tpu.memref_slice %arg6[%add3A_41] : memref<668672xf32, #tpu.memory_space<vmem_shared>> -> memref<10448xf32, #tpu.memory_space<vmem_shared>>
    %dma_wait3A_78 = tpu.memref_slice %arg6[%add3A_41] : memref<668672xf32, #tpu.memory_space<vmem_shared>> -> memref<10448xf32, #tpu.memory_space<vmem_shared>>
    tpu.wait_dma2 semaphore(%arg13 : memref<!tpu.dma_semaphore, #tpu.memory_space<semaphore_mem>>) src(%arg11 : memref<10448xf32, #tpu.memory_space<vmem>>) dst(%dma_wait3A_78 : memref<10448xf32, #tpu.memory_space<vmem_shared>>)
    %dma_wait3A_79 = tpu.memref_slice %arg6[%add3A_47] : memref<668672xf32, #tpu.memory_space<vmem_shared>> -> memref<10448xf32, #tpu.memory_space<vmem_shared>>
    %dma_wait3A_80 = tpu.memref_slice %arg6[%add3A_47] : memref<668672xf32, #tpu.memory_space<vmem_shared>> -> memref<10448xf32, #tpu.memory_space<vmem_shared>>
    tpu.wait_dma2 semaphore(%arg13 : memref<!tpu.dma_semaphore, #tpu.memory_space<semaphore_mem>>) src(%arg11 : memref<10448xf32, #tpu.memory_space<vmem>>) dst(%dma_wait3A_80 : memref<10448xf32, #tpu.memory_space<vmem_shared>>)
    %dma_wait3A_81 = tpu.memref_slice %arg7[%add3A_53] : memref<668672xf32, #tpu.memory_space<vmem_shared>> -> memref<10448xf32, #tpu.memory_space<vmem_shared>>
    %dma_wait3A_82 = tpu.memref_slice %arg7[%add3A_53] : memref<668672xf32, #tpu.memory_space<vmem_shared>> -> memref<10448xf32, #tpu.memory_space<vmem_shared>>
    tpu.wait_dma2 semaphore(%arg13 : memref<!tpu.dma_semaphore, #tpu.memory_space<semaphore_mem>>) src(%arg11 : memref<10448xf32, #tpu.memory_space<vmem>>) dst(%dma_wait3A_82 : memref<10448xf32, #tpu.memory_space<vmem_shared>>)
    %dma_wait3A_83 = tpu.memref_slice %arg7[%add3A_59] : memref<668672xf32, #tpu.memory_space<vmem_shared>> -> memref<10448xf32, #tpu.memory_space<vmem_shared>>
    %dma_wait3A_84 = tpu.memref_slice %arg7[%add3A_59] : memref<668672xf32, #tpu.memory_space<vmem_shared>> -> memref<10448xf32, #tpu.memory_space<vmem_shared>>
    tpu.wait_dma2 semaphore(%arg13 : memref<!tpu.dma_semaphore, #tpu.memory_space<semaphore_mem>>) src(%arg11 : memref<10448xf32, #tpu.memory_space<vmem>>) dst(%dma_wait3A_84 : memref<10448xf32, #tpu.memory_space<vmem_shared>>)
    %dma_wait3A_85 = tpu.memref_slice %arg7[%add3A_65] : memref<668672xf32, #tpu.memory_space<vmem_shared>> -> memref<10448xf32, #tpu.memory_space<vmem_shared>>
    %dma_wait3A_86 = tpu.memref_slice %arg7[%add3A_65] : memref<668672xf32, #tpu.memory_space<vmem_shared>> -> memref<10448xf32, #tpu.memory_space<vmem_shared>>
    tpu.wait_dma2 semaphore(%arg13 : memref<!tpu.dma_semaphore, #tpu.memory_space<semaphore_mem>>) src(%arg11 : memref<10448xf32, #tpu.memory_space<vmem>>) dst(%dma_wait3A_86 : memref<10448xf32, #tpu.memory_space<vmem_shared>>)
    %dma_wait3A_87 = tpu.memref_slice %arg7[%add3A_71] : memref<668672xf32, #tpu.memory_space<vmem_shared>> -> memref<10448xf32, #tpu.memory_space<vmem_shared>>
    %dma_wait3A_88 = tpu.memref_slice %arg7[%add3A_71] : memref<668672xf32, #tpu.memory_space<vmem_shared>> -> memref<10448xf32, #tpu.memory_space<vmem_shared>>
    tpu.wait_dma2 semaphore(%arg13 : memref<!tpu.dma_semaphore, #tpu.memory_space<semaphore_mem>>) src(%arg11 : memref<10448xf32, #tpu.memory_space<vmem>>) dst(%dma_wait3A_88 : memref<10448xf32, #tpu.memory_space<vmem_shared>>)
    %barrier3A_89 = arith.constant 0 : index
    tpu.barrier barrier_id(%barrier3A_89)
    "tpu.region"() ({
      %run_scoped3A = tpu.sem_alloc : memref<!tpu.dma_semaphore, #tpu.memory_space<semaphore_mem>>
      %dma_start3A_305 = arith.constant 0 : i32
      %dma_start3A_306 = tpu.memref_slice %arg6[%dma_start3A_305] : memref<668672xf32, #tpu.memory_space<vmem_shared>> -> memref<668672xf32, #tpu.memory_space<vmem_shared>>
      tpu.enqueue_indirect_dma source(%arg12 : memref<4096xf32, #tpu.memory_space<vmem>>) target(%dma_start3A_306 : memref<668672xf32, #tpu.memory_space<vmem_shared>>) offsets(%arg9 : memref<4096xi32, #tpu.memory_space<vmem>>) semaphore(%run_scoped3A : memref<!tpu.dma_semaphore, #tpu.memory_space<semaphore_mem>>) {add = true}
      %dma_wait3A_307 = arith.constant 0 : i32
      %dma_wait3A_308 = tpu.memref_slice %arg6[%dma_wait3A_307] : memref<668672xf32, #tpu.memory_space<vmem_shared>> -> memref<668672xf32, #tpu.memory_space<vmem_shared>>
      tpu.wait_indirect_dma semaphore(%run_scoped3A : memref<!tpu.dma_semaphore, #tpu.memory_space<semaphore_mem>>) src(%arg12 : memref<4096xf32, #tpu.memory_space<vmem>>) dst(%dma_wait3A_308 : memref<668672xf32, #tpu.memory_space<vmem_shared>>)
      tpu.yield
    }) : () -> ()
    %add3A_90 = arith.constant 393216 : i32
    %add3A_91 = arith.addi %add3A_90, %mul3A_2 : i32
    "tpu.region"() ({
      %run_scoped3A = tpu.sem_alloc : memref<!tpu.dma_semaphore, #tpu.memory_space<semaphore_mem>>
      %dma_start3A_305 = tpu.memref_slice %arg3[%add3A_91] : memref<786432xf32, #tpu.memory_space<hbm>> -> memref<4096xf32, #tpu.memory_space<hbm>>
      %dma_start3A_306 = tpu.memref_slice %arg3[%add3A_91] : memref<786432xf32, #tpu.memory_space<hbm>> -> memref<4096xf32, #tpu.memory_space<hbm>>
      tpu.enqueue_dma source(%dma_start3A_306 : memref<4096xf32, #tpu.memory_space<hbm>>) target(%arg10 : memref<4096xf32, #tpu.memory_space<vmem>>) target_semaphore(%run_scoped3A : memref<!tpu.dma_semaphore, #tpu.memory_space<semaphore_mem>>)
      %dma_wait3A_307 = tpu.memref_slice %arg3[%add3A_91] : memref<786432xf32, #tpu.memory_space<hbm>> -> memref<4096xf32, #tpu.memory_space<hbm>>
      %dma_wait3A_308 = tpu.memref_slice %arg3[%add3A_91] : memref<786432xf32, #tpu.memory_space<hbm>> -> memref<4096xf32, #tpu.memory_space<hbm>>
      tpu.wait_dma2 semaphore(%run_scoped3A : memref<!tpu.dma_semaphore, #tpu.memory_space<semaphore_mem>>) src(%dma_wait3A_308 : memref<4096xf32, #tpu.memory_space<hbm>>) dst(%arg10 : memref<4096xf32, #tpu.memory_space<vmem>>)
      tpu.yield
    }) : () -> ()
    "tpu.region"() ({
      %run_scoped3A = tpu.sem_alloc : memref<!tpu.dma_semaphore, #tpu.memory_space<semaphore_mem>>
      %dma_start3A_305 = arith.constant 0 : i32
      %dma_start3A_306 = tpu.memref_slice %arg7[%dma_start3A_305] : memref<668672xf32, #tpu.memory_space<vmem_shared>> -> memref<668672xf32, #tpu.memory_space<vmem_shared>>
      tpu.enqueue_indirect_dma source(%arg10 : memref<4096xf32, #tpu.memory_space<vmem>>) target(%dma_start3A_306 : memref<668672xf32, #tpu.memory_space<vmem_shared>>) offsets(%arg9 : memref<4096xi32, #tpu.memory_space<vmem>>) semaphore(%run_scoped3A : memref<!tpu.dma_semaphore, #tpu.memory_space<semaphore_mem>>) {add = true}
      %dma_wait3A_307 = arith.constant 0 : i32
      %dma_wait3A_308 = tpu.memref_slice %arg7[%dma_wait3A_307] : memref<668672xf32, #tpu.memory_space<vmem_shared>> -> memref<668672xf32, #tpu.memory_space<vmem_shared>>
      tpu.wait_indirect_dma semaphore(%run_scoped3A : memref<!tpu.dma_semaphore, #tpu.memory_space<semaphore_mem>>) src(%arg10 : memref<4096xf32, #tpu.memory_space<vmem>>) dst(%dma_wait3A_308 : memref<668672xf32, #tpu.memory_space<vmem_shared>>)
      tpu.yield
    }) : () -> ()
    %barrier3A_92 = arith.constant 0 : index
    tpu.barrier barrier_id(%barrier3A_92)
    %eq3A = arith.constant 0 : i32
    %eq3A_93 = arith.cmpi eq, %arg1, %eq3A : i32
    %convert_element_type3A = arith.extui %eq3A_93 : i1 to i32
    %cond3A = arith.constant 0 : i32
    %cond3A_94 = arith.cmpi ne, %convert_element_type3A, %cond3A : i32
    scf.if %cond3A_94 {
      %mul3A_305 = arith.constant 665600 : i32
      %mul3A_306 = arith.muli %arg0, %mul3A_305 : i32
      %add3A_307 = arith.constant 7987200 : i32
      %add3A_308 = arith.addi %add3A_307, %mul3A_306 : i32
      "tpu.region"() ({
        %run_scoped3A = tpu.sem_alloc : memref<!tpu.dma_semaphore, #tpu.memory_space<semaphore_mem>>
        %dma_start3A_309 = tpu.memref_slice %arg5[%add3A_308] : memref<9318400xf32, #tpu.memory_space<hbm>> -> memref<665600xf32, #tpu.memory_space<hbm>>
        %dma_start3A_310 = arith.constant 0 : i32
        %dma_start3A_311 = tpu.memref_slice %arg6[%dma_start3A_310] : memref<668672xf32, #tpu.memory_space<vmem_shared>> -> memref<665600xf32, #tpu.memory_space<vmem_shared>>
        tpu.enqueue_dma source(%dma_start3A_311 : memref<665600xf32, #tpu.memory_space<vmem_shared>>) target(%dma_start3A_309 : memref<665600xf32, #tpu.memory_space<hbm>>) target_semaphore(%run_scoped3A : memref<!tpu.dma_semaphore, #tpu.memory_space<semaphore_mem>>)
        %dma_wait3A_312 = tpu.memref_slice %arg5[%add3A_308] : memref<9318400xf32, #tpu.memory_space<hbm>> -> memref<665600xf32, #tpu.memory_space<hbm>>
        %dma_wait3A_313 = arith.constant 0 : i32
        %dma_wait3A_314 = tpu.memref_slice %arg6[%dma_wait3A_313] : memref<668672xf32, #tpu.memory_space<vmem_shared>> -> memref<665600xf32, #tpu.memory_space<vmem_shared>>
        tpu.wait_dma2 semaphore(%run_scoped3A : memref<!tpu.dma_semaphore, #tpu.memory_space<semaphore_mem>>) src(%dma_wait3A_314 : memref<665600xf32, #tpu.memory_space<vmem_shared>>) dst(%dma_wait3A_312 : memref<665600xf32, #tpu.memory_space<hbm>>)
        tpu.yield
      }) : () -> ()
    } else {
    }
    %eq3A_95 = arith.constant 1 : i32
    %eq3A_96 = arith.cmpi eq, %arg1, %eq3A_95 : i32
    %convert_element_type3A_97 = arith.extui %eq3A_96 : i1 to i32
    %cond3A_98 = arith.constant 0 : i32
    %cond3A_99 = arith.cmpi ne, %convert_element_type3A_97, %cond3A_98 : i32
    scf.if %cond3A_99 {
      %mul3A_305 = arith.constant 665600 : i32
      %mul3A_306 = arith.muli %arg0, %mul3A_305 : i32
      %add3A_307 = arith.constant 0 : i32
      %add3A_308 = arith.addi %add3A_307, %mul3A_306 : i32
      "tpu.region"() ({
        %run_scoped3A = tpu.sem_alloc : memref<!tpu.dma_semaphore, #tpu.memory_space<semaphore_mem>>
        %dma_start3A_309 = tpu.memref_slice %arg5[%add3A_308] : memref<9318400xf32, #tpu.memory_space<hbm>> -> memref<665600xf32, #tpu.memory_space<hbm>>
        %dma_start3A_310 = arith.constant 0 : i32
        %dma_start3A_311 = tpu.memref_slice %arg7[%dma_start3A_310] : memref<668672xf32, #tpu.memory_space<vmem_shared>> -> memref<665600xf32, #tpu.memory_space<vmem_shared>>
        tpu.enqueue_dma source(%dma_start3A_311 : memref<665600xf32, #tpu.memory_space<vmem_shared>>) target(%dma_start3A_309 : memref<665600xf32, #tpu.memory_space<hbm>>) target_semaphore(%run_scoped3A : memref<!tpu.dma_semaphore, #tpu.memory_space<semaphore_mem>>)
        %dma_wait3A_312 = tpu.memref_slice %arg5[%add3A_308] : memref<9318400xf32, #tpu.memory_space<hbm>> -> memref<665600xf32, #tpu.memory_space<hbm>>
        %dma_wait3A_313 = arith.constant 0 : i32
        %dma_wait3A_314 = tpu.memref_slice %arg7[%dma_wait3A_313] : memref<668672xf32, #tpu.memory_space<vmem_shared>> -> memref<665600xf32, #tpu.memory_space<vmem_shared>>
        tpu.wait_dma2 semaphore(%run_scoped3A : memref<!tpu.dma_semaphore, #tpu.memory_space<semaphore_mem>>) src(%dma_wait3A_314 : memref<665600xf32, #tpu.memory_space<vmem_shared>>) dst(%dma_wait3A_312 : memref<665600xf32, #tpu.memory_space<hbm>>)
        tpu.yield
      }) : () -> ()
    } else {
    }
    %barrier3A_100 = arith.constant 0 : index
    tpu.barrier barrier_id(%barrier3A_100)
    %mul3A_101 = arith.constant 41792 : i32
    %mul3A_102 = arith.muli %arg1, %mul3A_101 : i32
    %add3A_103 = arith.constant 0 : i32
    %add3A_104 = arith.addi %mul3A_102, %add3A_103 : i32
    %dma_start3A_105 = tpu.memref_slice %arg6[%add3A_104] : memref<668672xf32, #tpu.memory_space<vmem_shared>> -> memref<10448xf32, #tpu.memory_space<vmem_shared>>
    %dma_start3A_106 = tpu.memref_slice %arg6[%add3A_104] : memref<668672xf32, #tpu.memory_space<vmem_shared>> -> memref<10448xf32, #tpu.memory_space<vmem_shared>>
    tpu.enqueue_dma source(%arg11 : memref<10448xf32, #tpu.memory_space<vmem>>) target(%dma_start3A_106 : memref<10448xf32, #tpu.memory_space<vmem_shared>>) target_semaphore(%arg13 : memref<!tpu.dma_semaphore, #tpu.memory_space<semaphore_mem>>)
    %mul3A_107 = arith.constant 41792 : i32
    %mul3A_108 = arith.muli %arg1, %mul3A_107 : i32
    %add3A_109 = arith.constant 10448 : i32
    %add3A_110 = arith.addi %mul3A_108, %add3A_109 : i32
    %dma_start3A_111 = tpu.memref_slice %arg6[%add3A_110] : memref<668672xf32, #tpu.memory_space<vmem_shared>> -> memref<10448xf32, #tpu.memory_space<vmem_shared>>
    %dma_start3A_112 = tpu.memref_slice %arg6[%add3A_110] : memref<668672xf32, #tpu.memory_space<vmem_shared>> -> memref<10448xf32, #tpu.memory_space<vmem_shared>>
    tpu.enqueue_dma source(%arg11 : memref<10448xf32, #tpu.memory_space<vmem>>) target(%dma_start3A_112 : memref<10448xf32, #tpu.memory_space<vmem_shared>>) target_semaphore(%arg13 : memref<!tpu.dma_semaphore, #tpu.memory_space<semaphore_mem>>)
    %mul3A_113 = arith.constant 41792 : i32
    %mul3A_114 = arith.muli %arg1, %mul3A_113 : i32
    %add3A_115 = arith.constant 20896 : i32
    %add3A_116 = arith.addi %mul3A_114, %add3A_115 : i32
    %dma_start3A_117 = tpu.memref_slice %arg6[%add3A_116] : memref<668672xf32, #tpu.memory_space<vmem_shared>> -> memref<10448xf32, #tpu.memory_space<vmem_shared>>
    %dma_start3A_118 = tpu.memref_slice %arg6[%add3A_116] : memref<668672xf32, #tpu.memory_space<vmem_shared>> -> memref<10448xf32, #tpu.memory_space<vmem_shared>>
    tpu.enqueue_dma source(%arg11 : memref<10448xf32, #tpu.memory_space<vmem>>) target(%dma_start3A_118 : memref<10448xf32, #tpu.memory_space<vmem_shared>>) target_semaphore(%arg13 : memref<!tpu.dma_semaphore, #tpu.memory_space<semaphore_mem>>)
    %mul3A_119 = arith.constant 41792 : i32
    %mul3A_120 = arith.muli %arg1, %mul3A_119 : i32
    %add3A_121 = arith.constant 31344 : i32
    %add3A_122 = arith.addi %mul3A_120, %add3A_121 : i32
    %dma_start3A_123 = tpu.memref_slice %arg6[%add3A_122] : memref<668672xf32, #tpu.memory_space<vmem_shared>> -> memref<10448xf32, #tpu.memory_space<vmem_shared>>
    %dma_start3A_124 = tpu.memref_slice %arg6[%add3A_122] : memref<668672xf32, #tpu.memory_space<vmem_shared>> -> memref<10448xf32, #tpu.memory_space<vmem_shared>>
    tpu.enqueue_dma source(%arg11 : memref<10448xf32, #tpu.memory_space<vmem>>) target(%dma_start3A_124 : memref<10448xf32, #tpu.memory_space<vmem_shared>>) target_semaphore(%arg13 : memref<!tpu.dma_semaphore, #tpu.memory_space<semaphore_mem>>)
    %mul3A_125 = arith.constant 41792 : i32
    %mul3A_126 = arith.muli %arg1, %mul3A_125 : i32
    %add3A_127 = arith.constant 0 : i32
    %add3A_128 = arith.addi %mul3A_126, %add3A_127 : i32
    %dma_start3A_129 = tpu.memref_slice %arg7[%add3A_128] : memref<668672xf32, #tpu.memory_space<vmem_shared>> -> memref<10448xf32, #tpu.memory_space<vmem_shared>>
    %dma_start3A_130 = tpu.memref_slice %arg7[%add3A_128] : memref<668672xf32, #tpu.memory_space<vmem_shared>> -> memref<10448xf32, #tpu.memory_space<vmem_shared>>
    tpu.enqueue_dma source(%arg11 : memref<10448xf32, #tpu.memory_space<vmem>>) target(%dma_start3A_130 : memref<10448xf32, #tpu.memory_space<vmem_shared>>) target_semaphore(%arg13 : memref<!tpu.dma_semaphore, #tpu.memory_space<semaphore_mem>>)
    %mul3A_131 = arith.constant 41792 : i32
    %mul3A_132 = arith.muli %arg1, %mul3A_131 : i32
    %add3A_133 = arith.constant 10448 : i32
    %add3A_134 = arith.addi %mul3A_132, %add3A_133 : i32
    %dma_start3A_135 = tpu.memref_slice %arg7[%add3A_134] : memref<668672xf32, #tpu.memory_space<vmem_shared>> -> memref<10448xf32, #tpu.memory_space<vmem_shared>>
    %dma_start3A_136 = tpu.memref_slice %arg7[%add3A_134] : memref<668672xf32, #tpu.memory_space<vmem_shared>> -> memref<10448xf32, #tpu.memory_space<vmem_shared>>
    tpu.enqueue_dma source(%arg11 : memref<10448xf32, #tpu.memory_space<vmem>>) target(%dma_start3A_136 : memref<10448xf32, #tpu.memory_space<vmem_shared>>) target_semaphore(%arg13 : memref<!tpu.dma_semaphore, #tpu.memory_space<semaphore_mem>>)
    %mul3A_137 = arith.constant 41792 : i32
    %mul3A_138 = arith.muli %arg1, %mul3A_137 : i32
    %add3A_139 = arith.constant 20896 : i32
    %add3A_140 = arith.addi %mul3A_138, %add3A_139 : i32
    %dma_start3A_141 = tpu.memref_slice %arg7[%add3A_140] : memref<668672xf32, #tpu.memory_space<vmem_shared>> -> memref<10448xf32, #tpu.memory_space<vmem_shared>>
    %dma_start3A_142 = tpu.memref_slice %arg7[%add3A_140] : memref<668672xf32, #tpu.memory_space<vmem_shared>> -> memref<10448xf32, #tpu.memory_space<vmem_shared>>
    tpu.enqueue_dma source(%arg11 : memref<10448xf32, #tpu.memory_space<vmem>>) target(%dma_start3A_142 : memref<10448xf32, #tpu.memory_space<vmem_shared>>) target_semaphore(%arg13 : memref<!tpu.dma_semaphore, #tpu.memory_space<semaphore_mem>>)
    %mul3A_143 = arith.constant 41792 : i32
    %mul3A_144 = arith.muli %arg1, %mul3A_143 : i32
    %add3A_145 = arith.constant 31344 : i32
    %add3A_146 = arith.addi %mul3A_144, %add3A_145 : i32
    %dma_start3A_147 = tpu.memref_slice %arg7[%add3A_146] : memref<668672xf32, #tpu.memory_space<vmem_shared>> -> memref<10448xf32, #tpu.memory_space<vmem_shared>>
    %dma_start3A_148 = tpu.memref_slice %arg7[%add3A_146] : memref<668672xf32, #tpu.memory_space<vmem_shared>> -> memref<10448xf32, #tpu.memory_space<vmem_shared>>
    tpu.enqueue_dma source(%arg11 : memref<10448xf32, #tpu.memory_space<vmem>>) target(%dma_start3A_148 : memref<10448xf32, #tpu.memory_space<vmem_shared>>) target_semaphore(%arg13 : memref<!tpu.dma_semaphore, #tpu.memory_space<semaphore_mem>>)
    %dma_wait3A_149 = tpu.memref_slice %arg6[%add3A_104] : memref<668672xf32, #tpu.memory_space<vmem_shared>> -> memref<10448xf32, #tpu.memory_space<vmem_shared>>
    %dma_wait3A_150 = tpu.memref_slice %arg6[%add3A_104] : memref<668672xf32, #tpu.memory_space<vmem_shared>> -> memref<10448xf32, #tpu.memory_space<vmem_shared>>
    tpu.wait_dma2 semaphore(%arg13 : memref<!tpu.dma_semaphore, #tpu.memory_space<semaphore_mem>>) src(%arg11 : memref<10448xf32, #tpu.memory_space<vmem>>) dst(%dma_wait3A_150 : memref<10448xf32, #tpu.memory_space<vmem_shared>>)
    %dma_wait3A_151 = tpu.memref_slice %arg6[%add3A_110] : memref<668672xf32, #tpu.memory_space<vmem_shared>> -> memref<10448xf32, #tpu.memory_space<vmem_shared>>
    %dma_wait3A_152 = tpu.memref_slice %arg6[%add3A_110] : memref<668672xf32, #tpu.memory_space<vmem_shared>> -> memref<10448xf32, #tpu.memory_space<vmem_shared>>
    tpu.wait_dma2 semaphore(%arg13 : memref<!tpu.dma_semaphore, #tpu.memory_space<semaphore_mem>>) src(%arg11 : memref<10448xf32, #tpu.memory_space<vmem>>) dst(%dma_wait3A_152 : memref<10448xf32, #tpu.memory_space<vmem_shared>>)
    %dma_wait3A_153 = tpu.memref_slice %arg6[%add3A_116] : memref<668672xf32, #tpu.memory_space<vmem_shared>> -> memref<10448xf32, #tpu.memory_space<vmem_shared>>
    %dma_wait3A_154 = tpu.memref_slice %arg6[%add3A_116] : memref<668672xf32, #tpu.memory_space<vmem_shared>> -> memref<10448xf32, #tpu.memory_space<vmem_shared>>
    tpu.wait_dma2 semaphore(%arg13 : memref<!tpu.dma_semaphore, #tpu.memory_space<semaphore_mem>>) src(%arg11 : memref<10448xf32, #tpu.memory_space<vmem>>) dst(%dma_wait3A_154 : memref<10448xf32, #tpu.memory_space<vmem_shared>>)
    %dma_wait3A_155 = tpu.memref_slice %arg6[%add3A_122] : memref<668672xf32, #tpu.memory_space<vmem_shared>> -> memref<10448xf32, #tpu.memory_space<vmem_shared>>
    %dma_wait3A_156 = tpu.memref_slice %arg6[%add3A_122] : memref<668672xf32, #tpu.memory_space<vmem_shared>> -> memref<10448xf32, #tpu.memory_space<vmem_shared>>
    tpu.wait_dma2 semaphore(%arg13 : memref<!tpu.dma_semaphore, #tpu.memory_space<semaphore_mem>>) src(%arg11 : memref<10448xf32, #tpu.memory_space<vmem>>) dst(%dma_wait3A_156 : memref<10448xf32, #tpu.memory_space<vmem_shared>>)
    %dma_wait3A_157 = tpu.memref_slice %arg7[%add3A_128] : memref<668672xf32, #tpu.memory_space<vmem_shared>> -> memref<10448xf32, #tpu.memory_space<vmem_shared>>
    %dma_wait3A_158 = tpu.memref_slice %arg7[%add3A_128] : memref<668672xf32, #tpu.memory_space<vmem_shared>> -> memref<10448xf32, #tpu.memory_space<vmem_shared>>
    tpu.wait_dma2 semaphore(%arg13 : memref<!tpu.dma_semaphore, #tpu.memory_space<semaphore_mem>>) src(%arg11 : memref<10448xf32, #tpu.memory_space<vmem>>) dst(%dma_wait3A_158 : memref<10448xf32, #tpu.memory_space<vmem_shared>>)
    %dma_wait3A_159 = tpu.memref_slice %arg7[%add3A_134] : memref<668672xf32, #tpu.memory_space<vmem_shared>> -> memref<10448xf32, #tpu.memory_space<vmem_shared>>
    %dma_wait3A_160 = tpu.memref_slice %arg7[%add3A_134] : memref<668672xf32, #tpu.memory_space<vmem_shared>> -> memref<10448xf32, #tpu.memory_space<vmem_shared>>
    tpu.wait_dma2 semaphore(%arg13 : memref<!tpu.dma_semaphore, #tpu.memory_space<semaphore_mem>>) src(%arg11 : memref<10448xf32, #tpu.memory_space<vmem>>) dst(%dma_wait3A_160 : memref<10448xf32, #tpu.memory_space<vmem_shared>>)
    %dma_wait3A_161 = tpu.memref_slice %arg7[%add3A_140] : memref<668672xf32, #tpu.memory_space<vmem_shared>> -> memref<10448xf32, #tpu.memory_space<vmem_shared>>
    %dma_wait3A_162 = tpu.memref_slice %arg7[%add3A_140] : memref<668672xf32, #tpu.memory_space<vmem_shared>> -> memref<10448xf32, #tpu.memory_space<vmem_shared>>
    tpu.wait_dma2 semaphore(%arg13 : memref<!tpu.dma_semaphore, #tpu.memory_space<semaphore_mem>>) src(%arg11 : memref<10448xf32, #tpu.memory_space<vmem>>) dst(%dma_wait3A_162 : memref<10448xf32, #tpu.memory_space<vmem_shared>>)
    %dma_wait3A_163 = tpu.memref_slice %arg7[%add3A_146] : memref<668672xf32, #tpu.memory_space<vmem_shared>> -> memref<10448xf32, #tpu.memory_space<vmem_shared>>
    %dma_wait3A_164 = tpu.memref_slice %arg7[%add3A_146] : memref<668672xf32, #tpu.memory_space<vmem_shared>> -> memref<10448xf32, #tpu.memory_space<vmem_shared>>
    tpu.wait_dma2 semaphore(%arg13 : memref<!tpu.dma_semaphore, #tpu.memory_space<semaphore_mem>>) src(%arg11 : memref<10448xf32, #tpu.memory_space<vmem>>) dst(%dma_wait3A_164 : memref<10448xf32, #tpu.memory_space<vmem_shared>>)
    %barrier3A_165 = arith.constant 0 : index
    tpu.barrier barrier_id(%barrier3A_165)
    %add3A_166 = arith.constant 458752 : i32
    %add3A_167 = arith.addi %add3A_166, %mul3A_2 : i32
    "tpu.region"() ({
      %run_scoped3A = tpu.sem_alloc : memref<!tpu.dma_semaphore, #tpu.memory_space<semaphore_mem>>
      %dma_start3A_305 = tpu.memref_slice %arg3[%add3A_167] : memref<786432xf32, #tpu.memory_space<hbm>> -> memref<4096xf32, #tpu.memory_space<hbm>>
      %dma_start3A_306 = tpu.memref_slice %arg3[%add3A_167] : memref<786432xf32, #tpu.memory_space<hbm>> -> memref<4096xf32, #tpu.memory_space<hbm>>
      tpu.enqueue_dma source(%dma_start3A_306 : memref<4096xf32, #tpu.memory_space<hbm>>) target(%arg10 : memref<4096xf32, #tpu.memory_space<vmem>>) target_semaphore(%run_scoped3A : memref<!tpu.dma_semaphore, #tpu.memory_space<semaphore_mem>>)
      %dma_wait3A_307 = tpu.memref_slice %arg3[%add3A_167] : memref<786432xf32, #tpu.memory_space<hbm>> -> memref<4096xf32, #tpu.memory_space<hbm>>
      %dma_wait3A_308 = tpu.memref_slice %arg3[%add3A_167] : memref<786432xf32, #tpu.memory_space<hbm>> -> memref<4096xf32, #tpu.memory_space<hbm>>
      tpu.wait_dma2 semaphore(%run_scoped3A : memref<!tpu.dma_semaphore, #tpu.memory_space<semaphore_mem>>) src(%dma_wait3A_308 : memref<4096xf32, #tpu.memory_space<hbm>>) dst(%arg10 : memref<4096xf32, #tpu.memory_space<vmem>>)
      tpu.yield
    }) : () -> ()
    "tpu.region"() ({
      %run_scoped3A = tpu.sem_alloc : memref<!tpu.dma_semaphore, #tpu.memory_space<semaphore_mem>>
      %dma_start3A_305 = arith.constant 0 : i32
      %dma_start3A_306 = tpu.memref_slice %arg6[%dma_start3A_305] : memref<668672xf32, #tpu.memory_space<vmem_shared>> -> memref<668672xf32, #tpu.memory_space<vmem_shared>>
      tpu.enqueue_indirect_dma source(%arg10 : memref<4096xf32, #tpu.memory_space<vmem>>) target(%dma_start3A_306 : memref<668672xf32, #tpu.memory_space<vmem_shared>>) offsets(%arg9 : memref<4096xi32, #tpu.memory_space<vmem>>) semaphore(%run_scoped3A : memref<!tpu.dma_semaphore, #tpu.memory_space<semaphore_mem>>) {add = true}
      %dma_wait3A_307 = arith.constant 0 : i32
      %dma_wait3A_308 = tpu.memref_slice %arg6[%dma_wait3A_307] : memref<668672xf32, #tpu.memory_space<vmem_shared>> -> memref<668672xf32, #tpu.memory_space<vmem_shared>>
      tpu.wait_indirect_dma semaphore(%run_scoped3A : memref<!tpu.dma_semaphore, #tpu.memory_space<semaphore_mem>>) src(%arg10 : memref<4096xf32, #tpu.memory_space<vmem>>) dst(%dma_wait3A_308 : memref<668672xf32, #tpu.memory_space<vmem_shared>>)
      tpu.yield
    }) : () -> ()
    %add3A_168 = arith.constant 524288 : i32
    %add3A_169 = arith.addi %add3A_168, %mul3A_2 : i32
    "tpu.region"() ({
      %run_scoped3A = tpu.sem_alloc : memref<!tpu.dma_semaphore, #tpu.memory_space<semaphore_mem>>
      %dma_start3A_305 = tpu.memref_slice %arg3[%add3A_169] : memref<786432xf32, #tpu.memory_space<hbm>> -> memref<4096xf32, #tpu.memory_space<hbm>>
      %dma_start3A_306 = tpu.memref_slice %arg3[%add3A_169] : memref<786432xf32, #tpu.memory_space<hbm>> -> memref<4096xf32, #tpu.memory_space<hbm>>
      tpu.enqueue_dma source(%dma_start3A_306 : memref<4096xf32, #tpu.memory_space<hbm>>) target(%arg10 : memref<4096xf32, #tpu.memory_space<vmem>>) target_semaphore(%run_scoped3A : memref<!tpu.dma_semaphore, #tpu.memory_space<semaphore_mem>>)
      %dma_wait3A_307 = tpu.memref_slice %arg3[%add3A_169] : memref<786432xf32, #tpu.memory_space<hbm>> -> memref<4096xf32, #tpu.memory_space<hbm>>
      %dma_wait3A_308 = tpu.memref_slice %arg3[%add3A_169] : memref<786432xf32, #tpu.memory_space<hbm>> -> memref<4096xf32, #tpu.memory_space<hbm>>
      tpu.wait_dma2 semaphore(%run_scoped3A : memref<!tpu.dma_semaphore, #tpu.memory_space<semaphore_mem>>) src(%dma_wait3A_308 : memref<4096xf32, #tpu.memory_space<hbm>>) dst(%arg10 : memref<4096xf32, #tpu.memory_space<vmem>>)
      tpu.yield
    }) : () -> ()
    "tpu.region"() ({
      %run_scoped3A = tpu.sem_alloc : memref<!tpu.dma_semaphore, #tpu.memory_space<semaphore_mem>>
      %dma_start3A_305 = arith.constant 0 : i32
      %dma_start3A_306 = tpu.memref_slice %arg7[%dma_start3A_305] : memref<668672xf32, #tpu.memory_space<vmem_shared>> -> memref<668672xf32, #tpu.memory_space<vmem_shared>>
      tpu.enqueue_indirect_dma source(%arg10 : memref<4096xf32, #tpu.memory_space<vmem>>) target(%dma_start3A_306 : memref<668672xf32, #tpu.memory_space<vmem_shared>>) offsets(%arg9 : memref<4096xi32, #tpu.memory_space<vmem>>) semaphore(%run_scoped3A : memref<!tpu.dma_semaphore, #tpu.memory_space<semaphore_mem>>) {add = true}
      %dma_wait3A_307 = arith.constant 0 : i32
      %dma_wait3A_308 = tpu.memref_slice %arg7[%dma_wait3A_307] : memref<668672xf32, #tpu.memory_space<vmem_shared>> -> memref<668672xf32, #tpu.memory_space<vmem_shared>>
      tpu.wait_indirect_dma semaphore(%run_scoped3A : memref<!tpu.dma_semaphore, #tpu.memory_space<semaphore_mem>>) src(%arg10 : memref<4096xf32, #tpu.memory_space<vmem>>) dst(%dma_wait3A_308 : memref<668672xf32, #tpu.memory_space<vmem_shared>>)
      tpu.yield
    }) : () -> ()
    %barrier3A_170 = arith.constant 0 : index
    tpu.barrier barrier_id(%barrier3A_170)
    %eq3A_171 = arith.constant 0 : i32
    %eq3A_172 = arith.cmpi eq, %arg1, %eq3A_171 : i32
    %convert_element_type3A_173 = arith.extui %eq3A_172 : i1 to i32
    %cond3A_174 = arith.constant 0 : i32
    %cond3A_175 = arith.cmpi ne, %convert_element_type3A_173, %cond3A_174 : i32
    scf.if %cond3A_175 {
      %mul3A_305 = arith.constant 665600 : i32
      %mul3A_306 = arith.muli %arg0, %mul3A_305 : i32
      %add3A_307 = arith.constant 1331200 : i32
      %add3A_308 = arith.addi %add3A_307, %mul3A_306 : i32
      "tpu.region"() ({
        %run_scoped3A = tpu.sem_alloc : memref<!tpu.dma_semaphore, #tpu.memory_space<semaphore_mem>>
        %dma_start3A_309 = tpu.memref_slice %arg5[%add3A_308] : memref<9318400xf32, #tpu.memory_space<hbm>> -> memref<665600xf32, #tpu.memory_space<hbm>>
        %dma_start3A_310 = arith.constant 0 : i32
        %dma_start3A_311 = tpu.memref_slice %arg6[%dma_start3A_310] : memref<668672xf32, #tpu.memory_space<vmem_shared>> -> memref<665600xf32, #tpu.memory_space<vmem_shared>>
        tpu.enqueue_dma source(%dma_start3A_311 : memref<665600xf32, #tpu.memory_space<vmem_shared>>) target(%dma_start3A_309 : memref<665600xf32, #tpu.memory_space<hbm>>) target_semaphore(%run_scoped3A : memref<!tpu.dma_semaphore, #tpu.memory_space<semaphore_mem>>)
        %dma_wait3A_312 = tpu.memref_slice %arg5[%add3A_308] : memref<9318400xf32, #tpu.memory_space<hbm>> -> memref<665600xf32, #tpu.memory_space<hbm>>
        %dma_wait3A_313 = arith.constant 0 : i32
        %dma_wait3A_314 = tpu.memref_slice %arg6[%dma_wait3A_313] : memref<668672xf32, #tpu.memory_space<vmem_shared>> -> memref<665600xf32, #tpu.memory_space<vmem_shared>>
        tpu.wait_dma2 semaphore(%run_scoped3A : memref<!tpu.dma_semaphore, #tpu.memory_space<semaphore_mem>>) src(%dma_wait3A_314 : memref<665600xf32, #tpu.memory_space<vmem_shared>>) dst(%dma_wait3A_312 : memref<665600xf32, #tpu.memory_space<hbm>>)
        tpu.yield
      }) : () -> ()
    } else {
    }
    %eq3A_176 = arith.constant 1 : i32
    %eq3A_177 = arith.cmpi eq, %arg1, %eq3A_176 : i32
    %convert_element_type3A_178 = arith.extui %eq3A_177 : i1 to i32
    %cond3A_179 = arith.constant 0 : i32
    %cond3A_180 = arith.cmpi ne, %convert_element_type3A_178, %cond3A_179 : i32
    scf.if %cond3A_180 {
      %mul3A_305 = arith.constant 665600 : i32
      %mul3A_306 = arith.muli %arg0, %mul3A_305 : i32
      %add3A_307 = arith.constant 2662400 : i32
      %add3A_308 = arith.addi %add3A_307, %mul3A_306 : i32
      "tpu.region"() ({
        %run_scoped3A = tpu.sem_alloc : memref<!tpu.dma_semaphore, #tpu.memory_space<semaphore_mem>>
        %dma_start3A_309 = tpu.memref_slice %arg5[%add3A_308] : memref<9318400xf32, #tpu.memory_space<hbm>> -> memref<665600xf32, #tpu.memory_space<hbm>>
        %dma_start3A_310 = arith.constant 0 : i32
        %dma_start3A_311 = tpu.memref_slice %arg7[%dma_start3A_310] : memref<668672xf32, #tpu.memory_space<vmem_shared>> -> memref<665600xf32, #tpu.memory_space<vmem_shared>>
        tpu.enqueue_dma source(%dma_start3A_311 : memref<665600xf32, #tpu.memory_space<vmem_shared>>) target(%dma_start3A_309 : memref<665600xf32, #tpu.memory_space<hbm>>) target_semaphore(%run_scoped3A : memref<!tpu.dma_semaphore, #tpu.memory_space<semaphore_mem>>)
        %dma_wait3A_312 = tpu.memref_slice %arg5[%add3A_308] : memref<9318400xf32, #tpu.memory_space<hbm>> -> memref<665600xf32, #tpu.memory_space<hbm>>
        %dma_wait3A_313 = arith.constant 0 : i32
        %dma_wait3A_314 = tpu.memref_slice %arg7[%dma_wait3A_313] : memref<668672xf32, #tpu.memory_space<vmem_shared>> -> memref<665600xf32, #tpu.memory_space<vmem_shared>>
        tpu.wait_dma2 semaphore(%run_scoped3A : memref<!tpu.dma_semaphore, #tpu.memory_space<semaphore_mem>>) src(%dma_wait3A_314 : memref<665600xf32, #tpu.memory_space<vmem_shared>>) dst(%dma_wait3A_312 : memref<665600xf32, #tpu.memory_space<hbm>>)
        tpu.yield
      }) : () -> ()
    } else {
    }
    %barrier3A_181 = arith.constant 0 : index
    tpu.barrier barrier_id(%barrier3A_181)
    %mul3A_182 = arith.constant 41792 : i32
    %mul3A_183 = arith.muli %arg1, %mul3A_182 : i32
    %add3A_184 = arith.constant 0 : i32
    %add3A_185 = arith.addi %mul3A_183, %add3A_184 : i32
    %dma_start3A_186 = tpu.memref_slice %arg6[%add3A_185] : memref<668672xf32, #tpu.memory_space<vmem_shared>> -> memref<10448xf32, #tpu.memory_space<vmem_shared>>
    %dma_start3A_187 = tpu.memref_slice %arg6[%add3A_185] : memref<668672xf32, #tpu.memory_space<vmem_shared>> -> memref<10448xf32, #tpu.memory_space<vmem_shared>>
    tpu.enqueue_dma source(%arg11 : memref<10448xf32, #tpu.memory_space<vmem>>) target(%dma_start3A_187 : memref<10448xf32, #tpu.memory_space<vmem_shared>>) target_semaphore(%arg13 : memref<!tpu.dma_semaphore, #tpu.memory_space<semaphore_mem>>)
    %mul3A_188 = arith.constant 41792 : i32
    %mul3A_189 = arith.muli %arg1, %mul3A_188 : i32
    %add3A_190 = arith.constant 10448 : i32
    %add3A_191 = arith.addi %mul3A_189, %add3A_190 : i32
    %dma_start3A_192 = tpu.memref_slice %arg6[%add3A_191] : memref<668672xf32, #tpu.memory_space<vmem_shared>> -> memref<10448xf32, #tpu.memory_space<vmem_shared>>
    %dma_start3A_193 = tpu.memref_slice %arg6[%add3A_191] : memref<668672xf32, #tpu.memory_space<vmem_shared>> -> memref<10448xf32, #tpu.memory_space<vmem_shared>>
    tpu.enqueue_dma source(%arg11 : memref<10448xf32, #tpu.memory_space<vmem>>) target(%dma_start3A_193 : memref<10448xf32, #tpu.memory_space<vmem_shared>>) target_semaphore(%arg13 : memref<!tpu.dma_semaphore, #tpu.memory_space<semaphore_mem>>)
    %mul3A_194 = arith.constant 41792 : i32
    %mul3A_195 = arith.muli %arg1, %mul3A_194 : i32
    %add3A_196 = arith.constant 20896 : i32
    %add3A_197 = arith.addi %mul3A_195, %add3A_196 : i32
    %dma_start3A_198 = tpu.memref_slice %arg6[%add3A_197] : memref<668672xf32, #tpu.memory_space<vmem_shared>> -> memref<10448xf32, #tpu.memory_space<vmem_shared>>
    %dma_start3A_199 = tpu.memref_slice %arg6[%add3A_197] : memref<668672xf32, #tpu.memory_space<vmem_shared>> -> memref<10448xf32, #tpu.memory_space<vmem_shared>>
    tpu.enqueue_dma source(%arg11 : memref<10448xf32, #tpu.memory_space<vmem>>) target(%dma_start3A_199 : memref<10448xf32, #tpu.memory_space<vmem_shared>>) target_semaphore(%arg13 : memref<!tpu.dma_semaphore, #tpu.memory_space<semaphore_mem>>)
    %mul3A_200 = arith.constant 41792 : i32
    %mul3A_201 = arith.muli %arg1, %mul3A_200 : i32
    %add3A_202 = arith.constant 31344 : i32
    %add3A_203 = arith.addi %mul3A_201, %add3A_202 : i32
    %dma_start3A_204 = tpu.memref_slice %arg6[%add3A_203] : memref<668672xf32, #tpu.memory_space<vmem_shared>> -> memref<10448xf32, #tpu.memory_space<vmem_shared>>
    %dma_start3A_205 = tpu.memref_slice %arg6[%add3A_203] : memref<668672xf32, #tpu.memory_space<vmem_shared>> -> memref<10448xf32, #tpu.memory_space<vmem_shared>>
    tpu.enqueue_dma source(%arg11 : memref<10448xf32, #tpu.memory_space<vmem>>) target(%dma_start3A_205 : memref<10448xf32, #tpu.memory_space<vmem_shared>>) target_semaphore(%arg13 : memref<!tpu.dma_semaphore, #tpu.memory_space<semaphore_mem>>)
    %mul3A_206 = arith.constant 41792 : i32
    %mul3A_207 = arith.muli %arg1, %mul3A_206 : i32
    %add3A_208 = arith.constant 0 : i32
    %add3A_209 = arith.addi %mul3A_207, %add3A_208 : i32
    %dma_start3A_210 = tpu.memref_slice %arg7[%add3A_209] : memref<668672xf32, #tpu.memory_space<vmem_shared>> -> memref<10448xf32, #tpu.memory_space<vmem_shared>>
    %dma_start3A_211 = tpu.memref_slice %arg7[%add3A_209] : memref<668672xf32, #tpu.memory_space<vmem_shared>> -> memref<10448xf32, #tpu.memory_space<vmem_shared>>
    tpu.enqueue_dma source(%arg11 : memref<10448xf32, #tpu.memory_space<vmem>>) target(%dma_start3A_211 : memref<10448xf32, #tpu.memory_space<vmem_shared>>) target_semaphore(%arg13 : memref<!tpu.dma_semaphore, #tpu.memory_space<semaphore_mem>>)
    %mul3A_212 = arith.constant 41792 : i32
    %mul3A_213 = arith.muli %arg1, %mul3A_212 : i32
    %add3A_214 = arith.constant 10448 : i32
    %add3A_215 = arith.addi %mul3A_213, %add3A_214 : i32
    %dma_start3A_216 = tpu.memref_slice %arg7[%add3A_215] : memref<668672xf32, #tpu.memory_space<vmem_shared>> -> memref<10448xf32, #tpu.memory_space<vmem_shared>>
    %dma_start3A_217 = tpu.memref_slice %arg7[%add3A_215] : memref<668672xf32, #tpu.memory_space<vmem_shared>> -> memref<10448xf32, #tpu.memory_space<vmem_shared>>
    tpu.enqueue_dma source(%arg11 : memref<10448xf32, #tpu.memory_space<vmem>>) target(%dma_start3A_217 : memref<10448xf32, #tpu.memory_space<vmem_shared>>) target_semaphore(%arg13 : memref<!tpu.dma_semaphore, #tpu.memory_space<semaphore_mem>>)
    %mul3A_218 = arith.constant 41792 : i32
    %mul3A_219 = arith.muli %arg1, %mul3A_218 : i32
    %add3A_220 = arith.constant 20896 : i32
    %add3A_221 = arith.addi %mul3A_219, %add3A_220 : i32
    %dma_start3A_222 = tpu.memref_slice %arg7[%add3A_221] : memref<668672xf32, #tpu.memory_space<vmem_shared>> -> memref<10448xf32, #tpu.memory_space<vmem_shared>>
    %dma_start3A_223 = tpu.memref_slice %arg7[%add3A_221] : memref<668672xf32, #tpu.memory_space<vmem_shared>> -> memref<10448xf32, #tpu.memory_space<vmem_shared>>
    tpu.enqueue_dma source(%arg11 : memref<10448xf32, #tpu.memory_space<vmem>>) target(%dma_start3A_223 : memref<10448xf32, #tpu.memory_space<vmem_shared>>) target_semaphore(%arg13 : memref<!tpu.dma_semaphore, #tpu.memory_space<semaphore_mem>>)
    %mul3A_224 = arith.constant 41792 : i32
    %mul3A_225 = arith.muli %arg1, %mul3A_224 : i32
    %add3A_226 = arith.constant 31344 : i32
    %add3A_227 = arith.addi %mul3A_225, %add3A_226 : i32
    %dma_start3A_228 = tpu.memref_slice %arg7[%add3A_227] : memref<668672xf32, #tpu.memory_space<vmem_shared>> -> memref<10448xf32, #tpu.memory_space<vmem_shared>>
    %dma_start3A_229 = tpu.memref_slice %arg7[%add3A_227] : memref<668672xf32, #tpu.memory_space<vmem_shared>> -> memref<10448xf32, #tpu.memory_space<vmem_shared>>
    tpu.enqueue_dma source(%arg11 : memref<10448xf32, #tpu.memory_space<vmem>>) target(%dma_start3A_229 : memref<10448xf32, #tpu.memory_space<vmem_shared>>) target_semaphore(%arg13 : memref<!tpu.dma_semaphore, #tpu.memory_space<semaphore_mem>>)
    %dma_wait3A_230 = tpu.memref_slice %arg6[%add3A_185] : memref<668672xf32, #tpu.memory_space<vmem_shared>> -> memref<10448xf32, #tpu.memory_space<vmem_shared>>
    %dma_wait3A_231 = tpu.memref_slice %arg6[%add3A_185] : memref<668672xf32, #tpu.memory_space<vmem_shared>> -> memref<10448xf32, #tpu.memory_space<vmem_shared>>
    tpu.wait_dma2 semaphore(%arg13 : memref<!tpu.dma_semaphore, #tpu.memory_space<semaphore_mem>>) src(%arg11 : memref<10448xf32, #tpu.memory_space<vmem>>) dst(%dma_wait3A_231 : memref<10448xf32, #tpu.memory_space<vmem_shared>>)
    %dma_wait3A_232 = tpu.memref_slice %arg6[%add3A_191] : memref<668672xf32, #tpu.memory_space<vmem_shared>> -> memref<10448xf32, #tpu.memory_space<vmem_shared>>
    %dma_wait3A_233 = tpu.memref_slice %arg6[%add3A_191] : memref<668672xf32, #tpu.memory_space<vmem_shared>> -> memref<10448xf32, #tpu.memory_space<vmem_shared>>
    tpu.wait_dma2 semaphore(%arg13 : memref<!tpu.dma_semaphore, #tpu.memory_space<semaphore_mem>>) src(%arg11 : memref<10448xf32, #tpu.memory_space<vmem>>) dst(%dma_wait3A_233 : memref<10448xf32, #tpu.memory_space<vmem_shared>>)
    %dma_wait3A_234 = tpu.memref_slice %arg6[%add3A_197] : memref<668672xf32, #tpu.memory_space<vmem_shared>> -> memref<10448xf32, #tpu.memory_space<vmem_shared>>
    %dma_wait3A_235 = tpu.memref_slice %arg6[%add3A_197] : memref<668672xf32, #tpu.memory_space<vmem_shared>> -> memref<10448xf32, #tpu.memory_space<vmem_shared>>
    tpu.wait_dma2 semaphore(%arg13 : memref<!tpu.dma_semaphore, #tpu.memory_space<semaphore_mem>>) src(%arg11 : memref<10448xf32, #tpu.memory_space<vmem>>) dst(%dma_wait3A_235 : memref<10448xf32, #tpu.memory_space<vmem_shared>>)
    %dma_wait3A_236 = tpu.memref_slice %arg6[%add3A_203] : memref<668672xf32, #tpu.memory_space<vmem_shared>> -> memref<10448xf32, #tpu.memory_space<vmem_shared>>
    %dma_wait3A_237 = tpu.memref_slice %arg6[%add3A_203] : memref<668672xf32, #tpu.memory_space<vmem_shared>> -> memref<10448xf32, #tpu.memory_space<vmem_shared>>
    tpu.wait_dma2 semaphore(%arg13 : memref<!tpu.dma_semaphore, #tpu.memory_space<semaphore_mem>>) src(%arg11 : memref<10448xf32, #tpu.memory_space<vmem>>) dst(%dma_wait3A_237 : memref<10448xf32, #tpu.memory_space<vmem_shared>>)
    %dma_wait3A_238 = tpu.memref_slice %arg7[%add3A_209] : memref<668672xf32, #tpu.memory_space<vmem_shared>> -> memref<10448xf32, #tpu.memory_space<vmem_shared>>
    %dma_wait3A_239 = tpu.memref_slice %arg7[%add3A_209] : memref<668672xf32, #tpu.memory_space<vmem_shared>> -> memref<10448xf32, #tpu.memory_space<vmem_shared>>
    tpu.wait_dma2 semaphore(%arg13 : memref<!tpu.dma_semaphore, #tpu.memory_space<semaphore_mem>>) src(%arg11 : memref<10448xf32, #tpu.memory_space<vmem>>) dst(%dma_wait3A_239 : memref<10448xf32, #tpu.memory_space<vmem_shared>>)
    %dma_wait3A_240 = tpu.memref_slice %arg7[%add3A_215] : memref<668672xf32, #tpu.memory_space<vmem_shared>> -> memref<10448xf32, #tpu.memory_space<vmem_shared>>
    %dma_wait3A_241 = tpu.memref_slice %arg7[%add3A_215] : memref<668672xf32, #tpu.memory_space<vmem_shared>> -> memref<10448xf32, #tpu.memory_space<vmem_shared>>
    tpu.wait_dma2 semaphore(%arg13 : memref<!tpu.dma_semaphore, #tpu.memory_space<semaphore_mem>>) src(%arg11 : memref<10448xf32, #tpu.memory_space<vmem>>) dst(%dma_wait3A_241 : memref<10448xf32, #tpu.memory_space<vmem_shared>>)
    %dma_wait3A_242 = tpu.memref_slice %arg7[%add3A_221] : memref<668672xf32, #tpu.memory_space<vmem_shared>> -> memref<10448xf32, #tpu.memory_space<vmem_shared>>
    %dma_wait3A_243 = tpu.memref_slice %arg7[%add3A_221] : memref<668672xf32, #tpu.memory_space<vmem_shared>> -> memref<10448xf32, #tpu.memory_space<vmem_shared>>
    tpu.wait_dma2 semaphore(%arg13 : memref<!tpu.dma_semaphore, #tpu.memory_space<semaphore_mem>>) src(%arg11 : memref<10448xf32, #tpu.memory_space<vmem>>) dst(%dma_wait3A_243 : memref<10448xf32, #tpu.memory_space<vmem_shared>>)
    %dma_wait3A_244 = tpu.memref_slice %arg7[%add3A_227] : memref<668672xf32, #tpu.memory_space<vmem_shared>> -> memref<10448xf32, #tpu.memory_space<vmem_shared>>
    %dma_wait3A_245 = tpu.memref_slice %arg7[%add3A_227] : memref<668672xf32, #tpu.memory_space<vmem_shared>> -> memref<10448xf32, #tpu.memory_space<vmem_shared>>
    tpu.wait_dma2 semaphore(%arg13 : memref<!tpu.dma_semaphore, #tpu.memory_space<semaphore_mem>>) src(%arg11 : memref<10448xf32, #tpu.memory_space<vmem>>) dst(%dma_wait3A_245 : memref<10448xf32, #tpu.memory_space<vmem_shared>>)
    %barrier3A_246 = arith.constant 0 : index
    tpu.barrier barrier_id(%barrier3A_246)
    %add3A_247 = arith.constant 393216 : i32
    %add3A_248 = arith.addi %add3A_247, %mul3A_2 : i32
    "tpu.region"() ({
      %run_scoped3A = tpu.sem_alloc : memref<!tpu.dma_semaphore, #tpu.memory_space<semaphore_mem>>
      %dma_start3A_305 = tpu.memref_slice %arg4[%add3A_248] : memref<786432xf32, #tpu.memory_space<hbm>> -> memref<4096xf32, #tpu.memory_space<hbm>>
      %dma_start3A_306 = tpu.memref_slice %arg4[%add3A_248] : memref<786432xf32, #tpu.memory_space<hbm>> -> memref<4096xf32, #tpu.memory_space<hbm>>
      tpu.enqueue_dma source(%dma_start3A_306 : memref<4096xf32, #tpu.memory_space<hbm>>) target(%arg10 : memref<4096xf32, #tpu.memory_space<vmem>>) target_semaphore(%run_scoped3A : memref<!tpu.dma_semaphore, #tpu.memory_space<semaphore_mem>>)
      %dma_wait3A_307 = tpu.memref_slice %arg4[%add3A_248] : memref<786432xf32, #tpu.memory_space<hbm>> -> memref<4096xf32, #tpu.memory_space<hbm>>
      %dma_wait3A_308 = tpu.memref_slice %arg4[%add3A_248] : memref<786432xf32, #tpu.memory_space<hbm>> -> memref<4096xf32, #tpu.memory_space<hbm>>
      tpu.wait_dma2 semaphore(%run_scoped3A : memref<!tpu.dma_semaphore, #tpu.memory_space<semaphore_mem>>) src(%dma_wait3A_308 : memref<4096xf32, #tpu.memory_space<hbm>>) dst(%arg10 : memref<4096xf32, #tpu.memory_space<vmem>>)
      tpu.yield
    }) : () -> ()
    "tpu.region"() ({
      %run_scoped3A = tpu.sem_alloc : memref<!tpu.dma_semaphore, #tpu.memory_space<semaphore_mem>>
      %dma_start3A_305 = arith.constant 0 : i32
      %dma_start3A_306 = tpu.memref_slice %arg6[%dma_start3A_305] : memref<668672xf32, #tpu.memory_space<vmem_shared>> -> memref<668672xf32, #tpu.memory_space<vmem_shared>>
      tpu.enqueue_indirect_dma source(%arg10 : memref<4096xf32, #tpu.memory_space<vmem>>) target(%dma_start3A_306 : memref<668672xf32, #tpu.memory_space<vmem_shared>>) offsets(%arg9 : memref<4096xi32, #tpu.memory_space<vmem>>) semaphore(%run_scoped3A : memref<!tpu.dma_semaphore, #tpu.memory_space<semaphore_mem>>) {add = true}
      %dma_wait3A_307 = arith.constant 0 : i32
      %dma_wait3A_308 = tpu.memref_slice %arg6[%dma_wait3A_307] : memref<668672xf32, #tpu.memory_space<vmem_shared>> -> memref<668672xf32, #tpu.memory_space<vmem_shared>>
      tpu.wait_indirect_dma semaphore(%run_scoped3A : memref<!tpu.dma_semaphore, #tpu.memory_space<semaphore_mem>>) src(%arg10 : memref<4096xf32, #tpu.memory_space<vmem>>) dst(%dma_wait3A_308 : memref<668672xf32, #tpu.memory_space<vmem_shared>>)
      tpu.yield
    }) : () -> ()
    %add3A_249 = arith.constant 458752 : i32
    %add3A_250 = arith.addi %add3A_249, %mul3A_2 : i32
    "tpu.region"() ({
      %run_scoped3A = tpu.sem_alloc : memref<!tpu.dma_semaphore, #tpu.memory_space<semaphore_mem>>
      %dma_start3A_305 = tpu.memref_slice %arg4[%add3A_250] : memref<786432xf32, #tpu.memory_space<hbm>> -> memref<4096xf32, #tpu.memory_space<hbm>>
      %dma_start3A_306 = tpu.memref_slice %arg4[%add3A_250] : memref<786432xf32, #tpu.memory_space<hbm>> -> memref<4096xf32, #tpu.memory_space<hbm>>
      tpu.enqueue_dma source(%dma_start3A_306 : memref<4096xf32, #tpu.memory_space<hbm>>) target(%arg10 : memref<4096xf32, #tpu.memory_space<vmem>>) target_semaphore(%run_scoped3A : memref<!tpu.dma_semaphore, #tpu.memory_space<semaphore_mem>>)
      %dma_wait3A_307 = tpu.memref_slice %arg4[%add3A_250] : memref<786432xf32, #tpu.memory_space<hbm>> -> memref<4096xf32, #tpu.memory_space<hbm>>
      %dma_wait3A_308 = tpu.memref_slice %arg4[%add3A_250] : memref<786432xf32, #tpu.memory_space<hbm>> -> memref<4096xf32, #tpu.memory_space<hbm>>
      tpu.wait_dma2 semaphore(%run_scoped3A : memref<!tpu.dma_semaphore, #tpu.memory_space<semaphore_mem>>) src(%dma_wait3A_308 : memref<4096xf32, #tpu.memory_space<hbm>>) dst(%arg10 : memref<4096xf32, #tpu.memory_space<vmem>>)
      tpu.yield
    }) : () -> ()
    "tpu.region"() ({
      %run_scoped3A = tpu.sem_alloc : memref<!tpu.dma_semaphore, #tpu.memory_space<semaphore_mem>>
      %dma_start3A_305 = arith.constant 0 : i32
      %dma_start3A_306 = tpu.memref_slice %arg7[%dma_start3A_305] : memref<668672xf32, #tpu.memory_space<vmem_shared>> -> memref<668672xf32, #tpu.memory_space<vmem_shared>>
      tpu.enqueue_indirect_dma source(%arg10 : memref<4096xf32, #tpu.memory_space<vmem>>) target(%dma_start3A_306 : memref<668672xf32, #tpu.memory_space<vmem_shared>>) offsets(%arg9 : memref<4096xi32, #tpu.memory_space<vmem>>) semaphore(%run_scoped3A : memref<!tpu.dma_semaphore, #tpu.memory_space<semaphore_mem>>) {add = true}
      %dma_wait3A_307 = arith.constant 0 : i32
      %dma_wait3A_308 = tpu.memref_slice %arg7[%dma_wait3A_307] : memref<668672xf32, #tpu.memory_space<vmem_shared>> -> memref<668672xf32, #tpu.memory_space<vmem_shared>>
      tpu.wait_indirect_dma semaphore(%run_scoped3A : memref<!tpu.dma_semaphore, #tpu.memory_space<semaphore_mem>>) src(%arg10 : memref<4096xf32, #tpu.memory_space<vmem>>) dst(%dma_wait3A_308 : memref<668672xf32, #tpu.memory_space<vmem_shared>>)
      tpu.yield
    }) : () -> ()
    %barrier3A_251 = arith.constant 0 : index
    tpu.barrier barrier_id(%barrier3A_251)
    %eq3A_252 = arith.constant 0 : i32
    %eq3A_253 = arith.cmpi eq, %arg1, %eq3A_252 : i32
    %convert_element_type3A_254 = arith.extui %eq3A_253 : i1 to i32
    %cond3A_255 = arith.constant 0 : i32
    %cond3A_256 = arith.cmpi ne, %convert_element_type3A_254, %cond3A_255 : i32
    scf.if %cond3A_256 {
      %mul3A_305 = arith.constant 665600 : i32
      %mul3A_306 = arith.muli %arg0, %mul3A_305 : i32
      %add3A_307 = arith.constant 3993600 : i32
      %add3A_308 = arith.addi %add3A_307, %mul3A_306 : i32
      "tpu.region"() ({
        %run_scoped3A = tpu.sem_alloc : memref<!tpu.dma_semaphore, #tpu.memory_space<semaphore_mem>>
        %dma_start3A_309 = tpu.memref_slice %arg5[%add3A_308] : memref<9318400xf32, #tpu.memory_space<hbm>> -> memref<665600xf32, #tpu.memory_space<hbm>>
        %dma_start3A_310 = arith.constant 0 : i32
        %dma_start3A_311 = tpu.memref_slice %arg6[%dma_start3A_310] : memref<668672xf32, #tpu.memory_space<vmem_shared>> -> memref<665600xf32, #tpu.memory_space<vmem_shared>>
        tpu.enqueue_dma source(%dma_start3A_311 : memref<665600xf32, #tpu.memory_space<vmem_shared>>) target(%dma_start3A_309 : memref<665600xf32, #tpu.memory_space<hbm>>) target_semaphore(%run_scoped3A : memref<!tpu.dma_semaphore, #tpu.memory_space<semaphore_mem>>)
        %dma_wait3A_312 = tpu.memref_slice %arg5[%add3A_308] : memref<9318400xf32, #tpu.memory_space<hbm>> -> memref<665600xf32, #tpu.memory_space<hbm>>
        %dma_wait3A_313 = arith.constant 0 : i32
        %dma_wait3A_314 = tpu.memref_slice %arg6[%dma_wait3A_313] : memref<668672xf32, #tpu.memory_space<vmem_shared>> -> memref<665600xf32, #tpu.memory_space<vmem_shared>>
        tpu.wait_dma2 semaphore(%run_scoped3A : memref<!tpu.dma_semaphore, #tpu.memory_space<semaphore_mem>>) src(%dma_wait3A_314 : memref<665600xf32, #tpu.memory_space<vmem_shared>>) dst(%dma_wait3A_312 : memref<665600xf32, #tpu.memory_space<hbm>>)
        tpu.yield
      }) : () -> ()
    } else {
    }
    %eq3A_257 = arith.constant 1 : i32
    %eq3A_258 = arith.cmpi eq, %arg1, %eq3A_257 : i32
    %convert_element_type3A_259 = arith.extui %eq3A_258 : i1 to i32
    %cond3A_260 = arith.constant 0 : i32
    %cond3A_261 = arith.cmpi ne, %convert_element_type3A_259, %cond3A_260 : i32
    scf.if %cond3A_261 {
      %mul3A_305 = arith.constant 665600 : i32
      %mul3A_306 = arith.muli %arg0, %mul3A_305 : i32
      %add3A_307 = arith.constant 5324800 : i32
      %add3A_308 = arith.addi %add3A_307, %mul3A_306 : i32
      "tpu.region"() ({
        %run_scoped3A = tpu.sem_alloc : memref<!tpu.dma_semaphore, #tpu.memory_space<semaphore_mem>>
        %dma_start3A_309 = tpu.memref_slice %arg5[%add3A_308] : memref<9318400xf32, #tpu.memory_space<hbm>> -> memref<665600xf32, #tpu.memory_space<hbm>>
        %dma_start3A_310 = arith.constant 0 : i32
        %dma_start3A_311 = tpu.memref_slice %arg7[%dma_start3A_310] : memref<668672xf32, #tpu.memory_space<vmem_shared>> -> memref<665600xf32, #tpu.memory_space<vmem_shared>>
        tpu.enqueue_dma source(%dma_start3A_311 : memref<665600xf32, #tpu.memory_space<vmem_shared>>) target(%dma_start3A_309 : memref<665600xf32, #tpu.memory_space<hbm>>) target_semaphore(%run_scoped3A : memref<!tpu.dma_semaphore, #tpu.memory_space<semaphore_mem>>)
        %dma_wait3A_312 = tpu.memref_slice %arg5[%add3A_308] : memref<9318400xf32, #tpu.memory_space<hbm>> -> memref<665600xf32, #tpu.memory_space<hbm>>
        %dma_wait3A_313 = arith.constant 0 : i32
        %dma_wait3A_314 = tpu.memref_slice %arg7[%dma_wait3A_313] : memref<668672xf32, #tpu.memory_space<vmem_shared>> -> memref<665600xf32, #tpu.memory_space<vmem_shared>>
        tpu.wait_dma2 semaphore(%run_scoped3A : memref<!tpu.dma_semaphore, #tpu.memory_space<semaphore_mem>>) src(%dma_wait3A_314 : memref<665600xf32, #tpu.memory_space<vmem_shared>>) dst(%dma_wait3A_312 : memref<665600xf32, #tpu.memory_space<hbm>>)
        tpu.yield
      }) : () -> ()
    } else {
    }
    %barrier3A_262 = arith.constant 0 : index
    tpu.barrier barrier_id(%barrier3A_262)
    %mul3A_263 = arith.constant 41792 : i32
    %mul3A_264 = arith.muli %arg1, %mul3A_263 : i32
    %add3A_265 = arith.constant 0 : i32
    %add3A_266 = arith.addi %mul3A_264, %add3A_265 : i32
    %dma_start3A_267 = tpu.memref_slice %arg6[%add3A_266] : memref<668672xf32, #tpu.memory_space<vmem_shared>> -> memref<10448xf32, #tpu.memory_space<vmem_shared>>
    %dma_start3A_268 = tpu.memref_slice %arg6[%add3A_266] : memref<668672xf32, #tpu.memory_space<vmem_shared>> -> memref<10448xf32, #tpu.memory_space<vmem_shared>>
    tpu.enqueue_dma source(%arg11 : memref<10448xf32, #tpu.memory_space<vmem>>) target(%dma_start3A_268 : memref<10448xf32, #tpu.memory_space<vmem_shared>>) target_semaphore(%arg13 : memref<!tpu.dma_semaphore, #tpu.memory_space<semaphore_mem>>)
    %mul3A_269 = arith.constant 41792 : i32
    %mul3A_270 = arith.muli %arg1, %mul3A_269 : i32
    %add3A_271 = arith.constant 10448 : i32
    %add3A_272 = arith.addi %mul3A_270, %add3A_271 : i32
    %dma_start3A_273 = tpu.memref_slice %arg6[%add3A_272] : memref<668672xf32, #tpu.memory_space<vmem_shared>> -> memref<10448xf32, #tpu.memory_space<vmem_shared>>
    %dma_start3A_274 = tpu.memref_slice %arg6[%add3A_272] : memref<668672xf32, #tpu.memory_space<vmem_shared>> -> memref<10448xf32, #tpu.memory_space<vmem_shared>>
    tpu.enqueue_dma source(%arg11 : memref<10448xf32, #tpu.memory_space<vmem>>) target(%dma_start3A_274 : memref<10448xf32, #tpu.memory_space<vmem_shared>>) target_semaphore(%arg13 : memref<!tpu.dma_semaphore, #tpu.memory_space<semaphore_mem>>)
    %mul3A_275 = arith.constant 41792 : i32
    %mul3A_276 = arith.muli %arg1, %mul3A_275 : i32
    %add3A_277 = arith.constant 20896 : i32
    %add3A_278 = arith.addi %mul3A_276, %add3A_277 : i32
    %dma_start3A_279 = tpu.memref_slice %arg6[%add3A_278] : memref<668672xf32, #tpu.memory_space<vmem_shared>> -> memref<10448xf32, #tpu.memory_space<vmem_shared>>
    %dma_start3A_280 = tpu.memref_slice %arg6[%add3A_278] : memref<668672xf32, #tpu.memory_space<vmem_shared>> -> memref<10448xf32, #tpu.memory_space<vmem_shared>>
    tpu.enqueue_dma source(%arg11 : memref<10448xf32, #tpu.memory_space<vmem>>) target(%dma_start3A_280 : memref<10448xf32, #tpu.memory_space<vmem_shared>>) target_semaphore(%arg13 : memref<!tpu.dma_semaphore, #tpu.memory_space<semaphore_mem>>)
    %mul3A_281 = arith.constant 41792 : i32
    %mul3A_282 = arith.muli %arg1, %mul3A_281 : i32
    %add3A_283 = arith.constant 31344 : i32
    %add3A_284 = arith.addi %mul3A_282, %add3A_283 : i32
    %dma_start3A_285 = tpu.memref_slice %arg6[%add3A_284] : memref<668672xf32, #tpu.memory_space<vmem_shared>> -> memref<10448xf32, #tpu.memory_space<vmem_shared>>
    %dma_start3A_286 = tpu.memref_slice %arg6[%add3A_284] : memref<668672xf32, #tpu.memory_space<vmem_shared>> -> memref<10448xf32, #tpu.memory_space<vmem_shared>>
    tpu.enqueue_dma source(%arg11 : memref<10448xf32, #tpu.memory_space<vmem>>) target(%dma_start3A_286 : memref<10448xf32, #tpu.memory_space<vmem_shared>>) target_semaphore(%arg13 : memref<!tpu.dma_semaphore, #tpu.memory_space<semaphore_mem>>)
    %dma_wait3A_287 = tpu.memref_slice %arg6[%add3A_266] : memref<668672xf32, #tpu.memory_space<vmem_shared>> -> memref<10448xf32, #tpu.memory_space<vmem_shared>>
    %dma_wait3A_288 = tpu.memref_slice %arg6[%add3A_266] : memref<668672xf32, #tpu.memory_space<vmem_shared>> -> memref<10448xf32, #tpu.memory_space<vmem_shared>>
    tpu.wait_dma2 semaphore(%arg13 : memref<!tpu.dma_semaphore, #tpu.memory_space<semaphore_mem>>) src(%arg11 : memref<10448xf32, #tpu.memory_space<vmem>>) dst(%dma_wait3A_288 : memref<10448xf32, #tpu.memory_space<vmem_shared>>)
    %dma_wait3A_289 = tpu.memref_slice %arg6[%add3A_272] : memref<668672xf32, #tpu.memory_space<vmem_shared>> -> memref<10448xf32, #tpu.memory_space<vmem_shared>>
    %dma_wait3A_290 = tpu.memref_slice %arg6[%add3A_272] : memref<668672xf32, #tpu.memory_space<vmem_shared>> -> memref<10448xf32, #tpu.memory_space<vmem_shared>>
    tpu.wait_dma2 semaphore(%arg13 : memref<!tpu.dma_semaphore, #tpu.memory_space<semaphore_mem>>) src(%arg11 : memref<10448xf32, #tpu.memory_space<vmem>>) dst(%dma_wait3A_290 : memref<10448xf32, #tpu.memory_space<vmem_shared>>)
    %dma_wait3A_291 = tpu.memref_slice %arg6[%add3A_278] : memref<668672xf32, #tpu.memory_space<vmem_shared>> -> memref<10448xf32, #tpu.memory_space<vmem_shared>>
    %dma_wait3A_292 = tpu.memref_slice %arg6[%add3A_278] : memref<668672xf32, #tpu.memory_space<vmem_shared>> -> memref<10448xf32, #tpu.memory_space<vmem_shared>>
    tpu.wait_dma2 semaphore(%arg13 : memref<!tpu.dma_semaphore, #tpu.memory_space<semaphore_mem>>) src(%arg11 : memref<10448xf32, #tpu.memory_space<vmem>>) dst(%dma_wait3A_292 : memref<10448xf32, #tpu.memory_space<vmem_shared>>)
    %dma_wait3A_293 = tpu.memref_slice %arg6[%add3A_284] : memref<668672xf32, #tpu.memory_space<vmem_shared>> -> memref<10448xf32, #tpu.memory_space<vmem_shared>>
    %dma_wait3A_294 = tpu.memref_slice %arg6[%add3A_284] : memref<668672xf32, #tpu.memory_space<vmem_shared>> -> memref<10448xf32, #tpu.memory_space<vmem_shared>>
    tpu.wait_dma2 semaphore(%arg13 : memref<!tpu.dma_semaphore, #tpu.memory_space<semaphore_mem>>) src(%arg11 : memref<10448xf32, #tpu.memory_space<vmem>>) dst(%dma_wait3A_294 : memref<10448xf32, #tpu.memory_space<vmem_shared>>)
    %barrier3A_295 = arith.constant 0 : index
    tpu.barrier barrier_id(%barrier3A_295)
    %add3A_296 = arith.constant 524288 : i32
    %add3A_297 = arith.addi %add3A_296, %mul3A_2 : i32
    "tpu.region"() ({
      %run_scoped3A = tpu.sem_alloc : memref<!tpu.dma_semaphore, #tpu.memory_space<semaphore_mem>>
      %dma_start3A_305 = tpu.memref_slice %arg4[%add3A_297] : memref<786432xf32, #tpu.memory_space<hbm>> -> memref<4096xf32, #tpu.memory_space<hbm>>
      %dma_start3A_306 = tpu.memref_slice %arg4[%add3A_297] : memref<786432xf32, #tpu.memory_space<hbm>> -> memref<4096xf32, #tpu.memory_space<hbm>>
      tpu.enqueue_dma source(%dma_start3A_306 : memref<4096xf32, #tpu.memory_space<hbm>>) target(%arg10 : memref<4096xf32, #tpu.memory_space<vmem>>) target_semaphore(%run_scoped3A : memref<!tpu.dma_semaphore, #tpu.memory_space<semaphore_mem>>)
      %dma_wait3A_307 = tpu.memref_slice %arg4[%add3A_297] : memref<786432xf32, #tpu.memory_space<hbm>> -> memref<4096xf32, #tpu.memory_space<hbm>>
      %dma_wait3A_308 = tpu.memref_slice %arg4[%add3A_297] : memref<786432xf32, #tpu.memory_space<hbm>> -> memref<4096xf32, #tpu.memory_space<hbm>>
      tpu.wait_dma2 semaphore(%run_scoped3A : memref<!tpu.dma_semaphore, #tpu.memory_space<semaphore_mem>>) src(%dma_wait3A_308 : memref<4096xf32, #tpu.memory_space<hbm>>) dst(%arg10 : memref<4096xf32, #tpu.memory_space<vmem>>)
      tpu.yield
    }) : () -> ()
    "tpu.region"() ({
      %run_scoped3A = tpu.sem_alloc : memref<!tpu.dma_semaphore, #tpu.memory_space<semaphore_mem>>
      %dma_start3A_305 = arith.constant 0 : i32
      %dma_start3A_306 = tpu.memref_slice %arg6[%dma_start3A_305] : memref<668672xf32, #tpu.memory_space<vmem_shared>> -> memref<668672xf32, #tpu.memory_space<vmem_shared>>
      tpu.enqueue_indirect_dma source(%arg10 : memref<4096xf32, #tpu.memory_space<vmem>>) target(%dma_start3A_306 : memref<668672xf32, #tpu.memory_space<vmem_shared>>) offsets(%arg9 : memref<4096xi32, #tpu.memory_space<vmem>>) semaphore(%run_scoped3A : memref<!tpu.dma_semaphore, #tpu.memory_space<semaphore_mem>>) {add = true}
      %dma_wait3A_307 = arith.constant 0 : i32
      %dma_wait3A_308 = tpu.memref_slice %arg6[%dma_wait3A_307] : memref<668672xf32, #tpu.memory_space<vmem_shared>> -> memref<668672xf32, #tpu.memory_space<vmem_shared>>
      tpu.wait_indirect_dma semaphore(%run_scoped3A : memref<!tpu.dma_semaphore, #tpu.memory_space<semaphore_mem>>) src(%arg10 : memref<4096xf32, #tpu.memory_space<vmem>>) dst(%dma_wait3A_308 : memref<668672xf32, #tpu.memory_space<vmem_shared>>)
      tpu.yield
    }) : () -> ()
    %barrier3A_298 = arith.constant 0 : index
    tpu.barrier barrier_id(%barrier3A_298)
    %eq3A_299 = arith.constant 0 : i32
    %eq3A_300 = arith.cmpi eq, %arg1, %eq3A_299 : i32
    %convert_element_type3A_301 = arith.extui %eq3A_300 : i1 to i32
    %cond3A_302 = arith.constant 0 : i32
    %cond3A_303 = arith.cmpi ne, %convert_element_type3A_301, %cond3A_302 : i32
    scf.if %cond3A_303 {
      %mul3A_305 = arith.constant 665600 : i32
      %mul3A_306 = arith.muli %arg0, %mul3A_305 : i32
      %add3A_307 = arith.constant 6656000 : i32
      %add3A_308 = arith.addi %add3A_307, %mul3A_306 : i32
      "tpu.region"() ({
        %run_scoped3A = tpu.sem_alloc : memref<!tpu.dma_semaphore, #tpu.memory_space<semaphore_mem>>
        %dma_start3A_309 = tpu.memref_slice %arg5[%add3A_308] : memref<9318400xf32, #tpu.memory_space<hbm>> -> memref<665600xf32, #tpu.memory_space<hbm>>
        %dma_start3A_310 = arith.constant 0 : i32
        %dma_start3A_311 = tpu.memref_slice %arg6[%dma_start3A_310] : memref<668672xf32, #tpu.memory_space<vmem_shared>> -> memref<665600xf32, #tpu.memory_space<vmem_shared>>
        tpu.enqueue_dma source(%dma_start3A_311 : memref<665600xf32, #tpu.memory_space<vmem_shared>>) target(%dma_start3A_309 : memref<665600xf32, #tpu.memory_space<hbm>>) target_semaphore(%run_scoped3A : memref<!tpu.dma_semaphore, #tpu.memory_space<semaphore_mem>>)
        %dma_wait3A_312 = tpu.memref_slice %arg5[%add3A_308] : memref<9318400xf32, #tpu.memory_space<hbm>> -> memref<665600xf32, #tpu.memory_space<hbm>>
        %dma_wait3A_313 = arith.constant 0 : i32
        %dma_wait3A_314 = tpu.memref_slice %arg6[%dma_wait3A_313] : memref<668672xf32, #tpu.memory_space<vmem_shared>> -> memref<665600xf32, #tpu.memory_space<vmem_shared>>
        tpu.wait_dma2 semaphore(%run_scoped3A : memref<!tpu.dma_semaphore, #tpu.memory_space<semaphore_mem>>) src(%dma_wait3A_314 : memref<665600xf32, #tpu.memory_space<vmem_shared>>) dst(%dma_wait3A_312 : memref<665600xf32, #tpu.memory_space<hbm>>)
        tpu.yield
      }) : () -> ()
    } else {
    }
    %barrier3A_304 = arith.constant 0 : index
    tpu.barrier barrier_id(%barrier3A_304)
    return
  }
}

#map = affine_map<(d0, d1) -> (0)>
module attributes {stable_mosaic.version = 14 : i64} {
  func.func @sck(%arg0: i32, %arg1: i32, %arg2: memref<262144xi32, #tpu.memory_space<hbm>>, %arg3: memref<786432xf32, #tpu.memory_space<hbm>>, %arg4: memref<786432xf32, #tpu.memory_space<hbm>>, %arg5: memref<9318400xf32, #tpu.memory_space<hbm>>, %arg6: memref<668672xf32, #tpu.memory_space<vmem_shared>>, %arg7: memref<668672xf32, #tpu.memory_space<vmem_shared>>, %arg8: memref<4096xi32, #tpu.memory_space<vmem>>, %arg9: memref<4096xi32, #tpu.memory_space<vmem>>, %arg10: memref<4096xf32, #tpu.memory_space<vmem>>, %arg11: memref<10448xf32, #tpu.memory_space<vmem>>, %arg12: memref<4096xf32, #tpu.memory_space<vmem>>, %arg13: memref<!tpu.dma_semaphore, #tpu.memory_space<semaphore_mem>>) attributes {dimension_semantics = [#tpu.dimension_semantics<core_parallel>, #tpu.dimension_semantics<subcore_parallel>], iteration_bounds = array<i64: 2, 16>, scalar_prefetch = 0 : i64, scratch_operands = 8 : i64, tpu.core_type = #tpu.core_type<sc_vector_subcore>, window_params = [{transform_indices = #map}, {transform_indices = #map}, {transform_indices = #map}, {transform_indices = #map}]} {
    %mul3A = arith.constant 665600 : i32
    %mul3A_0 = arith.muli %arg0, %mul3A : i32
    %mul3A_1 = arith.constant 4096 : i32
    %mul3A_2 = arith.muli %arg1, %mul3A_1 : i32
    %broadcast_in_dim3A = arith.constant 0.000000e+00 : f32
    %broadcast_in_dim3A_3 = vector.broadcast %broadcast_in_dim3A : f32 to vector<16xf32>
    %scan3A = arith.constant 0 : i32
    %scan3A_4 = arith.constant 0 : i32
    %scan3A_5 = arith.constant 653 : i32
    %scan3A_6 = arith.addi %scan3A_4, %scan3A_5 : i32
    %scan3A_7 = arith.constant 1 : i32
    %scan3A_8 = scf.for %scan3A_305 = %scan3A_4 to %scan3A_6 step %scan3A_7 iter_args(%scan3A_306 = %scan3A) -> (i32)  : i32 {
      %mul3A_307 = arith.constant 16 : i32
      %mul3A_308 = arith.muli %scan3A_305, %mul3A_307 : i32
      %swap3A = arith.index_cast %mul3A_308 : i32 to index
      %swap3A_309 = tpu.vector_load %arg11[%swap3A] {strides = array<i32>} : memref<10448xf32, #tpu.memory_space<vmem>>, vector<16xf32>,
      %swap3A_310 = vector.shape_cast %swap3A_309 : vector<16xf32> to vector<16xf32>
      %swap3A_311 = vector.shape_cast %broadcast_in_dim3A_3 : vector<16xf32> to vector<16xf32>
      tpu.vector_store %arg11[%swap3A], %swap3A_311 {strides = array<i32>} : memref<10448xf32, #tpu.memory_space<vmem>>, vector<16xf32>,
      %scan3A_312 = arith.constant 0 : i32
      scf.yield %scan3A_312 : i32
    }
    %scan3A_9 = arith.constant 653 : i32
    %broadcast_in_dim3A_10 = arith.constant 1.000000e+00 : f32
    %broadcast_in_dim3A_11 = vector.broadcast %broadcast_in_dim3A_10 : f32 to vector<16xf32>
    %scan3A_12 = arith.constant 0 : i32
    %scan3A_13 = arith.constant 0 : i32
    %scan3A_14 = arith.constant 256 : i32
    %scan3A_15 = arith.addi %scan3A_13, %scan3A_14 : i32
    %scan3A_16 = arith.constant 1 : i32
    %scan3A_17 = scf.for %scan3A_305 = %scan3A_13 to %scan3A_15 step %scan3A_16 iter_args(%scan3A_306 = %scan3A_12) -> (i32)  : i32 {
      %mul3A_307 = arith.constant 16 : i32
      %mul3A_308 = arith.muli %scan3A_305, %mul3A_307 : i32
      %swap3A = arith.index_cast %mul3A_308 : i32 to index
      %swap3A_309 = tpu.vector_load %arg12[%swap3A] {strides = array<i32>} : memref<4096xf32, #tpu.memory_space<vmem>>, vector<16xf32>,
      %swap3A_310 = vector.shape_cast %swap3A_309 : vector<16xf32> to vector<16xf32>
      %swap3A_311 = vector.shape_cast %broadcast_in_dim3A_11 : vector<16xf32> to vector<16xf32>
      tpu.vector_store %arg12[%swap3A], %swap3A_311 {strides = array<i32>} : memref<4096xf32, #tpu.memory_space<vmem>>, vector<16xf32>,
      %scan3A_312 = arith.constant 0 : i32
      scf.yield %scan3A_312 : i32
    }
    %scan3A_18 = arith.constant 256 : i32
    %iota3A = tpu.iota {dimensions = array<i32: 0>} : vector<16xi32>
    %add3A = arith.constant 196608 : i32
    %add3A_19 = arith.addi %add3A, %mul3A_2 : i32
    "tpu.region"() ({
      %run_scoped3A = tpu.sem_alloc : memref<!tpu.dma_semaphore, #tpu.memory_space<semaphore_mem>>
      %dma_start3A_305 = tpu.memref_slice %arg2[%add3A_19] : memref<262144xi32, #tpu.memory_space<hbm>> -> memref<4096xi32, #tpu.memory_space<hbm>>
      %dma_start3A_306 = tpu.memref_slice %arg2[%add3A_19] : memref<262144xi32, #tpu.memory_space<hbm>> -> memref<4096xi32, #tpu.memory_space<hbm>>
      tpu.enqueue_dma source(%dma_start3A_306 : memref<4096xi32, #tpu.memory_space<hbm>>) target(%arg8 : memref<4096xi32, #tpu.memory_space<vmem>>) target_semaphore(%run_scoped3A : memref<!tpu.dma_semaphore, #tpu.memory_space<semaphore_mem>>)
      %dma_wait3A_307 = tpu.memref_slice %arg2[%add3A_19] : memref<262144xi32, #tpu.memory_space<hbm>> -> memref<4096xi32, #tpu.memory_space<hbm>>
      %dma_wait3A_308 = tpu.memref_slice %arg2[%add3A_19] : memref<262144xi32, #tpu.memory_space<hbm>> -> memref<4096xi32, #tpu.memory_space<hbm>>
      tpu.wait_dma2 semaphore(%run_scoped3A : memref<!tpu.dma_semaphore, #tpu.memory_space<semaphore_mem>>) src(%dma_wait3A_308 : memref<4096xi32, #tpu.memory_space<hbm>>) dst(%arg8 : memref<4096xi32, #tpu.memory_space<vmem>>)
      tpu.yield
    }) : () -> ()
    %scan3A_20 = arith.constant 0 : i32
    %scan3A_21 = arith.constant 0 : i32
    %scan3A_22 = arith.constant 256 : i32
    %scan3A_23 = arith.addi %scan3A_21, %scan3A_22 : i32
    %scan3A_24 = arith.constant 1 : i32
    %scan3A_25 = scf.for %scan3A_305 = %scan3A_21 to %scan3A_23 step %scan3A_24 iter_args(%scan3A_306 = %scan3A_20) -> (i32)  : i32 {
      %mul3A_307 = arith.constant 16 : i32
      %mul3A_308 = arith.muli %scan3A_305, %mul3A_307 : i32
      %get3A = arith.index_cast %mul3A_308 : i32 to index
      %get3A_309 = tpu.vector_load %arg8[%get3A] {strides = array<i32>} : memref<4096xi32, #tpu.memory_space<vmem>>, vector<16xi32>,
      %get3A_310 = vector.shape_cast %get3A_309 : vector<16xi32> to vector<16xi32>
      %sub3A = vector.broadcast %mul3A_0 : i32 to vector<16xi32>
      %sub3A_311 = arith.subi %get3A_310, %sub3A : vector<16xi32>
      %ge3A = arith.constant 0 : i32
      %ge3A_312 = vector.broadcast %ge3A : i32 to vector<16xi32>
      %ge3A_313 = arith.cmpi sge, %sub3A_311, %ge3A_312 : vector<16xi32>
      %lt3A = arith.constant 665600 : i32
      %lt3A_314 = vector.broadcast %lt3A : i32 to vector<16xi32>
      %lt3A_315 = arith.cmpi slt, %sub3A_311, %lt3A_314 : vector<16xi32>
      %and3A = arith.andi %ge3A_313, %lt3A_315 : vector<16xi1>
      %mul3A_316 = arith.constant 16 : i32
      %mul3A_317 = arith.muli %scan3A_305, %mul3A_316 : i32
      %add3A_318 = vector.broadcast %mul3A_317 : i32 to vector<16xi32>
      %add3A_319 = arith.addi %add3A_318, %iota3A : vector<16xi32>
      %and3A_320 = arith.constant 2047 : i32
      %and3A_321 = vector.broadcast %and3A_320 : i32 to vector<16xi32>
      %and3A_322 = arith.andi %add3A_319, %and3A_321 : vector<16xi32>
      %add3A_323 = arith.constant 665600 : i32
      %add3A_324 = vector.broadcast %add3A_323 : i32 to vector<16xi32>
      %add3A_325 = arith.addi %add3A_324, %and3A_322 : vector<16xi32>
      %select_n3A = arith.select %and3A, %sub3A_311, %add3A_325 : vector<16xi1>, vector<16xi32>
      %mul3A_326 = arith.constant 16 : i32
      %mul3A_327 = arith.muli %scan3A_305, %mul3A_326 : i32
      %swap3A = arith.index_cast %mul3A_327 : i32 to index
      %swap3A_328 = tpu.vector_load %arg9[%swap3A] {strides = array<i32>} : memref<4096xi32, #tpu.memory_space<vmem>>, vector<16xi32>,
      %swap3A_329 = vector.shape_cast %swap3A_328 : vector<16xi32> to vector<16xi32>
      %swap3A_330 = vector.shape_cast %select_n3A : vector<16xi32> to vector<16xi32>
      tpu.vector_store %arg9[%swap3A], %swap3A_330 {strides = array<i32>} : memref<4096xi32, #tpu.memory_space<vmem>>, vector<16xi32>,
      %scan3A_331 = arith.constant 0 : i32
      scf.yield %scan3A_331 : i32
    }
    %scan3A_26 = arith.constant 256 : i32
    %barrier3A = arith.constant 0 : index
    tpu.barrier barrier_id(%barrier3A)
    %mul3A_27 = arith.constant 41792 : i32
    %mul3A_28 = arith.muli %arg1, %mul3A_27 : i32
    %add3A_29 = arith.constant 0 : i32
    %add3A_30 = arith.addi %mul3A_28, %add3A_29 : i32
    %dma_start3A = tpu.memref_slice %arg6[%add3A_30] : memref<668672xf32, #tpu.memory_space<vmem_shared>> -> memref<10448xf32, #tpu.memory_space<vmem_shared>>
    %dma_start3A_31 = tpu.memref_slice %arg6[%add3A_30] : memref<668672xf32, #tpu.memory_space<vmem_shared>> -> memref<10448xf32, #tpu.memory_space<vmem_shared>>
    tpu.enqueue_dma source(%arg11 : memref<10448xf32, #tpu.memory_space<vmem>>) target(%dma_start3A_31 : memref<10448xf32, #tpu.memory_space<vmem_shared>>) target_semaphore(%arg13 : memref<!tpu.dma_semaphore, #tpu.memory_space<semaphore_mem>>)
    %mul3A_32 = arith.constant 41792 : i32
    %mul3A_33 = arith.muli %arg1, %mul3A_32 : i32
    %add3A_34 = arith.constant 10448 : i32
    %add3A_35 = arith.addi %mul3A_33, %add3A_34 : i32
    %dma_start3A_36 = tpu.memref_slice %arg6[%add3A_35] : memref<668672xf32, #tpu.memory_space<vmem_shared>> -> memref<10448xf32, #tpu.memory_space<vmem_shared>>
    %dma_start3A_37 = tpu.memref_slice %arg6[%add3A_35] : memref<668672xf32, #tpu.memory_space<vmem_shared>> -> memref<10448xf32, #tpu.memory_space<vmem_shared>>
    tpu.enqueue_dma source(%arg11 : memref<10448xf32, #tpu.memory_space<vmem>>) target(%dma_start3A_37 : memref<10448xf32, #tpu.memory_space<vmem_shared>>) target_semaphore(%arg13 : memref<!tpu.dma_semaphore, #tpu.memory_space<semaphore_mem>>)
    %mul3A_38 = arith.constant 41792 : i32
    %mul3A_39 = arith.muli %arg1, %mul3A_38 : i32
    %add3A_40 = arith.constant 20896 : i32
    %add3A_41 = arith.addi %mul3A_39, %add3A_40 : i32
    %dma_start3A_42 = tpu.memref_slice %arg6[%add3A_41] : memref<668672xf32, #tpu.memory_space<vmem_shared>> -> memref<10448xf32, #tpu.memory_space<vmem_shared>>
    %dma_start3A_43 = tpu.memref_slice %arg6[%add3A_41] : memref<668672xf32, #tpu.memory_space<vmem_shared>> -> memref<10448xf32, #tpu.memory_space<vmem_shared>>
    tpu.enqueue_dma source(%arg11 : memref<10448xf32, #tpu.memory_space<vmem>>) target(%dma_start3A_43 : memref<10448xf32, #tpu.memory_space<vmem_shared>>) target_semaphore(%arg13 : memref<!tpu.dma_semaphore, #tpu.memory_space<semaphore_mem>>)
    %mul3A_44 = arith.constant 41792 : i32
    %mul3A_45 = arith.muli %arg1, %mul3A_44 : i32
    %add3A_46 = arith.constant 31344 : i32
    %add3A_47 = arith.addi %mul3A_45, %add3A_46 : i32
    %dma_start3A_48 = tpu.memref_slice %arg6[%add3A_47] : memref<668672xf32, #tpu.memory_space<vmem_shared>> -> memref<10448xf32, #tpu.memory_space<vmem_shared>>
    %dma_start3A_49 = tpu.memref_slice %arg6[%add3A_47] : memref<668672xf32, #tpu.memory_space<vmem_shared>> -> memref<10448xf32, #tpu.memory_space<vmem_shared>>
    tpu.enqueue_dma source(%arg11 : memref<10448xf32, #tpu.memory_space<vmem>>) target(%dma_start3A_49 : memref<10448xf32, #tpu.memory_space<vmem_shared>>) target_semaphore(%arg13 : memref<!tpu.dma_semaphore, #tpu.memory_space<semaphore_mem>>)
    %mul3A_50 = arith.constant 41792 : i32
    %mul3A_51 = arith.muli %arg1, %mul3A_50 : i32
    %add3A_52 = arith.constant 0 : i32
    %add3A_53 = arith.addi %mul3A_51, %add3A_52 : i32
    %dma_start3A_54 = tpu.memref_slice %arg7[%add3A_53] : memref<668672xf32, #tpu.memory_space<vmem_shared>> -> memref<10448xf32, #tpu.memory_space<vmem_shared>>
    %dma_start3A_55 = tpu.memref_slice %arg7[%add3A_53] : memref<668672xf32, #tpu.memory_space<vmem_shared>> -> memref<10448xf32, #tpu.memory_space<vmem_shared>>
    tpu.enqueue_dma source(%arg11 : memref<10448xf32, #tpu.memory_space<vmem>>) target(%dma_start3A_55 : memref<10448xf32, #tpu.memory_space<vmem_shared>>) target_semaphore(%arg13 : memref<!tpu.dma_semaphore, #tpu.memory_space<semaphore_mem>>)
    %mul3A_56 = arith.constant 41792 : i32
    %mul3A_57 = arith.muli %arg1, %mul3A_56 : i32
    %add3A_58 = arith.constant 10448 : i32
    %add3A_59 = arith.addi %mul3A_57, %add3A_58 : i32
    %dma_start3A_60 = tpu.memref_slice %arg7[%add3A_59] : memref<668672xf32, #tpu.memory_space<vmem_shared>> -> memref<10448xf32, #tpu.memory_space<vmem_shared>>
    %dma_start3A_61 = tpu.memref_slice %arg7[%add3A_59] : memref<668672xf32, #tpu.memory_space<vmem_shared>> -> memref<10448xf32, #tpu.memory_space<vmem_shared>>
    tpu.enqueue_dma source(%arg11 : memref<10448xf32, #tpu.memory_space<vmem>>) target(%dma_start3A_61 : memref<10448xf32, #tpu.memory_space<vmem_shared>>) target_semaphore(%arg13 : memref<!tpu.dma_semaphore, #tpu.memory_space<semaphore_mem>>)
    %mul3A_62 = arith.constant 41792 : i32
    %mul3A_63 = arith.muli %arg1, %mul3A_62 : i32
    %add3A_64 = arith.constant 20896 : i32
    %add3A_65 = arith.addi %mul3A_63, %add3A_64 : i32
    %dma_start3A_66 = tpu.memref_slice %arg7[%add3A_65] : memref<668672xf32, #tpu.memory_space<vmem_shared>> -> memref<10448xf32, #tpu.memory_space<vmem_shared>>
    %dma_start3A_67 = tpu.memref_slice %arg7[%add3A_65] : memref<668672xf32, #tpu.memory_space<vmem_shared>> -> memref<10448xf32, #tpu.memory_space<vmem_shared>>
    tpu.enqueue_dma source(%arg11 : memref<10448xf32, #tpu.memory_space<vmem>>) target(%dma_start3A_67 : memref<10448xf32, #tpu.memory_space<vmem_shared>>) target_semaphore(%arg13 : memref<!tpu.dma_semaphore, #tpu.memory_space<semaphore_mem>>)
    %mul3A_68 = arith.constant 41792 : i32
    %mul3A_69 = arith.muli %arg1, %mul3A_68 : i32
    %add3A_70 = arith.constant 31344 : i32
    %add3A_71 = arith.addi %mul3A_69, %add3A_70 : i32
    %dma_start3A_72 = tpu.memref_slice %arg7[%add3A_71] : memref<668672xf32, #tpu.memory_space<vmem_shared>> -> memref<10448xf32, #tpu.memory_space<vmem_shared>>
    %dma_start3A_73 = tpu.memref_slice %arg7[%add3A_71] : memref<668672xf32, #tpu.memory_space<vmem_shared>> -> memref<10448xf32, #tpu.memory_space<vmem_shared>>
    tpu.enqueue_dma source(%arg11 : memref<10448xf32, #tpu.memory_space<vmem>>) target(%dma_start3A_73 : memref<10448xf32, #tpu.memory_space<vmem_shared>>) target_semaphore(%arg13 : memref<!tpu.dma_semaphore, #tpu.memory_space<semaphore_mem>>)
    %dma_wait3A = tpu.memref_slice %arg6[%add3A_30] : memref<668672xf32, #tpu.memory_space<vmem_shared>> -> memref<10448xf32, #tpu.memory_space<vmem_shared>>
    %dma_wait3A_74 = tpu.memref_slice %arg6[%add3A_30] : memref<668672xf32, #tpu.memory_space<vmem_shared>> -> memref<10448xf32, #tpu.memory_space<vmem_shared>>
    tpu.wait_dma2 semaphore(%arg13 : memref<!tpu.dma_semaphore, #tpu.memory_space<semaphore_mem>>) src(%arg11 : memref<10448xf32, #tpu.memory_space<vmem>>) dst(%dma_wait3A_74 : memref<10448xf32, #tpu.memory_space<vmem_shared>>)
    %dma_wait3A_75 = tpu.memref_slice %arg6[%add3A_35] : memref<668672xf32, #tpu.memory_space<vmem_shared>> -> memref<10448xf32, #tpu.memory_space<vmem_shared>>
    %dma_wait3A_76 = tpu.memref_slice %arg6[%add3A_35] : memref<668672xf32, #tpu.memory_space<vmem_shared>> -> memref<10448xf32, #tpu.memory_space<vmem_shared>>
    tpu.wait_dma2 semaphore(%arg13 : memref<!tpu.dma_semaphore, #tpu.memory_space<semaphore_mem>>) src(%arg11 : memref<10448xf32, #tpu.memory_space<vmem>>) dst(%dma_wait3A_76 : memref<10448xf32, #tpu.memory_space<vmem_shared>>)
    %dma_wait3A_77 = tpu.memref_slice %arg6[%add3A_41] : memref<668672xf32, #tpu.memory_space<vmem_shared>> -> memref<10448xf32, #tpu.memory_space<vmem_shared>>
    %dma_wait3A_78 = tpu.memref_slice %arg6[%add3A_41] : memref<668672xf32, #tpu.memory_space<vmem_shared>> -> memref<10448xf32, #tpu.memory_space<vmem_shared>>
    tpu.wait_dma2 semaphore(%arg13 : memref<!tpu.dma_semaphore, #tpu.memory_space<semaphore_mem>>) src(%arg11 : memref<10448xf32, #tpu.memory_space<vmem>>) dst(%dma_wait3A_78 : memref<10448xf32, #tpu.memory_space<vmem_shared>>)
    %dma_wait3A_79 = tpu.memref_slice %arg6[%add3A_47] : memref<668672xf32, #tpu.memory_space<vmem_shared>> -> memref<10448xf32, #tpu.memory_space<vmem_shared>>
    %dma_wait3A_80 = tpu.memref_slice %arg6[%add3A_47] : memref<668672xf32, #tpu.memory_space<vmem_shared>> -> memref<10448xf32, #tpu.memory_space<vmem_shared>>
    tpu.wait_dma2 semaphore(%arg13 : memref<!tpu.dma_semaphore, #tpu.memory_space<semaphore_mem>>) src(%arg11 : memref<10448xf32, #tpu.memory_space<vmem>>) dst(%dma_wait3A_80 : memref<10448xf32, #tpu.memory_space<vmem_shared>>)
    %dma_wait3A_81 = tpu.memref_slice %arg7[%add3A_53] : memref<668672xf32, #tpu.memory_space<vmem_shared>> -> memref<10448xf32, #tpu.memory_space<vmem_shared>>
    %dma_wait3A_82 = tpu.memref_slice %arg7[%add3A_53] : memref<668672xf32, #tpu.memory_space<vmem_shared>> -> memref<10448xf32, #tpu.memory_space<vmem_shared>>
    tpu.wait_dma2 semaphore(%arg13 : memref<!tpu.dma_semaphore, #tpu.memory_space<semaphore_mem>>) src(%arg11 : memref<10448xf32, #tpu.memory_space<vmem>>) dst(%dma_wait3A_82 : memref<10448xf32, #tpu.memory_space<vmem_shared>>)
    %dma_wait3A_83 = tpu.memref_slice %arg7[%add3A_59] : memref<668672xf32, #tpu.memory_space<vmem_shared>> -> memref<10448xf32, #tpu.memory_space<vmem_shared>>
    %dma_wait3A_84 = tpu.memref_slice %arg7[%add3A_59] : memref<668672xf32, #tpu.memory_space<vmem_shared>> -> memref<10448xf32, #tpu.memory_space<vmem_shared>>
    tpu.wait_dma2 semaphore(%arg13 : memref<!tpu.dma_semaphore, #tpu.memory_space<semaphore_mem>>) src(%arg11 : memref<10448xf32, #tpu.memory_space<vmem>>) dst(%dma_wait3A_84 : memref<10448xf32, #tpu.memory_space<vmem_shared>>)
    %dma_wait3A_85 = tpu.memref_slice %arg7[%add3A_65] : memref<668672xf32, #tpu.memory_space<vmem_shared>> -> memref<10448xf32, #tpu.memory_space<vmem_shared>>
    %dma_wait3A_86 = tpu.memref_slice %arg7[%add3A_65] : memref<668672xf32, #tpu.memory_space<vmem_shared>> -> memref<10448xf32, #tpu.memory_space<vmem_shared>>
    tpu.wait_dma2 semaphore(%arg13 : memref<!tpu.dma_semaphore, #tpu.memory_space<semaphore_mem>>) src(%arg11 : memref<10448xf32, #tpu.memory_space<vmem>>) dst(%dma_wait3A_86 : memref<10448xf32, #tpu.memory_space<vmem_shared>>)
    %dma_wait3A_87 = tpu.memref_slice %arg7[%add3A_71] : memref<668672xf32, #tpu.memory_space<vmem_shared>> -> memref<10448xf32, #tpu.memory_space<vmem_shared>>
    %dma_wait3A_88 = tpu.memref_slice %arg7[%add3A_71] : memref<668672xf32, #tpu.memory_space<vmem_shared>> -> memref<10448xf32, #tpu.memory_space<vmem_shared>>
    tpu.wait_dma2 semaphore(%arg13 : memref<!tpu.dma_semaphore, #tpu.memory_space<semaphore_mem>>) src(%arg11 : memref<10448xf32, #tpu.memory_space<vmem>>) dst(%dma_wait3A_88 : memref<10448xf32, #tpu.memory_space<vmem_shared>>)
    %barrier3A_89 = arith.constant 0 : index
    tpu.barrier barrier_id(%barrier3A_89)
    "tpu.region"() ({
      %run_scoped3A = tpu.sem_alloc : memref<!tpu.dma_semaphore, #tpu.memory_space<semaphore_mem>>
      %dma_start3A_305 = arith.constant 0 : i32
      %dma_start3A_306 = tpu.memref_slice %arg6[%dma_start3A_305] : memref<668672xf32, #tpu.memory_space<vmem_shared>> -> memref<668672xf32, #tpu.memory_space<vmem_shared>>
      tpu.enqueue_indirect_dma source(%arg12 : memref<4096xf32, #tpu.memory_space<vmem>>) target(%dma_start3A_306 : memref<668672xf32, #tpu.memory_space<vmem_shared>>) offsets(%arg9 : memref<4096xi32, #tpu.memory_space<vmem>>) semaphore(%run_scoped3A : memref<!tpu.dma_semaphore, #tpu.memory_space<semaphore_mem>>) {add = true}
      %dma_wait3A_307 = arith.constant 0 : i32
      %dma_wait3A_308 = tpu.memref_slice %arg6[%dma_wait3A_307] : memref<668672xf32, #tpu.memory_space<vmem_shared>> -> memref<668672xf32, #tpu.memory_space<vmem_shared>>
      tpu.wait_indirect_dma semaphore(%run_scoped3A : memref<!tpu.dma_semaphore, #tpu.memory_space<semaphore_mem>>) src(%arg12 : memref<4096xf32, #tpu.memory_space<vmem>>) dst(%dma_wait3A_308 : memref<668672xf32, #tpu.memory_space<vmem_shared>>)
      tpu.yield
    }) : () -> ()
    %add3A_90 = arith.constant 589824 : i32
    %add3A_91 = arith.addi %add3A_90, %mul3A_2 : i32
    "tpu.region"() ({
      %run_scoped3A = tpu.sem_alloc : memref<!tpu.dma_semaphore, #tpu.memory_space<semaphore_mem>>
      %dma_start3A_305 = tpu.memref_slice %arg3[%add3A_91] : memref<786432xf32, #tpu.memory_space<hbm>> -> memref<4096xf32, #tpu.memory_space<hbm>>
      %dma_start3A_306 = tpu.memref_slice %arg3[%add3A_91] : memref<786432xf32, #tpu.memory_space<hbm>> -> memref<4096xf32, #tpu.memory_space<hbm>>
      tpu.enqueue_dma source(%dma_start3A_306 : memref<4096xf32, #tpu.memory_space<hbm>>) target(%arg10 : memref<4096xf32, #tpu.memory_space<vmem>>) target_semaphore(%run_scoped3A : memref<!tpu.dma_semaphore, #tpu.memory_space<semaphore_mem>>)
      %dma_wait3A_307 = tpu.memref_slice %arg3[%add3A_91] : memref<786432xf32, #tpu.memory_space<hbm>> -> memref<4096xf32, #tpu.memory_space<hbm>>
      %dma_wait3A_308 = tpu.memref_slice %arg3[%add3A_91] : memref<786432xf32, #tpu.memory_space<hbm>> -> memref<4096xf32, #tpu.memory_space<hbm>>
      tpu.wait_dma2 semaphore(%run_scoped3A : memref<!tpu.dma_semaphore, #tpu.memory_space<semaphore_mem>>) src(%dma_wait3A_308 : memref<4096xf32, #tpu.memory_space<hbm>>) dst(%arg10 : memref<4096xf32, #tpu.memory_space<vmem>>)
      tpu.yield
    }) : () -> ()
    "tpu.region"() ({
      %run_scoped3A = tpu.sem_alloc : memref<!tpu.dma_semaphore, #tpu.memory_space<semaphore_mem>>
      %dma_start3A_305 = arith.constant 0 : i32
      %dma_start3A_306 = tpu.memref_slice %arg7[%dma_start3A_305] : memref<668672xf32, #tpu.memory_space<vmem_shared>> -> memref<668672xf32, #tpu.memory_space<vmem_shared>>
      tpu.enqueue_indirect_dma source(%arg10 : memref<4096xf32, #tpu.memory_space<vmem>>) target(%dma_start3A_306 : memref<668672xf32, #tpu.memory_space<vmem_shared>>) offsets(%arg9 : memref<4096xi32, #tpu.memory_space<vmem>>) semaphore(%run_scoped3A : memref<!tpu.dma_semaphore, #tpu.memory_space<semaphore_mem>>) {add = true}
      %dma_wait3A_307 = arith.constant 0 : i32
      %dma_wait3A_308 = tpu.memref_slice %arg7[%dma_wait3A_307] : memref<668672xf32, #tpu.memory_space<vmem_shared>> -> memref<668672xf32, #tpu.memory_space<vmem_shared>>
      tpu.wait_indirect_dma semaphore(%run_scoped3A : memref<!tpu.dma_semaphore, #tpu.memory_space<semaphore_mem>>) src(%arg10 : memref<4096xf32, #tpu.memory_space<vmem>>) dst(%dma_wait3A_308 : memref<668672xf32, #tpu.memory_space<vmem_shared>>)
      tpu.yield
    }) : () -> ()
    %barrier3A_92 = arith.constant 0 : index
    tpu.barrier barrier_id(%barrier3A_92)
    %eq3A = arith.constant 0 : i32
    %eq3A_93 = arith.cmpi eq, %arg1, %eq3A : i32
    %convert_element_type3A = arith.extui %eq3A_93 : i1 to i32
    %cond3A = arith.constant 0 : i32
    %cond3A_94 = arith.cmpi ne, %convert_element_type3A, %cond3A : i32
    scf.if %cond3A_94 {
      %mul3A_305 = arith.constant 665600 : i32
      %mul3A_306 = arith.muli %arg0, %mul3A_305 : i32
      %add3A_307 = arith.constant 7987200 : i32
      %add3A_308 = arith.addi %add3A_307, %mul3A_306 : i32
      "tpu.region"() ({
        %run_scoped3A = tpu.sem_alloc : memref<!tpu.dma_semaphore, #tpu.memory_space<semaphore_mem>>
        %dma_start3A_309 = tpu.memref_slice %arg5[%add3A_308] : memref<9318400xf32, #tpu.memory_space<hbm>> -> memref<665600xf32, #tpu.memory_space<hbm>>
        %dma_start3A_310 = arith.constant 0 : i32
        %dma_start3A_311 = tpu.memref_slice %arg6[%dma_start3A_310] : memref<668672xf32, #tpu.memory_space<vmem_shared>> -> memref<665600xf32, #tpu.memory_space<vmem_shared>>
        tpu.enqueue_dma source(%dma_start3A_311 : memref<665600xf32, #tpu.memory_space<vmem_shared>>) target(%dma_start3A_309 : memref<665600xf32, #tpu.memory_space<hbm>>) target_semaphore(%run_scoped3A : memref<!tpu.dma_semaphore, #tpu.memory_space<semaphore_mem>>)
        %dma_wait3A_312 = tpu.memref_slice %arg5[%add3A_308] : memref<9318400xf32, #tpu.memory_space<hbm>> -> memref<665600xf32, #tpu.memory_space<hbm>>
        %dma_wait3A_313 = arith.constant 0 : i32
        %dma_wait3A_314 = tpu.memref_slice %arg6[%dma_wait3A_313] : memref<668672xf32, #tpu.memory_space<vmem_shared>> -> memref<665600xf32, #tpu.memory_space<vmem_shared>>
        tpu.wait_dma2 semaphore(%run_scoped3A : memref<!tpu.dma_semaphore, #tpu.memory_space<semaphore_mem>>) src(%dma_wait3A_314 : memref<665600xf32, #tpu.memory_space<vmem_shared>>) dst(%dma_wait3A_312 : memref<665600xf32, #tpu.memory_space<hbm>>)
        tpu.yield
      }) : () -> ()
    } else {
    }
    %eq3A_95 = arith.constant 1 : i32
    %eq3A_96 = arith.cmpi eq, %arg1, %eq3A_95 : i32
    %convert_element_type3A_97 = arith.extui %eq3A_96 : i1 to i32
    %cond3A_98 = arith.constant 0 : i32
    %cond3A_99 = arith.cmpi ne, %convert_element_type3A_97, %cond3A_98 : i32
    scf.if %cond3A_99 {
      %mul3A_305 = arith.constant 665600 : i32
      %mul3A_306 = arith.muli %arg0, %mul3A_305 : i32
      %add3A_307 = arith.constant 0 : i32
      %add3A_308 = arith.addi %add3A_307, %mul3A_306 : i32
      "tpu.region"() ({
        %run_scoped3A = tpu.sem_alloc : memref<!tpu.dma_semaphore, #tpu.memory_space<semaphore_mem>>
        %dma_start3A_309 = tpu.memref_slice %arg5[%add3A_308] : memref<9318400xf32, #tpu.memory_space<hbm>> -> memref<665600xf32, #tpu.memory_space<hbm>>
        %dma_start3A_310 = arith.constant 0 : i32
        %dma_start3A_311 = tpu.memref_slice %arg7[%dma_start3A_310] : memref<668672xf32, #tpu.memory_space<vmem_shared>> -> memref<665600xf32, #tpu.memory_space<vmem_shared>>
        tpu.enqueue_dma source(%dma_start3A_311 : memref<665600xf32, #tpu.memory_space<vmem_shared>>) target(%dma_start3A_309 : memref<665600xf32, #tpu.memory_space<hbm>>) target_semaphore(%run_scoped3A : memref<!tpu.dma_semaphore, #tpu.memory_space<semaphore_mem>>)
        %dma_wait3A_312 = tpu.memref_slice %arg5[%add3A_308] : memref<9318400xf32, #tpu.memory_space<hbm>> -> memref<665600xf32, #tpu.memory_space<hbm>>
        %dma_wait3A_313 = arith.constant 0 : i32
        %dma_wait3A_314 = tpu.memref_slice %arg7[%dma_wait3A_313] : memref<668672xf32, #tpu.memory_space<vmem_shared>> -> memref<665600xf32, #tpu.memory_space<vmem_shared>>
        tpu.wait_dma2 semaphore(%run_scoped3A : memref<!tpu.dma_semaphore, #tpu.memory_space<semaphore_mem>>) src(%dma_wait3A_314 : memref<665600xf32, #tpu.memory_space<vmem_shared>>) dst(%dma_wait3A_312 : memref<665600xf32, #tpu.memory_space<hbm>>)
        tpu.yield
      }) : () -> ()
    } else {
    }
    %barrier3A_100 = arith.constant 0 : index
    tpu.barrier barrier_id(%barrier3A_100)
    %mul3A_101 = arith.constant 41792 : i32
    %mul3A_102 = arith.muli %arg1, %mul3A_101 : i32
    %add3A_103 = arith.constant 0 : i32
    %add3A_104 = arith.addi %mul3A_102, %add3A_103 : i32
    %dma_start3A_105 = tpu.memref_slice %arg6[%add3A_104] : memref<668672xf32, #tpu.memory_space<vmem_shared>> -> memref<10448xf32, #tpu.memory_space<vmem_shared>>
    %dma_start3A_106 = tpu.memref_slice %arg6[%add3A_104] : memref<668672xf32, #tpu.memory_space<vmem_shared>> -> memref<10448xf32, #tpu.memory_space<vmem_shared>>
    tpu.enqueue_dma source(%arg11 : memref<10448xf32, #tpu.memory_space<vmem>>) target(%dma_start3A_106 : memref<10448xf32, #tpu.memory_space<vmem_shared>>) target_semaphore(%arg13 : memref<!tpu.dma_semaphore, #tpu.memory_space<semaphore_mem>>)
    %mul3A_107 = arith.constant 41792 : i32
    %mul3A_108 = arith.muli %arg1, %mul3A_107 : i32
    %add3A_109 = arith.constant 10448 : i32
    %add3A_110 = arith.addi %mul3A_108, %add3A_109 : i32
    %dma_start3A_111 = tpu.memref_slice %arg6[%add3A_110] : memref<668672xf32, #tpu.memory_space<vmem_shared>> -> memref<10448xf32, #tpu.memory_space<vmem_shared>>
    %dma_start3A_112 = tpu.memref_slice %arg6[%add3A_110] : memref<668672xf32, #tpu.memory_space<vmem_shared>> -> memref<10448xf32, #tpu.memory_space<vmem_shared>>
    tpu.enqueue_dma source(%arg11 : memref<10448xf32, #tpu.memory_space<vmem>>) target(%dma_start3A_112 : memref<10448xf32, #tpu.memory_space<vmem_shared>>) target_semaphore(%arg13 : memref<!tpu.dma_semaphore, #tpu.memory_space<semaphore_mem>>)
    %mul3A_113 = arith.constant 41792 : i32
    %mul3A_114 = arith.muli %arg1, %mul3A_113 : i32
    %add3A_115 = arith.constant 20896 : i32
    %add3A_116 = arith.addi %mul3A_114, %add3A_115 : i32
    %dma_start3A_117 = tpu.memref_slice %arg6[%add3A_116] : memref<668672xf32, #tpu.memory_space<vmem_shared>> -> memref<10448xf32, #tpu.memory_space<vmem_shared>>
    %dma_start3A_118 = tpu.memref_slice %arg6[%add3A_116] : memref<668672xf32, #tpu.memory_space<vmem_shared>> -> memref<10448xf32, #tpu.memory_space<vmem_shared>>
    tpu.enqueue_dma source(%arg11 : memref<10448xf32, #tpu.memory_space<vmem>>) target(%dma_start3A_118 : memref<10448xf32, #tpu.memory_space<vmem_shared>>) target_semaphore(%arg13 : memref<!tpu.dma_semaphore, #tpu.memory_space<semaphore_mem>>)
    %mul3A_119 = arith.constant 41792 : i32
    %mul3A_120 = arith.muli %arg1, %mul3A_119 : i32
    %add3A_121 = arith.constant 31344 : i32
    %add3A_122 = arith.addi %mul3A_120, %add3A_121 : i32
    %dma_start3A_123 = tpu.memref_slice %arg6[%add3A_122] : memref<668672xf32, #tpu.memory_space<vmem_shared>> -> memref<10448xf32, #tpu.memory_space<vmem_shared>>
    %dma_start3A_124 = tpu.memref_slice %arg6[%add3A_122] : memref<668672xf32, #tpu.memory_space<vmem_shared>> -> memref<10448xf32, #tpu.memory_space<vmem_shared>>
    tpu.enqueue_dma source(%arg11 : memref<10448xf32, #tpu.memory_space<vmem>>) target(%dma_start3A_124 : memref<10448xf32, #tpu.memory_space<vmem_shared>>) target_semaphore(%arg13 : memref<!tpu.dma_semaphore, #tpu.memory_space<semaphore_mem>>)
    %mul3A_125 = arith.constant 41792 : i32
    %mul3A_126 = arith.muli %arg1, %mul3A_125 : i32
    %add3A_127 = arith.constant 0 : i32
    %add3A_128 = arith.addi %mul3A_126, %add3A_127 : i32
    %dma_start3A_129 = tpu.memref_slice %arg7[%add3A_128] : memref<668672xf32, #tpu.memory_space<vmem_shared>> -> memref<10448xf32, #tpu.memory_space<vmem_shared>>
    %dma_start3A_130 = tpu.memref_slice %arg7[%add3A_128] : memref<668672xf32, #tpu.memory_space<vmem_shared>> -> memref<10448xf32, #tpu.memory_space<vmem_shared>>
    tpu.enqueue_dma source(%arg11 : memref<10448xf32, #tpu.memory_space<vmem>>) target(%dma_start3A_130 : memref<10448xf32, #tpu.memory_space<vmem_shared>>) target_semaphore(%arg13 : memref<!tpu.dma_semaphore, #tpu.memory_space<semaphore_mem>>)
    %mul3A_131 = arith.constant 41792 : i32
    %mul3A_132 = arith.muli %arg1, %mul3A_131 : i32
    %add3A_133 = arith.constant 10448 : i32
    %add3A_134 = arith.addi %mul3A_132, %add3A_133 : i32
    %dma_start3A_135 = tpu.memref_slice %arg7[%add3A_134] : memref<668672xf32, #tpu.memory_space<vmem_shared>> -> memref<10448xf32, #tpu.memory_space<vmem_shared>>
    %dma_start3A_136 = tpu.memref_slice %arg7[%add3A_134] : memref<668672xf32, #tpu.memory_space<vmem_shared>> -> memref<10448xf32, #tpu.memory_space<vmem_shared>>
    tpu.enqueue_dma source(%arg11 : memref<10448xf32, #tpu.memory_space<vmem>>) target(%dma_start3A_136 : memref<10448xf32, #tpu.memory_space<vmem_shared>>) target_semaphore(%arg13 : memref<!tpu.dma_semaphore, #tpu.memory_space<semaphore_mem>>)
    %mul3A_137 = arith.constant 41792 : i32
    %mul3A_138 = arith.muli %arg1, %mul3A_137 : i32
    %add3A_139 = arith.constant 20896 : i32
    %add3A_140 = arith.addi %mul3A_138, %add3A_139 : i32
    %dma_start3A_141 = tpu.memref_slice %arg7[%add3A_140] : memref<668672xf32, #tpu.memory_space<vmem_shared>> -> memref<10448xf32, #tpu.memory_space<vmem_shared>>
    %dma_start3A_142 = tpu.memref_slice %arg7[%add3A_140] : memref<668672xf32, #tpu.memory_space<vmem_shared>> -> memref<10448xf32, #tpu.memory_space<vmem_shared>>
    tpu.enqueue_dma source(%arg11 : memref<10448xf32, #tpu.memory_space<vmem>>) target(%dma_start3A_142 : memref<10448xf32, #tpu.memory_space<vmem_shared>>) target_semaphore(%arg13 : memref<!tpu.dma_semaphore, #tpu.memory_space<semaphore_mem>>)
    %mul3A_143 = arith.constant 41792 : i32
    %mul3A_144 = arith.muli %arg1, %mul3A_143 : i32
    %add3A_145 = arith.constant 31344 : i32
    %add3A_146 = arith.addi %mul3A_144, %add3A_145 : i32
    %dma_start3A_147 = tpu.memref_slice %arg7[%add3A_146] : memref<668672xf32, #tpu.memory_space<vmem_shared>> -> memref<10448xf32, #tpu.memory_space<vmem_shared>>
    %dma_start3A_148 = tpu.memref_slice %arg7[%add3A_146] : memref<668672xf32, #tpu.memory_space<vmem_shared>> -> memref<10448xf32, #tpu.memory_space<vmem_shared>>
    tpu.enqueue_dma source(%arg11 : memref<10448xf32, #tpu.memory_space<vmem>>) target(%dma_start3A_148 : memref<10448xf32, #tpu.memory_space<vmem_shared>>) target_semaphore(%arg13 : memref<!tpu.dma_semaphore, #tpu.memory_space<semaphore_mem>>)
    %dma_wait3A_149 = tpu.memref_slice %arg6[%add3A_104] : memref<668672xf32, #tpu.memory_space<vmem_shared>> -> memref<10448xf32, #tpu.memory_space<vmem_shared>>
    %dma_wait3A_150 = tpu.memref_slice %arg6[%add3A_104] : memref<668672xf32, #tpu.memory_space<vmem_shared>> -> memref<10448xf32, #tpu.memory_space<vmem_shared>>
    tpu.wait_dma2 semaphore(%arg13 : memref<!tpu.dma_semaphore, #tpu.memory_space<semaphore_mem>>) src(%arg11 : memref<10448xf32, #tpu.memory_space<vmem>>) dst(%dma_wait3A_150 : memref<10448xf32, #tpu.memory_space<vmem_shared>>)
    %dma_wait3A_151 = tpu.memref_slice %arg6[%add3A_110] : memref<668672xf32, #tpu.memory_space<vmem_shared>> -> memref<10448xf32, #tpu.memory_space<vmem_shared>>
    %dma_wait3A_152 = tpu.memref_slice %arg6[%add3A_110] : memref<668672xf32, #tpu.memory_space<vmem_shared>> -> memref<10448xf32, #tpu.memory_space<vmem_shared>>
    tpu.wait_dma2 semaphore(%arg13 : memref<!tpu.dma_semaphore, #tpu.memory_space<semaphore_mem>>) src(%arg11 : memref<10448xf32, #tpu.memory_space<vmem>>) dst(%dma_wait3A_152 : memref<10448xf32, #tpu.memory_space<vmem_shared>>)
    %dma_wait3A_153 = tpu.memref_slice %arg6[%add3A_116] : memref<668672xf32, #tpu.memory_space<vmem_shared>> -> memref<10448xf32, #tpu.memory_space<vmem_shared>>
    %dma_wait3A_154 = tpu.memref_slice %arg6[%add3A_116] : memref<668672xf32, #tpu.memory_space<vmem_shared>> -> memref<10448xf32, #tpu.memory_space<vmem_shared>>
    tpu.wait_dma2 semaphore(%arg13 : memref<!tpu.dma_semaphore, #tpu.memory_space<semaphore_mem>>) src(%arg11 : memref<10448xf32, #tpu.memory_space<vmem>>) dst(%dma_wait3A_154 : memref<10448xf32, #tpu.memory_space<vmem_shared>>)
    %dma_wait3A_155 = tpu.memref_slice %arg6[%add3A_122] : memref<668672xf32, #tpu.memory_space<vmem_shared>> -> memref<10448xf32, #tpu.memory_space<vmem_shared>>
    %dma_wait3A_156 = tpu.memref_slice %arg6[%add3A_122] : memref<668672xf32, #tpu.memory_space<vmem_shared>> -> memref<10448xf32, #tpu.memory_space<vmem_shared>>
    tpu.wait_dma2 semaphore(%arg13 : memref<!tpu.dma_semaphore, #tpu.memory_space<semaphore_mem>>) src(%arg11 : memref<10448xf32, #tpu.memory_space<vmem>>) dst(%dma_wait3A_156 : memref<10448xf32, #tpu.memory_space<vmem_shared>>)
    %dma_wait3A_157 = tpu.memref_slice %arg7[%add3A_128] : memref<668672xf32, #tpu.memory_space<vmem_shared>> -> memref<10448xf32, #tpu.memory_space<vmem_shared>>
    %dma_wait3A_158 = tpu.memref_slice %arg7[%add3A_128] : memref<668672xf32, #tpu.memory_space<vmem_shared>> -> memref<10448xf32, #tpu.memory_space<vmem_shared>>
    tpu.wait_dma2 semaphore(%arg13 : memref<!tpu.dma_semaphore, #tpu.memory_space<semaphore_mem>>) src(%arg11 : memref<10448xf32, #tpu.memory_space<vmem>>) dst(%dma_wait3A_158 : memref<10448xf32, #tpu.memory_space<vmem_shared>>)
    %dma_wait3A_159 = tpu.memref_slice %arg7[%add3A_134] : memref<668672xf32, #tpu.memory_space<vmem_shared>> -> memref<10448xf32, #tpu.memory_space<vmem_shared>>
    %dma_wait3A_160 = tpu.memref_slice %arg7[%add3A_134] : memref<668672xf32, #tpu.memory_space<vmem_shared>> -> memref<10448xf32, #tpu.memory_space<vmem_shared>>
    tpu.wait_dma2 semaphore(%arg13 : memref<!tpu.dma_semaphore, #tpu.memory_space<semaphore_mem>>) src(%arg11 : memref<10448xf32, #tpu.memory_space<vmem>>) dst(%dma_wait3A_160 : memref<10448xf32, #tpu.memory_space<vmem_shared>>)
    %dma_wait3A_161 = tpu.memref_slice %arg7[%add3A_140] : memref<668672xf32, #tpu.memory_space<vmem_shared>> -> memref<10448xf32, #tpu.memory_space<vmem_shared>>
    %dma_wait3A_162 = tpu.memref_slice %arg7[%add3A_140] : memref<668672xf32, #tpu.memory_space<vmem_shared>> -> memref<10448xf32, #tpu.memory_space<vmem_shared>>
    tpu.wait_dma2 semaphore(%arg13 : memref<!tpu.dma_semaphore, #tpu.memory_space<semaphore_mem>>) src(%arg11 : memref<10448xf32, #tpu.memory_space<vmem>>) dst(%dma_wait3A_162 : memref<10448xf32, #tpu.memory_space<vmem_shared>>)
    %dma_wait3A_163 = tpu.memref_slice %arg7[%add3A_146] : memref<668672xf32, #tpu.memory_space<vmem_shared>> -> memref<10448xf32, #tpu.memory_space<vmem_shared>>
    %dma_wait3A_164 = tpu.memref_slice %arg7[%add3A_146] : memref<668672xf32, #tpu.memory_space<vmem_shared>> -> memref<10448xf32, #tpu.memory_space<vmem_shared>>
    tpu.wait_dma2 semaphore(%arg13 : memref<!tpu.dma_semaphore, #tpu.memory_space<semaphore_mem>>) src(%arg11 : memref<10448xf32, #tpu.memory_space<vmem>>) dst(%dma_wait3A_164 : memref<10448xf32, #tpu.memory_space<vmem_shared>>)
    %barrier3A_165 = arith.constant 0 : index
    tpu.barrier barrier_id(%barrier3A_165)
    %add3A_166 = arith.constant 655360 : i32
    %add3A_167 = arith.addi %add3A_166, %mul3A_2 : i32
    "tpu.region"() ({
      %run_scoped3A = tpu.sem_alloc : memref<!tpu.dma_semaphore, #tpu.memory_space<semaphore_mem>>
      %dma_start3A_305 = tpu.memref_slice %arg3[%add3A_167] : memref<786432xf32, #tpu.memory_space<hbm>> -> memref<4096xf32, #tpu.memory_space<hbm>>
      %dma_start3A_306 = tpu.memref_slice %arg3[%add3A_167] : memref<786432xf32, #tpu.memory_space<hbm>> -> memref<4096xf32, #tpu.memory_space<hbm>>
      tpu.enqueue_dma source(%dma_start3A_306 : memref<4096xf32, #tpu.memory_space<hbm>>) target(%arg10 : memref<4096xf32, #tpu.memory_space<vmem>>) target_semaphore(%run_scoped3A : memref<!tpu.dma_semaphore, #tpu.memory_space<semaphore_mem>>)
      %dma_wait3A_307 = tpu.memref_slice %arg3[%add3A_167] : memref<786432xf32, #tpu.memory_space<hbm>> -> memref<4096xf32, #tpu.memory_space<hbm>>
      %dma_wait3A_308 = tpu.memref_slice %arg3[%add3A_167] : memref<786432xf32, #tpu.memory_space<hbm>> -> memref<4096xf32, #tpu.memory_space<hbm>>
      tpu.wait_dma2 semaphore(%run_scoped3A : memref<!tpu.dma_semaphore, #tpu.memory_space<semaphore_mem>>) src(%dma_wait3A_308 : memref<4096xf32, #tpu.memory_space<hbm>>) dst(%arg10 : memref<4096xf32, #tpu.memory_space<vmem>>)
      tpu.yield
    }) : () -> ()
    "tpu.region"() ({
      %run_scoped3A = tpu.sem_alloc : memref<!tpu.dma_semaphore, #tpu.memory_space<semaphore_mem>>
      %dma_start3A_305 = arith.constant 0 : i32
      %dma_start3A_306 = tpu.memref_slice %arg6[%dma_start3A_305] : memref<668672xf32, #tpu.memory_space<vmem_shared>> -> memref<668672xf32, #tpu.memory_space<vmem_shared>>
      tpu.enqueue_indirect_dma source(%arg10 : memref<4096xf32, #tpu.memory_space<vmem>>) target(%dma_start3A_306 : memref<668672xf32, #tpu.memory_space<vmem_shared>>) offsets(%arg9 : memref<4096xi32, #tpu.memory_space<vmem>>) semaphore(%run_scoped3A : memref<!tpu.dma_semaphore, #tpu.memory_space<semaphore_mem>>) {add = true}
      %dma_wait3A_307 = arith.constant 0 : i32
      %dma_wait3A_308 = tpu.memref_slice %arg6[%dma_wait3A_307] : memref<668672xf32, #tpu.memory_space<vmem_shared>> -> memref<668672xf32, #tpu.memory_space<vmem_shared>>
      tpu.wait_indirect_dma semaphore(%run_scoped3A : memref<!tpu.dma_semaphore, #tpu.memory_space<semaphore_mem>>) src(%arg10 : memref<4096xf32, #tpu.memory_space<vmem>>) dst(%dma_wait3A_308 : memref<668672xf32, #tpu.memory_space<vmem_shared>>)
      tpu.yield
    }) : () -> ()
    %add3A_168 = arith.constant 720896 : i32
    %add3A_169 = arith.addi %add3A_168, %mul3A_2 : i32
    "tpu.region"() ({
      %run_scoped3A = tpu.sem_alloc : memref<!tpu.dma_semaphore, #tpu.memory_space<semaphore_mem>>
      %dma_start3A_305 = tpu.memref_slice %arg3[%add3A_169] : memref<786432xf32, #tpu.memory_space<hbm>> -> memref<4096xf32, #tpu.memory_space<hbm>>
      %dma_start3A_306 = tpu.memref_slice %arg3[%add3A_169] : memref<786432xf32, #tpu.memory_space<hbm>> -> memref<4096xf32, #tpu.memory_space<hbm>>
      tpu.enqueue_dma source(%dma_start3A_306 : memref<4096xf32, #tpu.memory_space<hbm>>) target(%arg10 : memref<4096xf32, #tpu.memory_space<vmem>>) target_semaphore(%run_scoped3A : memref<!tpu.dma_semaphore, #tpu.memory_space<semaphore_mem>>)
      %dma_wait3A_307 = tpu.memref_slice %arg3[%add3A_169] : memref<786432xf32, #tpu.memory_space<hbm>> -> memref<4096xf32, #tpu.memory_space<hbm>>
      %dma_wait3A_308 = tpu.memref_slice %arg3[%add3A_169] : memref<786432xf32, #tpu.memory_space<hbm>> -> memref<4096xf32, #tpu.memory_space<hbm>>
      tpu.wait_dma2 semaphore(%run_scoped3A : memref<!tpu.dma_semaphore, #tpu.memory_space<semaphore_mem>>) src(%dma_wait3A_308 : memref<4096xf32, #tpu.memory_space<hbm>>) dst(%arg10 : memref<4096xf32, #tpu.memory_space<vmem>>)
      tpu.yield
    }) : () -> ()
    "tpu.region"() ({
      %run_scoped3A = tpu.sem_alloc : memref<!tpu.dma_semaphore, #tpu.memory_space<semaphore_mem>>
      %dma_start3A_305 = arith.constant 0 : i32
      %dma_start3A_306 = tpu.memref_slice %arg7[%dma_start3A_305] : memref<668672xf32, #tpu.memory_space<vmem_shared>> -> memref<668672xf32, #tpu.memory_space<vmem_shared>>
      tpu.enqueue_indirect_dma source(%arg10 : memref<4096xf32, #tpu.memory_space<vmem>>) target(%dma_start3A_306 : memref<668672xf32, #tpu.memory_space<vmem_shared>>) offsets(%arg9 : memref<4096xi32, #tpu.memory_space<vmem>>) semaphore(%run_scoped3A : memref<!tpu.dma_semaphore, #tpu.memory_space<semaphore_mem>>) {add = true}
      %dma_wait3A_307 = arith.constant 0 : i32
      %dma_wait3A_308 = tpu.memref_slice %arg7[%dma_wait3A_307] : memref<668672xf32, #tpu.memory_space<vmem_shared>> -> memref<668672xf32, #tpu.memory_space<vmem_shared>>
      tpu.wait_indirect_dma semaphore(%run_scoped3A : memref<!tpu.dma_semaphore, #tpu.memory_space<semaphore_mem>>) src(%arg10 : memref<4096xf32, #tpu.memory_space<vmem>>) dst(%dma_wait3A_308 : memref<668672xf32, #tpu.memory_space<vmem_shared>>)
      tpu.yield
    }) : () -> ()
    %barrier3A_170 = arith.constant 0 : index
    tpu.barrier barrier_id(%barrier3A_170)
    %eq3A_171 = arith.constant 0 : i32
    %eq3A_172 = arith.cmpi eq, %arg1, %eq3A_171 : i32
    %convert_element_type3A_173 = arith.extui %eq3A_172 : i1 to i32
    %cond3A_174 = arith.constant 0 : i32
    %cond3A_175 = arith.cmpi ne, %convert_element_type3A_173, %cond3A_174 : i32
    scf.if %cond3A_175 {
      %mul3A_305 = arith.constant 665600 : i32
      %mul3A_306 = arith.muli %arg0, %mul3A_305 : i32
      %add3A_307 = arith.constant 1331200 : i32
      %add3A_308 = arith.addi %add3A_307, %mul3A_306 : i32
      "tpu.region"() ({
        %run_scoped3A = tpu.sem_alloc : memref<!tpu.dma_semaphore, #tpu.memory_space<semaphore_mem>>
        %dma_start3A_309 = tpu.memref_slice %arg5[%add3A_308] : memref<9318400xf32, #tpu.memory_space<hbm>> -> memref<665600xf32, #tpu.memory_space<hbm>>
        %dma_start3A_310 = arith.constant 0 : i32
        %dma_start3A_311 = tpu.memref_slice %arg6[%dma_start3A_310] : memref<668672xf32, #tpu.memory_space<vmem_shared>> -> memref<665600xf32, #tpu.memory_space<vmem_shared>>
        tpu.enqueue_dma source(%dma_start3A_311 : memref<665600xf32, #tpu.memory_space<vmem_shared>>) target(%dma_start3A_309 : memref<665600xf32, #tpu.memory_space<hbm>>) target_semaphore(%run_scoped3A : memref<!tpu.dma_semaphore, #tpu.memory_space<semaphore_mem>>)
        %dma_wait3A_312 = tpu.memref_slice %arg5[%add3A_308] : memref<9318400xf32, #tpu.memory_space<hbm>> -> memref<665600xf32, #tpu.memory_space<hbm>>
        %dma_wait3A_313 = arith.constant 0 : i32
        %dma_wait3A_314 = tpu.memref_slice %arg6[%dma_wait3A_313] : memref<668672xf32, #tpu.memory_space<vmem_shared>> -> memref<665600xf32, #tpu.memory_space<vmem_shared>>
        tpu.wait_dma2 semaphore(%run_scoped3A : memref<!tpu.dma_semaphore, #tpu.memory_space<semaphore_mem>>) src(%dma_wait3A_314 : memref<665600xf32, #tpu.memory_space<vmem_shared>>) dst(%dma_wait3A_312 : memref<665600xf32, #tpu.memory_space<hbm>>)
        tpu.yield
      }) : () -> ()
    } else {
    }
    %eq3A_176 = arith.constant 1 : i32
    %eq3A_177 = arith.cmpi eq, %arg1, %eq3A_176 : i32
    %convert_element_type3A_178 = arith.extui %eq3A_177 : i1 to i32
    %cond3A_179 = arith.constant 0 : i32
    %cond3A_180 = arith.cmpi ne, %convert_element_type3A_178, %cond3A_179 : i32
    scf.if %cond3A_180 {
      %mul3A_305 = arith.constant 665600 : i32
      %mul3A_306 = arith.muli %arg0, %mul3A_305 : i32
      %add3A_307 = arith.constant 2662400 : i32
      %add3A_308 = arith.addi %add3A_307, %mul3A_306 : i32
      "tpu.region"() ({
        %run_scoped3A = tpu.sem_alloc : memref<!tpu.dma_semaphore, #tpu.memory_space<semaphore_mem>>
        %dma_start3A_309 = tpu.memref_slice %arg5[%add3A_308] : memref<9318400xf32, #tpu.memory_space<hbm>> -> memref<665600xf32, #tpu.memory_space<hbm>>
        %dma_start3A_310 = arith.constant 0 : i32
        %dma_start3A_311 = tpu.memref_slice %arg7[%dma_start3A_310] : memref<668672xf32, #tpu.memory_space<vmem_shared>> -> memref<665600xf32, #tpu.memory_space<vmem_shared>>
        tpu.enqueue_dma source(%dma_start3A_311 : memref<665600xf32, #tpu.memory_space<vmem_shared>>) target(%dma_start3A_309 : memref<665600xf32, #tpu.memory_space<hbm>>) target_semaphore(%run_scoped3A : memref<!tpu.dma_semaphore, #tpu.memory_space<semaphore_mem>>)
        %dma_wait3A_312 = tpu.memref_slice %arg5[%add3A_308] : memref<9318400xf32, #tpu.memory_space<hbm>> -> memref<665600xf32, #tpu.memory_space<hbm>>
        %dma_wait3A_313 = arith.constant 0 : i32
        %dma_wait3A_314 = tpu.memref_slice %arg7[%dma_wait3A_313] : memref<668672xf32, #tpu.memory_space<vmem_shared>> -> memref<665600xf32, #tpu.memory_space<vmem_shared>>
        tpu.wait_dma2 semaphore(%run_scoped3A : memref<!tpu.dma_semaphore, #tpu.memory_space<semaphore_mem>>) src(%dma_wait3A_314 : memref<665600xf32, #tpu.memory_space<vmem_shared>>) dst(%dma_wait3A_312 : memref<665600xf32, #tpu.memory_space<hbm>>)
        tpu.yield
      }) : () -> ()
    } else {
    }
    %barrier3A_181 = arith.constant 0 : index
    tpu.barrier barrier_id(%barrier3A_181)
    %mul3A_182 = arith.constant 41792 : i32
    %mul3A_183 = arith.muli %arg1, %mul3A_182 : i32
    %add3A_184 = arith.constant 0 : i32
    %add3A_185 = arith.addi %mul3A_183, %add3A_184 : i32
    %dma_start3A_186 = tpu.memref_slice %arg6[%add3A_185] : memref<668672xf32, #tpu.memory_space<vmem_shared>> -> memref<10448xf32, #tpu.memory_space<vmem_shared>>
    %dma_start3A_187 = tpu.memref_slice %arg6[%add3A_185] : memref<668672xf32, #tpu.memory_space<vmem_shared>> -> memref<10448xf32, #tpu.memory_space<vmem_shared>>
    tpu.enqueue_dma source(%arg11 : memref<10448xf32, #tpu.memory_space<vmem>>) target(%dma_start3A_187 : memref<10448xf32, #tpu.memory_space<vmem_shared>>) target_semaphore(%arg13 : memref<!tpu.dma_semaphore, #tpu.memory_space<semaphore_mem>>)
    %mul3A_188 = arith.constant 41792 : i32
    %mul3A_189 = arith.muli %arg1, %mul3A_188 : i32
    %add3A_190 = arith.constant 10448 : i32
    %add3A_191 = arith.addi %mul3A_189, %add3A_190 : i32
    %dma_start3A_192 = tpu.memref_slice %arg6[%add3A_191] : memref<668672xf32, #tpu.memory_space<vmem_shared>> -> memref<10448xf32, #tpu.memory_space<vmem_shared>>
    %dma_start3A_193 = tpu.memref_slice %arg6[%add3A_191] : memref<668672xf32, #tpu.memory_space<vmem_shared>> -> memref<10448xf32, #tpu.memory_space<vmem_shared>>
    tpu.enqueue_dma source(%arg11 : memref<10448xf32, #tpu.memory_space<vmem>>) target(%dma_start3A_193 : memref<10448xf32, #tpu.memory_space<vmem_shared>>) target_semaphore(%arg13 : memref<!tpu.dma_semaphore, #tpu.memory_space<semaphore_mem>>)
    %mul3A_194 = arith.constant 41792 : i32
    %mul3A_195 = arith.muli %arg1, %mul3A_194 : i32
    %add3A_196 = arith.constant 20896 : i32
    %add3A_197 = arith.addi %mul3A_195, %add3A_196 : i32
    %dma_start3A_198 = tpu.memref_slice %arg6[%add3A_197] : memref<668672xf32, #tpu.memory_space<vmem_shared>> -> memref<10448xf32, #tpu.memory_space<vmem_shared>>
    %dma_start3A_199 = tpu.memref_slice %arg6[%add3A_197] : memref<668672xf32, #tpu.memory_space<vmem_shared>> -> memref<10448xf32, #tpu.memory_space<vmem_shared>>
    tpu.enqueue_dma source(%arg11 : memref<10448xf32, #tpu.memory_space<vmem>>) target(%dma_start3A_199 : memref<10448xf32, #tpu.memory_space<vmem_shared>>) target_semaphore(%arg13 : memref<!tpu.dma_semaphore, #tpu.memory_space<semaphore_mem>>)
    %mul3A_200 = arith.constant 41792 : i32
    %mul3A_201 = arith.muli %arg1, %mul3A_200 : i32
    %add3A_202 = arith.constant 31344 : i32
    %add3A_203 = arith.addi %mul3A_201, %add3A_202 : i32
    %dma_start3A_204 = tpu.memref_slice %arg6[%add3A_203] : memref<668672xf32, #tpu.memory_space<vmem_shared>> -> memref<10448xf32, #tpu.memory_space<vmem_shared>>
    %dma_start3A_205 = tpu.memref_slice %arg6[%add3A_203] : memref<668672xf32, #tpu.memory_space<vmem_shared>> -> memref<10448xf32, #tpu.memory_space<vmem_shared>>
    tpu.enqueue_dma source(%arg11 : memref<10448xf32, #tpu.memory_space<vmem>>) target(%dma_start3A_205 : memref<10448xf32, #tpu.memory_space<vmem_shared>>) target_semaphore(%arg13 : memref<!tpu.dma_semaphore, #tpu.memory_space<semaphore_mem>>)
    %mul3A_206 = arith.constant 41792 : i32
    %mul3A_207 = arith.muli %arg1, %mul3A_206 : i32
    %add3A_208 = arith.constant 0 : i32
    %add3A_209 = arith.addi %mul3A_207, %add3A_208 : i32
    %dma_start3A_210 = tpu.memref_slice %arg7[%add3A_209] : memref<668672xf32, #tpu.memory_space<vmem_shared>> -> memref<10448xf32, #tpu.memory_space<vmem_shared>>
    %dma_start3A_211 = tpu.memref_slice %arg7[%add3A_209] : memref<668672xf32, #tpu.memory_space<vmem_shared>> -> memref<10448xf32, #tpu.memory_space<vmem_shared>>
    tpu.enqueue_dma source(%arg11 : memref<10448xf32, #tpu.memory_space<vmem>>) target(%dma_start3A_211 : memref<10448xf32, #tpu.memory_space<vmem_shared>>) target_semaphore(%arg13 : memref<!tpu.dma_semaphore, #tpu.memory_space<semaphore_mem>>)
    %mul3A_212 = arith.constant 41792 : i32
    %mul3A_213 = arith.muli %arg1, %mul3A_212 : i32
    %add3A_214 = arith.constant 10448 : i32
    %add3A_215 = arith.addi %mul3A_213, %add3A_214 : i32
    %dma_start3A_216 = tpu.memref_slice %arg7[%add3A_215] : memref<668672xf32, #tpu.memory_space<vmem_shared>> -> memref<10448xf32, #tpu.memory_space<vmem_shared>>
    %dma_start3A_217 = tpu.memref_slice %arg7[%add3A_215] : memref<668672xf32, #tpu.memory_space<vmem_shared>> -> memref<10448xf32, #tpu.memory_space<vmem_shared>>
    tpu.enqueue_dma source(%arg11 : memref<10448xf32, #tpu.memory_space<vmem>>) target(%dma_start3A_217 : memref<10448xf32, #tpu.memory_space<vmem_shared>>) target_semaphore(%arg13 : memref<!tpu.dma_semaphore, #tpu.memory_space<semaphore_mem>>)
    %mul3A_218 = arith.constant 41792 : i32
    %mul3A_219 = arith.muli %arg1, %mul3A_218 : i32
    %add3A_220 = arith.constant 20896 : i32
    %add3A_221 = arith.addi %mul3A_219, %add3A_220 : i32
    %dma_start3A_222 = tpu.memref_slice %arg7[%add3A_221] : memref<668672xf32, #tpu.memory_space<vmem_shared>> -> memref<10448xf32, #tpu.memory_space<vmem_shared>>
    %dma_start3A_223 = tpu.memref_slice %arg7[%add3A_221] : memref<668672xf32, #tpu.memory_space<vmem_shared>> -> memref<10448xf32, #tpu.memory_space<vmem_shared>>
    tpu.enqueue_dma source(%arg11 : memref<10448xf32, #tpu.memory_space<vmem>>) target(%dma_start3A_223 : memref<10448xf32, #tpu.memory_space<vmem_shared>>) target_semaphore(%arg13 : memref<!tpu.dma_semaphore, #tpu.memory_space<semaphore_mem>>)
    %mul3A_224 = arith.constant 41792 : i32
    %mul3A_225 = arith.muli %arg1, %mul3A_224 : i32
    %add3A_226 = arith.constant 31344 : i32
    %add3A_227 = arith.addi %mul3A_225, %add3A_226 : i32
    %dma_start3A_228 = tpu.memref_slice %arg7[%add3A_227] : memref<668672xf32, #tpu.memory_space<vmem_shared>> -> memref<10448xf32, #tpu.memory_space<vmem_shared>>
    %dma_start3A_229 = tpu.memref_slice %arg7[%add3A_227] : memref<668672xf32, #tpu.memory_space<vmem_shared>> -> memref<10448xf32, #tpu.memory_space<vmem_shared>>
    tpu.enqueue_dma source(%arg11 : memref<10448xf32, #tpu.memory_space<vmem>>) target(%dma_start3A_229 : memref<10448xf32, #tpu.memory_space<vmem_shared>>) target_semaphore(%arg13 : memref<!tpu.dma_semaphore, #tpu.memory_space<semaphore_mem>>)
    %dma_wait3A_230 = tpu.memref_slice %arg6[%add3A_185] : memref<668672xf32, #tpu.memory_space<vmem_shared>> -> memref<10448xf32, #tpu.memory_space<vmem_shared>>
    %dma_wait3A_231 = tpu.memref_slice %arg6[%add3A_185] : memref<668672xf32, #tpu.memory_space<vmem_shared>> -> memref<10448xf32, #tpu.memory_space<vmem_shared>>
    tpu.wait_dma2 semaphore(%arg13 : memref<!tpu.dma_semaphore, #tpu.memory_space<semaphore_mem>>) src(%arg11 : memref<10448xf32, #tpu.memory_space<vmem>>) dst(%dma_wait3A_231 : memref<10448xf32, #tpu.memory_space<vmem_shared>>)
    %dma_wait3A_232 = tpu.memref_slice %arg6[%add3A_191] : memref<668672xf32, #tpu.memory_space<vmem_shared>> -> memref<10448xf32, #tpu.memory_space<vmem_shared>>
    %dma_wait3A_233 = tpu.memref_slice %arg6[%add3A_191] : memref<668672xf32, #tpu.memory_space<vmem_shared>> -> memref<10448xf32, #tpu.memory_space<vmem_shared>>
    tpu.wait_dma2 semaphore(%arg13 : memref<!tpu.dma_semaphore, #tpu.memory_space<semaphore_mem>>) src(%arg11 : memref<10448xf32, #tpu.memory_space<vmem>>) dst(%dma_wait3A_233 : memref<10448xf32, #tpu.memory_space<vmem_shared>>)
    %dma_wait3A_234 = tpu.memref_slice %arg6[%add3A_197] : memref<668672xf32, #tpu.memory_space<vmem_shared>> -> memref<10448xf32, #tpu.memory_space<vmem_shared>>
    %dma_wait3A_235 = tpu.memref_slice %arg6[%add3A_197] : memref<668672xf32, #tpu.memory_space<vmem_shared>> -> memref<10448xf32, #tpu.memory_space<vmem_shared>>
    tpu.wait_dma2 semaphore(%arg13 : memref<!tpu.dma_semaphore, #tpu.memory_space<semaphore_mem>>) src(%arg11 : memref<10448xf32, #tpu.memory_space<vmem>>) dst(%dma_wait3A_235 : memref<10448xf32, #tpu.memory_space<vmem_shared>>)
    %dma_wait3A_236 = tpu.memref_slice %arg6[%add3A_203] : memref<668672xf32, #tpu.memory_space<vmem_shared>> -> memref<10448xf32, #tpu.memory_space<vmem_shared>>
    %dma_wait3A_237 = tpu.memref_slice %arg6[%add3A_203] : memref<668672xf32, #tpu.memory_space<vmem_shared>> -> memref<10448xf32, #tpu.memory_space<vmem_shared>>
    tpu.wait_dma2 semaphore(%arg13 : memref<!tpu.dma_semaphore, #tpu.memory_space<semaphore_mem>>) src(%arg11 : memref<10448xf32, #tpu.memory_space<vmem>>) dst(%dma_wait3A_237 : memref<10448xf32, #tpu.memory_space<vmem_shared>>)
    %dma_wait3A_238 = tpu.memref_slice %arg7[%add3A_209] : memref<668672xf32, #tpu.memory_space<vmem_shared>> -> memref<10448xf32, #tpu.memory_space<vmem_shared>>
    %dma_wait3A_239 = tpu.memref_slice %arg7[%add3A_209] : memref<668672xf32, #tpu.memory_space<vmem_shared>> -> memref<10448xf32, #tpu.memory_space<vmem_shared>>
    tpu.wait_dma2 semaphore(%arg13 : memref<!tpu.dma_semaphore, #tpu.memory_space<semaphore_mem>>) src(%arg11 : memref<10448xf32, #tpu.memory_space<vmem>>) dst(%dma_wait3A_239 : memref<10448xf32, #tpu.memory_space<vmem_shared>>)
    %dma_wait3A_240 = tpu.memref_slice %arg7[%add3A_215] : memref<668672xf32, #tpu.memory_space<vmem_shared>> -> memref<10448xf32, #tpu.memory_space<vmem_shared>>
    %dma_wait3A_241 = tpu.memref_slice %arg7[%add3A_215] : memref<668672xf32, #tpu.memory_space<vmem_shared>> -> memref<10448xf32, #tpu.memory_space<vmem_shared>>
    tpu.wait_dma2 semaphore(%arg13 : memref<!tpu.dma_semaphore, #tpu.memory_space<semaphore_mem>>) src(%arg11 : memref<10448xf32, #tpu.memory_space<vmem>>) dst(%dma_wait3A_241 : memref<10448xf32, #tpu.memory_space<vmem_shared>>)
    %dma_wait3A_242 = tpu.memref_slice %arg7[%add3A_221] : memref<668672xf32, #tpu.memory_space<vmem_shared>> -> memref<10448xf32, #tpu.memory_space<vmem_shared>>
    %dma_wait3A_243 = tpu.memref_slice %arg7[%add3A_221] : memref<668672xf32, #tpu.memory_space<vmem_shared>> -> memref<10448xf32, #tpu.memory_space<vmem_shared>>
    tpu.wait_dma2 semaphore(%arg13 : memref<!tpu.dma_semaphore, #tpu.memory_space<semaphore_mem>>) src(%arg11 : memref<10448xf32, #tpu.memory_space<vmem>>) dst(%dma_wait3A_243 : memref<10448xf32, #tpu.memory_space<vmem_shared>>)
    %dma_wait3A_244 = tpu.memref_slice %arg7[%add3A_227] : memref<668672xf32, #tpu.memory_space<vmem_shared>> -> memref<10448xf32, #tpu.memory_space<vmem_shared>>
    %dma_wait3A_245 = tpu.memref_slice %arg7[%add3A_227] : memref<668672xf32, #tpu.memory_space<vmem_shared>> -> memref<10448xf32, #tpu.memory_space<vmem_shared>>
    tpu.wait_dma2 semaphore(%arg13 : memref<!tpu.dma_semaphore, #tpu.memory_space<semaphore_mem>>) src(%arg11 : memref<10448xf32, #tpu.memory_space<vmem>>) dst(%dma_wait3A_245 : memref<10448xf32, #tpu.memory_space<vmem_shared>>)
    %barrier3A_246 = arith.constant 0 : index
    tpu.barrier barrier_id(%barrier3A_246)
    %add3A_247 = arith.constant 589824 : i32
    %add3A_248 = arith.addi %add3A_247, %mul3A_2 : i32
    "tpu.region"() ({
      %run_scoped3A = tpu.sem_alloc : memref<!tpu.dma_semaphore, #tpu.memory_space<semaphore_mem>>
      %dma_start3A_305 = tpu.memref_slice %arg4[%add3A_248] : memref<786432xf32, #tpu.memory_space<hbm>> -> memref<4096xf32, #tpu.memory_space<hbm>>
      %dma_start3A_306 = tpu.memref_slice %arg4[%add3A_248] : memref<786432xf32, #tpu.memory_space<hbm>> -> memref<4096xf32, #tpu.memory_space<hbm>>
      tpu.enqueue_dma source(%dma_start3A_306 : memref<4096xf32, #tpu.memory_space<hbm>>) target(%arg10 : memref<4096xf32, #tpu.memory_space<vmem>>) target_semaphore(%run_scoped3A : memref<!tpu.dma_semaphore, #tpu.memory_space<semaphore_mem>>)
      %dma_wait3A_307 = tpu.memref_slice %arg4[%add3A_248] : memref<786432xf32, #tpu.memory_space<hbm>> -> memref<4096xf32, #tpu.memory_space<hbm>>
      %dma_wait3A_308 = tpu.memref_slice %arg4[%add3A_248] : memref<786432xf32, #tpu.memory_space<hbm>> -> memref<4096xf32, #tpu.memory_space<hbm>>
      tpu.wait_dma2 semaphore(%run_scoped3A : memref<!tpu.dma_semaphore, #tpu.memory_space<semaphore_mem>>) src(%dma_wait3A_308 : memref<4096xf32, #tpu.memory_space<hbm>>) dst(%arg10 : memref<4096xf32, #tpu.memory_space<vmem>>)
      tpu.yield
    }) : () -> ()
    "tpu.region"() ({
      %run_scoped3A = tpu.sem_alloc : memref<!tpu.dma_semaphore, #tpu.memory_space<semaphore_mem>>
      %dma_start3A_305 = arith.constant 0 : i32
      %dma_start3A_306 = tpu.memref_slice %arg6[%dma_start3A_305] : memref<668672xf32, #tpu.memory_space<vmem_shared>> -> memref<668672xf32, #tpu.memory_space<vmem_shared>>
      tpu.enqueue_indirect_dma source(%arg10 : memref<4096xf32, #tpu.memory_space<vmem>>) target(%dma_start3A_306 : memref<668672xf32, #tpu.memory_space<vmem_shared>>) offsets(%arg9 : memref<4096xi32, #tpu.memory_space<vmem>>) semaphore(%run_scoped3A : memref<!tpu.dma_semaphore, #tpu.memory_space<semaphore_mem>>) {add = true}
      %dma_wait3A_307 = arith.constant 0 : i32
      %dma_wait3A_308 = tpu.memref_slice %arg6[%dma_wait3A_307] : memref<668672xf32, #tpu.memory_space<vmem_shared>> -> memref<668672xf32, #tpu.memory_space<vmem_shared>>
      tpu.wait_indirect_dma semaphore(%run_scoped3A : memref<!tpu.dma_semaphore, #tpu.memory_space<semaphore_mem>>) src(%arg10 : memref<4096xf32, #tpu.memory_space<vmem>>) dst(%dma_wait3A_308 : memref<668672xf32, #tpu.memory_space<vmem_shared>>)
      tpu.yield
    }) : () -> ()
    %add3A_249 = arith.constant 655360 : i32
    %add3A_250 = arith.addi %add3A_249, %mul3A_2 : i32
    "tpu.region"() ({
      %run_scoped3A = tpu.sem_alloc : memref<!tpu.dma_semaphore, #tpu.memory_space<semaphore_mem>>
      %dma_start3A_305 = tpu.memref_slice %arg4[%add3A_250] : memref<786432xf32, #tpu.memory_space<hbm>> -> memref<4096xf32, #tpu.memory_space<hbm>>
      %dma_start3A_306 = tpu.memref_slice %arg4[%add3A_250] : memref<786432xf32, #tpu.memory_space<hbm>> -> memref<4096xf32, #tpu.memory_space<hbm>>
      tpu.enqueue_dma source(%dma_start3A_306 : memref<4096xf32, #tpu.memory_space<hbm>>) target(%arg10 : memref<4096xf32, #tpu.memory_space<vmem>>) target_semaphore(%run_scoped3A : memref<!tpu.dma_semaphore, #tpu.memory_space<semaphore_mem>>)
      %dma_wait3A_307 = tpu.memref_slice %arg4[%add3A_250] : memref<786432xf32, #tpu.memory_space<hbm>> -> memref<4096xf32, #tpu.memory_space<hbm>>
      %dma_wait3A_308 = tpu.memref_slice %arg4[%add3A_250] : memref<786432xf32, #tpu.memory_space<hbm>> -> memref<4096xf32, #tpu.memory_space<hbm>>
      tpu.wait_dma2 semaphore(%run_scoped3A : memref<!tpu.dma_semaphore, #tpu.memory_space<semaphore_mem>>) src(%dma_wait3A_308 : memref<4096xf32, #tpu.memory_space<hbm>>) dst(%arg10 : memref<4096xf32, #tpu.memory_space<vmem>>)
      tpu.yield
    }) : () -> ()
    "tpu.region"() ({
      %run_scoped3A = tpu.sem_alloc : memref<!tpu.dma_semaphore, #tpu.memory_space<semaphore_mem>>
      %dma_start3A_305 = arith.constant 0 : i32
      %dma_start3A_306 = tpu.memref_slice %arg7[%dma_start3A_305] : memref<668672xf32, #tpu.memory_space<vmem_shared>> -> memref<668672xf32, #tpu.memory_space<vmem_shared>>
      tpu.enqueue_indirect_dma source(%arg10 : memref<4096xf32, #tpu.memory_space<vmem>>) target(%dma_start3A_306 : memref<668672xf32, #tpu.memory_space<vmem_shared>>) offsets(%arg9 : memref<4096xi32, #tpu.memory_space<vmem>>) semaphore(%run_scoped3A : memref<!tpu.dma_semaphore, #tpu.memory_space<semaphore_mem>>) {add = true}
      %dma_wait3A_307 = arith.constant 0 : i32
      %dma_wait3A_308 = tpu.memref_slice %arg7[%dma_wait3A_307] : memref<668672xf32, #tpu.memory_space<vmem_shared>> -> memref<668672xf32, #tpu.memory_space<vmem_shared>>
      tpu.wait_indirect_dma semaphore(%run_scoped3A : memref<!tpu.dma_semaphore, #tpu.memory_space<semaphore_mem>>) src(%arg10 : memref<4096xf32, #tpu.memory_space<vmem>>) dst(%dma_wait3A_308 : memref<668672xf32, #tpu.memory_space<vmem_shared>>)
      tpu.yield
    }) : () -> ()
    %barrier3A_251 = arith.constant 0 : index
    tpu.barrier barrier_id(%barrier3A_251)
    %eq3A_252 = arith.constant 0 : i32
    %eq3A_253 = arith.cmpi eq, %arg1, %eq3A_252 : i32
    %convert_element_type3A_254 = arith.extui %eq3A_253 : i1 to i32
    %cond3A_255 = arith.constant 0 : i32
    %cond3A_256 = arith.cmpi ne, %convert_element_type3A_254, %cond3A_255 : i32
    scf.if %cond3A_256 {
      %mul3A_305 = arith.constant 665600 : i32
      %mul3A_306 = arith.muli %arg0, %mul3A_305 : i32
      %add3A_307 = arith.constant 3993600 : i32
      %add3A_308 = arith.addi %add3A_307, %mul3A_306 : i32
      "tpu.region"() ({
        %run_scoped3A = tpu.sem_alloc : memref<!tpu.dma_semaphore, #tpu.memory_space<semaphore_mem>>
        %dma_start3A_309 = tpu.memref_slice %arg5[%add3A_308] : memref<9318400xf32, #tpu.memory_space<hbm>> -> memref<665600xf32, #tpu.memory_space<hbm>>
        %dma_start3A_310 = arith.constant 0 : i32
        %dma_start3A_311 = tpu.memref_slice %arg6[%dma_start3A_310] : memref<668672xf32, #tpu.memory_space<vmem_shared>> -> memref<665600xf32, #tpu.memory_space<vmem_shared>>
        tpu.enqueue_dma source(%dma_start3A_311 : memref<665600xf32, #tpu.memory_space<vmem_shared>>) target(%dma_start3A_309 : memref<665600xf32, #tpu.memory_space<hbm>>) target_semaphore(%run_scoped3A : memref<!tpu.dma_semaphore, #tpu.memory_space<semaphore_mem>>)
        %dma_wait3A_312 = tpu.memref_slice %arg5[%add3A_308] : memref<9318400xf32, #tpu.memory_space<hbm>> -> memref<665600xf32, #tpu.memory_space<hbm>>
        %dma_wait3A_313 = arith.constant 0 : i32
        %dma_wait3A_314 = tpu.memref_slice %arg6[%dma_wait3A_313] : memref<668672xf32, #tpu.memory_space<vmem_shared>> -> memref<665600xf32, #tpu.memory_space<vmem_shared>>
        tpu.wait_dma2 semaphore(%run_scoped3A : memref<!tpu.dma_semaphore, #tpu.memory_space<semaphore_mem>>) src(%dma_wait3A_314 : memref<665600xf32, #tpu.memory_space<vmem_shared>>) dst(%dma_wait3A_312 : memref<665600xf32, #tpu.memory_space<hbm>>)
        tpu.yield
      }) : () -> ()
    } else {
    }
    %eq3A_257 = arith.constant 1 : i32
    %eq3A_258 = arith.cmpi eq, %arg1, %eq3A_257 : i32
    %convert_element_type3A_259 = arith.extui %eq3A_258 : i1 to i32
    %cond3A_260 = arith.constant 0 : i32
    %cond3A_261 = arith.cmpi ne, %convert_element_type3A_259, %cond3A_260 : i32
    scf.if %cond3A_261 {
      %mul3A_305 = arith.constant 665600 : i32
      %mul3A_306 = arith.muli %arg0, %mul3A_305 : i32
      %add3A_307 = arith.constant 5324800 : i32
      %add3A_308 = arith.addi %add3A_307, %mul3A_306 : i32
      "tpu.region"() ({
        %run_scoped3A = tpu.sem_alloc : memref<!tpu.dma_semaphore, #tpu.memory_space<semaphore_mem>>
        %dma_start3A_309 = tpu.memref_slice %arg5[%add3A_308] : memref<9318400xf32, #tpu.memory_space<hbm>> -> memref<665600xf32, #tpu.memory_space<hbm>>
        %dma_start3A_310 = arith.constant 0 : i32
        %dma_start3A_311 = tpu.memref_slice %arg7[%dma_start3A_310] : memref<668672xf32, #tpu.memory_space<vmem_shared>> -> memref<665600xf32, #tpu.memory_space<vmem_shared>>
        tpu.enqueue_dma source(%dma_start3A_311 : memref<665600xf32, #tpu.memory_space<vmem_shared>>) target(%dma_start3A_309 : memref<665600xf32, #tpu.memory_space<hbm>>) target_semaphore(%run_scoped3A : memref<!tpu.dma_semaphore, #tpu.memory_space<semaphore_mem>>)
        %dma_wait3A_312 = tpu.memref_slice %arg5[%add3A_308] : memref<9318400xf32, #tpu.memory_space<hbm>> -> memref<665600xf32, #tpu.memory_space<hbm>>
        %dma_wait3A_313 = arith.constant 0 : i32
        %dma_wait3A_314 = tpu.memref_slice %arg7[%dma_wait3A_313] : memref<668672xf32, #tpu.memory_space<vmem_shared>> -> memref<665600xf32, #tpu.memory_space<vmem_shared>>
        tpu.wait_dma2 semaphore(%run_scoped3A : memref<!tpu.dma_semaphore, #tpu.memory_space<semaphore_mem>>) src(%dma_wait3A_314 : memref<665600xf32, #tpu.memory_space<vmem_shared>>) dst(%dma_wait3A_312 : memref<665600xf32, #tpu.memory_space<hbm>>)
        tpu.yield
      }) : () -> ()
    } else {
    }
    %barrier3A_262 = arith.constant 0 : index
    tpu.barrier barrier_id(%barrier3A_262)
    %mul3A_263 = arith.constant 41792 : i32
    %mul3A_264 = arith.muli %arg1, %mul3A_263 : i32
    %add3A_265 = arith.constant 0 : i32
    %add3A_266 = arith.addi %mul3A_264, %add3A_265 : i32
    %dma_start3A_267 = tpu.memref_slice %arg6[%add3A_266] : memref<668672xf32, #tpu.memory_space<vmem_shared>> -> memref<10448xf32, #tpu.memory_space<vmem_shared>>
    %dma_start3A_268 = tpu.memref_slice %arg6[%add3A_266] : memref<668672xf32, #tpu.memory_space<vmem_shared>> -> memref<10448xf32, #tpu.memory_space<vmem_shared>>
    tpu.enqueue_dma source(%arg11 : memref<10448xf32, #tpu.memory_space<vmem>>) target(%dma_start3A_268 : memref<10448xf32, #tpu.memory_space<vmem_shared>>) target_semaphore(%arg13 : memref<!tpu.dma_semaphore, #tpu.memory_space<semaphore_mem>>)
    %mul3A_269 = arith.constant 41792 : i32
    %mul3A_270 = arith.muli %arg1, %mul3A_269 : i32
    %add3A_271 = arith.constant 10448 : i32
    %add3A_272 = arith.addi %mul3A_270, %add3A_271 : i32
    %dma_start3A_273 = tpu.memref_slice %arg6[%add3A_272] : memref<668672xf32, #tpu.memory_space<vmem_shared>> -> memref<10448xf32, #tpu.memory_space<vmem_shared>>
    %dma_start3A_274 = tpu.memref_slice %arg6[%add3A_272] : memref<668672xf32, #tpu.memory_space<vmem_shared>> -> memref<10448xf32, #tpu.memory_space<vmem_shared>>
    tpu.enqueue_dma source(%arg11 : memref<10448xf32, #tpu.memory_space<vmem>>) target(%dma_start3A_274 : memref<10448xf32, #tpu.memory_space<vmem_shared>>) target_semaphore(%arg13 : memref<!tpu.dma_semaphore, #tpu.memory_space<semaphore_mem>>)
    %mul3A_275 = arith.constant 41792 : i32
    %mul3A_276 = arith.muli %arg1, %mul3A_275 : i32
    %add3A_277 = arith.constant 20896 : i32
    %add3A_278 = arith.addi %mul3A_276, %add3A_277 : i32
    %dma_start3A_279 = tpu.memref_slice %arg6[%add3A_278] : memref<668672xf32, #tpu.memory_space<vmem_shared>> -> memref<10448xf32, #tpu.memory_space<vmem_shared>>
    %dma_start3A_280 = tpu.memref_slice %arg6[%add3A_278] : memref<668672xf32, #tpu.memory_space<vmem_shared>> -> memref<10448xf32, #tpu.memory_space<vmem_shared>>
    tpu.enqueue_dma source(%arg11 : memref<10448xf32, #tpu.memory_space<vmem>>) target(%dma_start3A_280 : memref<10448xf32, #tpu.memory_space<vmem_shared>>) target_semaphore(%arg13 : memref<!tpu.dma_semaphore, #tpu.memory_space<semaphore_mem>>)
    %mul3A_281 = arith.constant 41792 : i32
    %mul3A_282 = arith.muli %arg1, %mul3A_281 : i32
    %add3A_283 = arith.constant 31344 : i32
    %add3A_284 = arith.addi %mul3A_282, %add3A_283 : i32
    %dma_start3A_285 = tpu.memref_slice %arg6[%add3A_284] : memref<668672xf32, #tpu.memory_space<vmem_shared>> -> memref<10448xf32, #tpu.memory_space<vmem_shared>>
    %dma_start3A_286 = tpu.memref_slice %arg6[%add3A_284] : memref<668672xf32, #tpu.memory_space<vmem_shared>> -> memref<10448xf32, #tpu.memory_space<vmem_shared>>
    tpu.enqueue_dma source(%arg11 : memref<10448xf32, #tpu.memory_space<vmem>>) target(%dma_start3A_286 : memref<10448xf32, #tpu.memory_space<vmem_shared>>) target_semaphore(%arg13 : memref<!tpu.dma_semaphore, #tpu.memory_space<semaphore_mem>>)
    %dma_wait3A_287 = tpu.memref_slice %arg6[%add3A_266] : memref<668672xf32, #tpu.memory_space<vmem_shared>> -> memref<10448xf32, #tpu.memory_space<vmem_shared>>
    %dma_wait3A_288 = tpu.memref_slice %arg6[%add3A_266] : memref<668672xf32, #tpu.memory_space<vmem_shared>> -> memref<10448xf32, #tpu.memory_space<vmem_shared>>
    tpu.wait_dma2 semaphore(%arg13 : memref<!tpu.dma_semaphore, #tpu.memory_space<semaphore_mem>>) src(%arg11 : memref<10448xf32, #tpu.memory_space<vmem>>) dst(%dma_wait3A_288 : memref<10448xf32, #tpu.memory_space<vmem_shared>>)
    %dma_wait3A_289 = tpu.memref_slice %arg6[%add3A_272] : memref<668672xf32, #tpu.memory_space<vmem_shared>> -> memref<10448xf32, #tpu.memory_space<vmem_shared>>
    %dma_wait3A_290 = tpu.memref_slice %arg6[%add3A_272] : memref<668672xf32, #tpu.memory_space<vmem_shared>> -> memref<10448xf32, #tpu.memory_space<vmem_shared>>
    tpu.wait_dma2 semaphore(%arg13 : memref<!tpu.dma_semaphore, #tpu.memory_space<semaphore_mem>>) src(%arg11 : memref<10448xf32, #tpu.memory_space<vmem>>) dst(%dma_wait3A_290 : memref<10448xf32, #tpu.memory_space<vmem_shared>>)
    %dma_wait3A_291 = tpu.memref_slice %arg6[%add3A_278] : memref<668672xf32, #tpu.memory_space<vmem_shared>> -> memref<10448xf32, #tpu.memory_space<vmem_shared>>
    %dma_wait3A_292 = tpu.memref_slice %arg6[%add3A_278] : memref<668672xf32, #tpu.memory_space<vmem_shared>> -> memref<10448xf32, #tpu.memory_space<vmem_shared>>
    tpu.wait_dma2 semaphore(%arg13 : memref<!tpu.dma_semaphore, #tpu.memory_space<semaphore_mem>>) src(%arg11 : memref<10448xf32, #tpu.memory_space<vmem>>) dst(%dma_wait3A_292 : memref<10448xf32, #tpu.memory_space<vmem_shared>>)
    %dma_wait3A_293 = tpu.memref_slice %arg6[%add3A_284] : memref<668672xf32, #tpu.memory_space<vmem_shared>> -> memref<10448xf32, #tpu.memory_space<vmem_shared>>
    %dma_wait3A_294 = tpu.memref_slice %arg6[%add3A_284] : memref<668672xf32, #tpu.memory_space<vmem_shared>> -> memref<10448xf32, #tpu.memory_space<vmem_shared>>
    tpu.wait_dma2 semaphore(%arg13 : memref<!tpu.dma_semaphore, #tpu.memory_space<semaphore_mem>>) src(%arg11 : memref<10448xf32, #tpu.memory_space<vmem>>) dst(%dma_wait3A_294 : memref<10448xf32, #tpu.memory_space<vmem_shared>>)
    %barrier3A_295 = arith.constant 0 : index
    tpu.barrier barrier_id(%barrier3A_295)
    %add3A_296 = arith.constant 720896 : i32
    %add3A_297 = arith.addi %add3A_296, %mul3A_2 : i32
    "tpu.region"() ({
      %run_scoped3A = tpu.sem_alloc : memref<!tpu.dma_semaphore, #tpu.memory_space<semaphore_mem>>
      %dma_start3A_305 = tpu.memref_slice %arg4[%add3A_297] : memref<786432xf32, #tpu.memory_space<hbm>> -> memref<4096xf32, #tpu.memory_space<hbm>>
      %dma_start3A_306 = tpu.memref_slice %arg4[%add3A_297] : memref<786432xf32, #tpu.memory_space<hbm>> -> memref<4096xf32, #tpu.memory_space<hbm>>
      tpu.enqueue_dma source(%dma_start3A_306 : memref<4096xf32, #tpu.memory_space<hbm>>) target(%arg10 : memref<4096xf32, #tpu.memory_space<vmem>>) target_semaphore(%run_scoped3A : memref<!tpu.dma_semaphore, #tpu.memory_space<semaphore_mem>>)
      %dma_wait3A_307 = tpu.memref_slice %arg4[%add3A_297] : memref<786432xf32, #tpu.memory_space<hbm>> -> memref<4096xf32, #tpu.memory_space<hbm>>
      %dma_wait3A_308 = tpu.memref_slice %arg4[%add3A_297] : memref<786432xf32, #tpu.memory_space<hbm>> -> memref<4096xf32, #tpu.memory_space<hbm>>
      tpu.wait_dma2 semaphore(%run_scoped3A : memref<!tpu.dma_semaphore, #tpu.memory_space<semaphore_mem>>) src(%dma_wait3A_308 : memref<4096xf32, #tpu.memory_space<hbm>>) dst(%arg10 : memref<4096xf32, #tpu.memory_space<vmem>>)
      tpu.yield
    }) : () -> ()
    "tpu.region"() ({
      %run_scoped3A = tpu.sem_alloc : memref<!tpu.dma_semaphore, #tpu.memory_space<semaphore_mem>>
      %dma_start3A_305 = arith.constant 0 : i32
      %dma_start3A_306 = tpu.memref_slice %arg6[%dma_start3A_305] : memref<668672xf32, #tpu.memory_space<vmem_shared>> -> memref<668672xf32, #tpu.memory_space<vmem_shared>>
      tpu.enqueue_indirect_dma source(%arg10 : memref<4096xf32, #tpu.memory_space<vmem>>) target(%dma_start3A_306 : memref<668672xf32, #tpu.memory_space<vmem_shared>>) offsets(%arg9 : memref<4096xi32, #tpu.memory_space<vmem>>) semaphore(%run_scoped3A : memref<!tpu.dma_semaphore, #tpu.memory_space<semaphore_mem>>) {add = true}
      %dma_wait3A_307 = arith.constant 0 : i32
      %dma_wait3A_308 = tpu.memref_slice %arg6[%dma_wait3A_307] : memref<668672xf32, #tpu.memory_space<vmem_shared>> -> memref<668672xf32, #tpu.memory_space<vmem_shared>>
      tpu.wait_indirect_dma semaphore(%run_scoped3A : memref<!tpu.dma_semaphore, #tpu.memory_space<semaphore_mem>>) src(%arg10 : memref<4096xf32, #tpu.memory_space<vmem>>) dst(%dma_wait3A_308 : memref<668672xf32, #tpu.memory_space<vmem_shared>>)
      tpu.yield
    }) : () -> ()
    %barrier3A_298 = arith.constant 0 : index
    tpu.barrier barrier_id(%barrier3A_298)
    %eq3A_299 = arith.constant 0 : i32
    %eq3A_300 = arith.cmpi eq, %arg1, %eq3A_299 : i32
    %convert_element_type3A_301 = arith.extui %eq3A_300 : i1 to i32
    %cond3A_302 = arith.constant 0 : i32
    %cond3A_303 = arith.cmpi ne, %convert_element_type3A_301, %cond3A_302 : i32
    scf.if %cond3A_303 {
      %mul3A_305 = arith.constant 665600 : i32
      %mul3A_306 = arith.muli %arg0, %mul3A_305 : i32
      %add3A_307 = arith.constant 6656000 : i32
      %add3A_308 = arith.addi %add3A_307, %mul3A_306 : i32
      "tpu.region"() ({
        %run_scoped3A = tpu.sem_alloc : memref<!tpu.dma_semaphore, #tpu.memory_space<semaphore_mem>>
        %dma_start3A_309 = tpu.memref_slice %arg5[%add3A_308] : memref<9318400xf32, #tpu.memory_space<hbm>> -> memref<665600xf32, #tpu.memory_space<hbm>>
        %dma_start3A_310 = arith.constant 0 : i32
        %dma_start3A_311 = tpu.memref_slice %arg6[%dma_start3A_310] : memref<668672xf32, #tpu.memory_space<vmem_shared>> -> memref<665600xf32, #tpu.memory_space<vmem_shared>>
        tpu.enqueue_dma source(%dma_start3A_311 : memref<665600xf32, #tpu.memory_space<vmem_shared>>) target(%dma_start3A_309 : memref<665600xf32, #tpu.memory_space<hbm>>) target_semaphore(%run_scoped3A : memref<!tpu.dma_semaphore, #tpu.memory_space<semaphore_mem>>)
        %dma_wait3A_312 = tpu.memref_slice %arg5[%add3A_308] : memref<9318400xf32, #tpu.memory_space<hbm>> -> memref<665600xf32, #tpu.memory_space<hbm>>
        %dma_wait3A_313 = arith.constant 0 : i32
        %dma_wait3A_314 = tpu.memref_slice %arg6[%dma_wait3A_313] : memref<668672xf32, #tpu.memory_space<vmem_shared>> -> memref<665600xf32, #tpu.memory_space<vmem_shared>>
        tpu.wait_dma2 semaphore(%run_scoped3A : memref<!tpu.dma_semaphore, #tpu.memory_space<semaphore_mem>>) src(%dma_wait3A_314 : memref<665600xf32, #tpu.memory_space<vmem_shared>>) dst(%dma_wait3A_312 : memref<665600xf32, #tpu.memory_space<hbm>>)
        tpu.yield
      }) : () -> ()
    } else {
    }
    %barrier3A_304 = arith.constant 0 : index
    tpu.barrier barrier_id(%barrier3A_304)
    return
  }
}

module attributes {stable_mosaic.version = 14 : i64} {
  func.func @_vox_idx_body(%arg0: i32, %arg1: memref<1x3x65536xf32, #tpu.memory_space<vmem>>, %arg2: memref<1x1x3xf32, #tpu.memory_space<vmem>>, %arg3: memref<1x1x3xf32, #tpu.memory_space<vmem>>, %arg4: memref<1x1x65536xi32, #tpu.memory_space<vmem>>) attributes {dimension_semantics = [#tpu.dimension_semantics<arbitrary>], iteration_bounds = array<i64: 4>, scalar_prefetch = 0 : i64, scratch_operands = 0 : i64, tpu.core_type = #tpu.core_type<tc>, window_params = [{transform_indices = @transform_0, window_bounds = array<i64: 1, 3, 65536>}, {transform_indices = @transform_1, window_bounds = array<i64: 1, 1, 3>}, {transform_indices = @transform_2, window_bounds = array<i64: 1, 1, 3>}, {transform_indices = @transform_3, window_bounds = array<i64: 1, 1, 65536>}]} {
    %get3A = arith.constant 0 : index
    %get3A_0 = arith.constant 0 : index
    %get3A_1 = arith.constant 0 : index
    %get3A_2 = vector.load %arg1[%get3A, %get3A_0, %get3A_1] : memref<1x3x65536xf32, #tpu.memory_space<vmem>>, vector<1x3x65536xf32>
    %get3A_3 = arith.constant 0 : index
    %get3A_4 = arith.constant 0 : index
    %get3A_5 = arith.constant 0 : index
    %get3A_6 = vector.load %arg2[%get3A_3, %get3A_4, %get3A_5] : memref<1x1x3xf32, #tpu.memory_space<vmem>>, vector<1x1x3xf32>
    %reshape3A = vector.shape_cast %get3A_6 : vector<1x1x3xf32> to vector<1x3xf32>
    %broadcast_in_dim3A = vector.shape_cast %reshape3A : vector<1x3xf32> to vector<1x3x1xf32>
    %get3A_7 = arith.constant 0 : index
    %get3A_8 = arith.constant 0 : index
    %get3A_9 = arith.constant 0 : index
    %get3A_10 = vector.load %arg3[%get3A_7, %get3A_8, %get3A_9] : memref<1x1x3xf32, #tpu.memory_space<vmem>>, vector<1x1x3xf32>
    %reshape3A_11 = vector.shape_cast %get3A_10 : vector<1x1x3xf32> to vector<1x3xf32>
    %broadcast_in_dim3A_12 = vector.shape_cast %reshape3A_11 : vector<1x3xf32> to vector<1x3x1xf32>
    %sub3A = vector.broadcast %broadcast_in_dim3A : vector<1x3x1xf32> to vector<1x3x65536xf32>
    %sub3A_13 = arith.subf %get3A_2, %sub3A : vector<1x3x65536xf32>
    %div3A = vector.broadcast %broadcast_in_dim3A_12 : vector<1x3x1xf32> to vector<1x3x65536xf32>
    %div3A_14 = arith.divf %sub3A_13, %div3A : vector<1x3x65536xf32>
    %floor3A = math.floor %div3A_14 : vector<1x3x65536xf32>
    %jit3A = arith.constant 0.000000e+00 : f32
    %jit3A_15 = arith.constant 9.900000e+01 : f32
    %max3A = vector.broadcast %jit3A : f32 to vector<1x3x65536xf32>
    %max3A_16 = arith.maximumf %max3A, %floor3A : vector<1x3x65536xf32>
    %min3A = vector.broadcast %jit3A_15 : f32 to vector<1x3x65536xf32>
    %min3A_17 = arith.minimumf %min3A, %max3A_16 : vector<1x3x65536xf32>
    %convert_element_type3A = arith.fptosi %min3A_17 : vector<1x3x65536xf32> to vector<1x3x65536xi32>
    %slice3A = vector.extract_strided_slice %convert_element_type3A {offsets = [0, 0, 0], sizes = [1, 1, 65536], strides = [1, 1, 1]} : vector<1x3x65536xi32> to vector<1x1x65536xi32>
    %mul3A = arith.constant 13312 : i32
    %mul3A_18 = vector.broadcast %mul3A : i32 to vector<1x1x65536xi32>
    %mul3A_19 = arith.muli %slice3A, %mul3A_18 : vector<1x1x65536xi32>
    %slice3A_20 = vector.extract_strided_slice %convert_element_type3A {offsets = [0, 1, 0], sizes = [1, 1, 65536], strides = [1, 1, 1]} : vector<1x3x65536xi32> to vector<1x1x65536xi32>
    %mul3A_21 = arith.constant 128 : i32
    %mul3A_22 = vector.broadcast %mul3A_21 : i32 to vector<1x1x65536xi32>
    %mul3A_23 = arith.muli %slice3A_20, %mul3A_22 : vector<1x1x65536xi32>
    %add3A = arith.addi %mul3A_19, %mul3A_23 : vector<1x1x65536xi32>
    %slice3A_24 = vector.extract_strided_slice %convert_element_type3A {offsets = [0, 2, 0], sizes = [1, 1, 65536], strides = [1, 1, 1]} : vector<1x3x65536xi32> to vector<1x1x65536xi32>
    %add3A_25 = arith.addi %add3A, %slice3A_24 : vector<1x1x65536xi32>
    %swap3A = arith.constant 0 : index
    %swap3A_26 = arith.constant 0 : index
    %swap3A_27 = arith.constant 0 : index
    %swap3A_28 = vector.load %arg4[%swap3A, %swap3A_26, %swap3A_27] : memref<1x1x65536xi32, #tpu.memory_space<vmem>>, vector<1x1x65536xi32>
    tpu.vector_store %arg4[%swap3A, %swap3A_26, %swap3A_27], %add3A_25 {strides = array<i32>} : memref<1x1x65536xi32, #tpu.memory_space<vmem>>, vector<1x1x65536xi32>,
    return
  }
  func.func @transform_0(%arg0: i32) -> (i32, i32, i32) {
    %c0_i32 = arith.constant 0 : i32
    %c0_i32_0 = arith.constant 0 : i32
    %c0_i32_1 = arith.constant 0 : i32
    return %arg0, %c0_i32, %c0_i32_0 : i32, i32, i32
  }
  func.func @transform_1(%arg0: i32) -> (i32, i32, i32) {
    %c0_i32 = arith.constant 0 : i32
    %c0_i32_0 = arith.constant 0 : i32
    %c0_i32_1 = arith.constant 0 : i32
    return %arg0, %c0_i32, %c0_i32_0 : i32, i32, i32
  }
  func.func @transform_2(%arg0: i32) -> (i32, i32, i32) {
    %c0_i32 = arith.constant 0 : i32
    %c0_i32_0 = arith.constant 0 : i32
    %c0_i32_1 = arith.constant 0 : i32
    return %arg0, %c0_i32, %c0_i32_0 : i32, i32, i32
  }
  func.func @transform_3(%arg0: i32) -> (i32, i32, i32) {
    %c0_i32 = arith.constant 0 : i32
    %c0_i32_0 = arith.constant 0 : i32
    %c0_i32_1 = arith.constant 0 : i32
    return %arg0, %c0_i32, %c0_i32_0 : i32, i32, i32
  }
}

module attributes {stable_mosaic.version = 14 : i64} {
  func.func @_fin_body(%arg0: i32, %arg1: memref<1x7x4x104x128xf32, #tpu.memory_space<vmem>>, %arg2: memref<1x10x4x100x100xf32, #tpu.memory_space<vmem>>) attributes {dimension_semantics = [#tpu.dimension_semantics<arbitrary>], iteration_bounds = array<i64: 25>, scalar_prefetch = 0 : i64, scratch_operands = 0 : i64, tpu.core_type = #tpu.core_type<tc>, window_params = [{transform_indices = @transform_0, window_bounds = array<i64: 1, 7, 4, 104, 128>}, {transform_indices = @transform_1, window_bounds = array<i64: 1, 10, 4, 100, 100>}]} {
    %get3A = arith.constant 0 : index
    %get3A_0 = arith.constant 0 : index
    %get3A_1 = arith.constant 0 : index
    %get3A_2 = arith.constant 0 : index
    %get3A_3 = arith.constant 0 : index
    %get3A_4 = vector.load %arg1[%get3A, %get3A_0, %get3A_1, %get3A_2, %get3A_3] : memref<1x7x4x104x128xf32, #tpu.memory_space<vmem>>, vector<1x7x4x104x128xf32>
    %slice3A = vector.extract_strided_slice %get3A_4 {offsets = [0, 6, 0, 0, 0], sizes = [1, 1, 4, 100, 100], strides = [1, 1, 1, 1, 1]} : vector<1x7x4x104x128xf32> to vector<1x1x4x100x100xf32>
    %squeeze3A = vector.shape_cast %slice3A : vector<1x1x4x100x100xf32> to vector<1x4x100x100xf32>
    %max3A = arith.constant 1.000000e+00 : f32
    %max3A_5 = vector.broadcast %max3A : f32 to vector<1x4x100x100xf32>
    %max3A_6 = arith.maximumf %squeeze3A, %max3A_5 : vector<1x4x100x100xf32>
    %div3A = arith.constant 1.000000e+00 : f32
    %div3A_7 = vector.broadcast %div3A : f32 to vector<1x4x100x100xf32>
    %div3A_8 = arith.divf %div3A_7, %max3A_6 : vector<1x4x100x100xf32>
    %slice3A_9 = vector.extract_strided_slice %get3A_4 {offsets = [0, 0, 0, 0, 0], sizes = [1, 1, 4, 100, 100], strides = [1, 1, 1, 1, 1]} : vector<1x7x4x104x128xf32> to vector<1x1x4x100x100xf32>
    %squeeze3A_10 = vector.shape_cast %slice3A_9 : vector<1x1x4x100x100xf32> to vector<1x4x100x100xf32>
    %mul3A = arith.mulf %squeeze3A_10, %div3A_8 : vector<1x4x100x100xf32>
    %swap3A = arith.constant 0 : index
    %swap3A_11 = arith.constant 0 : index
    %swap3A_12 = arith.constant 0 : index
    %swap3A_13 = arith.constant 0 : index
    %swap3A_14 = arith.constant 0 : index
    %swap3A_15 = vector.load %arg2[%swap3A, %swap3A_11, %swap3A_12, %swap3A_13, %swap3A_14] : memref<1x10x4x100x100xf32, #tpu.memory_space<vmem>>, vector<1x1x4x100x100xf32>
    %swap3A_16 = vector.shape_cast %swap3A_15 : vector<1x1x4x100x100xf32> to vector<1x4x100x100xf32>
    %swap3A_17 = vector.shape_cast %mul3A : vector<1x4x100x100xf32> to vector<1x1x4x100x100xf32>
    tpu.vector_store %arg2[%swap3A, %swap3A_11, %swap3A_12, %swap3A_13, %swap3A_14], %swap3A_17 {strides = array<i32>} : memref<1x10x4x100x100xf32, #tpu.memory_space<vmem>>, vector<1x1x4x100x100xf32>,
    %slice3A_18 = vector.extract_strided_slice %get3A_4 {offsets = [0, 1, 0, 0, 0], sizes = [1, 1, 4, 100, 100], strides = [1, 1, 1, 1, 1]} : vector<1x7x4x104x128xf32> to vector<1x1x4x100x100xf32>
    %squeeze3A_19 = vector.shape_cast %slice3A_18 : vector<1x1x4x100x100xf32> to vector<1x4x100x100xf32>
    %mul3A_20 = arith.mulf %squeeze3A_19, %div3A_8 : vector<1x4x100x100xf32>
    %swap3A_21 = arith.constant 0 : index
    %swap3A_22 = arith.constant 1 : index
    %swap3A_23 = arith.constant 0 : index
    %swap3A_24 = arith.constant 0 : index
    %swap3A_25 = arith.constant 0 : index
    %swap3A_26 = vector.load %arg2[%swap3A_21, %swap3A_22, %swap3A_23, %swap3A_24, %swap3A_25] : memref<1x10x4x100x100xf32, #tpu.memory_space<vmem>>, vector<1x1x4x100x100xf32>
    %swap3A_27 = vector.shape_cast %swap3A_26 : vector<1x1x4x100x100xf32> to vector<1x4x100x100xf32>
    %swap3A_28 = vector.shape_cast %mul3A_20 : vector<1x4x100x100xf32> to vector<1x1x4x100x100xf32>
    tpu.vector_store %arg2[%swap3A_21, %swap3A_22, %swap3A_23, %swap3A_24, %swap3A_25], %swap3A_28 {strides = array<i32>} : memref<1x10x4x100x100xf32, #tpu.memory_space<vmem>>, vector<1x1x4x100x100xf32>,
    %slice3A_29 = vector.extract_strided_slice %get3A_4 {offsets = [0, 2, 0, 0, 0], sizes = [1, 1, 4, 100, 100], strides = [1, 1, 1, 1, 1]} : vector<1x7x4x104x128xf32> to vector<1x1x4x100x100xf32>
    %squeeze3A_30 = vector.shape_cast %slice3A_29 : vector<1x1x4x100x100xf32> to vector<1x4x100x100xf32>
    %mul3A_31 = arith.mulf %squeeze3A_30, %div3A_8 : vector<1x4x100x100xf32>
    %swap3A_32 = arith.constant 0 : index
    %swap3A_33 = arith.constant 2 : index
    %swap3A_34 = arith.constant 0 : index
    %swap3A_35 = arith.constant 0 : index
    %swap3A_36 = arith.constant 0 : index
    %swap3A_37 = vector.load %arg2[%swap3A_32, %swap3A_33, %swap3A_34, %swap3A_35, %swap3A_36] : memref<1x10x4x100x100xf32, #tpu.memory_space<vmem>>, vector<1x1x4x100x100xf32>
    %swap3A_38 = vector.shape_cast %swap3A_37 : vector<1x1x4x100x100xf32> to vector<1x4x100x100xf32>
    %swap3A_39 = vector.shape_cast %mul3A_31 : vector<1x4x100x100xf32> to vector<1x1x4x100x100xf32>
    tpu.vector_store %arg2[%swap3A_32, %swap3A_33, %swap3A_34, %swap3A_35, %swap3A_36], %swap3A_39 {strides = array<i32>} : memref<1x10x4x100x100xf32, #tpu.memory_space<vmem>>, vector<1x1x4x100x100xf32>,
    %slice3A_40 = vector.extract_strided_slice %get3A_4 {offsets = [0, 3, 0, 0, 0], sizes = [1, 1, 4, 100, 100], strides = [1, 1, 1, 1, 1]} : vector<1x7x4x104x128xf32> to vector<1x1x4x100x100xf32>
    %squeeze3A_41 = vector.shape_cast %slice3A_40 : vector<1x1x4x100x100xf32> to vector<1x4x100x100xf32>
    %mul3A_42 = arith.mulf %squeeze3A_41, %div3A_8 : vector<1x4x100x100xf32>
    %swap3A_43 = arith.constant 0 : index
    %swap3A_44 = arith.constant 3 : index
    %swap3A_45 = arith.constant 0 : index
    %swap3A_46 = arith.constant 0 : index
    %swap3A_47 = arith.constant 0 : index
    %swap3A_48 = vector.load %arg2[%swap3A_43, %swap3A_44, %swap3A_45, %swap3A_46, %swap3A_47] : memref<1x10x4x100x100xf32, #tpu.memory_space<vmem>>, vector<1x1x4x100x100xf32>
    %swap3A_49 = vector.shape_cast %swap3A_48 : vector<1x1x4x100x100xf32> to vector<1x4x100x100xf32>
    %swap3A_50 = vector.shape_cast %mul3A_42 : vector<1x4x100x100xf32> to vector<1x1x4x100x100xf32>
    tpu.vector_store %arg2[%swap3A_43, %swap3A_44, %swap3A_45, %swap3A_46, %swap3A_47], %swap3A_50 {strides = array<i32>} : memref<1x10x4x100x100xf32, #tpu.memory_space<vmem>>, vector<1x1x4x100x100xf32>,
    %slice3A_51 = vector.extract_strided_slice %get3A_4 {offsets = [0, 4, 0, 0, 0], sizes = [1, 1, 4, 100, 100], strides = [1, 1, 1, 1, 1]} : vector<1x7x4x104x128xf32> to vector<1x1x4x100x100xf32>
    %squeeze3A_52 = vector.shape_cast %slice3A_51 : vector<1x1x4x100x100xf32> to vector<1x4x100x100xf32>
    %mul3A_53 = arith.mulf %squeeze3A_52, %div3A_8 : vector<1x4x100x100xf32>
    %swap3A_54 = arith.constant 0 : index
    %swap3A_55 = arith.constant 4 : index
    %swap3A_56 = arith.constant 0 : index
    %swap3A_57 = arith.constant 0 : index
    %swap3A_58 = arith.constant 0 : index
    %swap3A_59 = vector.load %arg2[%swap3A_54, %swap3A_55, %swap3A_56, %swap3A_57, %swap3A_58] : memref<1x10x4x100x100xf32, #tpu.memory_space<vmem>>, vector<1x1x4x100x100xf32>
    %swap3A_60 = vector.shape_cast %swap3A_59 : vector<1x1x4x100x100xf32> to vector<1x4x100x100xf32>
    %swap3A_61 = vector.shape_cast %mul3A_53 : vector<1x4x100x100xf32> to vector<1x1x4x100x100xf32>
    tpu.vector_store %arg2[%swap3A_54, %swap3A_55, %swap3A_56, %swap3A_57, %swap3A_58], %swap3A_61 {strides = array<i32>} : memref<1x10x4x100x100xf32, #tpu.memory_space<vmem>>, vector<1x1x4x100x100xf32>,
    %slice3A_62 = vector.extract_strided_slice %get3A_4 {offsets = [0, 5, 0, 0, 0], sizes = [1, 1, 4, 100, 100], strides = [1, 1, 1, 1, 1]} : vector<1x7x4x104x128xf32> to vector<1x1x4x100x100xf32>
    %squeeze3A_63 = vector.shape_cast %slice3A_62 : vector<1x1x4x100x100xf32> to vector<1x4x100x100xf32>
    %mul3A_64 = arith.mulf %squeeze3A_63, %div3A_8 : vector<1x4x100x100xf32>
    %swap3A_65 = arith.constant 0 : index
    %swap3A_66 = arith.constant 5 : index
    %swap3A_67 = arith.constant 0 : index
    %swap3A_68 = arith.constant 0 : index
    %swap3A_69 = arith.constant 0 : index
    %swap3A_70 = vector.load %arg2[%swap3A_65, %swap3A_66, %swap3A_67, %swap3A_68, %swap3A_69] : memref<1x10x4x100x100xf32, #tpu.memory_space<vmem>>, vector<1x1x4x100x100xf32>
    %swap3A_71 = vector.shape_cast %swap3A_70 : vector<1x1x4x100x100xf32> to vector<1x4x100x100xf32>
    %swap3A_72 = vector.shape_cast %mul3A_64 : vector<1x4x100x100xf32> to vector<1x1x4x100x100xf32>
    tpu.vector_store %arg2[%swap3A_65, %swap3A_66, %swap3A_67, %swap3A_68, %swap3A_69], %swap3A_72 {strides = array<i32>} : memref<1x10x4x100x100xf32, #tpu.memory_space<vmem>>, vector<1x1x4x100x100xf32>,
    %mul3A_73 = arith.constant 4 : i32
    %mul3A_74 = arith.muli %arg0, %mul3A_73 : i32
    %iota3A = tpu.iota {dimensions = array<i32: 1>} : vector<1x4x100x100xi32>
    %add3A = vector.broadcast %mul3A_74 : i32 to vector<1x4x100x100xi32>
    %add3A_75 = arith.addi %add3A, %iota3A : vector<1x4x100x100xi32>
    %convert_element_type3A = arith.sitofp %add3A_75 : vector<1x4x100x100xi32> to vector<1x4x100x100xf32>
    %mul3A_76 = arith.constant 0.0101010101 : f32
    %mul3A_77 = vector.broadcast %mul3A_76 : f32 to vector<1x4x100x100xf32>
    %mul3A_78 = arith.mulf %convert_element_type3A, %mul3A_77 : vector<1x4x100x100xf32>
    %swap3A_79 = arith.constant 0 : index
    %swap3A_80 = arith.constant 6 : index
    %swap3A_81 = arith.constant 0 : index
    %swap3A_82 = arith.constant 0 : index
    %swap3A_83 = arith.constant 0 : index
    %swap3A_84 = vector.load %arg2[%swap3A_79, %swap3A_80, %swap3A_81, %swap3A_82, %swap3A_83] : memref<1x10x4x100x100xf32, #tpu.memory_space<vmem>>, vector<1x1x4x100x100xf32>
    %swap3A_85 = vector.shape_cast %swap3A_84 : vector<1x1x4x100x100xf32> to vector<1x4x100x100xf32>
    %swap3A_86 = vector.shape_cast %mul3A_78 : vector<1x4x100x100xf32> to vector<1x1x4x100x100xf32>
    tpu.vector_store %arg2[%swap3A_79, %swap3A_80, %swap3A_81, %swap3A_82, %swap3A_83], %swap3A_86 {strides = array<i32>} : memref<1x10x4x100x100xf32, #tpu.memory_space<vmem>>, vector<1x1x4x100x100xf32>,
    %iota3A_87 = tpu.iota {dimensions = array<i32: 2>} : vector<1x4x100x100xi32>
    %convert_element_type3A_88 = arith.sitofp %iota3A_87 : vector<1x4x100x100xi32> to vector<1x4x100x100xf32>
    %mul3A_89 = arith.constant 0.0101010101 : f32
    %mul3A_90 = vector.broadcast %mul3A_89 : f32 to vector<1x4x100x100xf32>
    %mul3A_91 = arith.mulf %convert_element_type3A_88, %mul3A_90 : vector<1x4x100x100xf32>
    %swap3A_92 = arith.constant 0 : index
    %swap3A_93 = arith.constant 7 : index
    %swap3A_94 = arith.constant 0 : index
    %swap3A_95 = arith.constant 0 : index
    %swap3A_96 = arith.constant 0 : index
    %swap3A_97 = vector.load %arg2[%swap3A_92, %swap3A_93, %swap3A_94, %swap3A_95, %swap3A_96] : memref<1x10x4x100x100xf32, #tpu.memory_space<vmem>>, vector<1x1x4x100x100xf32>
    %swap3A_98 = vector.shape_cast %swap3A_97 : vector<1x1x4x100x100xf32> to vector<1x4x100x100xf32>
    %swap3A_99 = vector.shape_cast %mul3A_91 : vector<1x4x100x100xf32> to vector<1x1x4x100x100xf32>
    tpu.vector_store %arg2[%swap3A_92, %swap3A_93, %swap3A_94, %swap3A_95, %swap3A_96], %swap3A_99 {strides = array<i32>} : memref<1x10x4x100x100xf32, #tpu.memory_space<vmem>>, vector<1x1x4x100x100xf32>,
    %iota3A_100 = tpu.iota {dimensions = array<i32: 3>} : vector<1x4x100x100xi32>
    %convert_element_type3A_101 = arith.sitofp %iota3A_100 : vector<1x4x100x100xi32> to vector<1x4x100x100xf32>
    %mul3A_102 = arith.constant 0.0101010101 : f32
    %mul3A_103 = vector.broadcast %mul3A_102 : f32 to vector<1x4x100x100xf32>
    %mul3A_104 = arith.mulf %convert_element_type3A_101, %mul3A_103 : vector<1x4x100x100xf32>
    %swap3A_105 = arith.constant 0 : index
    %swap3A_106 = arith.constant 8 : index
    %swap3A_107 = arith.constant 0 : index
    %swap3A_108 = arith.constant 0 : index
    %swap3A_109 = arith.constant 0 : index
    %swap3A_110 = vector.load %arg2[%swap3A_105, %swap3A_106, %swap3A_107, %swap3A_108, %swap3A_109] : memref<1x10x4x100x100xf32, #tpu.memory_space<vmem>>, vector<1x1x4x100x100xf32>
    %swap3A_111 = vector.shape_cast %swap3A_110 : vector<1x1x4x100x100xf32> to vector<1x4x100x100xf32>
    %swap3A_112 = vector.shape_cast %mul3A_104 : vector<1x4x100x100xf32> to vector<1x1x4x100x100xf32>
    tpu.vector_store %arg2[%swap3A_105, %swap3A_106, %swap3A_107, %swap3A_108, %swap3A_109], %swap3A_112 {strides = array<i32>} : memref<1x10x4x100x100xf32, #tpu.memory_space<vmem>>, vector<1x1x4x100x100xf32>,
    %gt3A = arith.constant 0.000000e+00 : f32
    %gt3A_113 = vector.broadcast %gt3A : f32 to vector<1x4x100x100xf32>
    %gt3A_114 = arith.cmpf ogt, %squeeze3A, %gt3A_113 : vector<1x4x100x100xf32>
    %convert_element_type3A_115 = arith.extui %gt3A_114 : vector<1x4x100x100xi1> to vector<1x4x100x100xi32>
    %convert_element_type3A_116 = arith.sitofp %convert_element_type3A_115 : vector<1x4x100x100xi32> to vector<1x4x100x100xf32>
    %swap3A_117 = arith.constant 0 : index
    %swap3A_118 = arith.constant 9 : index
    %swap3A_119 = arith.constant 0 : index
    %swap3A_120 = arith.constant 0 : index
    %swap3A_121 = arith.constant 0 : index
    %swap3A_122 = vector.load %arg2[%swap3A_117, %swap3A_118, %swap3A_119, %swap3A_120, %swap3A_121] : memref<1x10x4x100x100xf32, #tpu.memory_space<vmem>>, vector<1x1x4x100x100xf32>
    %swap3A_123 = vector.shape_cast %swap3A_122 : vector<1x1x4x100x100xf32> to vector<1x4x100x100xf32>
    %swap3A_124 = vector.shape_cast %convert_element_type3A_116 : vector<1x4x100x100xf32> to vector<1x1x4x100x100xf32>
    tpu.vector_store %arg2[%swap3A_117, %swap3A_118, %swap3A_119, %swap3A_120, %swap3A_121], %swap3A_124 {strides = array<i32>} : memref<1x10x4x100x100xf32, #tpu.memory_space<vmem>>, vector<1x1x4x100x100xf32>,
    return
  }
  func.func @transform_0(%arg0: i32) -> (i32, i32, i32, i32, i32) {
    %c0_i32 = arith.constant 0 : i32
    %c0_i32_0 = arith.constant 0 : i32
    %c0_i32_1 = arith.constant 0 : i32
    %c0_i32_2 = arith.constant 0 : i32
    %c0_i32_3 = arith.constant 0 : i32
    return %c0_i32, %c0_i32_0, %arg0, %c0_i32_1, %c0_i32_2 : i32, i32, i32, i32, i32
  }
  func.func @transform_1(%arg0: i32) -> (i32, i32, i32, i32, i32) {
    %c0_i32 = arith.constant 0 : i32
    %c0_i32_0 = arith.constant 0 : i32
    %c0_i32_1 = arith.constant 0 : i32
    %c0_i32_2 = arith.constant 0 : i32
    %c0_i32_3 = arith.constant 0 : i32
    return %c0_i32, %c0_i32_0, %arg0, %c0_i32_1, %c0_i32_2 : i32, i32, i32, i32, i32
  }
}

module attributes {stable_mosaic.version = 14 : i64} {
  func.func @_fin_body_carry(%arg0: i32, %arg1: memref<1x7x4x104x128xf32, #tpu.memory_space<vmem>>, %arg2: memref<4x10x100x100x100xf32, #tpu.memory_space<any>>, %arg3: memref<1x10x4x100x100xf32, #tpu.memory_space<vmem>>) attributes {dimension_semantics = [#tpu.dimension_semantics<arbitrary>], iteration_bounds = array<i64: 25>, scalar_prefetch = 0 : i64, scratch_operands = 0 : i64, tpu.core_type = #tpu.core_type<tc>, window_params = [{transform_indices = @transform_0, window_bounds = array<i64: 1, 7, 4, 104, 128>}, {}, {transform_indices = @transform_2, window_bounds = array<i64: 1, 10, 4, 100, 100>}]} {
    %get3A = arith.constant 0 : index
    %get3A_0 = arith.constant 0 : index
    %get3A_1 = arith.constant 0 : index
    %get3A_2 = arith.constant 0 : index
    %get3A_3 = arith.constant 0 : index
    %get3A_4 = vector.load %arg1[%get3A, %get3A_0, %get3A_1, %get3A_2, %get3A_3] : memref<1x7x4x104x128xf32, #tpu.memory_space<vmem>>, vector<1x7x4x104x128xf32>
    %slice3A = vector.extract_strided_slice %get3A_4 {offsets = [0, 6, 0, 0, 0], sizes = [1, 1, 4, 100, 100], strides = [1, 1, 1, 1, 1]} : vector<1x7x4x104x128xf32> to vector<1x1x4x100x100xf32>
    %squeeze3A = vector.shape_cast %slice3A : vector<1x1x4x100x100xf32> to vector<1x4x100x100xf32>
    %max3A = arith.constant 1.000000e+00 : f32
    %max3A_5 = vector.broadcast %max3A : f32 to vector<1x4x100x100xf32>
    %max3A_6 = arith.maximumf %squeeze3A, %max3A_5 : vector<1x4x100x100xf32>
    %div3A = arith.constant 1.000000e+00 : f32
    %div3A_7 = vector.broadcast %div3A : f32 to vector<1x4x100x100xf32>
    %div3A_8 = arith.divf %div3A_7, %max3A_6 : vector<1x4x100x100xf32>
    %slice3A_9 = vector.extract_strided_slice %get3A_4 {offsets = [0, 0, 0, 0, 0], sizes = [1, 1, 4, 100, 100], strides = [1, 1, 1, 1, 1]} : vector<1x7x4x104x128xf32> to vector<1x1x4x100x100xf32>
    %squeeze3A_10 = vector.shape_cast %slice3A_9 : vector<1x1x4x100x100xf32> to vector<1x4x100x100xf32>
    %mul3A = arith.mulf %squeeze3A_10, %div3A_8 : vector<1x4x100x100xf32>
    %swap3A = arith.constant 0 : index
    %swap3A_11 = arith.constant 0 : index
    %swap3A_12 = arith.constant 0 : index
    %swap3A_13 = arith.constant 0 : index
    %swap3A_14 = arith.constant 0 : index
    %swap3A_15 = vector.load %arg3[%swap3A, %swap3A_11, %swap3A_12, %swap3A_13, %swap3A_14] : memref<1x10x4x100x100xf32, #tpu.memory_space<vmem>>, vector<1x1x4x100x100xf32>
    %swap3A_16 = vector.shape_cast %swap3A_15 : vector<1x1x4x100x100xf32> to vector<1x4x100x100xf32>
    %swap3A_17 = vector.shape_cast %mul3A : vector<1x4x100x100xf32> to vector<1x1x4x100x100xf32>
    tpu.vector_store %arg3[%swap3A, %swap3A_11, %swap3A_12, %swap3A_13, %swap3A_14], %swap3A_17 {strides = array<i32>} : memref<1x10x4x100x100xf32, #tpu.memory_space<vmem>>, vector<1x1x4x100x100xf32>,
    %slice3A_18 = vector.extract_strided_slice %get3A_4 {offsets = [0, 1, 0, 0, 0], sizes = [1, 1, 4, 100, 100], strides = [1, 1, 1, 1, 1]} : vector<1x7x4x104x128xf32> to vector<1x1x4x100x100xf32>
    %squeeze3A_19 = vector.shape_cast %slice3A_18 : vector<1x1x4x100x100xf32> to vector<1x4x100x100xf32>
    %mul3A_20 = arith.mulf %squeeze3A_19, %div3A_8 : vector<1x4x100x100xf32>
    %swap3A_21 = arith.constant 0 : index
    %swap3A_22 = arith.constant 1 : index
    %swap3A_23 = arith.constant 0 : index
    %swap3A_24 = arith.constant 0 : index
    %swap3A_25 = arith.constant 0 : index
    %swap3A_26 = vector.load %arg3[%swap3A_21, %swap3A_22, %swap3A_23, %swap3A_24, %swap3A_25] : memref<1x10x4x100x100xf32, #tpu.memory_space<vmem>>, vector<1x1x4x100x100xf32>
    %swap3A_27 = vector.shape_cast %swap3A_26 : vector<1x1x4x100x100xf32> to vector<1x4x100x100xf32>
    %swap3A_28 = vector.shape_cast %mul3A_20 : vector<1x4x100x100xf32> to vector<1x1x4x100x100xf32>
    tpu.vector_store %arg3[%swap3A_21, %swap3A_22, %swap3A_23, %swap3A_24, %swap3A_25], %swap3A_28 {strides = array<i32>} : memref<1x10x4x100x100xf32, #tpu.memory_space<vmem>>, vector<1x1x4x100x100xf32>,
    %slice3A_29 = vector.extract_strided_slice %get3A_4 {offsets = [0, 2, 0, 0, 0], sizes = [1, 1, 4, 100, 100], strides = [1, 1, 1, 1, 1]} : vector<1x7x4x104x128xf32> to vector<1x1x4x100x100xf32>
    %squeeze3A_30 = vector.shape_cast %slice3A_29 : vector<1x1x4x100x100xf32> to vector<1x4x100x100xf32>
    %mul3A_31 = arith.mulf %squeeze3A_30, %div3A_8 : vector<1x4x100x100xf32>
    %swap3A_32 = arith.constant 0 : index
    %swap3A_33 = arith.constant 2 : index
    %swap3A_34 = arith.constant 0 : index
    %swap3A_35 = arith.constant 0 : index
    %swap3A_36 = arith.constant 0 : index
    %swap3A_37 = vector.load %arg3[%swap3A_32, %swap3A_33, %swap3A_34, %swap3A_35, %swap3A_36] : memref<1x10x4x100x100xf32, #tpu.memory_space<vmem>>, vector<1x1x4x100x100xf32>
    %swap3A_38 = vector.shape_cast %swap3A_37 : vector<1x1x4x100x100xf32> to vector<1x4x100x100xf32>
    %swap3A_39 = vector.shape_cast %mul3A_31 : vector<1x4x100x100xf32> to vector<1x1x4x100x100xf32>
    tpu.vector_store %arg3[%swap3A_32, %swap3A_33, %swap3A_34, %swap3A_35, %swap3A_36], %swap3A_39 {strides = array<i32>} : memref<1x10x4x100x100xf32, #tpu.memory_space<vmem>>, vector<1x1x4x100x100xf32>,
    %slice3A_40 = vector.extract_strided_slice %get3A_4 {offsets = [0, 3, 0, 0, 0], sizes = [1, 1, 4, 100, 100], strides = [1, 1, 1, 1, 1]} : vector<1x7x4x104x128xf32> to vector<1x1x4x100x100xf32>
    %squeeze3A_41 = vector.shape_cast %slice3A_40 : vector<1x1x4x100x100xf32> to vector<1x4x100x100xf32>
    %mul3A_42 = arith.mulf %squeeze3A_41, %div3A_8 : vector<1x4x100x100xf32>
    %swap3A_43 = arith.constant 0 : index
    %swap3A_44 = arith.constant 3 : index
    %swap3A_45 = arith.constant 0 : index
    %swap3A_46 = arith.constant 0 : index
    %swap3A_47 = arith.constant 0 : index
    %swap3A_48 = vector.load %arg3[%swap3A_43, %swap3A_44, %swap3A_45, %swap3A_46, %swap3A_47] : memref<1x10x4x100x100xf32, #tpu.memory_space<vmem>>, vector<1x1x4x100x100xf32>
    %swap3A_49 = vector.shape_cast %swap3A_48 : vector<1x1x4x100x100xf32> to vector<1x4x100x100xf32>
    %swap3A_50 = vector.shape_cast %mul3A_42 : vector<1x4x100x100xf32> to vector<1x1x4x100x100xf32>
    tpu.vector_store %arg3[%swap3A_43, %swap3A_44, %swap3A_45, %swap3A_46, %swap3A_47], %swap3A_50 {strides = array<i32>} : memref<1x10x4x100x100xf32, #tpu.memory_space<vmem>>, vector<1x1x4x100x100xf32>,
    %slice3A_51 = vector.extract_strided_slice %get3A_4 {offsets = [0, 4, 0, 0, 0], sizes = [1, 1, 4, 100, 100], strides = [1, 1, 1, 1, 1]} : vector<1x7x4x104x128xf32> to vector<1x1x4x100x100xf32>
    %squeeze3A_52 = vector.shape_cast %slice3A_51 : vector<1x1x4x100x100xf32> to vector<1x4x100x100xf32>
    %mul3A_53 = arith.mulf %squeeze3A_52, %div3A_8 : vector<1x4x100x100xf32>
    %swap3A_54 = arith.constant 0 : index
    %swap3A_55 = arith.constant 4 : index
    %swap3A_56 = arith.constant 0 : index
    %swap3A_57 = arith.constant 0 : index
    %swap3A_58 = arith.constant 0 : index
    %swap3A_59 = vector.load %arg3[%swap3A_54, %swap3A_55, %swap3A_56, %swap3A_57, %swap3A_58] : memref<1x10x4x100x100xf32, #tpu.memory_space<vmem>>, vector<1x1x4x100x100xf32>
    %swap3A_60 = vector.shape_cast %swap3A_59 : vector<1x1x4x100x100xf32> to vector<1x4x100x100xf32>
    %swap3A_61 = vector.shape_cast %mul3A_53 : vector<1x4x100x100xf32> to vector<1x1x4x100x100xf32>
    tpu.vector_store %arg3[%swap3A_54, %swap3A_55, %swap3A_56, %swap3A_57, %swap3A_58], %swap3A_61 {strides = array<i32>} : memref<1x10x4x100x100xf32, #tpu.memory_space<vmem>>, vector<1x1x4x100x100xf32>,
    %slice3A_62 = vector.extract_strided_slice %get3A_4 {offsets = [0, 5, 0, 0, 0], sizes = [1, 1, 4, 100, 100], strides = [1, 1, 1, 1, 1]} : vector<1x7x4x104x128xf32> to vector<1x1x4x100x100xf32>
    %squeeze3A_63 = vector.shape_cast %slice3A_62 : vector<1x1x4x100x100xf32> to vector<1x4x100x100xf32>
    %mul3A_64 = arith.mulf %squeeze3A_63, %div3A_8 : vector<1x4x100x100xf32>
    %swap3A_65 = arith.constant 0 : index
    %swap3A_66 = arith.constant 5 : index
    %swap3A_67 = arith.constant 0 : index
    %swap3A_68 = arith.constant 0 : index
    %swap3A_69 = arith.constant 0 : index
    %swap3A_70 = vector.load %arg3[%swap3A_65, %swap3A_66, %swap3A_67, %swap3A_68, %swap3A_69] : memref<1x10x4x100x100xf32, #tpu.memory_space<vmem>>, vector<1x1x4x100x100xf32>
    %swap3A_71 = vector.shape_cast %swap3A_70 : vector<1x1x4x100x100xf32> to vector<1x4x100x100xf32>
    %swap3A_72 = vector.shape_cast %mul3A_64 : vector<1x4x100x100xf32> to vector<1x1x4x100x100xf32>
    tpu.vector_store %arg3[%swap3A_65, %swap3A_66, %swap3A_67, %swap3A_68, %swap3A_69], %swap3A_72 {strides = array<i32>} : memref<1x10x4x100x100xf32, #tpu.memory_space<vmem>>, vector<1x1x4x100x100xf32>,
    %mul3A_73 = arith.constant 4 : i32
    %mul3A_74 = arith.muli %arg0, %mul3A_73 : i32
    %iota3A = tpu.iota {dimensions = array<i32: 1>} : vector<1x4x100x100xi32>
    %add3A = vector.broadcast %mul3A_74 : i32 to vector<1x4x100x100xi32>
    %add3A_75 = arith.addi %add3A, %iota3A : vector<1x4x100x100xi32>
    %convert_element_type3A = arith.sitofp %add3A_75 : vector<1x4x100x100xi32> to vector<1x4x100x100xf32>
    %mul3A_76 = arith.constant 0.0101010101 : f32
    %mul3A_77 = vector.broadcast %mul3A_76 : f32 to vector<1x4x100x100xf32>
    %mul3A_78 = arith.mulf %convert_element_type3A, %mul3A_77 : vector<1x4x100x100xf32>
    %swap3A_79 = arith.constant 0 : index
    %swap3A_80 = arith.constant 6 : index
    %swap3A_81 = arith.constant 0 : index
    %swap3A_82 = arith.constant 0 : index
    %swap3A_83 = arith.constant 0 : index
    %swap3A_84 = vector.load %arg3[%swap3A_79, %swap3A_80, %swap3A_81, %swap3A_82, %swap3A_83] : memref<1x10x4x100x100xf32, #tpu.memory_space<vmem>>, vector<1x1x4x100x100xf32>
    %swap3A_85 = vector.shape_cast %swap3A_84 : vector<1x1x4x100x100xf32> to vector<1x4x100x100xf32>
    %swap3A_86 = vector.shape_cast %mul3A_78 : vector<1x4x100x100xf32> to vector<1x1x4x100x100xf32>
    tpu.vector_store %arg3[%swap3A_79, %swap3A_80, %swap3A_81, %swap3A_82, %swap3A_83], %swap3A_86 {strides = array<i32>} : memref<1x10x4x100x100xf32, #tpu.memory_space<vmem>>, vector<1x1x4x100x100xf32>,
    %iota3A_87 = tpu.iota {dimensions = array<i32: 2>} : vector<1x4x100x100xi32>
    %convert_element_type3A_88 = arith.sitofp %iota3A_87 : vector<1x4x100x100xi32> to vector<1x4x100x100xf32>
    %mul3A_89 = arith.constant 0.0101010101 : f32
    %mul3A_90 = vector.broadcast %mul3A_89 : f32 to vector<1x4x100x100xf32>
    %mul3A_91 = arith.mulf %convert_element_type3A_88, %mul3A_90 : vector<1x4x100x100xf32>
    %swap3A_92 = arith.constant 0 : index
    %swap3A_93 = arith.constant 7 : index
    %swap3A_94 = arith.constant 0 : index
    %swap3A_95 = arith.constant 0 : index
    %swap3A_96 = arith.constant 0 : index
    %swap3A_97 = vector.load %arg3[%swap3A_92, %swap3A_93, %swap3A_94, %swap3A_95, %swap3A_96] : memref<1x10x4x100x100xf32, #tpu.memory_space<vmem>>, vector<1x1x4x100x100xf32>
    %swap3A_98 = vector.shape_cast %swap3A_97 : vector<1x1x4x100x100xf32> to vector<1x4x100x100xf32>
    %swap3A_99 = vector.shape_cast %mul3A_91 : vector<1x4x100x100xf32> to vector<1x1x4x100x100xf32>
    tpu.vector_store %arg3[%swap3A_92, %swap3A_93, %swap3A_94, %swap3A_95, %swap3A_96], %swap3A_99 {strides = array<i32>} : memref<1x10x4x100x100xf32, #tpu.memory_space<vmem>>, vector<1x1x4x100x100xf32>,
    %iota3A_100 = tpu.iota {dimensions = array<i32: 3>} : vector<1x4x100x100xi32>
    %convert_element_type3A_101 = arith.sitofp %iota3A_100 : vector<1x4x100x100xi32> to vector<1x4x100x100xf32>
    %mul3A_102 = arith.constant 0.0101010101 : f32
    %mul3A_103 = vector.broadcast %mul3A_102 : f32 to vector<1x4x100x100xf32>
    %mul3A_104 = arith.mulf %convert_element_type3A_101, %mul3A_103 : vector<1x4x100x100xf32>
    %swap3A_105 = arith.constant 0 : index
    %swap3A_106 = arith.constant 8 : index
    %swap3A_107 = arith.constant 0 : index
    %swap3A_108 = arith.constant 0 : index
    %swap3A_109 = arith.constant 0 : index
    %swap3A_110 = vector.load %arg3[%swap3A_105, %swap3A_106, %swap3A_107, %swap3A_108, %swap3A_109] : memref<1x10x4x100x100xf32, #tpu.memory_space<vmem>>, vector<1x1x4x100x100xf32>
    %swap3A_111 = vector.shape_cast %swap3A_110 : vector<1x1x4x100x100xf32> to vector<1x4x100x100xf32>
    %swap3A_112 = vector.shape_cast %mul3A_104 : vector<1x4x100x100xf32> to vector<1x1x4x100x100xf32>
    tpu.vector_store %arg3[%swap3A_105, %swap3A_106, %swap3A_107, %swap3A_108, %swap3A_109], %swap3A_112 {strides = array<i32>} : memref<1x10x4x100x100xf32, #tpu.memory_space<vmem>>, vector<1x1x4x100x100xf32>,
    %gt3A = arith.constant 0.000000e+00 : f32
    %gt3A_113 = vector.broadcast %gt3A : f32 to vector<1x4x100x100xf32>
    %gt3A_114 = arith.cmpf ogt, %squeeze3A, %gt3A_113 : vector<1x4x100x100xf32>
    %convert_element_type3A_115 = arith.extui %gt3A_114 : vector<1x4x100x100xi1> to vector<1x4x100x100xi32>
    %convert_element_type3A_116 = arith.sitofp %convert_element_type3A_115 : vector<1x4x100x100xi32> to vector<1x4x100x100xf32>
    %swap3A_117 = arith.constant 0 : index
    %swap3A_118 = arith.constant 9 : index
    %swap3A_119 = arith.constant 0 : index
    %swap3A_120 = arith.constant 0 : index
    %swap3A_121 = arith.constant 0 : index
    %swap3A_122 = vector.load %arg3[%swap3A_117, %swap3A_118, %swap3A_119, %swap3A_120, %swap3A_121] : memref<1x10x4x100x100xf32, #tpu.memory_space<vmem>>, vector<1x1x4x100x100xf32>
    %swap3A_123 = vector.shape_cast %swap3A_122 : vector<1x1x4x100x100xf32> to vector<1x4x100x100xf32>
    %swap3A_124 = vector.shape_cast %convert_element_type3A_116 : vector<1x4x100x100xf32> to vector<1x1x4x100x100xf32>
    tpu.vector_store %arg3[%swap3A_117, %swap3A_118, %swap3A_119, %swap3A_120, %swap3A_121], %swap3A_124 {strides = array<i32>} : memref<1x10x4x100x100xf32, #tpu.memory_space<vmem>>, vector<1x1x4x100x100xf32>,
    return
  }
  func.func @transform_0(%arg0: i32) -> (i32, i32, i32, i32, i32) {
    %c0_i32 = arith.constant 0 : i32
    %c0_i32_0 = arith.constant 0 : i32
    %c0_i32_1 = arith.constant 0 : i32
    %c0_i32_2 = arith.constant 0 : i32
    %c0_i32_3 = arith.constant 0 : i32
    return %c0_i32, %c0_i32_0, %arg0, %c0_i32_1, %c0_i32_2 : i32, i32, i32, i32, i32
  }
  func.func @transform_2(%arg0: i32) -> (i32, i32, i32, i32, i32) {
    %c1_i32 = arith.constant 1 : i32
    %c0_i32 = arith.constant 0 : i32
    %c0_i32_0 = arith.constant 0 : i32
    %c0_i32_1 = arith.constant 0 : i32
    %c0_i32_2 = arith.constant 0 : i32
    return %c1_i32, %c0_i32, %arg0, %c0_i32_0, %c0_i32_1 : i32, i32, i32, i32, i32
  }
}

module attributes {stable_mosaic.version = 14 : i64} {
  func.func @_fin_body_carry(%arg0: i32, %arg1: memref<1x7x4x104x128xf32, #tpu.memory_space<vmem>>, %arg2: memref<4x10x100x100x100xf32, #tpu.memory_space<any>>, %arg3: memref<1x10x4x100x100xf32, #tpu.memory_space<vmem>>) attributes {dimension_semantics = [#tpu.dimension_semantics<arbitrary>], iteration_bounds = array<i64: 25>, scalar_prefetch = 0 : i64, scratch_operands = 0 : i64, tpu.core_type = #tpu.core_type<tc>, window_params = [{transform_indices = @transform_0, window_bounds = array<i64: 1, 7, 4, 104, 128>}, {}, {transform_indices = @transform_2, window_bounds = array<i64: 1, 10, 4, 100, 100>}]} {
    %get3A = arith.constant 0 : index
    %get3A_0 = arith.constant 0 : index
    %get3A_1 = arith.constant 0 : index
    %get3A_2 = arith.constant 0 : index
    %get3A_3 = arith.constant 0 : index
    %get3A_4 = vector.load %arg1[%get3A, %get3A_0, %get3A_1, %get3A_2, %get3A_3] : memref<1x7x4x104x128xf32, #tpu.memory_space<vmem>>, vector<1x7x4x104x128xf32>
    %slice3A = vector.extract_strided_slice %get3A_4 {offsets = [0, 6, 0, 0, 0], sizes = [1, 1, 4, 100, 100], strides = [1, 1, 1, 1, 1]} : vector<1x7x4x104x128xf32> to vector<1x1x4x100x100xf32>
    %squeeze3A = vector.shape_cast %slice3A : vector<1x1x4x100x100xf32> to vector<1x4x100x100xf32>
    %max3A = arith.constant 1.000000e+00 : f32
    %max3A_5 = vector.broadcast %max3A : f32 to vector<1x4x100x100xf32>
    %max3A_6 = arith.maximumf %squeeze3A, %max3A_5 : vector<1x4x100x100xf32>
    %div3A = arith.constant 1.000000e+00 : f32
    %div3A_7 = vector.broadcast %div3A : f32 to vector<1x4x100x100xf32>
    %div3A_8 = arith.divf %div3A_7, %max3A_6 : vector<1x4x100x100xf32>
    %slice3A_9 = vector.extract_strided_slice %get3A_4 {offsets = [0, 0, 0, 0, 0], sizes = [1, 1, 4, 100, 100], strides = [1, 1, 1, 1, 1]} : vector<1x7x4x104x128xf32> to vector<1x1x4x100x100xf32>
    %squeeze3A_10 = vector.shape_cast %slice3A_9 : vector<1x1x4x100x100xf32> to vector<1x4x100x100xf32>
    %mul3A = arith.mulf %squeeze3A_10, %div3A_8 : vector<1x4x100x100xf32>
    %swap3A = arith.constant 0 : index
    %swap3A_11 = arith.constant 0 : index
    %swap3A_12 = arith.constant 0 : index
    %swap3A_13 = arith.constant 0 : index
    %swap3A_14 = arith.constant 0 : index
    %swap3A_15 = vector.load %arg3[%swap3A, %swap3A_11, %swap3A_12, %swap3A_13, %swap3A_14] : memref<1x10x4x100x100xf32, #tpu.memory_space<vmem>>, vector<1x1x4x100x100xf32>
    %swap3A_16 = vector.shape_cast %swap3A_15 : vector<1x1x4x100x100xf32> to vector<1x4x100x100xf32>
    %swap3A_17 = vector.shape_cast %mul3A : vector<1x4x100x100xf32> to vector<1x1x4x100x100xf32>
    tpu.vector_store %arg3[%swap3A, %swap3A_11, %swap3A_12, %swap3A_13, %swap3A_14], %swap3A_17 {strides = array<i32>} : memref<1x10x4x100x100xf32, #tpu.memory_space<vmem>>, vector<1x1x4x100x100xf32>,
    %slice3A_18 = vector.extract_strided_slice %get3A_4 {offsets = [0, 1, 0, 0, 0], sizes = [1, 1, 4, 100, 100], strides = [1, 1, 1, 1, 1]} : vector<1x7x4x104x128xf32> to vector<1x1x4x100x100xf32>
    %squeeze3A_19 = vector.shape_cast %slice3A_18 : vector<1x1x4x100x100xf32> to vector<1x4x100x100xf32>
    %mul3A_20 = arith.mulf %squeeze3A_19, %div3A_8 : vector<1x4x100x100xf32>
    %swap3A_21 = arith.constant 0 : index
    %swap3A_22 = arith.constant 1 : index
    %swap3A_23 = arith.constant 0 : index
    %swap3A_24 = arith.constant 0 : index
    %swap3A_25 = arith.constant 0 : index
    %swap3A_26 = vector.load %arg3[%swap3A_21, %swap3A_22, %swap3A_23, %swap3A_24, %swap3A_25] : memref<1x10x4x100x100xf32, #tpu.memory_space<vmem>>, vector<1x1x4x100x100xf32>
    %swap3A_27 = vector.shape_cast %swap3A_26 : vector<1x1x4x100x100xf32> to vector<1x4x100x100xf32>
    %swap3A_28 = vector.shape_cast %mul3A_20 : vector<1x4x100x100xf32> to vector<1x1x4x100x100xf32>
    tpu.vector_store %arg3[%swap3A_21, %swap3A_22, %swap3A_23, %swap3A_24, %swap3A_25], %swap3A_28 {strides = array<i32>} : memref<1x10x4x100x100xf32, #tpu.memory_space<vmem>>, vector<1x1x4x100x100xf32>,
    %slice3A_29 = vector.extract_strided_slice %get3A_4 {offsets = [0, 2, 0, 0, 0], sizes = [1, 1, 4, 100, 100], strides = [1, 1, 1, 1, 1]} : vector<1x7x4x104x128xf32> to vector<1x1x4x100x100xf32>
    %squeeze3A_30 = vector.shape_cast %slice3A_29 : vector<1x1x4x100x100xf32> to vector<1x4x100x100xf32>
    %mul3A_31 = arith.mulf %squeeze3A_30, %div3A_8 : vector<1x4x100x100xf32>
    %swap3A_32 = arith.constant 0 : index
    %swap3A_33 = arith.constant 2 : index
    %swap3A_34 = arith.constant 0 : index
    %swap3A_35 = arith.constant 0 : index
    %swap3A_36 = arith.constant 0 : index
    %swap3A_37 = vector.load %arg3[%swap3A_32, %swap3A_33, %swap3A_34, %swap3A_35, %swap3A_36] : memref<1x10x4x100x100xf32, #tpu.memory_space<vmem>>, vector<1x1x4x100x100xf32>
    %swap3A_38 = vector.shape_cast %swap3A_37 : vector<1x1x4x100x100xf32> to vector<1x4x100x100xf32>
    %swap3A_39 = vector.shape_cast %mul3A_31 : vector<1x4x100x100xf32> to vector<1x1x4x100x100xf32>
    tpu.vector_store %arg3[%swap3A_32, %swap3A_33, %swap3A_34, %swap3A_35, %swap3A_36], %swap3A_39 {strides = array<i32>} : memref<1x10x4x100x100xf32, #tpu.memory_space<vmem>>, vector<1x1x4x100x100xf32>,
    %slice3A_40 = vector.extract_strided_slice %get3A_4 {offsets = [0, 3, 0, 0, 0], sizes = [1, 1, 4, 100, 100], strides = [1, 1, 1, 1, 1]} : vector<1x7x4x104x128xf32> to vector<1x1x4x100x100xf32>
    %squeeze3A_41 = vector.shape_cast %slice3A_40 : vector<1x1x4x100x100xf32> to vector<1x4x100x100xf32>
    %mul3A_42 = arith.mulf %squeeze3A_41, %div3A_8 : vector<1x4x100x100xf32>
    %swap3A_43 = arith.constant 0 : index
    %swap3A_44 = arith.constant 3 : index
    %swap3A_45 = arith.constant 0 : index
    %swap3A_46 = arith.constant 0 : index
    %swap3A_47 = arith.constant 0 : index
    %swap3A_48 = vector.load %arg3[%swap3A_43, %swap3A_44, %swap3A_45, %swap3A_46, %swap3A_47] : memref<1x10x4x100x100xf32, #tpu.memory_space<vmem>>, vector<1x1x4x100x100xf32>
    %swap3A_49 = vector.shape_cast %swap3A_48 : vector<1x1x4x100x100xf32> to vector<1x4x100x100xf32>
    %swap3A_50 = vector.shape_cast %mul3A_42 : vector<1x4x100x100xf32> to vector<1x1x4x100x100xf32>
    tpu.vector_store %arg3[%swap3A_43, %swap3A_44, %swap3A_45, %swap3A_46, %swap3A_47], %swap3A_50 {strides = array<i32>} : memref<1x10x4x100x100xf32, #tpu.memory_space<vmem>>, vector<1x1x4x100x100xf32>,
    %slice3A_51 = vector.extract_strided_slice %get3A_4 {offsets = [0, 4, 0, 0, 0], sizes = [1, 1, 4, 100, 100], strides = [1, 1, 1, 1, 1]} : vector<1x7x4x104x128xf32> to vector<1x1x4x100x100xf32>
    %squeeze3A_52 = vector.shape_cast %slice3A_51 : vector<1x1x4x100x100xf32> to vector<1x4x100x100xf32>
    %mul3A_53 = arith.mulf %squeeze3A_52, %div3A_8 : vector<1x4x100x100xf32>
    %swap3A_54 = arith.constant 0 : index
    %swap3A_55 = arith.constant 4 : index
    %swap3A_56 = arith.constant 0 : index
    %swap3A_57 = arith.constant 0 : index
    %swap3A_58 = arith.constant 0 : index
    %swap3A_59 = vector.load %arg3[%swap3A_54, %swap3A_55, %swap3A_56, %swap3A_57, %swap3A_58] : memref<1x10x4x100x100xf32, #tpu.memory_space<vmem>>, vector<1x1x4x100x100xf32>
    %swap3A_60 = vector.shape_cast %swap3A_59 : vector<1x1x4x100x100xf32> to vector<1x4x100x100xf32>
    %swap3A_61 = vector.shape_cast %mul3A_53 : vector<1x4x100x100xf32> to vector<1x1x4x100x100xf32>
    tpu.vector_store %arg3[%swap3A_54, %swap3A_55, %swap3A_56, %swap3A_57, %swap3A_58], %swap3A_61 {strides = array<i32>} : memref<1x10x4x100x100xf32, #tpu.memory_space<vmem>>, vector<1x1x4x100x100xf32>,
    %slice3A_62 = vector.extract_strided_slice %get3A_4 {offsets = [0, 5, 0, 0, 0], sizes = [1, 1, 4, 100, 100], strides = [1, 1, 1, 1, 1]} : vector<1x7x4x104x128xf32> to vector<1x1x4x100x100xf32>
    %squeeze3A_63 = vector.shape_cast %slice3A_62 : vector<1x1x4x100x100xf32> to vector<1x4x100x100xf32>
    %mul3A_64 = arith.mulf %squeeze3A_63, %div3A_8 : vector<1x4x100x100xf32>
    %swap3A_65 = arith.constant 0 : index
    %swap3A_66 = arith.constant 5 : index
    %swap3A_67 = arith.constant 0 : index
    %swap3A_68 = arith.constant 0 : index
    %swap3A_69 = arith.constant 0 : index
    %swap3A_70 = vector.load %arg3[%swap3A_65, %swap3A_66, %swap3A_67, %swap3A_68, %swap3A_69] : memref<1x10x4x100x100xf32, #tpu.memory_space<vmem>>, vector<1x1x4x100x100xf32>
    %swap3A_71 = vector.shape_cast %swap3A_70 : vector<1x1x4x100x100xf32> to vector<1x4x100x100xf32>
    %swap3A_72 = vector.shape_cast %mul3A_64 : vector<1x4x100x100xf32> to vector<1x1x4x100x100xf32>
    tpu.vector_store %arg3[%swap3A_65, %swap3A_66, %swap3A_67, %swap3A_68, %swap3A_69], %swap3A_72 {strides = array<i32>} : memref<1x10x4x100x100xf32, #tpu.memory_space<vmem>>, vector<1x1x4x100x100xf32>,
    %mul3A_73 = arith.constant 4 : i32
    %mul3A_74 = arith.muli %arg0, %mul3A_73 : i32
    %iota3A = tpu.iota {dimensions = array<i32: 1>} : vector<1x4x100x100xi32>
    %add3A = vector.broadcast %mul3A_74 : i32 to vector<1x4x100x100xi32>
    %add3A_75 = arith.addi %add3A, %iota3A : vector<1x4x100x100xi32>
    %convert_element_type3A = arith.sitofp %add3A_75 : vector<1x4x100x100xi32> to vector<1x4x100x100xf32>
    %mul3A_76 = arith.constant 0.0101010101 : f32
    %mul3A_77 = vector.broadcast %mul3A_76 : f32 to vector<1x4x100x100xf32>
    %mul3A_78 = arith.mulf %convert_element_type3A, %mul3A_77 : vector<1x4x100x100xf32>
    %swap3A_79 = arith.constant 0 : index
    %swap3A_80 = arith.constant 6 : index
    %swap3A_81 = arith.constant 0 : index
    %swap3A_82 = arith.constant 0 : index
    %swap3A_83 = arith.constant 0 : index
    %swap3A_84 = vector.load %arg3[%swap3A_79, %swap3A_80, %swap3A_81, %swap3A_82, %swap3A_83] : memref<1x10x4x100x100xf32, #tpu.memory_space<vmem>>, vector<1x1x4x100x100xf32>
    %swap3A_85 = vector.shape_cast %swap3A_84 : vector<1x1x4x100x100xf32> to vector<1x4x100x100xf32>
    %swap3A_86 = vector.shape_cast %mul3A_78 : vector<1x4x100x100xf32> to vector<1x1x4x100x100xf32>
    tpu.vector_store %arg3[%swap3A_79, %swap3A_80, %swap3A_81, %swap3A_82, %swap3A_83], %swap3A_86 {strides = array<i32>} : memref<1x10x4x100x100xf32, #tpu.memory_space<vmem>>, vector<1x1x4x100x100xf32>,
    %iota3A_87 = tpu.iota {dimensions = array<i32: 2>} : vector<1x4x100x100xi32>
    %convert_element_type3A_88 = arith.sitofp %iota3A_87 : vector<1x4x100x100xi32> to vector<1x4x100x100xf32>
    %mul3A_89 = arith.constant 0.0101010101 : f32
    %mul3A_90 = vector.broadcast %mul3A_89 : f32 to vector<1x4x100x100xf32>
    %mul3A_91 = arith.mulf %convert_element_type3A_88, %mul3A_90 : vector<1x4x100x100xf32>
    %swap3A_92 = arith.constant 0 : index
    %swap3A_93 = arith.constant 7 : index
    %swap3A_94 = arith.constant 0 : index
    %swap3A_95 = arith.constant 0 : index
    %swap3A_96 = arith.constant 0 : index
    %swap3A_97 = vector.load %arg3[%swap3A_92, %swap3A_93, %swap3A_94, %swap3A_95, %swap3A_96] : memref<1x10x4x100x100xf32, #tpu.memory_space<vmem>>, vector<1x1x4x100x100xf32>
    %swap3A_98 = vector.shape_cast %swap3A_97 : vector<1x1x4x100x100xf32> to vector<1x4x100x100xf32>
    %swap3A_99 = vector.shape_cast %mul3A_91 : vector<1x4x100x100xf32> to vector<1x1x4x100x100xf32>
    tpu.vector_store %arg3[%swap3A_92, %swap3A_93, %swap3A_94, %swap3A_95, %swap3A_96], %swap3A_99 {strides = array<i32>} : memref<1x10x4x100x100xf32, #tpu.memory_space<vmem>>, vector<1x1x4x100x100xf32>,
    %iota3A_100 = tpu.iota {dimensions = array<i32: 3>} : vector<1x4x100x100xi32>
    %convert_element_type3A_101 = arith.sitofp %iota3A_100 : vector<1x4x100x100xi32> to vector<1x4x100x100xf32>
    %mul3A_102 = arith.constant 0.0101010101 : f32
    %mul3A_103 = vector.broadcast %mul3A_102 : f32 to vector<1x4x100x100xf32>
    %mul3A_104 = arith.mulf %convert_element_type3A_101, %mul3A_103 : vector<1x4x100x100xf32>
    %swap3A_105 = arith.constant 0 : index
    %swap3A_106 = arith.constant 8 : index
    %swap3A_107 = arith.constant 0 : index
    %swap3A_108 = arith.constant 0 : index
    %swap3A_109 = arith.constant 0 : index
    %swap3A_110 = vector.load %arg3[%swap3A_105, %swap3A_106, %swap3A_107, %swap3A_108, %swap3A_109] : memref<1x10x4x100x100xf32, #tpu.memory_space<vmem>>, vector<1x1x4x100x100xf32>
    %swap3A_111 = vector.shape_cast %swap3A_110 : vector<1x1x4x100x100xf32> to vector<1x4x100x100xf32>
    %swap3A_112 = vector.shape_cast %mul3A_104 : vector<1x4x100x100xf32> to vector<1x1x4x100x100xf32>
    tpu.vector_store %arg3[%swap3A_105, %swap3A_106, %swap3A_107, %swap3A_108, %swap3A_109], %swap3A_112 {strides = array<i32>} : memref<1x10x4x100x100xf32, #tpu.memory_space<vmem>>, vector<1x1x4x100x100xf32>,
    %gt3A = arith.constant 0.000000e+00 : f32
    %gt3A_113 = vector.broadcast %gt3A : f32 to vector<1x4x100x100xf32>
    %gt3A_114 = arith.cmpf ogt, %squeeze3A, %gt3A_113 : vector<1x4x100x100xf32>
    %convert_element_type3A_115 = arith.extui %gt3A_114 : vector<1x4x100x100xi1> to vector<1x4x100x100xi32>
    %convert_element_type3A_116 = arith.sitofp %convert_element_type3A_115 : vector<1x4x100x100xi32> to vector<1x4x100x100xf32>
    %swap3A_117 = arith.constant 0 : index
    %swap3A_118 = arith.constant 9 : index
    %swap3A_119 = arith.constant 0 : index
    %swap3A_120 = arith.constant 0 : index
    %swap3A_121 = arith.constant 0 : index
    %swap3A_122 = vector.load %arg3[%swap3A_117, %swap3A_118, %swap3A_119, %swap3A_120, %swap3A_121] : memref<1x10x4x100x100xf32, #tpu.memory_space<vmem>>, vector<1x1x4x100x100xf32>
    %swap3A_123 = vector.shape_cast %swap3A_122 : vector<1x1x4x100x100xf32> to vector<1x4x100x100xf32>
    %swap3A_124 = vector.shape_cast %convert_element_type3A_116 : vector<1x4x100x100xf32> to vector<1x1x4x100x100xf32>
    tpu.vector_store %arg3[%swap3A_117, %swap3A_118, %swap3A_119, %swap3A_120, %swap3A_121], %swap3A_124 {strides = array<i32>} : memref<1x10x4x100x100xf32, #tpu.memory_space<vmem>>, vector<1x1x4x100x100xf32>,
    return
  }
  func.func @transform_0(%arg0: i32) -> (i32, i32, i32, i32, i32) {
    %c0_i32 = arith.constant 0 : i32
    %c0_i32_0 = arith.constant 0 : i32
    %c0_i32_1 = arith.constant 0 : i32
    %c0_i32_2 = arith.constant 0 : i32
    %c0_i32_3 = arith.constant 0 : i32
    return %c0_i32, %c0_i32_0, %arg0, %c0_i32_1, %c0_i32_2 : i32, i32, i32, i32, i32
  }
  func.func @transform_2(%arg0: i32) -> (i32, i32, i32, i32, i32) {
    %c2_i32 = arith.constant 2 : i32
    %c0_i32 = arith.constant 0 : i32
    %c0_i32_0 = arith.constant 0 : i32
    %c0_i32_1 = arith.constant 0 : i32
    %c0_i32_2 = arith.constant 0 : i32
    return %c2_i32, %c0_i32, %arg0, %c0_i32_0, %c0_i32_1 : i32, i32, i32, i32, i32
  }
}

module attributes {stable_mosaic.version = 14 : i64} {
  func.func @_fin_body_carry(%arg0: i32, %arg1: memref<1x7x4x104x128xf32, #tpu.memory_space<vmem>>, %arg2: memref<4x10x100x100x100xf32, #tpu.memory_space<any>>, %arg3: memref<1x10x4x100x100xf32, #tpu.memory_space<vmem>>) attributes {dimension_semantics = [#tpu.dimension_semantics<arbitrary>], iteration_bounds = array<i64: 25>, scalar_prefetch = 0 : i64, scratch_operands = 0 : i64, tpu.core_type = #tpu.core_type<tc>, window_params = [{transform_indices = @transform_0, window_bounds = array<i64: 1, 7, 4, 104, 128>}, {}, {transform_indices = @transform_2, window_bounds = array<i64: 1, 10, 4, 100, 100>}]} {
    %get3A = arith.constant 0 : index
    %get3A_0 = arith.constant 0 : index
    %get3A_1 = arith.constant 0 : index
    %get3A_2 = arith.constant 0 : index
    %get3A_3 = arith.constant 0 : index
    %get3A_4 = vector.load %arg1[%get3A, %get3A_0, %get3A_1, %get3A_2, %get3A_3] : memref<1x7x4x104x128xf32, #tpu.memory_space<vmem>>, vector<1x7x4x104x128xf32>
    %slice3A = vector.extract_strided_slice %get3A_4 {offsets = [0, 6, 0, 0, 0], sizes = [1, 1, 4, 100, 100], strides = [1, 1, 1, 1, 1]} : vector<1x7x4x104x128xf32> to vector<1x1x4x100x100xf32>
    %squeeze3A = vector.shape_cast %slice3A : vector<1x1x4x100x100xf32> to vector<1x4x100x100xf32>
    %max3A = arith.constant 1.000000e+00 : f32
    %max3A_5 = vector.broadcast %max3A : f32 to vector<1x4x100x100xf32>
    %max3A_6 = arith.maximumf %squeeze3A, %max3A_5 : vector<1x4x100x100xf32>
    %div3A = arith.constant 1.000000e+00 : f32
    %div3A_7 = vector.broadcast %div3A : f32 to vector<1x4x100x100xf32>
    %div3A_8 = arith.divf %div3A_7, %max3A_6 : vector<1x4x100x100xf32>
    %slice3A_9 = vector.extract_strided_slice %get3A_4 {offsets = [0, 0, 0, 0, 0], sizes = [1, 1, 4, 100, 100], strides = [1, 1, 1, 1, 1]} : vector<1x7x4x104x128xf32> to vector<1x1x4x100x100xf32>
    %squeeze3A_10 = vector.shape_cast %slice3A_9 : vector<1x1x4x100x100xf32> to vector<1x4x100x100xf32>
    %mul3A = arith.mulf %squeeze3A_10, %div3A_8 : vector<1x4x100x100xf32>
    %swap3A = arith.constant 0 : index
    %swap3A_11 = arith.constant 0 : index
    %swap3A_12 = arith.constant 0 : index
    %swap3A_13 = arith.constant 0 : index
    %swap3A_14 = arith.constant 0 : index
    %swap3A_15 = vector.load %arg3[%swap3A, %swap3A_11, %swap3A_12, %swap3A_13, %swap3A_14] : memref<1x10x4x100x100xf32, #tpu.memory_space<vmem>>, vector<1x1x4x100x100xf32>
    %swap3A_16 = vector.shape_cast %swap3A_15 : vector<1x1x4x100x100xf32> to vector<1x4x100x100xf32>
    %swap3A_17 = vector.shape_cast %mul3A : vector<1x4x100x100xf32> to vector<1x1x4x100x100xf32>
    tpu.vector_store %arg3[%swap3A, %swap3A_11, %swap3A_12, %swap3A_13, %swap3A_14], %swap3A_17 {strides = array<i32>} : memref<1x10x4x100x100xf32, #tpu.memory_space<vmem>>, vector<1x1x4x100x100xf32>,
    %slice3A_18 = vector.extract_strided_slice %get3A_4 {offsets = [0, 1, 0, 0, 0], sizes = [1, 1, 4, 100, 100], strides = [1, 1, 1, 1, 1]} : vector<1x7x4x104x128xf32> to vector<1x1x4x100x100xf32>
    %squeeze3A_19 = vector.shape_cast %slice3A_18 : vector<1x1x4x100x100xf32> to vector<1x4x100x100xf32>
    %mul3A_20 = arith.mulf %squeeze3A_19, %div3A_8 : vector<1x4x100x100xf32>
    %swap3A_21 = arith.constant 0 : index
    %swap3A_22 = arith.constant 1 : index
    %swap3A_23 = arith.constant 0 : index
    %swap3A_24 = arith.constant 0 : index
    %swap3A_25 = arith.constant 0 : index
    %swap3A_26 = vector.load %arg3[%swap3A_21, %swap3A_22, %swap3A_23, %swap3A_24, %swap3A_25] : memref<1x10x4x100x100xf32, #tpu.memory_space<vmem>>, vector<1x1x4x100x100xf32>
    %swap3A_27 = vector.shape_cast %swap3A_26 : vector<1x1x4x100x100xf32> to vector<1x4x100x100xf32>
    %swap3A_28 = vector.shape_cast %mul3A_20 : vector<1x4x100x100xf32> to vector<1x1x4x100x100xf32>
    tpu.vector_store %arg3[%swap3A_21, %swap3A_22, %swap3A_23, %swap3A_24, %swap3A_25], %swap3A_28 {strides = array<i32>} : memref<1x10x4x100x100xf32, #tpu.memory_space<vmem>>, vector<1x1x4x100x100xf32>,
    %slice3A_29 = vector.extract_strided_slice %get3A_4 {offsets = [0, 2, 0, 0, 0], sizes = [1, 1, 4, 100, 100], strides = [1, 1, 1, 1, 1]} : vector<1x7x4x104x128xf32> to vector<1x1x4x100x100xf32>
    %squeeze3A_30 = vector.shape_cast %slice3A_29 : vector<1x1x4x100x100xf32> to vector<1x4x100x100xf32>
    %mul3A_31 = arith.mulf %squeeze3A_30, %div3A_8 : vector<1x4x100x100xf32>
    %swap3A_32 = arith.constant 0 : index
    %swap3A_33 = arith.constant 2 : index
    %swap3A_34 = arith.constant 0 : index
    %swap3A_35 = arith.constant 0 : index
    %swap3A_36 = arith.constant 0 : index
    %swap3A_37 = vector.load %arg3[%swap3A_32, %swap3A_33, %swap3A_34, %swap3A_35, %swap3A_36] : memref<1x10x4x100x100xf32, #tpu.memory_space<vmem>>, vector<1x1x4x100x100xf32>
    %swap3A_38 = vector.shape_cast %swap3A_37 : vector<1x1x4x100x100xf32> to vector<1x4x100x100xf32>
    %swap3A_39 = vector.shape_cast %mul3A_31 : vector<1x4x100x100xf32> to vector<1x1x4x100x100xf32>
    tpu.vector_store %arg3[%swap3A_32, %swap3A_33, %swap3A_34, %swap3A_35, %swap3A_36], %swap3A_39 {strides = array<i32>} : memref<1x10x4x100x100xf32, #tpu.memory_space<vmem>>, vector<1x1x4x100x100xf32>,
    %slice3A_40 = vector.extract_strided_slice %get3A_4 {offsets = [0, 3, 0, 0, 0], sizes = [1, 1, 4, 100, 100], strides = [1, 1, 1, 1, 1]} : vector<1x7x4x104x128xf32> to vector<1x1x4x100x100xf32>
    %squeeze3A_41 = vector.shape_cast %slice3A_40 : vector<1x1x4x100x100xf32> to vector<1x4x100x100xf32>
    %mul3A_42 = arith.mulf %squeeze3A_41, %div3A_8 : vector<1x4x100x100xf32>
    %swap3A_43 = arith.constant 0 : index
    %swap3A_44 = arith.constant 3 : index
    %swap3A_45 = arith.constant 0 : index
    %swap3A_46 = arith.constant 0 : index
    %swap3A_47 = arith.constant 0 : index
    %swap3A_48 = vector.load %arg3[%swap3A_43, %swap3A_44, %swap3A_45, %swap3A_46, %swap3A_47] : memref<1x10x4x100x100xf32, #tpu.memory_space<vmem>>, vector<1x1x4x100x100xf32>
    %swap3A_49 = vector.shape_cast %swap3A_48 : vector<1x1x4x100x100xf32> to vector<1x4x100x100xf32>
    %swap3A_50 = vector.shape_cast %mul3A_42 : vector<1x4x100x100xf32> to vector<1x1x4x100x100xf32>
    tpu.vector_store %arg3[%swap3A_43, %swap3A_44, %swap3A_45, %swap3A_46, %swap3A_47], %swap3A_50 {strides = array<i32>} : memref<1x10x4x100x100xf32, #tpu.memory_space<vmem>>, vector<1x1x4x100x100xf32>,
    %slice3A_51 = vector.extract_strided_slice %get3A_4 {offsets = [0, 4, 0, 0, 0], sizes = [1, 1, 4, 100, 100], strides = [1, 1, 1, 1, 1]} : vector<1x7x4x104x128xf32> to vector<1x1x4x100x100xf32>
    %squeeze3A_52 = vector.shape_cast %slice3A_51 : vector<1x1x4x100x100xf32> to vector<1x4x100x100xf32>
    %mul3A_53 = arith.mulf %squeeze3A_52, %div3A_8 : vector<1x4x100x100xf32>
    %swap3A_54 = arith.constant 0 : index
    %swap3A_55 = arith.constant 4 : index
    %swap3A_56 = arith.constant 0 : index
    %swap3A_57 = arith.constant 0 : index
    %swap3A_58 = arith.constant 0 : index
    %swap3A_59 = vector.load %arg3[%swap3A_54, %swap3A_55, %swap3A_56, %swap3A_57, %swap3A_58] : memref<1x10x4x100x100xf32, #tpu.memory_space<vmem>>, vector<1x1x4x100x100xf32>
    %swap3A_60 = vector.shape_cast %swap3A_59 : vector<1x1x4x100x100xf32> to vector<1x4x100x100xf32>
    %swap3A_61 = vector.shape_cast %mul3A_53 : vector<1x4x100x100xf32> to vector<1x1x4x100x100xf32>
    tpu.vector_store %arg3[%swap3A_54, %swap3A_55, %swap3A_56, %swap3A_57, %swap3A_58], %swap3A_61 {strides = array<i32>} : memref<1x10x4x100x100xf32, #tpu.memory_space<vmem>>, vector<1x1x4x100x100xf32>,
    %slice3A_62 = vector.extract_strided_slice %get3A_4 {offsets = [0, 5, 0, 0, 0], sizes = [1, 1, 4, 100, 100], strides = [1, 1, 1, 1, 1]} : vector<1x7x4x104x128xf32> to vector<1x1x4x100x100xf32>
    %squeeze3A_63 = vector.shape_cast %slice3A_62 : vector<1x1x4x100x100xf32> to vector<1x4x100x100xf32>
    %mul3A_64 = arith.mulf %squeeze3A_63, %div3A_8 : vector<1x4x100x100xf32>
    %swap3A_65 = arith.constant 0 : index
    %swap3A_66 = arith.constant 5 : index
    %swap3A_67 = arith.constant 0 : index
    %swap3A_68 = arith.constant 0 : index
    %swap3A_69 = arith.constant 0 : index
    %swap3A_70 = vector.load %arg3[%swap3A_65, %swap3A_66, %swap3A_67, %swap3A_68, %swap3A_69] : memref<1x10x4x100x100xf32, #tpu.memory_space<vmem>>, vector<1x1x4x100x100xf32>
    %swap3A_71 = vector.shape_cast %swap3A_70 : vector<1x1x4x100x100xf32> to vector<1x4x100x100xf32>
    %swap3A_72 = vector.shape_cast %mul3A_64 : vector<1x4x100x100xf32> to vector<1x1x4x100x100xf32>
    tpu.vector_store %arg3[%swap3A_65, %swap3A_66, %swap3A_67, %swap3A_68, %swap3A_69], %swap3A_72 {strides = array<i32>} : memref<1x10x4x100x100xf32, #tpu.memory_space<vmem>>, vector<1x1x4x100x100xf32>,
    %mul3A_73 = arith.constant 4 : i32
    %mul3A_74 = arith.muli %arg0, %mul3A_73 : i32
    %iota3A = tpu.iota {dimensions = array<i32: 1>} : vector<1x4x100x100xi32>
    %add3A = vector.broadcast %mul3A_74 : i32 to vector<1x4x100x100xi32>
    %add3A_75 = arith.addi %add3A, %iota3A : vector<1x4x100x100xi32>
    %convert_element_type3A = arith.sitofp %add3A_75 : vector<1x4x100x100xi32> to vector<1x4x100x100xf32>
    %mul3A_76 = arith.constant 0.0101010101 : f32
    %mul3A_77 = vector.broadcast %mul3A_76 : f32 to vector<1x4x100x100xf32>
    %mul3A_78 = arith.mulf %convert_element_type3A, %mul3A_77 : vector<1x4x100x100xf32>
    %swap3A_79 = arith.constant 0 : index
    %swap3A_80 = arith.constant 6 : index
    %swap3A_81 = arith.constant 0 : index
    %swap3A_82 = arith.constant 0 : index
    %swap3A_83 = arith.constant 0 : index
    %swap3A_84 = vector.load %arg3[%swap3A_79, %swap3A_80, %swap3A_81, %swap3A_82, %swap3A_83] : memref<1x10x4x100x100xf32, #tpu.memory_space<vmem>>, vector<1x1x4x100x100xf32>
    %swap3A_85 = vector.shape_cast %swap3A_84 : vector<1x1x4x100x100xf32> to vector<1x4x100x100xf32>
    %swap3A_86 = vector.shape_cast %mul3A_78 : vector<1x4x100x100xf32> to vector<1x1x4x100x100xf32>
    tpu.vector_store %arg3[%swap3A_79, %swap3A_80, %swap3A_81, %swap3A_82, %swap3A_83], %swap3A_86 {strides = array<i32>} : memref<1x10x4x100x100xf32, #tpu.memory_space<vmem>>, vector<1x1x4x100x100xf32>,
    %iota3A_87 = tpu.iota {dimensions = array<i32: 2>} : vector<1x4x100x100xi32>
    %convert_element_type3A_88 = arith.sitofp %iota3A_87 : vector<1x4x100x100xi32> to vector<1x4x100x100xf32>
    %mul3A_89 = arith.constant 0.0101010101 : f32
    %mul3A_90 = vector.broadcast %mul3A_89 : f32 to vector<1x4x100x100xf32>
    %mul3A_91 = arith.mulf %convert_element_type3A_88, %mul3A_90 : vector<1x4x100x100xf32>
    %swap3A_92 = arith.constant 0 : index
    %swap3A_93 = arith.constant 7 : index
    %swap3A_94 = arith.constant 0 : index
    %swap3A_95 = arith.constant 0 : index
    %swap3A_96 = arith.constant 0 : index
    %swap3A_97 = vector.load %arg3[%swap3A_92, %swap3A_93, %swap3A_94, %swap3A_95, %swap3A_96] : memref<1x10x4x100x100xf32, #tpu.memory_space<vmem>>, vector<1x1x4x100x100xf32>
    %swap3A_98 = vector.shape_cast %swap3A_97 : vector<1x1x4x100x100xf32> to vector<1x4x100x100xf32>
    %swap3A_99 = vector.shape_cast %mul3A_91 : vector<1x4x100x100xf32> to vector<1x1x4x100x100xf32>
    tpu.vector_store %arg3[%swap3A_92, %swap3A_93, %swap3A_94, %swap3A_95, %swap3A_96], %swap3A_99 {strides = array<i32>} : memref<1x10x4x100x100xf32, #tpu.memory_space<vmem>>, vector<1x1x4x100x100xf32>,
    %iota3A_100 = tpu.iota {dimensions = array<i32: 3>} : vector<1x4x100x100xi32>
    %convert_element_type3A_101 = arith.sitofp %iota3A_100 : vector<1x4x100x100xi32> to vector<1x4x100x100xf32>
    %mul3A_102 = arith.constant 0.0101010101 : f32
    %mul3A_103 = vector.broadcast %mul3A_102 : f32 to vector<1x4x100x100xf32>
    %mul3A_104 = arith.mulf %convert_element_type3A_101, %mul3A_103 : vector<1x4x100x100xf32>
    %swap3A_105 = arith.constant 0 : index
    %swap3A_106 = arith.constant 8 : index
    %swap3A_107 = arith.constant 0 : index
    %swap3A_108 = arith.constant 0 : index
    %swap3A_109 = arith.constant 0 : index
    %swap3A_110 = vector.load %arg3[%swap3A_105, %swap3A_106, %swap3A_107, %swap3A_108, %swap3A_109] : memref<1x10x4x100x100xf32, #tpu.memory_space<vmem>>, vector<1x1x4x100x100xf32>
    %swap3A_111 = vector.shape_cast %swap3A_110 : vector<1x1x4x100x100xf32> to vector<1x4x100x100xf32>
    %swap3A_112 = vector.shape_cast %mul3A_104 : vector<1x4x100x100xf32> to vector<1x1x4x100x100xf32>
    tpu.vector_store %arg3[%swap3A_105, %swap3A_106, %swap3A_107, %swap3A_108, %swap3A_109], %swap3A_112 {strides = array<i32>} : memref<1x10x4x100x100xf32, #tpu.memory_space<vmem>>, vector<1x1x4x100x100xf32>,
    %gt3A = arith.constant 0.000000e+00 : f32
    %gt3A_113 = vector.broadcast %gt3A : f32 to vector<1x4x100x100xf32>
    %gt3A_114 = arith.cmpf ogt, %squeeze3A, %gt3A_113 : vector<1x4x100x100xf32>
    %convert_element_type3A_115 = arith.extui %gt3A_114 : vector<1x4x100x100xi1> to vector<1x4x100x100xi32>
    %convert_element_type3A_116 = arith.sitofp %convert_element_type3A_115 : vector<1x4x100x100xi32> to vector<1x4x100x100xf32>
    %swap3A_117 = arith.constant 0 : index
    %swap3A_118 = arith.constant 9 : index
    %swap3A_119 = arith.constant 0 : index
    %swap3A_120 = arith.constant 0 : index
    %swap3A_121 = arith.constant 0 : index
    %swap3A_122 = vector.load %arg3[%swap3A_117, %swap3A_118, %swap3A_119, %swap3A_120, %swap3A_121] : memref<1x10x4x100x100xf32, #tpu.memory_space<vmem>>, vector<1x1x4x100x100xf32>
    %swap3A_123 = vector.shape_cast %swap3A_122 : vector<1x1x4x100x100xf32> to vector<1x4x100x100xf32>
    %swap3A_124 = vector.shape_cast %convert_element_type3A_116 : vector<1x4x100x100xf32> to vector<1x1x4x100x100xf32>
    tpu.vector_store %arg3[%swap3A_117, %swap3A_118, %swap3A_119, %swap3A_120, %swap3A_121], %swap3A_124 {strides = array<i32>} : memref<1x10x4x100x100xf32, #tpu.memory_space<vmem>>, vector<1x1x4x100x100xf32>,
    return
  }
  func.func @transform_0(%arg0: i32) -> (i32, i32, i32, i32, i32) {
    %c0_i32 = arith.constant 0 : i32
    %c0_i32_0 = arith.constant 0 : i32
    %c0_i32_1 = arith.constant 0 : i32
    %c0_i32_2 = arith.constant 0 : i32
    %c0_i32_3 = arith.constant 0 : i32
    return %c0_i32, %c0_i32_0, %arg0, %c0_i32_1, %c0_i32_2 : i32, i32, i32, i32, i32
  }
  func.func @transform_2(%arg0: i32) -> (i32, i32, i32, i32, i32) {
    %c3_i32 = arith.constant 3 : i32
    %c0_i32 = arith.constant 0 : i32
    %c0_i32_0 = arith.constant 0 : i32
    %c0_i32_1 = arith.constant 0 : i32
    %c0_i32_2 = arith.constant 0 : i32
    return %c3_i32, %c0_i32, %arg0, %c0_i32_0, %c0_i32_1 : i32, i32, i32, i32, i32
  }
}

</mosaic_0001>

<sc_bundles>
// kernel: kernel.11.cloned.1.call-start
scs
__scs_entry_jumppad:
0x0: {  	(pc) =	sbr.rel $0x88, $3  }
0x1: {  	(tag) =	ssettag $0x0;
	lr =	simm.s32 $0x1  }
0x2: {  	[smem:$0x3F9E] =	sst lr;
	_ =	strace $0xD0000000  }
0x3: {  	_ = 	snop  }
0x4: {  	_ = 	snop  }
0x5: {  	_ = 	snop  }
0x6: {  	_ = 	snop  }
0x7: {  	_ = 	snop  }
__scs_overlays_trampoline_lowered:
0x8: {  	[smem:$0x3FAD] =	sst s0  }
0x9: {  	[smem:$0x3FAE] =	sst s1  }
0xa: {  	[smem:$0x3FAF] =	sst s2  }
0xb: {  	[smem:$0x3FB0] =	sst s3  }
0xc: {  	[smem:$0x3FB1] =	sst s4  }
0xd: {  	[smem:$0x3FB2] =	sst s5  }
0xe: {  	[smem:$0x3FB3] =	sst s6  }
0xf: {  	[smem:$0x3FB4] =	sst s7  }
0x10: {  	[smem:$0x3FB5] =	sst s8  }
0x11: {  	[smem:$0x3FB6] =	sst s9;
	s0 =	simm.s32 @!p0 $0x0  }
0x12: {  	s1 =	sld [smem:$0x3F9C];
	s0 =	simm.s32 @p0 $0x1  }
0x13: {  	[smem:$0x3FB7] =	sst s0;
	s0 =	simm.s32 @!p1 $0x0  }
0x14: {  	s2 =	sld [smem:$0x3F9B];
	s0 =	simm.s32 @p1 $0x1  }
0x15: {  	[smem:$0x3FB8] =	sst s0;
	s0 =	simm.s32 @!p2 $0x0  }
0x16: {  	s3 =	sld [smem:$0x3FDB];
	s0 =	simm.s32 @p2 $0x1  }
0x17: {  	s4 =	simm.s32 $0x1BF5;
	[smem:$0x3FBA] =	sst s0  }
0x18: {  	s0 =	sld [smem:$0x3F9D];
	_ =	swait.ge [sflag:s4], $0x0  }
0x19: {  	s7 =	sld [smem:$0x3F9E]  }
0x1a: {  	s8 =	sadd.s32 $0xFFFFE003, lr  }
0x1b: {  	s9 =	sadd.s32 $0xFFFFFEF7, lr;
	s5 =	simm.s32 $0xFFFFFFFF;
	p2 =	slt.u32 s8, $0xFFFFF086  }
0x1c: {  	p1 =	slt.u32 s9, $0xF7A;
	s5 =	simm.s32 @!p2 $0x0  }
0x1d: {  	s5 =	simm.s32 @p1 $0x1;
	p0 =	seq.s32 s7, s2  }
0x1e: {  	s7 =	smul.u32 @!p0 $0xF7A, s2;
	p2 =	seq.s32 @!p0 s5, $0x0  }
0x1f: {  	s9 =	smul.u32 $0xF7A, s1;
	s8 =	simm.s32 @!p0 $0x1BF5;
	p2 =	por !p2, p0  }
0x20: {  	[sflag:s8] =	ssyncset.s32 @!p0 $0xFFFFF086;
	s6 =	sadd.s32 @!p0 s3, s7;
	s7 =	simm.s32 @!p0 $0x108  }
0x21: {  	s3 =	sadd.s32 s3, s9;
	s6 =	sadd.s32 @!p0 $0x88, s6;
	s7 =	simm.s32 @p2 $0x1082  }
0x22: {  	[simem:s7], [sflag:s8] =	dma.local @!p0 [hbm:s6], $0xF7A  }
0x23: {  	s9 =	sor.u32 $0xD0000000, s2;
	s6 =	simm.s32 $0x108;
	_ =	swait.ge @!p0 [sflag:s8], $0x0  }
0x24: {  	s3 =	sadd.s32 $0x88, s3;
	s6 =	simm.s32 @!p1 $0x1082;
	[sflag:s4] =	ssyncset.s32 $0xFFFFF086  }
0x25: {  	[simem:s6], [sflag:s4] =	dma.local [hbm:s3], $0xF7A  }
0x26: {  	[smem:$0x3F9E] =	sst s1;
	(tag) =	ssettag s2;
	_ =	strace s9  }
0x27: {  	s1 =	sld [smem:$0x3FAE]  }
0x28: {  	s2 =	sld [smem:$0x3FAF]  }
0x29: {  	s4 =	sld [smem:$0x3FB1]  }
0x2a: {  	p0 =	seq.s32 s5, $0x0;
	s5 =	sld [smem:$0x3FB2]  }
0x2b: {  	s6 =	sld [smem:$0x3FB3]  }
0x2c: {  	s7 =	sld [smem:$0x3FB4]  }
0x2d: {  	s3 =	simm.s32 $0x108;
	s8 =	sld [smem:$0x3FB5]  }
0x2e: {  	s3 =	simm.s32 @!p0 $0x1082;
	s9 =	sld [smem:$0x3FB6]  }
0x2f: {  	lr =	sadd.s32 s0, s3;
	s0 =	sld [smem:$0x3FAD]  }
0x30: {  	s3 =	sld [smem:$0x3FB0]  }
0x31: {  	[smem:$0x3FB9] =	sst s10  }
0x32: {  	s10 =	sld [smem:$0x3FB7];
	_ =	sdelay $0x3  }
0x33: {  	p0 =	seq.s32 s10, $0x1;
	s10 =	sld [smem:$0x3FB9];
	_ =	sdelay $0x3  }
0x34: {  	[smem:$0x3FB9] =	sst s10  }
0x35: {  	s10 =	sld [smem:$0x3FB8];
	_ =	sdelay $0x3  }
0x36: {  	p1 =	seq.s32 s10, $0x1;
	s10 =	sld [smem:$0x3FB9];
	_ =	sdelay $0x3  }
0x37: {  	[smem:$0x3FB9] =	sst s10  }
0x38: {  	s10 =	sld [smem:$0x3FBA]  }
0x39: {  	_ = 	snop;
	(pc) =	sbr.ind lr, $3  }
0x3a: {  	_ = 	snop  }
0x3b: {  	_ = 	snop  }
0x3c: {  	p2 =	seq.s32 s10, $0x1;
	s10 =	sld [smem:$0x3FB9]  }
0x3d: {  	_ =	shalt  }
0x3e: {  	_ =	shalt  }
0x3f: {  	_ =	shalt  }
0x40: {  	_ =	shalt  }
0x41: {  	_ =	shalt  }
0x42: {  	_ =	shalt  }
0x43: {  	_ =	shalt  }
0x44: {  	_ =	shalt  }
0x45: {  	_ =	shalt  }
0x46: {  	_ =	shalt  }
0x47: {  	_ =	shalt  }
0x48: {  	_ =	shalt  }
0x49: {  	_ =	shalt  }
0x4a: {  	_ =	shalt  }
0x4b: {  	_ =	shalt  }
0x4c: {  	_ =	shalt  }
0x4d: {  	_ =	shalt  }
0x4e: {  	_ =	shalt  }
0x4f: {  	_ =	shalt  }
0x50: {  	_ =	shalt  }
0x51: {  	_ =	shalt  }
0x52: {  	_ =	shalt  }
0x53: {  	_ =	shalt  }
0x54: {  	_ =	shalt  }
0x55: {  	_ =	shalt  }
0x56: {  	_ =	shalt  }
0x57: {  	_ =	shalt  }
0x58: {  	_ =	shalt  }
0x59: {  	_ =	shalt  }
0x5a: {  	_ =	shalt  }
0x5b: {  	_ =	shalt  }
0x5c: {  	_ =	shalt  }
0x5d: {  	_ =	shalt  }
0x5e: {  	_ =	shalt  }
0x5f: {  	_ =	shalt  }
0x60: {  	_ =	shalt  }
0x61: {  	_ =	shalt  }
0x62: {  	_ =	shalt  }
0x63: {  	_ =	shalt  }
0x64: {  	_ =	shalt  }
0x65: {  	_ =	shalt  }
0x66: {  	_ =	shalt  }
0x67: {  	_ =	shalt  }
0x68: {  	_ =	shalt  }
0x69: {  	_ =	shalt  }
0x6a: {  	_ =	shalt  }
0x6b: {  	_ =	shalt  }
0x6c: {  	_ =	shalt  }
0x6d: {  	_ =	shalt  }
0x6e: {  	_ =	shalt  }
0x6f: {  	_ =	shalt  }
0x70: {  	_ =	shalt  }
0x71: {  	_ =	shalt  }
0x72: {  	_ =	shalt  }
0x73: {  	_ =	shalt  }
0x74: {  	_ =	shalt  }
0x75: {  	_ =	shalt  }
0x76: {  	_ =	shalt  }
0x77: {  	_ =	shalt  }
0x78: {  	_ =	shalt  }
0x79: {  	_ =	shalt  }
0x7a: {  	_ =	shalt  }
0x7b: {  	_ =	shalt  }
0x7c: {  	_ =	shalt  }
0x7d: {  	_ =	shalt  }
0x7e: {  	_ =	shalt  }
0x7f: {  	_ =	shalt  }
0x80: {  	_ =	shalt  }
0x81: {  	_ =	shalt  }
0x82: {  	_ =	shalt  }
0x83: {  	_ =	shalt  }
0x84: {  	_ =	shalt  }
0x85: {  	_ =	shalt  }
0x86: {  	_ =	shalt  }
0x87: {  	_ =	shalt  }
.Lfunc_end0:
.L_simem_size_0:
called_computation_lowered:
.L_overlay_start_0:
0x88: {  	s2 =	sld [smem:$0x3FD9]  }
0x89: {  	s3 =	sld [smem:$0x3FFE];
	_ =	sdelay $0x1  }
0x8a: {  	s1 =	srdreg.scid  }
0x8b: {  	s0 =	sand.u32 $0x1, s1  }
0x8c: {  	s16 =	sshll.u32 s0, $0xA;
	s2 =	sadd.s32 s3, s2  }
0x8d: {  	s2 =	sadd.s32 s2, s16  }
0x8e: {  	[smem:$0x3FC5] =	sst s2  }
0x8f: {  	_ = 	snop  }
0x90: {  	(tm) =	ssettm $0x1  }
0x91: {  	s17 =	sld [smem:$0x3FFB];
	_ =	sdelay $0x3  }
0x92: {  	_ =	strace s17  }
0x93: {  	s2 =	sld [smem:$0x3FFC];
	_ =	sdelay $0x3  }
0x94: {  	_ =	strace s2  }
0x95: {  	s2 =	sld [smem:$0x3FFD];
	_ =	sdelay $0x3  }
0x96: {  	_ =	strace s2  }
0x97: {  	_ =	strace $0x8FFFFFFF  }
0x98: {  	s18 =	sld [smem:$0x3FDB];
	_ =	sdelay $0x1  }
0x99: {  	s19 =	simm.s32 $_scs_section_size  }
0x9a: {  	s4 =	simm.s32 $_size__tile_overlayer_lowered;
	s5 =	simm.s32 $_tile_overlayer_lowered  }
0x9b: {  	s22 =	simm.s32 $0x1BFF;
	s21 =	sshll.u32 s5, $0x1;
	s2 =	sadd.s32 s19, s18  }
0x9c: {  	s6 =	simm.s32 $0x0;
	s20 =	sshll.u32 s4, $0x1;
	s4 =	sadd.s32 s21, s2  }
0x9d: {  	[timem:s6], [sflag:s22] =	dma.local [hbm:s4], s20  }
0x9e: {  	_ =	swait.ge [sflag:s22], s20  }
0x9f: {  	s3 =	ssub.s32 $0x0, s20;
	[sflag:s22] =	ssyncset.done $0x0  }
0xa0: {  	[sflag:s22] =	ssyncadd.s32 s3;
	_ =	sdelay $0x1  }
0xa1: {  	s23 =	simm.s32 $0x1B8B  }
0xa2: {  	_ =	swait.ge [sflag:s23], $0x1  }
0xa3: {  	[sflag:s23] =	ssyncset.done $0x0  }
0xa4: {  	s25 =	simm.s32 $0x1B8E;
	s24 =	sld [smem:$0x3FFE];
	[sflag:s23] =	ssyncadd.s32 $0xFFFFFFFF  }
0xa5: {  	s26 =	simm.s32 $execute0_lowered;
	[smem:$0x3FD2] =	sst s25  }
0xa6: {  	s4 =	sshll.u32 s26, $0x1;
	_ =	strace $0x80000046;
	[dreg:$0x1] =	wrdreg $0xFFFFFFFF  }
0xa7: {  	s28 =	simm.s32 $_size_execute0_lowered;
	s2 =	sadd.s32 s2, s4;
	[dreg:$0x0] =	wrdreg $0x0  }
0xa8: {  	s4 =	sshll.u32 s28, $0x1;
	[dreg:$0x2] =	wrdreg s2  }
0xa9: {  	[dreg:$0x3] =	wrdreg s4  }
0xaa: {  	[dreg:$0x4] =	wrdreg $0xC0  }
0xab: {  	_ =	task [dreg:s6], $0x5FFFF  }
0xac: {  	[dreg:$0x1] =	wrdreg $0xFFFFFFFF  }
0xad: {  	[dreg:$0x0] =	wrdreg $0x60  }
0xae: {  	[dreg:$0x2] =	wrdreg s24  }
0xaf: {  	[dreg:$0x3] =	wrdreg $0x0  }
0xb0: {  	[dreg:$0x4] =	wrdreg $0xA3400  }
0xb1: {  	[dreg:$0x5] =	wrdreg $0x9  }
0xb2: {  	_ =	task.clear_ibuf [dreg:s6], $0x6FFFF;
	_ =	strace $0x90000046  }
0xb3: {  	s29 =	simm.s32 $0x9;
	_ =	strace $0x80000048  }
0xb4: {  	_ =	swait.ge [sflag:s29], $0x1  }
0xb5: {  	[sflag:s29] =	ssyncadd.s32 $0xFFFFFFFF  }
0xb6: {  	_ =	strace $0x90000048  }
0xb7: {  	_ =	sfence  }
0xb8: {  	s30 =	sld [smem:$0x0];
	_ =	sdelay $0x2  }
0xb9: {  	s31 =	sshll.u32 s1, $0xD;
	s1 =	sshrl.u32 s1, $0x2  }
0xba: {  	s3 =	sand.u32 $0x4000, s31;
	s1 =	sadd.s32 s1, s30  }
0xbb: {  	s0 =	sor.u32 s3, s0;
	s1 =	sshll.u32 s1, $0x11  }
0xbc: {  	s0 =	sor.u32 s1, s0  }
0xbd: {  	s0 =	sadd.s32 $0x8F2B, s0  }
0xbe: {  	[sflag:s0] =	ssyncadd.remote.s32 $0x1  }
0xbf: {  	_ =	sfence.sel $0xFFFF  }
0xc0: {  	[dreg:$0x0] =	wrdreg $0xFFFFFFFF;
	(pc) =	sbr.abs _section_cstart, $3  }
0xc1: {  	[dreg:$0x1] =	wrdreg $0xFFFFFFFF  }
0xc2: {  	_ =	task.clear_ibuf [dreg:s6], $0x2FFFF;
	_ =	strace $0x9FFFFFFF  }
0xc3: {  	(tm) =	ssettm $0x7FFFFFFF  }
tec
execute0_lowered:
.L_overlay_start_1:
0x0: {  	(tag) =	ssettag $0x1  }
0x1: {  	s0 =	rddreg [dreg:$0x0]  }
0x2: {  	s2 =	rddreg [dreg:$0x1]  }
0x3: {  	s3 =	rddreg [dreg:$0x2];
	s4 =	simm.s32 $0x0  }
0x4: {  	s19 =	stileid.u32;
	s1 =	srdreg.scid;
	s29 =	simm.s32 $0x2  }
0x5: {  	s30 =	simm.s32 $0x17680;
	s31 =	simm.s32 $0x1;
	[smem:$0x7FF] =	sst s4  }
0x6: {  	s5 =	sshll.u32 s19, $0x9;
	s1 =	sand.u32 $0x1, s1;
	s15 =	sadd.s32 $0x1400, s0  }
0x7: {  	s16 =	sadd.s32 $0x19400, s0;
	s10 =	smul.u32 $0xA340, s19;
	p0 =	sne.s32 s19, $0x0  }
0x8: {  	p1 =	seq.s32 s19, $0x1;
	_ =	strace $0x80000047;
	s6 =	sadd.s32 s5, s0  }
0x9: {  	s14 =	smul.u32 $0xA2800, s1;
	s1 =	ssub.s32 $0x2, s1;
	s17 =	sadd.s32 s15, s5  }
0xa: {  	s22 =	sor.u32 $0x2000, s5;
	s24 =	sor.u32 $0x4000, s5;
	s5 =	sadd.s32 s16, s5  }
0xb: {  	s8 =	sshrl.u32 s1, $0x1;
	s6 =	sadd.s32 $0x31400, s6;
	s11 =	sadd.s32 $0x28D0, s10  }
0xc: {  	s12 =	sadd.s32 $0x51A0, s10;
	s13 =	sadd.s32 $0x7A70, s10;
	[dreg:$0x5] =	wrdreg s17  }
0xd: {  	s23 =	sadd.s32 s15, s22;
	s15 =	sadd.s32 s15, s24;
	[dreg:$0xa] =	wrdreg s5  }
0xe: {  	s25 =	sadd.s32 s16, s22;
	s26 =	sadd.s32 s16, s24;
	s16 =	simm.s32 $0x0  }
0xf: {  	s7 =	sshrl.u32 s14, $0x3;
	s1 =	ssub.s32 s1, s8;
	[dreg:$0x4] =	wrdreg s6  }
0x10: {  	s6 =	sadd.s32 s10, s2;
	s8 =	sadd.s32 s12, s2;
	[dreg:$0x8] =	wrdreg s23  }
0x11: {  	s9 =	sadd.s32 s13, s2;
	s10 =	sadd.s32 s10, s3;
	[dreg:$0x9] =	wrdreg s15  }
0x12: {  	s12 =	sadd.s32 s12, s3;
	s13 =	sadd.s32 s13, s3;
	[dreg:$0xb] =	wrdreg s25  }
0x13: {  	[dreg:$0xc] =	wrdreg s26;
	s15 =	simm.s32 $0x15680;
	s0 =	sadd.s32 s7, s0  }
.Ltmp0:
0x14: {  	s7 =	sadd.s32 s11, s2;
	s11 =	sadd.s32 s11, s3;
	(pc) =	sbr.rel .LBB2_1-.Ltmp0, $4  }
0x15: {  	s28 =	smax.u32 s1, $0x1;
	s1 =	simm.s32 $0x16680;
	s21 =	sadd.s32 $0x39400, s0  }
0x16: {  	s18 =	sadd.s32 $0x12D000, s0;
	s22 =	sadd.s32 $0x61E00, s0;
	s23 =	sadd.s32 $0x8A800, s0  }
0x17: {  	v3 =	vlaneseq.u32;
	v1 =	vimm.f32 $0.0e+00;
	s24 =	sadd.s32 $0xB3200, s0;
	s25 =	sadd.s32 $0xDBC00, s0;
	[dreg:$0x6] =	wrdreg s21  }
0x18: {  	v2 =	vimm.f32 $1.000000000e+00;
	v3 =	vor.u32 $0xA2800, v3;
	v0 =	vmov s14;
	s26 =	sadd.s32 $0x104600, s0;
	s0 =	simm.s32 $0x1000;
	[dreg:$0x7] =	wrdreg s18  }
.LBB2_10:
0x19: {  	s5 =	sshrl.u32 s3, $0x3;
	s14 =	rddreg [dreg:$0x6];
	s17 =	simm.s32 $0x1C42  }
0x1a: {  	[hbm:s14], [sflag:s17] =	dma.local [spmem:s5], $0x14500  }
.LBB2_11:
0x1b: {  	_ =	swait.ge [sflag:s29], $0x14500  }
0x1c: {  	[sflag:s29] =	ssyncset.done $0x0  }
0x1d: {  	p2 =	por p0, p0;
	[sflag:s29] =	ssyncadd.s32 $0xFFFEBB00  }
.LBB2_12:
0x1e: {  	[bflag:$0x0] =	sbarrier.arrive $0xFFFF  }
0x1f: {  	[spmem:s6] =	stream.linear.scatter [tilespmem:s30], [sflag:$0x1], $0x28D0, $0x38;
	[tilespmem:$0x1AF80] =	vst v63  }
0x20: {  	_ = 	snop  }
0x21: {  	[spmem:s7] =	stream.linear.scatter [tilespmem:s30], [sflag:$0x1], $0x28D0, $0x38;
	[tilespmem:$0x1AF80] =	vst v63  }
0x22: {  	_ = 	snop  }
0x23: {  	[spmem:s8] =	stream.linear.scatter [tilespmem:s30], [sflag:$0x1], $0x28D0, $0x38;
	[tilespmem:$0x1AF80] =	vst v63  }
0x24: {  	_ = 	snop  }
0x25: {  	[spmem:s9] =	stream.linear.scatter [tilespmem:s30], [sflag:$0x1], $0x28D0, $0x38;
	[tilespmem:$0x1AF80] =	vst v63  }
0x26: {  	_ = 	snop  }
0x27: {  	[spmem:s10] =	stream.linear.scatter [tilespmem:s30], [sflag:$0x1], $0x28D0, $0x38;
	[tilespmem:$0x1AF80] =	vst v63  }
0x28: {  	_ = 	snop  }
0x29: {  	[spmem:s11] =	stream.linear.scatter [tilespmem:s30], [sflag:$0x1], $0x28D0, $0x38;
	[tilespmem:$0x1AF80] =	vst v63  }
0x2a: {  	_ = 	snop  }
0x2b: {  	[spmem:s12] =	stream.linear.scatter [tilespmem:s30], [sflag:$0x1], $0x28D0, $0x38;
	[tilespmem:$0x1AF80] =	vst v63  }
0x2c: {  	_ = 	snop  }
0x2d: {  	[spmem:s13] =	stream.linear.scatter [tilespmem:s30], [sflag:$0x1], $0x28D0, $0x38;
	[tilespmem:$0x1AF80] =	vst v63  }
0x2e: {  	_ =	swait.ge [sflag:s31], $0x28D0  }
0x2f: {  	[sflag:s31] =	ssyncset.done $0x0  }
0x30: {  	[sflag:s31] =	ssyncadd.s32 $0xFFFFD730  }
0x31: {  	_ =	swait.ge [sflag:s31], $0x28D0  }
0x32: {  	[sflag:s31] =	ssyncset.done $0x0  }
0x33: {  	[sflag:s31] =	ssyncadd.s32 $0xFFFFD730  }
0x34: {  	_ =	swait.ge [sflag:s31], $0x28D0  }
0x35: {  	[sflag:s31] =	ssyncset.done $0x0  }
0x36: {  	[sflag:s31] =	ssyncadd.s32 $0xFFFFD730  }
0x37: {  	_ =	swait.ge [sflag:s31], $0x28D0  }
0x38: {  	[sflag:s31] =	ssyncset.done $0x0  }
0x39: {  	[sflag:s31] =	ssyncadd.s32 $0xFFFFD730  }
0x3a: {  	_ =	swait.ge [sflag:s31], $0x28D0  }
0x3b: {  	[sflag:s31] =	ssyncset.done $0x0  }
0x3c: {  	[sflag:s31] =	ssyncadd.s32 $0xFFFFD730  }
0x3d: {  	_ =	swait.ge [sflag:s31], $0x28D0  }
0x3e: {  	[sflag:s31] =	ssyncset.done $0x0  }
0x3f: {  	[sflag:s31] =	ssyncadd.s32 $0xFFFFD730  }
0x40: {  	_ =	swait.ge [sflag:s31], $0x28D0  }
0x41: {  	[sflag:s31] =	ssyncset.done $0x0  }
0x42: {  	[sflag:s31] =	ssyncadd.s32 $0xFFFFD730  }
0x43: {  	_ =	swait.ge [sflag:s31], $0x28D0  }
0x44: {  	[sflag:s31] =	ssyncset.done $0x0  }
0x45: {  	[sflag:s31] =	ssyncadd.s32 $0xFFFFD730  }
0x46: {  	[bflag:$0x0] =	sbarrier.arrive $0xFFFF  }
0x47: {  	s5 =	rddreg [dreg:$0x8]  }
0x48: {  	[tilespmem:s1], [sflag:$0x2] =	stream.linear.gather [hbm4b:s5+s4], $0x1000, $0x38;
	[tilespmem:$0x1AF80] =	vst v63  }
0x49: {  	_ =	swait.ge [sflag:s29], $0x1000  }
0x4a: {  	[sflag:s29] =	ssyncset.done $0x0  }
0x4b: {  	[sflag:s29] =	ssyncadd.s32 $0xFFFFF000  }
0x4c: {  	[spmem:s2] =	stream.indirect.scatter.add.f32 [tilespmem:s1], [sflag:$0x2], $0x1, s15, s0, $0xb8;
	[tilespmem:$0x1AF80] =	vst v63  }
0x4d: {  	_ =	swait.ge [sflag:s29], $0x1000  }
0x4e: {  	[sflag:s29] =	ssyncset.done $0x0  }
0x4f: {  	s20 =	rddreg [dreg:$0x9];
	[sflag:s29] =	ssyncadd.s32 $0xFFFFF000  }
0x50: {  	[tilespmem:s1], [sflag:$0x2] =	stream.linear.gather [hbm4b:s20+s4], $0x1000, $0x38;
	[tilespmem:$0x1AF80] =	vst v63  }
0x51: {  	_ =	swait.ge [sflag:s29], $0x1000  }
0x52: {  	[sflag:s29] =	ssyncset.done $0x0  }
0x53: {  	[sflag:s29] =	ssyncadd.s32 $0xFFFFF000  }
0x54: {  	[spmem:s3] =	stream.indirect.scatter.add.f32 [tilespmem:s1], [sflag:$0x2], $0x1, s15, s0, $0xb8;
	[tilespmem:$0x1AF80] =	vst v63  }
0x55: {  	_ =	swait.ge [sflag:s29], $0x1000  }
0x56: {  	[sflag:s29] =	ssyncset.done $0x0  }
0x57: {  	s14 =	sshrl.u32 @!p0 s2, $0x3;
	[sflag:s29] =	ssyncadd.s32 $0xFFFFF000  }
0x58: {  	s17 =	simm.s32 @!p0 $0x1C02;
	s5 =	simm.s32 @!p0 $0x2;
	[bflag:$0x0] =	sbarrier.arrive $0xFFFF  }
0x59: {  	[hbm:s22], [sflag:s17] =	dma.local @!p0 [spmem:s14], $0x14500  }
0x5a: {  	s18 =	stileid.u32;
	_ =	swait.ge @!p0 [sflag:s5], $0x14500  }
0x5b: {  	s19 =	sshrl.u32 @p2 s3, $0x3;
	s18 =	sshll.u32 @p2 s18, $0x6;
	[sflag:s5] =	ssyncset.done @!p0 $0x0  }
0x5c: {  	s18 =	sor.u32 @p2 $0x1C02, s18;
	s20 =	simm.s32 @p2 $0x2;
	[sflag:s5] =	ssyncadd.s32 @!p0 $0xFFFEBB00  }
0x5d: {  	[hbm:s23], [sflag:s18] =	dma.local @p2 [spmem:s19], $0x14500  }
0x5e: {  	_ =	swait.ge @p2 [sflag:s20], $0x14500  }
0x5f: {  	[sflag:s20] =	ssyncset.done @p2 $0x0  }
0x60: {  	[sflag:s20] =	ssyncadd.s32 @p2 $0xFFFEBB00  }
0x61: {  	[bflag:$0x0] =	sbarrier.arrive $0xFFFF  }
0x62: {  	[spmem:s6] =	stream.linear.scatter [tilespmem:s30], [sflag:$0x1], $0x28D0, $0x38;
	[tilespmem:$0x1AF80] =	vst v63  }
0x63: {  	_ = 	snop  }
0x64: {  	[spmem:s7] =	stream.linear.scatter [tilespmem:s30], [sflag:$0x1], $0x28D0, $0x38;
	[tilespmem:$0x1AF80] =	vst v63  }
0x65: {  	_ = 	snop  }
0x66: {  	[spmem:s8] =	stream.linear.scatter [tilespmem:s30], [sflag:$0x1], $0x28D0, $0x38;
	[tilespmem:$0x1AF80] =	vst v63  }
0x67: {  	_ = 	snop  }
0x68: {  	[spmem:s9] =	stream.linear.scatter [tilespmem:s30], [sflag:$0x1], $0x28D0, $0x38;
	[tilespmem:$0x1AF80] =	vst v63  }
0x69: {  	_ = 	snop  }
0x6a: {  	[spmem:s10] =	stream.linear.scatter [tilespmem:s30], [sflag:$0x1], $0x28D0, $0x38;
	[tilespmem:$0x1AF80] =	vst v63  }
0x6b: {  	_ = 	snop  }
0x6c: {  	[spmem:s11] =	stream.linear.scatter [tilespmem:s30], [sflag:$0x1], $0x28D0, $0x38;
	[tilespmem:$0x1AF80] =	vst v63  }
0x6d: {  	_ = 	snop  }
0x6e: {  	[spmem:s12] =	stream.linear.scatter [tilespmem:s30], [sflag:$0x1], $0x28D0, $0x38;
	[tilespmem:$0x1AF80] =	vst v63  }
0x6f: {  	_ = 	snop  }
0x70: {  	[spmem:s13] =	stream.linear.scatter [tilespmem:s30], [sflag:$0x1], $0x28D0, $0x38;
	[tilespmem:$0x1AF80] =	vst v63  }
0x71: {  	_ =	swait.ge [sflag:s31], $0x28D0  }
0x72: {  	[sflag:s31] =	ssyncset.done $0x0  }
0x73: {  	[sflag:s31] =	ssyncadd.s32 $0xFFFFD730  }
0x74: {  	_ =	swait.ge [sflag:s31], $0x28D0  }
0x75: {  	[sflag:s31] =	ssyncset.done $0x0  }
0x76: {  	[sflag:s31] =	ssyncadd.s32 $0xFFFFD730  }
0x77: {  	_ =	swait.ge [sflag:s31], $0x28D0  }
0x78: {  	[sflag:s31] =	ssyncset.done $0x0  }
0x79: {  	[sflag:s31] =	ssyncadd.s32 $0xFFFFD730  }
0x7a: {  	_ =	swait.ge [sflag:s31], $0x28D0  }
0x7b: {  	[sflag:s31] =	ssyncset.done $0x0  }
0x7c: {  	[sflag:s31] =	ssyncadd.s32 $0xFFFFD730  }
0x7d: {  	_ =	swait.ge [sflag:s31], $0x28D0  }
0x7e: {  	[sflag:s31] =	ssyncset.done $0x0  }
0x7f: {  	[sflag:s31] =	ssyncadd.s32 $0xFFFFD730  }
0x80: {  	_ =	swait.ge [sflag:s31], $0x28D0  }
0x81: {  	[sflag:s31] =	ssyncset.done $0x0  }
0x82: {  	[sflag:s31] =	ssyncadd.s32 $0xFFFFD730  }
0x83: {  	_ =	swait.ge [sflag:s31], $0x28D0  }
0x84: {  	[sflag:s31] =	ssyncset.done $0x0  }
0x85: {  	[sflag:s31] =	ssyncadd.s32 $0xFFFFD730  }
0x86: {  	_ =	swait.ge [sflag:s31], $0x28D0  }
0x87: {  	[sflag:s31] =	ssyncset.done $0x0  }
0x88: {  	[sflag:s31] =	ssyncadd.s32 $0xFFFFD730  }
0x89: {  	[bflag:$0x0] =	sbarrier.arrive $0xFFFF  }
0x8a: {  	s21 =	rddreg [dreg:$0xa]  }
0x8b: {  	[tilespmem:s1], [sflag:$0x2] =	stream.linear.gather [hbm4b:s21+s4], $0x1000, $0x38;
	[tilespmem:$0x1AF80] =	vst v63  }
0x8c: {  	_ =	swait.ge [sflag:s29], $0x1000  }
0x8d: {  	[sflag:s29] =	ssyncset.done $0x0  }
0x8e: {  	[sflag:s29] =	ssyncadd.s32 $0xFFFFF000  }
0x8f: {  	[spmem:s2] =	stream.indirect.scatter.add.f32 [tilespmem:s1], [sflag:$0x2], $0x1, s15, s0, $0xb8;
	[tilespmem:$0x1AF80] =	vst v63  }
0x90: {  	_ =	swait.ge [sflag:s29], $0x1000  }
0x91: {  	[sflag:s29] =	ssyncset.done $0x0  }
0x92: {  	s21 =	rddreg [dreg:$0xb];
	[sflag:s29] =	ssyncadd.s32 $0xFFFFF000  }
0x93: {  	[tilespmem:s1], [sflag:$0x2] =	stream.linear.gather [hbm4b:s21+s4], $0x1000, $0x38;
	[tilespmem:$0x1AF80] =	vst v63  }
0x94: {  	_ =	swait.ge [sflag:s29], $0x1000  }
0x95: {  	[sflag:s29] =	ssyncset.done $0x0  }
0x96: {  	[sflag:s29] =	ssyncadd.s32 $0xFFFFF000  }
0x97: {  	[spmem:s3] =	stream.indirect.scatter.add.f32 [tilespmem:s1], [sflag:$0x2], $0x1, s15, s0, $0xb8;
	[tilespmem:$0x1AF80] =	vst v63  }
0x98: {  	_ =	swait.ge [sflag:s29], $0x1000  }
0x99: {  	[sflag:s29] =	ssyncset.done $0x0  }
0x9a: {  	[sflag:s29] =	ssyncadd.s32 $0xFFFFF000  }
0x9b: {  	[bflag:$0x0] =	sbarrier.arrive $0xFFFF  }
0x9c: {  	[hbm:s24], [sflag:s17] =	dma.local @!p0 [spmem:s14], $0x14500  }
0x9d: {  	_ =	swait.ge @!p0 [sflag:s5], $0x14500  }
0x9e: {  	[sflag:s5] =	ssyncset.done @!p0 $0x0  }
0x9f: {  	[sflag:s5] =	ssyncadd.s32 @!p0 $0xFFFEBB00  }
0xa0: {  	[hbm:s25], [sflag:s18] =	dma.local @p2 [spmem:s19], $0x14500  }
0xa1: {  	_ =	swait.ge @p2 [sflag:s20], $0x14500  }
0xa2: {  	[sflag:s20] =	ssyncset.done @p2 $0x0  }
0xa3: {  	[sflag:s20] =	ssyncadd.s32 @p2 $0xFFFEBB00  }
0xa4: {  	[bflag:$0x0] =	sbarrier.arrive $0xFFFF  }
0xa5: {  	[spmem:s6] =	stream.linear.scatter [tilespmem:s30], [sflag:$0x1], $0x28D0, $0x38;
	[tilespmem:$0x1AF80] =	vst v63  }
0xa6: {  	_ = 	snop  }
0xa7: {  	[spmem:s7] =	stream.linear.scatter [tilespmem:s30], [sflag:$0x1], $0x28D0, $0x38;
	[tilespmem:$0x1AF80] =	vst v63  }
0xa8: {  	_ = 	snop  }
0xa9: {  	[spmem:s8] =	stream.linear.scatter [tilespmem:s30], [sflag:$0x1], $0x28D0, $0x38;
	[tilespmem:$0x1AF80] =	vst v63  }
0xaa: {  	_ = 	snop  }
0xab: {  	[spmem:s9] =	stream.linear.scatter [tilespmem:s30], [sflag:$0x1], $0x28D0, $0x38;
	[tilespmem:$0x1AF80] =	vst v63  }
0xac: {  	_ =	swait.ge [sflag:s31], $0x28D0  }
0xad: {  	[sflag:s31] =	ssyncset.done $0x0  }
0xae: {  	[sflag:s31] =	ssyncadd.s32 $0xFFFFD730  }
0xaf: {  	_ =	swait.ge [sflag:s31], $0x28D0  }
0xb0: {  	[sflag:s31] =	ssyncset.done $0x0  }
0xb1: {  	[sflag:s31] =	ssyncadd.s32 $0xFFFFD730  }
0xb2: {  	_ =	swait.ge [sflag:s31], $0x28D0  }
0xb3: {  	[sflag:s31] =	ssyncset.done $0x0  }
0xb4: {  	[sflag:s31] =	ssyncadd.s32 $0xFFFFD730  }
0xb5: {  	_ =	swait.ge [sflag:s31], $0x28D0  }
0xb6: {  	[sflag:s31] =	ssyncset.done $0x0  }
0xb7: {  	[sflag:s31] =	ssyncadd.s32 $0xFFFFD730  }
0xb8: {  	[bflag:$0x0] =	sbarrier.arrive $0xFFFF  }
0xb9: {  	s21 =	rddreg [dreg:$0xc]  }
0xba: {  	[tilespmem:s1], [sflag:$0x2] =	stream.linear.gather [hbm4b:s21+s4], $0x1000, $0x38;
	[tilespmem:$0x1AF80] =	vst v63  }
0xbb: {  	_ =	swait.ge [sflag:s29], $0x1000  }
0xbc: {  	[sflag:s29] =	ssyncset.done $0x0  }
0xbd: {  	[sflag:s29] =	ssyncadd.s32 $0xFFFFF000  }
0xbe: {  	[spmem:s2] =	stream.indirect.scatter.add.f32 [tilespmem:s1], [sflag:$0x2], $0x1, s15, s0, $0xb8;
	[tilespmem:$0x1AF80] =	vst v63  }
0xbf: {  	_ =	swait.ge [sflag:s29], $0x1000  }
0xc0: {  	[sflag:s29] =	ssyncset.done $0x0  }
0xc1: {  	s16 =	sadd.s32 $0x1, s16;
	[sflag:s29] =	ssyncadd.s32 $0xFFFFF000  }
0xc2: {  	p2 =	sne.s32 s16, s28;
	[bflag:$0x0] =	sbarrier.arrive $0xFFFF  }
0xc3: {  	[hbm:s26], [sflag:s17] =	dma.local @!p0 [spmem:s14], $0x14500  }
.Ltmp1:
0xc4: {  	_ =	swait.ge @!p0 [sflag:s5], $0x14500;
	(pc) =	sbr.rel @!p2 .LBB2_13-.Ltmp1, $3  }
0xc5: {  	[sflag:s5] =	ssyncset.done @!p0 $0x0  }
0xc6: {  	[sflag:s5] =	ssyncadd.s32 @!p0 $0xFFFEBB00  }
0xc7: {  	[bflag:$0x0] =	sbarrier.arrive $0xFFFF;
	_ =	sdelay $0x1  }
.LBB2_1:
0xc8: {  	s5 =	simm.s32 $0x0  }
.LBB2_2:
0xc9: {  	p2 =	sne.s32 s5, $0xA300  }
.Ltmp2:
0xca: {  	_ = 	snop;
	(pc) =	sbr.rel @p2 .LBB2_2-.Ltmp2, $3  }
0xcb: {  	_ =	sdelay $0x1  }
0xcc: {  	s14 =	sshra.s32 s5, $0x2  }
0xcd: {  	s5 =	sadd.s32 $0x40, s5;
	[tilespmem:s14+$0x17680] =	vst v1  }
0xce: {  	s5 =	simm.s32 $0x40;
	s14 =	simm.s32 $0x0  }
.LBB2_4:
0xcf: {  	p2 =	sne.s32 s5, $0x3FC0;
	[tilespmem:s14+$0x19F80] =	vst v2;
	s14 =	smov.u32 s5;
	s5 =	sadd.s32 $0x40, s5  }
.Ltmp3:
0xd0: {  	(pc) =	sbr.rel @p2 .LBB2_4-.Ltmp3, $2  }
0xd1: {  	_ =	sdelay $0x2  }
0xd2: {  	s14 =	sshra.s32 s14, $0x2  }
0xd3: {  	[tilespmem:s14+$0x19F80] =	vst v2;
	s5 =	simm.s32 $0x0;
	s21 =	simm.s32 $0x14680;
	s17 =	rddreg [dreg:$0x4]  }
0xd4: {  	[tilespmem:s21], [sflag:$0x2] =	stream.linear.gather [hbm4b:s17+s5], $0x1000, $0x38;
	[tilespmem:$0x1AF80] =	vst v63  }
0xd5: {  	_ =	swait.ge [sflag:s29], $0x1000  }
0xd6: {  	[sflag:s29] =	ssyncset.done $0x0  }
0xd7: {  	[sflag:s29] =	ssyncadd.s32 $0xFFFFF000  }
0xd8: {  	v4 =	vld [tilespmem:s21+$0x0];
	_ =	sdelay $0x4  }
0xd9: {  	v4 =	vsub.s32 v4, v0  }
0xda: {  	v5 =	vor.u32 s5, v3;
	vm0 =	vlt.u32 v4, $0xA2800  }
0xdb: {  	s5 =	simm.s32 $0x15680;
	v4 =	vsel vm0, v4, v5  }
0xdc: {  	s17 =	simm.s32 $0x14690;
	[tilespmem:s5+$0x0] =	vst v4  }
0xdd: {  	s14 =	simm.s32 $0x10;
	s18 =	simm.s32 $0x20;
	v4 =	vld [tilespmem:s17+$0x0]  }
.LBB2_6:
0xde: {  	p2 =	sne.s32 s18, $0xFF0;
	_ =	sdelay $0x3  }
.Ltmp4:
0xdf: {  	v4 =	vsub.s32 v4, v0;
	(pc) =	sbr.rel @p2 .LBB2_6-.Ltmp4, $4  }
0xe0: {  	v5 =	vor.u32 s14, v3;
	s14 =	smov.u32 s18;
	vm0 =	vlt.u32 v4, $0xA2800  }
0xe1: {  	s5 =	sadd.s32 $0x10, s5;
	v4 =	vsel vm0, v4, v5  }
0xe2: {  	s17 =	sadd.s32 $0x10, s17;
	[tilespmem:s5+$0x0] =	vst v4  }
0xe3: {  	s18 =	sadd.s32 $0x10, s18;
	v4 =	vld [tilespmem:s17+$0x0]  }
0xe4: {  	_ =	sdelay $0x3  }
0xe5: {  	v4 =	vsub.s32 v4, v0  }
0xe6: {  	v5 =	vor.u32 s14, v3;
	vm0 =	vlt.u32 v4, $0xA2800  }
0xe7: {  	s5 =	sadd.s32 $0x10, s5;
	v4 =	vsel vm0, v4, v5  }
0xe8: {  	[tilespmem:s5+$0x0] =	vst v4  }
0xe9: {  	[bflag:$0x0] =	sbarrier.arrive $0xFFFF  }
0xea: {  	[spmem:s6] =	stream.linear.scatter [tilespmem:s30], [sflag:$0x1], $0x28D0, $0x38;
	[tilespmem:$0x1AF80] =	vst v63  }
0xeb: {  	_ = 	snop  }
0xec: {  	[spmem:s7] =	stream.linear.scatter [tilespmem:s30], [sflag:$0x1], $0x28D0, $0x38;
	[tilespmem:$0x1AF80] =	vst v63  }
0xed: {  	_ = 	snop  }
0xee: {  	[spmem:s8] =	stream.linear.scatter [tilespmem:s30], [sflag:$0x1], $0x28D0, $0x38;
	[tilespmem:$0x1AF80] =	vst v63  }
0xef: {  	_ = 	snop  }
0xf0: {  	[spmem:s9] =	stream.linear.scatter [tilespmem:s30], [sflag:$0x1], $0x28D0, $0x38;
	[tilespmem:$0x1AF80] =	vst v63  }
0xf1: {  	_ = 	snop  }
0xf2: {  	[spmem:s10] =	stream.linear.scatter [tilespmem:s30], [sflag:$0x1], $0x28D0, $0x38;
	[tilespmem:$0x1AF80] =	vst v63  }
0xf3: {  	_ = 	snop  }
0xf4: {  	[spmem:s11] =	stream.linear.scatter [tilespmem:s30], [sflag:$0x1], $0x28D0, $0x38;
	[tilespmem:$0x1AF80] =	vst v63  }
0xf5: {  	_ = 	snop  }
0xf6: {  	[spmem:s12] =	stream.linear.scatter [tilespmem:s30], [sflag:$0x1], $0x28D0, $0x38;
	[tilespmem:$0x1AF80] =	vst v63  }
0xf7: {  	_ = 	snop  }
0xf8: {  	[spmem:s13] =	stream.linear.scatter [tilespmem:s30], [sflag:$0x1], $0x28D0, $0x38;
	[tilespmem:$0x1AF80] =	vst v63  }
0xf9: {  	_ =	swait.ge [sflag:s31], $0x28D0  }
0xfa: {  	[sflag:s31] =	ssyncset.done $0x0  }
0xfb: {  	[sflag:s31] =	ssyncadd.s32 $0xFFFFD730  }
0xfc: {  	_ =	swait.ge [sflag:s31], $0x28D0  }
0xfd: {  	[sflag:s31] =	ssyncset.done $0x0  }
0xfe: {  	[sflag:s31] =	ssyncadd.s32 $0xFFFFD730  }
0xff: {  	_ =	swait.ge [sflag:s31], $0x28D0  }
0x100: {  	[sflag:s31] =	ssyncset.done $0x0  }
0x101: {  	[sflag:s31] =	ssyncadd.s32 $0xFFFFD730  }
0x102: {  	_ =	swait.ge [sflag:s31], $0x28D0  }
0x103: {  	[sflag:s31] =	ssyncset.done $0x0  }
0x104: {  	[sflag:s31] =	ssyncadd.s32 $0xFFFFD730  }
0x105: {  	_ =	swait.ge [sflag:s31], $0x28D0  }
0x106: {  	[sflag:s31] =	ssyncset.done $0x0  }
0x107: {  	[sflag:s31] =	ssyncadd.s32 $0xFFFFD730  }
0x108: {  	_ =	swait.ge [sflag:s31], $0x28D0  }
0x109: {  	[sflag:s31] =	ssyncset.done $0x0  }
0x10a: {  	[sflag:s31] =	ssyncadd.s32 $0xFFFFD730  }
0x10b: {  	_ =	swait.ge [sflag:s31], $0x28D0  }
0x10c: {  	[sflag:s31] =	ssyncset.done $0x0  }
0x10d: {  	[sflag:s31] =	ssyncadd.s32 $0xFFFFD730  }
0x10e: {  	_ =	swait.ge [sflag:s31], $0x28D0  }
0x10f: {  	[sflag:s31] =	ssyncset.done $0x0  }
0x110: {  	[sflag:s31] =	ssyncadd.s32 $0xFFFFD730  }
0x111: {  	s20 =	simm.s32 $0x19F80;
	[bflag:$0x0] =	sbarrier.arrive $0xFFFF  }
0x112: {  	[spmem:s2] =	stream.indirect.scatter.add.f32 [tilespmem:s20], [sflag:$0x2], $0x1, s15, s0, $0xb8;
	[tilespmem:$0x1AF80] =	vst v63  }
0x113: {  	_ =	swait.ge [sflag:s29], $0x1000  }
0x114: {  	[sflag:s29] =	ssyncset.done $0x0  }
0x115: {  	s21 =	rddreg [dreg:$0x5];
	[sflag:s29] =	ssyncadd.s32 $0xFFFFF000  }
0x116: {  	[tilespmem:s1], [sflag:$0x2] =	stream.linear.gather [hbm4b:s21+s4], $0x1000, $0x38;
	[tilespmem:$0x1AF80] =	vst v63  }
0x117: {  	_ =	swait.ge [sflag:s29], $0x1000  }
0x118: {  	[sflag:s29] =	ssyncset.done $0x0  }
0x119: {  	[sflag:s29] =	ssyncadd.s32 $0xFFFFF000  }
0x11a: {  	[spmem:s3] =	stream.indirect.scatter.add.f32 [tilespmem:s1], [sflag:$0x2], $0x1, s15, s0, $0xb8;
	[tilespmem:$0x1AF80] =	vst v63  }
.Ltmp5:
0x11b: {  	_ =	swait.ge [sflag:s29], $0x1000;
	(pc) =	sbr.rel @p1 .LBB2_10-.Ltmp5, $3  }
0x11c: {  	[sflag:s29] =	ssyncset.done $0x0  }
0x11d: {  	[sflag:s29] =	ssyncadd.s32 $0xFFFFF000  }
0x11e: {  	[bflag:$0x0] =	sbarrier.arrive $0xFFFF;
	_ =	sdelay $0x1  }
.Ltmp6:
0x11f: {  	(pc) =	sbr.rel @p0 .LBB2_12-.Ltmp6, $2  }
0x120: {  	_ =	sdelay $0x2  }
0x121: {  	p2 =	por $0x0, $0x0  }
.Ltmp7:
0x122: {  	(pc) =	sbr.rel .LBB2_11-.Ltmp7, $3  }
0x123: {  	_ =	sdelay $0x1  }
0x124: {  	s5 =	sshrl.u32 s2, $0x3;
	s14 =	rddreg [dreg:$0x7];
	s17 =	simm.s32 $0x1C02  }
0x125: {  	[hbm:s14], [sflag:s17] =	dma.local [spmem:s5], $0x14500  }
.LBB2_13:
0x126: {  	_ =	sfence.sel $0x180000  }
0x127: {  	[bflag:$0x0] =	sbarrier.arrive $0xFFFF  }
0x128: {  	_ =	strace $0x90000047  }
0x129: {  	s0 =	stileid.u32;
	[bflag:$0x2] =	sbarrier.arrive $0xFFFF  }
0x12a: {  	p0 =	sne.s32 s0, $0x0;
	s0 =	rddreg [dreg:$0x3]  }
0x12b: {  	s0 =	sadd.s32 @!p0 $0x100000, s0  }
0x12c: {  	[sflag:s0] =	ssyncadd.tile.s32 @!p0 $0x1;
	_ =	shalt  }
.Lfunc_end2:
_tile_overlayer_lowered:
.L_overlay_start_2:
0x12d: {  	(tag) =	ssettag $0x2  }
0x12e: {  	s0 =	rddreg [dreg:$0x0];
	s2 =	stileid.u32  }
0x12f: {  	s1 =	rddreg [dreg:$0x1];
	p0 =	sne.s32 s2, $0x0  }
0x130: {  	s3 =	rddreg [dreg:$0x2];
	[bflag:$0x3] =	sbarrier.arrive $0xFFFF;
	s2 =	simm.s32 @!p0 $0x1C02  }
0x131: {  	[timem:s3], [sflag:s2] =	dma.local @!p0 [hbm:s0], s1  }
0x132: {  	s0 =	simm.s32 @!p0 $0x2  }
0x133: {  	_ =	swait.ge @!p0 [sflag:s0], s1  }
0x134: {  	s1 =	ssub.s32 @!p0 $0x0, s1;
	[sflag:s0] =	ssyncset.done @!p0 $0x0  }
0x135: {  	[sflag:s0] =	ssyncadd.s32 @!p0 s1  }
0x136: {  	[bflag:$0x3] =	sbarrier.arrive $0xFFFF  }
0x137: {  	_ =	shalt  }

// kernel: kernel.14.cloned.1.call-start
scs
__scs_entry_jumppad:
0x0: {  	(pc) =	sbr.rel $0x88, $3  }
0x1: {  	(tag) =	ssettag $0x0;
	lr =	simm.s32 $0x1  }
0x2: {  	[smem:$0x3F9E] =	sst lr;
	_ =	strace $0xD0000000  }
0x3: {  	_ = 	snop  }
0x4: {  	_ = 	snop  }
0x5: {  	_ = 	snop  }
0x6: {  	_ = 	snop  }
0x7: {  	_ = 	snop  }
__scs_overlays_trampoline_lowered:
0x8: {  	[smem:$0x3FAD] =	sst s0  }
0x9: {  	[smem:$0x3FAE] =	sst s1  }
0xa: {  	[smem:$0x3FAF] =	sst s2  }
0xb: {  	[smem:$0x3FB0] =	sst s3  }
0xc: {  	[smem:$0x3FB1] =	sst s4  }
0xd: {  	[smem:$0x3FB2] =	sst s5  }
0xe: {  	[smem:$0x3FB3] =	sst s6  }
0xf: {  	[smem:$0x3FB4] =	sst s7  }
0x10: {  	[smem:$0x3FB5] =	sst s8  }
0x11: {  	[smem:$0x3FB6] =	sst s9;
	s0 =	simm.s32 @!p0 $0x0  }
0x12: {  	s1 =	sld [smem:$0x3F9C];
	s0 =	simm.s32 @p0 $0x1  }
0x13: {  	[smem:$0x3FB7] =	sst s0;
	s0 =	simm.s32 @!p1 $0x0  }
0x14: {  	s2 =	sld [smem:$0x3F9B];
	s0 =	simm.s32 @p1 $0x1  }
0x15: {  	[smem:$0x3FB8] =	sst s0;
	s0 =	simm.s32 @!p2 $0x0  }
0x16: {  	s3 =	sld [smem:$0x3FDB];
	s0 =	simm.s32 @p2 $0x1  }
0x17: {  	s4 =	simm.s32 $0x1BF5;
	[smem:$0x3FBA] =	sst s0  }
0x18: {  	s0 =	sld [smem:$0x3F9D];
	_ =	swait.ge [sflag:s4], $0x0  }
0x19: {  	s7 =	sld [smem:$0x3F9E]  }
0x1a: {  	s8 =	sadd.s32 $0xFFFFE003, lr  }
0x1b: {  	s9 =	sadd.s32 $0xFFFFFEF7, lr;
	s5 =	simm.s32 $0xFFFFFFFF;
	p2 =	slt.u32 s8, $0xFFFFF086  }
0x1c: {  	p1 =	slt.u32 s9, $0xF7A;
	s5 =	simm.s32 @!p2 $0x0  }
0x1d: {  	s5 =	simm.s32 @p1 $0x1;
	p0 =	seq.s32 s7, s2  }
0x1e: {  	s7 =	smul.u32 @!p0 $0xF7A, s2;
	p2 =	seq.s32 @!p0 s5, $0x0  }
0x1f: {  	s9 =	smul.u32 $0xF7A, s1;
	s8 =	simm.s32 @!p0 $0x1BF5;
	p2 =	por !p2, p0  }
0x20: {  	[sflag:s8] =	ssyncset.s32 @!p0 $0xFFFFF086;
	s6 =	sadd.s32 @!p0 s3, s7;
	s7 =	simm.s32 @!p0 $0x108  }
0x21: {  	s3 =	sadd.s32 s3, s9;
	s6 =	sadd.s32 @!p0 $0x88, s6;
	s7 =	simm.s32 @p2 $0x1082  }
0x22: {  	[simem:s7], [sflag:s8] =	dma.local @!p0 [hbm:s6], $0xF7A  }
0x23: {  	s9 =	sor.u32 $0xD0000000, s2;
	s6 =	simm.s32 $0x108;
	_ =	swait.ge @!p0 [sflag:s8], $0x0  }
0x24: {  	s3 =	sadd.s32 $0x88, s3;
	s6 =	simm.s32 @!p1 $0x1082;
	[sflag:s4] =	ssyncset.s32 $0xFFFFF086  }
0x25: {  	[simem:s6], [sflag:s4] =	dma.local [hbm:s3], $0xF7A  }
0x26: {  	[smem:$0x3F9E] =	sst s1;
	(tag) =	ssettag s2;
	_ =	strace s9  }
0x27: {  	s1 =	sld [smem:$0x3FAE]  }
0x28: {  	s2 =	sld [smem:$0x3FAF]  }
0x29: {  	s4 =	sld [smem:$0x3FB1]  }
0x2a: {  	p0 =	seq.s32 s5, $0x0;
	s5 =	sld [smem:$0x3FB2]  }
0x2b: {  	s6 =	sld [smem:$0x3FB3]  }
0x2c: {  	s7 =	sld [smem:$0x3FB4]  }
0x2d: {  	s3 =	simm.s32 $0x108;
	s8 =	sld [smem:$0x3FB5]  }
0x2e: {  	s3 =	simm.s32 @!p0 $0x1082;
	s9 =	sld [smem:$0x3FB6]  }
0x2f: {  	lr =	sadd.s32 s0, s3;
	s0 =	sld [smem:$0x3FAD]  }
0x30: {  	s3 =	sld [smem:$0x3FB0]  }
0x31: {  	[smem:$0x3FB9] =	sst s10  }
0x32: {  	s10 =	sld [smem:$0x3FB7];
	_ =	sdelay $0x3  }
0x33: {  	p0 =	seq.s32 s10, $0x1;
	s10 =	sld [smem:$0x3FB9];
	_ =	sdelay $0x3  }
0x34: {  	[smem:$0x3FB9] =	sst s10  }
0x35: {  	s10 =	sld [smem:$0x3FB8];
	_ =	sdelay $0x3  }
0x36: {  	p1 =	seq.s32 s10, $0x1;
	s10 =	sld [smem:$0x3FB9];
	_ =	sdelay $0x3  }
0x37: {  	[smem:$0x3FB9] =	sst s10  }
0x38: {  	s10 =	sld [smem:$0x3FBA]  }
0x39: {  	_ = 	snop;
	(pc) =	sbr.ind lr, $3  }
0x3a: {  	_ = 	snop  }
0x3b: {  	_ = 	snop  }
0x3c: {  	p2 =	seq.s32 s10, $0x1;
	s10 =	sld [smem:$0x3FB9]  }
0x3d: {  	_ =	shalt  }
0x3e: {  	_ =	shalt  }
0x3f: {  	_ =	shalt  }
0x40: {  	_ =	shalt  }
0x41: {  	_ =	shalt  }
0x42: {  	_ =	shalt  }
0x43: {  	_ =	shalt  }
0x44: {  	_ =	shalt  }
0x45: {  	_ =	shalt  }
0x46: {  	_ =	shalt  }
0x47: {  	_ =	shalt  }
0x48: {  	_ =	shalt  }
0x49: {  	_ =	shalt  }
0x4a: {  	_ =	shalt  }
0x4b: {  	_ =	shalt  }
0x4c: {  	_ =	shalt  }
0x4d: {  	_ =	shalt  }
0x4e: {  	_ =	shalt  }
0x4f: {  	_ =	shalt  }
0x50: {  	_ =	shalt  }
0x51: {  	_ =	shalt  }
0x52: {  	_ =	shalt  }
0x53: {  	_ =	shalt  }
0x54: {  	_ =	shalt  }
0x55: {  	_ =	shalt  }
0x56: {  	_ =	shalt  }
0x57: {  	_ =	shalt  }
0x58: {  	_ =	shalt  }
0x59: {  	_ =	shalt  }
0x5a: {  	_ =	shalt  }
0x5b: {  	_ =	shalt  }
0x5c: {  	_ =	shalt  }
0x5d: {  	_ =	shalt  }
0x5e: {  	_ =	shalt  }
0x5f: {  	_ =	shalt  }
0x60: {  	_ =	shalt  }
0x61: {  	_ =	shalt  }
0x62: {  	_ =	shalt  }
0x63: {  	_ =	shalt  }
0x64: {  	_ =	shalt  }
0x65: {  	_ =	shalt  }
0x66: {  	_ =	shalt  }
0x67: {  	_ =	shalt  }
0x68: {  	_ =	shalt  }
0x69: {  	_ =	shalt  }
0x6a: {  	_ =	shalt  }
0x6b: {  	_ =	shalt  }
0x6c: {  	_ =	shalt  }
0x6d: {  	_ =	shalt  }
0x6e: {  	_ =	shalt  }
0x6f: {  	_ =	shalt  }
0x70: {  	_ =	shalt  }
0x71: {  	_ =	shalt  }
0x72: {  	_ =	shalt  }
0x73: {  	_ =	shalt  }
0x74: {  	_ =	shalt  }
0x75: {  	_ =	shalt  }
0x76: {  	_ =	shalt  }
0x77: {  	_ =	shalt  }
0x78: {  	_ =	shalt  }
0x79: {  	_ =	shalt  }
0x7a: {  	_ =	shalt  }
0x7b: {  	_ =	shalt  }
0x7c: {  	_ =	shalt  }
0x7d: {  	_ =	shalt  }
0x7e: {  	_ =	shalt  }
0x7f: {  	_ =	shalt  }
0x80: {  	_ =	shalt  }
0x81: {  	_ =	shalt  }
0x82: {  	_ =	shalt  }
0x83: {  	_ =	shalt  }
0x84: {  	_ =	shalt  }
0x85: {  	_ =	shalt  }
0x86: {  	_ =	shalt  }
0x87: {  	_ =	shalt  }
.Lfunc_end0:
.L_simem_size_0:
called_computation.1_lowered:
.L_overlay_start_0:
0x88: {  	s2 =	sld [smem:$0x3FD9]  }
0x89: {  	s3 =	sld [smem:$0x3FFE];
	_ =	sdelay $0x1  }
0x8a: {  	s1 =	srdreg.scid  }
0x8b: {  	s0 =	sand.u32 $0x1, s1  }
0x8c: {  	s17 =	sshll.u32 s0, $0xA;
	s2 =	sadd.s32 s3, s2  }
0x8d: {  	s2 =	sadd.s32 s2, s17  }
0x8e: {  	[smem:$0x3FC5] =	sst s2  }
0x8f: {  	_ = 	snop  }
0x90: {  	(tm) =	ssettm $0x1  }
0x91: {  	s18 =	sld [smem:$0x3FFB];
	_ =	sdelay $0x3  }
0x92: {  	_ =	strace s18  }
0x93: {  	s2 =	sld [smem:$0x3FFC];
	_ =	sdelay $0x3  }
0x94: {  	_ =	strace s2  }
0x95: {  	s2 =	sld [smem:$0x3FFD];
	_ =	sdelay $0x3  }
0x96: {  	_ =	strace s2  }
0x97: {  	_ =	strace $0x8FFFFFFF  }
0x98: {  	s19 =	sld [smem:$0x3FDB];
	_ =	sdelay $0x1  }
0x99: {  	s20 =	simm.s32 $_scs_section_size  }
0x9a: {  	s4 =	simm.s32 $_size__tile_overlayer_lowered;
	s5 =	simm.s32 $_tile_overlayer_lowered  }
0x9b: {  	s6 =	simm.s32 $0x1BFF;
	s21 =	sshll.u32 s5, $0x1;
	s3 =	sadd.s32 s20, s19  }
0x9c: {  	s22 =	simm.s32 $0x0;
	s4 =	sshll.u32 s4, $0x1;
	s5 =	sadd.s32 s21, s3  }
0x9d: {  	[timem:s22], [sflag:s6] =	dma.local [hbm:s5], s4  }
0x9e: {  	_ =	swait.ge [sflag:s6], s4  }
0x9f: {  	s4 =	ssub.s32 $0x0, s4;
	[sflag:s6] =	ssyncset.done $0x0  }
0xa0: {  	[sflag:s6] =	ssyncadd.s32 s4;
	_ =	sdelay $0x1  }
0xa1: {  	s23 =	simm.s32 $0x1B8B  }
0xa2: {  	_ =	swait.ge [sflag:s23], $0x1  }
0xa3: {  	[sflag:s23] =	ssyncset.done $0x0  }
0xa4: {  	[sflag:s23] =	ssyncadd.s32 $0xFFFFFFFF  }
0xa5: {  	s4 =	sld [smem:$0x0]  }
0xa6: {  	s5 =	sand.u32 $0xFFFFFFFE, s1  }
0xa7: {  	p0 =	sne.s32 s1, s5  }
0xa8: {  	s5 =	sshll.u32 @p0 s5, $0xE  }
0xa9: {  	s5 =	sadd.s32 @p0 $0x11B8D, s5;
	s6 =	sshll.u32 @p0 s4, $0x11  }
0xaa: {  	s5 =	sor.u32 @p0 s6, s5  }
0xab: {  	[sflag:s5] =	ssyncadd.remote.s32 @p0 $0x1;
	_ =	sdelay $0x1  }
0xac: {  	s5 =	simm.s32 @p0 $0x1B8D  }
0xad: {  	_ =	swait.eq @p0 [sflag:s5], $0x1  }
0xae: {  	[sflag:s5] =	ssyncadd.s32 @p0 $0xFFFFFFFF  }
0xaf: {  	s6 =	sshll.u32 @!p0 s1, $0xE  }
0xb0: {  	s6 =	sor.u32 @!p0 $0x4000, s6;
	s5 =	simm.s32 @!p0 $0x1B8D  }
0xb1: {  	s4 =	sshll.u32 @!p0 s4, $0x11;
	s6 =	sadd.s32 @!p0 $0x11B8D, s6;
	_ =	swait.eq @!p0 [sflag:s5], $0x1  }
0xb2: {  	s4 =	sor.u32 @!p0 s4, s6;
	[sflag:s5] =	ssyncadd.s32 @!p0 $0xFFFFFFFF  }
0xb3: {  	s25 =	simm.s32 $0x1B8E;
	s24 =	sld [smem:$0x3FFE];
	[sflag:s4] =	ssyncadd.remote.s32 @!p0 $0x1  }
0xb4: {  	s26 =	simm.s32 $execute0_lowered;
	[smem:$0x3FD2] =	sst s25  }
0xb5: {  	s5 =	sshll.u32 s26, $0x1;
	_ =	strace $0x80000049;
	[dreg:$0x1] =	wrdreg $0xFFFFFFFF  }
0xb6: {  	s28 =	simm.s32 $_size_execute0_lowered;
	s3 =	sadd.s32 s3, s5;
	[dreg:$0x0] =	wrdreg $0x0  }
0xb7: {  	s5 =	sshll.u32 s28, $0x1;
	[dreg:$0x2] =	wrdreg s3  }
0xb8: {  	[dreg:$0x3] =	wrdreg s5  }
0xb9: {  	[dreg:$0x4] =	wrdreg $0xC0  }
0xba: {  	_ =	task [dreg:s22], $0x5FFFF  }
0xbb: {  	[dreg:$0x1] =	wrdreg $0xFFFFFFFF  }
0xbc: {  	[dreg:$0x0] =	wrdreg $0x60  }
0xbd: {  	[dreg:$0x2] =	wrdreg s24  }
0xbe: {  	[dreg:$0x3] =	wrdreg $0x0  }
0xbf: {  	[dreg:$0x4] =	wrdreg $0xA3400  }
0xc0: {  	[dreg:$0x5] =	wrdreg $0xA  }
0xc1: {  	_ =	task.clear_ibuf [dreg:s22], $0x6FFFF;
	_ =	strace $0x90000049  }
0xc2: {  	s29 =	simm.s32 $0xA;
	_ =	strace $0x8000004B  }
0xc3: {  	_ =	swait.ge [sflag:s29], $0x1  }
0xc4: {  	[sflag:s29] =	ssyncadd.s32 $0xFFFFFFFF  }
0xc5: {  	_ =	strace $0x9000004B  }
0xc6: {  	_ =	sfence  }
0xc7: {  	s30 =	sld [smem:$0x0];
	_ =	sdelay $0x2  }
0xc8: {  	s31 =	sshll.u32 s1, $0xD;
	s1 =	sshrl.u32 s1, $0x2  }
0xc9: {  	s4 =	sand.u32 $0x4000, s31;
	s1 =	sadd.s32 s1, s30  }
0xca: {  	s0 =	sor.u32 s4, s0;
	s1 =	sshll.u32 s1, $0x11  }
0xcb: {  	s0 =	sor.u32 s1, s0  }
0xcc: {  	s0 =	sadd.s32 $0x8F2B, s0  }
0xcd: {  	[sflag:s0] =	ssyncadd.remote.s32 $0x1  }
0xce: {  	_ =	sfence.sel $0xFFFF  }
0xcf: {  	[dreg:$0x0] =	wrdreg $0xFFFFFFFF;
	(pc) =	sbr.abs _section_cstart, $3  }
0xd0: {  	[dreg:$0x1] =	wrdreg $0xFFFFFFFF  }
0xd1: {  	_ =	task.clear_ibuf [dreg:s22], $0x2FFFF;
	_ =	strace $0x9FFFFFFF  }
0xd2: {  	(tm) =	ssettm $0x7FFFFFFF  }
0xd3: {  	_ =	shalt  }
tec
execute0_lowered:
.L_overlay_start_1:
0x0: {  	(tag) =	ssettag $0x1  }
0x1: {  	s0 =	rddreg [dreg:$0x0]  }
0x2: {  	s1 =	rddreg [dreg:$0x1]  }
0x3: {  	s3 =	rddreg [dreg:$0x2];
	s2 =	srdreg.scid;
	s4 =	simm.s32 $0x0  }
0x4: {  	s18 =	stileid.u32;
	s29 =	simm.s32 $0x2;
	s30 =	simm.s32 $0x17680  }
0x5: {  	s31 =	simm.s32 $0x1;
	s2 =	sand.u32 $0x1, s2;
	[smem:$0x7FF] =	sst s4  }
0x6: {  	s5 =	sshll.u32 s18, $0x9;
	s14 =	sadd.s32 $0x1400, s0;
	s10 =	smul.u32 $0xA340, s18  }
0x7: {  	s15 =	sadd.s32 $0x19400, s0;
	p0 =	sne.s32 s18, $0x0;
	p1 =	seq.s32 s18, $0x1  }
0x8: {  	s13 =	smul.u32 $0xA2800, s2;
	_ =	strace $0x8000004A;
	s6 =	sadd.s32 s5, s0  }
0x9: {  	s2 =	ssub.s32 $0x2, s2;
	s17 =	sor.u32 $0x6000, s5;
	s24 =	sor.u32 $0x8000, s5  }
0xa: {  	s5 =	sor.u32 $0xA000, s5;
	s21 =	sshrl.u32 s2, $0x1;
	s6 =	sadd.s32 $0x33400, s6  }
0xb: {  	s11 =	sadd.s32 $0x28D0, s10;
	s12 =	sadd.s32 $0x51A0, s10;
	s16 =	sadd.s32 $0x7A70, s10  }
0xc: {  	s19 =	sadd.s32 s14, s17;
	s20 =	sadd.s32 s14, s24;
	[dreg:$0x4] =	wrdreg s6  }
0xd: {  	s14 =	sadd.s32 s14, s5;
	s25 =	sadd.s32 s15, s17;
	[dreg:$0x5] =	wrdreg s19  }
0xe: {  	s26 =	sadd.s32 s15, s24;
	s5 =	sadd.s32 s15, s5;
	[dreg:$0x8] =	wrdreg s20  }
0xf: {  	s15 =	simm.s32 $0x0;
	s7 =	sshrl.u32 s13, $0x3;
	[dreg:$0x9] =	wrdreg s14  }
0x10: {  	s2 =	ssub.s32 s2, s21;
	s6 =	sadd.s32 s10, s1;
	[dreg:$0xa] =	wrdreg s25  }
0x11: {  	s8 =	sadd.s32 s12, s1;
	s9 =	sadd.s32 s16, s1;
	[dreg:$0xb] =	wrdreg s26  }
0x12: {  	s10 =	sadd.s32 s10, s3;
	s12 =	sadd.s32 s12, s3;
	[dreg:$0xc] =	wrdreg s5  }
0x13: {  	s14 =	simm.s32 $0x15680;
	s0 =	sadd.s32 s7, s0;
	s7 =	sadd.s32 s11, s1  }
.Ltmp0:
0x14: {  	s28 =	smax.u32 s2, $0x1;
	s2 =	simm.s32 $0x16680;
	(pc) =	sbr.rel .LBB2_1-.Ltmp0, $4  }
0x15: {  	s11 =	sadd.s32 s11, s3;
	s22 =	sadd.s32 $0x155A00, s0;
	s23 =	sadd.s32 $0x249600, s0  }
0x16: {  	s21 =	sadd.s32 $0x17E400, s0;
	s24 =	sadd.s32 $0x1CF800, s0;
	[dreg:$0x6] =	wrdreg s22  }
0x17: {  	v3 =	vlaneseq.u32;
	v1 =	vimm.f32 $0.0e+00;
	s25 =	sadd.s32 $0x1F8200, s0;
	s26 =	sadd.s32 $0x220C00, s0;
	[dreg:$0x7] =	wrdreg s23  }
0x18: {  	v2 =	vimm.f32 $1.000000000e+00;
	v3 =	vor.u32 $0xA2800, v3;
	v0 =	vmov s13;
	s22 =	sadd.s32 s16, s3;
	s23 =	sadd.s32 $0x1A6E00, s0;
	s0 =	simm.s32 $0x1000  }
.LBB2_10:
0x19: {  	s5 =	sshrl.u32 s3, $0x3;
	s13 =	rddreg [dreg:$0x6];
	s16 =	simm.s32 $0x1C42  }
0x1a: {  	[hbm:s13], [sflag:s16] =	dma.local [spmem:s5], $0x14500  }
.LBB2_11:
0x1b: {  	_ =	swait.ge [sflag:s29], $0x14500  }
0x1c: {  	[sflag:s29] =	ssyncset.done $0x0  }
0x1d: {  	p2 =	por p0, p0;
	[sflag:s29] =	ssyncadd.s32 $0xFFFEBB00  }
.LBB2_12:
0x1e: {  	[bflag:$0x0] =	sbarrier.arrive $0xFFFF  }
0x1f: {  	[spmem:s6] =	stream.linear.scatter [tilespmem:s30], [sflag:$0x1], $0x28D0, $0x38;
	[tilespmem:$0x1AF80] =	vst v63  }
0x20: {  	_ = 	snop  }
0x21: {  	[spmem:s7] =	stream.linear.scatter [tilespmem:s30], [sflag:$0x1], $0x28D0, $0x38;
	[tilespmem:$0x1AF80] =	vst v63  }
0x22: {  	_ = 	snop  }
0x23: {  	[spmem:s8] =	stream.linear.scatter [tilespmem:s30], [sflag:$0x1], $0x28D0, $0x38;
	[tilespmem:$0x1AF80] =	vst v63  }
0x24: {  	_ = 	snop  }
0x25: {  	[spmem:s9] =	stream.linear.scatter [tilespmem:s30], [sflag:$0x1], $0x28D0, $0x38;
	[tilespmem:$0x1AF80] =	vst v63  }
0x26: {  	_ = 	snop  }
0x27: {  	[spmem:s10] =	stream.linear.scatter [tilespmem:s30], [sflag:$0x1], $0x28D0, $0x38;
	[tilespmem:$0x1AF80] =	vst v63  }
0x28: {  	_ = 	snop  }
0x29: {  	[spmem:s11] =	stream.linear.scatter [tilespmem:s30], [sflag:$0x1], $0x28D0, $0x38;
	[tilespmem:$0x1AF80] =	vst v63  }
0x2a: {  	_ = 	snop  }
0x2b: {  	[spmem:s12] =	stream.linear.scatter [tilespmem:s30], [sflag:$0x1], $0x28D0, $0x38;
	[tilespmem:$0x1AF80] =	vst v63  }
0x2c: {  	_ = 	snop  }
0x2d: {  	[spmem:s22] =	stream.linear.scatter [tilespmem:s30], [sflag:$0x1], $0x28D0, $0x38;
	[tilespmem:$0x1AF80] =	vst v63  }
0x2e: {  	_ =	swait.ge [sflag:s31], $0x28D0  }
0x2f: {  	[sflag:s31] =	ssyncset.done $0x0  }
0x30: {  	[sflag:s31] =	ssyncadd.s32 $0xFFFFD730  }
0x31: {  	_ =	swait.ge [sflag:s31], $0x28D0  }
0x32: {  	[sflag:s31] =	ssyncset.done $0x0  }
0x33: {  	[sflag:s31] =	ssyncadd.s32 $0xFFFFD730  }
0x34: {  	_ =	swait.ge [sflag:s31], $0x28D0  }
0x35: {  	[sflag:s31] =	ssyncset.done $0x0  }
0x36: {  	[sflag:s31] =	ssyncadd.s32 $0xFFFFD730  }
0x37: {  	_ =	swait.ge [sflag:s31], $0x28D0  }
0x38: {  	[sflag:s31] =	ssyncset.done $0x0  }
0x39: {  	[sflag:s31] =	ssyncadd.s32 $0xFFFFD730  }
0x3a: {  	_ =	swait.ge [sflag:s31], $0x28D0  }
0x3b: {  	[sflag:s31] =	ssyncset.done $0x0  }
0x3c: {  	[sflag:s31] =	ssyncadd.s32 $0xFFFFD730  }
0x3d: {  	_ =	swait.ge [sflag:s31], $0x28D0  }
0x3e: {  	[sflag:s31] =	ssyncset.done $0x0  }
0x3f: {  	[sflag:s31] =	ssyncadd.s32 $0xFFFFD730  }
0x40: {  	_ =	swait.ge [sflag:s31], $0x28D0  }
0x41: {  	[sflag:s31] =	ssyncset.done $0x0  }
0x42: {  	[sflag:s31] =	ssyncadd.s32 $0xFFFFD730  }
0x43: {  	_ =	swait.ge [sflag:s31], $0x28D0  }
0x44: {  	[sflag:s31] =	ssyncset.done $0x0  }
0x45: {  	[sflag:s31] =	ssyncadd.s32 $0xFFFFD730  }
0x46: {  	[bflag:$0x0] =	sbarrier.arrive $0xFFFF  }
0x47: {  	s5 =	rddreg [dreg:$0x8]  }
0x48: {  	[tilespmem:s2], [sflag:$0x2] =	stream.linear.gather [hbm4b:s5+s4], $0x1000, $0x38;
	[tilespmem:$0x1AF80] =	vst v63  }
0x49: {  	_ =	swait.ge [sflag:s29], $0x1000  }
0x4a: {  	[sflag:s29] =	ssyncset.done $0x0  }
0x4b: {  	[sflag:s29] =	ssyncadd.s32 $0xFFFFF000  }
0x4c: {  	[spmem:s1] =	stream.indirect.scatter.add.f32 [tilespmem:s2], [sflag:$0x2], $0x1, s14, s0, $0xb8;
	[tilespmem:$0x1AF80] =	vst v63  }
0x4d: {  	_ =	swait.ge [sflag:s29], $0x1000  }
0x4e: {  	[sflag:s29] =	ssyncset.done $0x0  }
0x4f: {  	s19 =	rddreg [dreg:$0x9];
	[sflag:s29] =	ssyncadd.s32 $0xFFFFF000  }
0x50: {  	[tilespmem:s2], [sflag:$0x2] =	stream.linear.gather [hbm4b:s19+s4], $0x1000, $0x38;
	[tilespmem:$0x1AF80] =	vst v63  }
0x51: {  	_ =	swait.ge [sflag:s29], $0x1000  }
0x52: {  	[sflag:s29] =	ssyncset.done $0x0  }
0x53: {  	[sflag:s29] =	ssyncadd.s32 $0xFFFFF000  }
0x54: {  	[spmem:s3] =	stream.indirect.scatter.add.f32 [tilespmem:s2], [sflag:$0x2], $0x1, s14, s0, $0xb8;
	[tilespmem:$0x1AF80] =	vst v63  }
0x55: {  	_ =	swait.ge [sflag:s29], $0x1000  }
0x56: {  	[sflag:s29] =	ssyncset.done $0x0  }
0x57: {  	s13 =	sshrl.u32 @!p0 s1, $0x3;
	[sflag:s29] =	ssyncadd.s32 $0xFFFFF000  }
0x58: {  	s16 =	simm.s32 @!p0 $0x1C02;
	s5 =	simm.s32 @!p0 $0x2;
	[bflag:$0x0] =	sbarrier.arrive $0xFFFF  }
0x59: {  	[hbm:s21], [sflag:s16] =	dma.local @!p0 [spmem:s13], $0x14500  }
0x5a: {  	s17 =	stileid.u32;
	_ =	swait.ge @!p0 [sflag:s5], $0x14500  }
0x5b: {  	s18 =	sshrl.u32 @p2 s3, $0x3;
	s17 =	sshll.u32 @p2 s17, $0x6;
	[sflag:s5] =	ssyncset.done @!p0 $0x0  }
0x5c: {  	s17 =	sor.u32 @p2 $0x1C02, s17;
	s19 =	simm.s32 @p2 $0x2;
	[sflag:s5] =	ssyncadd.s32 @!p0 $0xFFFEBB00  }
0x5d: {  	[hbm:s23], [sflag:s17] =	dma.local @p2 [spmem:s18], $0x14500  }
0x5e: {  	_ =	swait.ge @p2 [sflag:s19], $0x14500  }
0x5f: {  	[sflag:s19] =	ssyncset.done @p2 $0x0  }
0x60: {  	[sflag:s19] =	ssyncadd.s32 @p2 $0xFFFEBB00  }
0x61: {  	[bflag:$0x0] =	sbarrier.arrive $0xFFFF  }
0x62: {  	[spmem:s6] =	stream.linear.scatter [tilespmem:s30], [sflag:$0x1], $0x28D0, $0x38;
	[tilespmem:$0x1AF80] =	vst v63  }
0x63: {  	_ = 	snop  }
0x64: {  	[spmem:s7] =	stream.linear.scatter [tilespmem:s30], [sflag:$0x1], $0x28D0, $0x38;
	[tilespmem:$0x1AF80] =	vst v63  }
0x65: {  	_ = 	snop  }
0x66: {  	[spmem:s8] =	stream.linear.scatter [tilespmem:s30], [sflag:$0x1], $0x28D0, $0x38;
	[tilespmem:$0x1AF80] =	vst v63  }
0x67: {  	_ = 	snop  }
0x68: {  	[spmem:s9] =	stream.linear.scatter [tilespmem:s30], [sflag:$0x1], $0x28D0, $0x38;
	[tilespmem:$0x1AF80] =	vst v63  }
0x69: {  	_ = 	snop  }
0x6a: {  	[spmem:s10] =	stream.linear.scatter [tilespmem:s30], [sflag:$0x1], $0x28D0, $0x38;
	[tilespmem:$0x1AF80] =	vst v63  }
0x6b: {  	_ = 	snop  }
0x6c: {  	[spmem:s11] =	stream.linear.scatter [tilespmem:s30], [sflag:$0x1], $0x28D0, $0x38;
	[tilespmem:$0x1AF80] =	vst v63  }
0x6d: {  	_ = 	snop  }
0x6e: {  	[spmem:s12] =	stream.linear.scatter [tilespmem:s30], [sflag:$0x1], $0x28D0, $0x38;
	[tilespmem:$0x1AF80] =	vst v63  }
0x6f: {  	_ = 	snop  }
0x70: {  	[spmem:s22] =	stream.linear.scatter [tilespmem:s30], [sflag:$0x1], $0x28D0, $0x38;
	[tilespmem:$0x1AF80] =	vst v63  }
0x71: {  	_ =	swait.ge [sflag:s31], $0x28D0  }
0x72: {  	[sflag:s31] =	ssyncset.done $0x0  }
0x73: {  	[sflag:s31] =	ssyncadd.s32 $0xFFFFD730  }
0x74: {  	_ =	swait.ge [sflag:s31], $0x28D0  }
0x75: {  	[sflag:s31] =	ssyncset.done $0x0  }
0x76: {  	[sflag:s31] =	ssyncadd.s32 $0xFFFFD730  }
0x77: {  	_ =	swait.ge [sflag:s31], $0x28D0  }
0x78: {  	[sflag:s31] =	ssyncset.done $0x0  }
0x79: {  	[sflag:s31] =	ssyncadd.s32 $0xFFFFD730  }
0x7a: {  	_ =	swait.ge [sflag:s31], $0x28D0  }
0x7b: {  	[sflag:s31] =	ssyncset.done $0x0  }
0x7c: {  	[sflag:s31] =	ssyncadd.s32 $0xFFFFD730  }
0x7d: {  	_ =	swait.ge [sflag:s31], $0x28D0  }
0x7e: {  	[sflag:s31] =	ssyncset.done $0x0  }
0x7f: {  	[sflag:s31] =	ssyncadd.s32 $0xFFFFD730  }
0x80: {  	_ =	swait.ge [sflag:s31], $0x28D0  }
0x81: {  	[sflag:s31] =	ssyncset.done $0x0  }
0x82: {  	[sflag:s31] =	ssyncadd.s32 $0xFFFFD730  }
0x83: {  	_ =	swait.ge [sflag:s31], $0x28D0  }
0x84: {  	[sflag:s31] =	ssyncset.done $0x0  }
0x85: {  	[sflag:s31] =	ssyncadd.s32 $0xFFFFD730  }
0x86: {  	_ =	swait.ge [sflag:s31], $0x28D0  }
0x87: {  	[sflag:s31] =	ssyncset.done $0x0  }
0x88: {  	[sflag:s31] =	ssyncadd.s32 $0xFFFFD730  }
0x89: {  	[bflag:$0x0] =	sbarrier.arrive $0xFFFF  }
0x8a: {  	s20 =	rddreg [dreg:$0xa]  }
0x8b: {  	[tilespmem:s2], [sflag:$0x2] =	stream.linear.gather [hbm4b:s20+s4], $0x1000, $0x38;
	[tilespmem:$0x1AF80] =	vst v63  }
0x8c: {  	_ =	swait.ge [sflag:s29], $0x1000  }
0x8d: {  	[sflag:s29] =	ssyncset.done $0x0  }
0x8e: {  	[sflag:s29] =	ssyncadd.s32 $0xFFFFF000  }
0x8f: {  	[spmem:s1] =	stream.indirect.scatter.add.f32 [tilespmem:s2], [sflag:$0x2], $0x1, s14, s0, $0xb8;
	[tilespmem:$0x1AF80] =	vst v63  }
0x90: {  	_ =	swait.ge [sflag:s29], $0x1000  }
0x91: {  	[sflag:s29] =	ssyncset.done $0x0  }
0x92: {  	s20 =	rddreg [dreg:$0xb];
	[sflag:s29] =	ssyncadd.s32 $0xFFFFF000  }
0x93: {  	[tilespmem:s2], [sflag:$0x2] =	stream.linear.gather [hbm4b:s20+s4], $0x1000, $0x38;
	[tilespmem:$0x1AF80] =	vst v63  }
0x94: {  	_ =	swait.ge [sflag:s29], $0x1000  }
0x95: {  	[sflag:s29] =	ssyncset.done $0x0  }
0x96: {  	[sflag:s29] =	ssyncadd.s32 $0xFFFFF000  }
0x97: {  	[spmem:s3] =	stream.indirect.scatter.add.f32 [tilespmem:s2], [sflag:$0x2], $0x1, s14, s0, $0xb8;
	[tilespmem:$0x1AF80] =	vst v63  }
0x98: {  	_ =	swait.ge [sflag:s29], $0x1000  }
0x99: {  	[sflag:s29] =	ssyncset.done $0x0  }
0x9a: {  	[sflag:s29] =	ssyncadd.s32 $0xFFFFF000  }
0x9b: {  	[bflag:$0x0] =	sbarrier.arrive $0xFFFF  }
0x9c: {  	[hbm:s24], [sflag:s16] =	dma.local @!p0 [spmem:s13], $0x14500  }
0x9d: {  	_ =	swait.ge @!p0 [sflag:s5], $0x14500  }
0x9e: {  	[sflag:s5] =	ssyncset.done @!p0 $0x0  }
0x9f: {  	[sflag:s5] =	ssyncadd.s32 @!p0 $0xFFFEBB00  }
0xa0: {  	[hbm:s25], [sflag:s17] =	dma.local @p2 [spmem:s18], $0x14500  }
0xa1: {  	_ =	swait.ge @p2 [sflag:s19], $0x14500  }
0xa2: {  	[sflag:s19] =	ssyncset.done @p2 $0x0  }
0xa3: {  	[sflag:s19] =	ssyncadd.s32 @p2 $0xFFFEBB00  }
0xa4: {  	[bflag:$0x0] =	sbarrier.arrive $0xFFFF  }
0xa5: {  	[spmem:s6] =	stream.linear.scatter [tilespmem:s30], [sflag:$0x1], $0x28D0, $0x38;
	[tilespmem:$0x1AF80] =	vst v63  }
0xa6: {  	_ = 	snop  }
0xa7: {  	[spmem:s7] =	stream.linear.scatter [tilespmem:s30], [sflag:$0x1], $0x28D0, $0x38;
	[tilespmem:$0x1AF80] =	vst v63  }
0xa8: {  	_ = 	snop  }
0xa9: {  	[spmem:s8] =	stream.linear.scatter [tilespmem:s30], [sflag:$0x1], $0x28D0, $0x38;
	[tilespmem:$0x1AF80] =	vst v63  }
0xaa: {  	_ = 	snop  }
0xab: {  	[spmem:s9] =	stream.linear.scatter [tilespmem:s30], [sflag:$0x1], $0x28D0, $0x38;
	[tilespmem:$0x1AF80] =	vst v63  }
0xac: {  	_ =	swait.ge [sflag:s31], $0x28D0  }
0xad: {  	[sflag:s31] =	ssyncset.done $0x0  }
0xae: {  	[sflag:s31] =	ssyncadd.s32 $0xFFFFD730  }
0xaf: {  	_ =	swait.ge [sflag:s31], $0x28D0  }
0xb0: {  	[sflag:s31] =	ssyncset.done $0x0  }
0xb1: {  	[sflag:s31] =	ssyncadd.s32 $0xFFFFD730  }
0xb2: {  	_ =	swait.ge [sflag:s31], $0x28D0  }
0xb3: {  	[sflag:s31] =	ssyncset.done $0x0  }
0xb4: {  	[sflag:s31] =	ssyncadd.s32 $0xFFFFD730  }
0xb5: {  	_ =	swait.ge [sflag:s31], $0x28D0  }
0xb6: {  	[sflag:s31] =	ssyncset.done $0x0  }
0xb7: {  	[sflag:s31] =	ssyncadd.s32 $0xFFFFD730  }
0xb8: {  	[bflag:$0x0] =	sbarrier.arrive $0xFFFF  }
0xb9: {  	s20 =	rddreg [dreg:$0xc]  }
0xba: {  	[tilespmem:s2], [sflag:$0x2] =	stream.linear.gather [hbm4b:s20+s4], $0x1000, $0x38;
	[tilespmem:$0x1AF80] =	vst v63  }
0xbb: {  	_ =	swait.ge [sflag:s29], $0x1000  }
0xbc: {  	[sflag:s29] =	ssyncset.done $0x0  }
0xbd: {  	[sflag:s29] =	ssyncadd.s32 $0xFFFFF000  }
0xbe: {  	[spmem:s1] =	stream.indirect.scatter.add.f32 [tilespmem:s2], [sflag:$0x2], $0x1, s14, s0, $0xb8;
	[tilespmem:$0x1AF80] =	vst v63  }
0xbf: {  	_ =	swait.ge [sflag:s29], $0x1000  }
0xc0: {  	[sflag:s29] =	ssyncset.done $0x0  }
0xc1: {  	s15 =	sadd.s32 $0x1, s15;
	[sflag:s29] =	ssyncadd.s32 $0xFFFFF000  }
0xc2: {  	p2 =	sne.s32 s15, s28;
	[bflag:$0x0] =	sbarrier.arrive $0xFFFF  }
0xc3: {  	[hbm:s26], [sflag:s16] =	dma.local @!p0 [spmem:s13], $0x14500  }
.Ltmp1:
0xc4: {  	_ =	swait.ge @!p0 [sflag:s5], $0x14500;
	(pc) =	sbr.rel @!p2 .LBB2_13-.Ltmp1, $3  }
0xc5: {  	[sflag:s5] =	ssyncset.done @!p0 $0x0  }
0xc6: {  	[sflag:s5] =	ssyncadd.s32 @!p0 $0xFFFEBB00  }
0xc7: {  	[bflag:$0x0] =	sbarrier.arrive $0xFFFF;
	_ =	sdelay $0x1  }
.LBB2_1:
0xc8: {  	s5 =	simm.s32 $0x0  }
.LBB2_2:
0xc9: {  	p2 =	sne.s32 s5, $0xA300  }
.Ltmp2:
0xca: {  	_ = 	snop;
	(pc) =	sbr.rel @p2 .LBB2_2-.Ltmp2, $3  }
0xcb: {  	_ =	sdelay $0x1  }
0xcc: {  	s13 =	sshra.s32 s5, $0x2  }
0xcd: {  	s5 =	sadd.s32 $0x40, s5;
	[tilespmem:s13+$0x17680] =	vst v1  }
0xce: {  	s5 =	simm.s32 $0x40;
	s13 =	simm.s32 $0x0  }
.LBB2_4:
0xcf: {  	p2 =	sne.s32 s5, $0x3FC0;
	[tilespmem:s13+$0x19F80] =	vst v2;
	s13 =	smov.u32 s5;
	s5 =	sadd.s32 $0x40, s5  }
.Ltmp3:
0xd0: {  	(pc) =	sbr.rel @p2 .LBB2_4-.Ltmp3, $2  }
0xd1: {  	_ =	sdelay $0x2  }
0xd2: {  	s13 =	sshra.s32 s13, $0x2  }
0xd3: {  	[tilespmem:s13+$0x19F80] =	vst v2;
	s5 =	simm.s32 $0x0;
	s20 =	simm.s32 $0x14680;
	s16 =	rddreg [dreg:$0x4]  }
0xd4: {  	[tilespmem:s20], [sflag:$0x2] =	stream.linear.gather [hbm4b:s16+s5], $0x1000, $0x38;
	[tilespmem:$0x1AF80] =	vst v63  }
0xd5: {  	_ =	swait.ge [sflag:s29], $0x1000  }
0xd6: {  	[sflag:s29] =	ssyncset.done $0x0  }
0xd7: {  	[sflag:s29] =	ssyncadd.s32 $0xFFFFF000  }
0xd8: {  	v4 =	vld [tilespmem:s20+$0x0];
	_ =	sdelay $0x4  }
0xd9: {  	v4 =	vsub.s32 v4, v0  }
0xda: {  	v5 =	vor.u32 s5, v3;
	vm0 =	vlt.u32 v4, $0xA2800  }
0xdb: {  	s5 =	simm.s32 $0x15680;
	v4 =	vsel vm0, v4, v5  }
0xdc: {  	s16 =	simm.s32 $0x14690;
	[tilespmem:s5+$0x0] =	vst v4  }
0xdd: {  	s13 =	simm.s32 $0x10;
	s17 =	simm.s32 $0x20;
	v4 =	vld [tilespmem:s16+$0x0]  }
.LBB2_6:
0xde: {  	p2 =	sne.s32 s17, $0xFF0;
	_ =	sdelay $0x3  }
.Ltmp4:
0xdf: {  	v4 =	vsub.s32 v4, v0;
	(pc) =	sbr.rel @p2 .LBB2_6-.Ltmp4, $4  }
0xe0: {  	v5 =	vor.u32 s13, v3;
	s13 =	smov.u32 s17;
	vm0 =	vlt.u32 v4, $0xA2800  }
0xe1: {  	s5 =	sadd.s32 $0x10, s5;
	v4 =	vsel vm0, v4, v5  }
0xe2: {  	s16 =	sadd.s32 $0x10, s16;
	[tilespmem:s5+$0x0] =	vst v4  }
0xe3: {  	s17 =	sadd.s32 $0x10, s17;
	v4 =	vld [tilespmem:s16+$0x0]  }
0xe4: {  	_ =	sdelay $0x3  }
0xe5: {  	v4 =	vsub.s32 v4, v0  }
0xe6: {  	v5 =	vor.u32 s13, v3;
	vm0 =	vlt.u32 v4, $0xA2800  }
0xe7: {  	s5 =	sadd.s32 $0x10, s5;
	v4 =	vsel vm0, v4, v5  }
0xe8: {  	[tilespmem:s5+$0x0] =	vst v4  }
0xe9: {  	[bflag:$0x0] =	sbarrier.arrive $0xFFFF  }
0xea: {  	[spmem:s6] =	stream.linear.scatter [tilespmem:s30], [sflag:$0x1], $0x28D0, $0x38;
	[tilespmem:$0x1AF80] =	vst v63  }
0xeb: {  	_ = 	snop  }
0xec: {  	[spmem:s7] =	stream.linear.scatter [tilespmem:s30], [sflag:$0x1], $0x28D0, $0x38;
	[tilespmem:$0x1AF80] =	vst v63  }
0xed: {  	_ = 	snop  }
0xee: {  	[spmem:s8] =	stream.linear.scatter [tilespmem:s30], [sflag:$0x1], $0x28D0, $0x38;
	[tilespmem:$0x1AF80] =	vst v63  }
0xef: {  	_ = 	snop  }
0xf0: {  	[spmem:s9] =	stream.linear.scatter [tilespmem:s30], [sflag:$0x1], $0x28D0, $0x38;
	[tilespmem:$0x1AF80] =	vst v63  }
0xf1: {  	_ = 	snop  }
0xf2: {  	[spmem:s10] =	stream.linear.scatter [tilespmem:s30], [sflag:$0x1], $0x28D0, $0x38;
	[tilespmem:$0x1AF80] =	vst v63  }
0xf3: {  	_ = 	snop  }
0xf4: {  	[spmem:s11] =	stream.linear.scatter [tilespmem:s30], [sflag:$0x1], $0x28D0, $0x38;
	[tilespmem:$0x1AF80] =	vst v63  }
0xf5: {  	_ = 	snop  }
0xf6: {  	[spmem:s12] =	stream.linear.scatter [tilespmem:s30], [sflag:$0x1], $0x28D0, $0x38;
	[tilespmem:$0x1AF80] =	vst v63  }
0xf7: {  	_ = 	snop  }
0xf8: {  	[spmem:s22] =	stream.linear.scatter [tilespmem:s30], [sflag:$0x1], $0x28D0, $0x38;
	[tilespmem:$0x1AF80] =	vst v63  }
0xf9: {  	_ =	swait.ge [sflag:s31], $0x28D0  }
0xfa: {  	[sflag:s31] =	ssyncset.done $0x0  }
0xfb: {  	[sflag:s31] =	ssyncadd.s32 $0xFFFFD730  }
0xfc: {  	_ =	swait.ge [sflag:s31], $0x28D0  }
0xfd: {  	[sflag:s31] =	ssyncset.done $0x0  }
0xfe: {  	[sflag:s31] =	ssyncadd.s32 $0xFFFFD730  }
0xff: {  	_ =	swait.ge [sflag:s31], $0x28D0  }
0x100: {  	[sflag:s31] =	ssyncset.done $0x0  }
0x101: {  	[sflag:s31] =	ssyncadd.s32 $0xFFFFD730  }
0x102: {  	_ =	swait.ge [sflag:s31], $0x28D0  }
0x103: {  	[sflag:s31] =	ssyncset.done $0x0  }
0x104: {  	[sflag:s31] =	ssyncadd.s32 $0xFFFFD730  }
0x105: {  	_ =	swait.ge [sflag:s31], $0x28D0  }
0x106: {  	[sflag:s31] =	ssyncset.done $0x0  }
0x107: {  	[sflag:s31] =	ssyncadd.s32 $0xFFFFD730  }
0x108: {  	_ =	swait.ge [sflag:s31], $0x28D0  }
0x109: {  	[sflag:s31] =	ssyncset.done $0x0  }
0x10a: {  	[sflag:s31] =	ssyncadd.s32 $0xFFFFD730  }
0x10b: {  	_ =	swait.ge [sflag:s31], $0x28D0  }
0x10c: {  	[sflag:s31] =	ssyncset.done $0x0  }
0x10d: {  	[sflag:s31] =	ssyncadd.s32 $0xFFFFD730  }
0x10e: {  	_ =	swait.ge [sflag:s31], $0x28D0  }
0x10f: {  	[sflag:s31] =	ssyncset.done $0x0  }
0x110: {  	[sflag:s31] =	ssyncadd.s32 $0xFFFFD730  }
0x111: {  	s19 =	simm.s32 $0x19F80;
	[bflag:$0x0] =	sbarrier.arrive $0xFFFF  }
0x112: {  	[spmem:s1] =	stream.indirect.scatter.add.f32 [tilespmem:s19], [sflag:$0x2], $0x1, s14, s0, $0xb8;
	[tilespmem:$0x1AF80] =	vst v63  }
0x113: {  	_ =	swait.ge [sflag:s29], $0x1000  }
0x114: {  	[sflag:s29] =	ssyncset.done $0x0  }
0x115: {  	s20 =	rddreg [dreg:$0x5];
	[sflag:s29] =	ssyncadd.s32 $0xFFFFF000  }
0x116: {  	[tilespmem:s2], [sflag:$0x2] =	stream.linear.gather [hbm4b:s20+s4], $0x1000, $0x38;
	[tilespmem:$0x1AF80] =	vst v63  }
0x117: {  	_ =	swait.ge [sflag:s29], $0x1000  }
0x118: {  	[sflag:s29] =	ssyncset.done $0x0  }
0x119: {  	[sflag:s29] =	ssyncadd.s32 $0xFFFFF000  }
0x11a: {  	[spmem:s3] =	stream.indirect.scatter.add.f32 [tilespmem:s2], [sflag:$0x2], $0x1, s14, s0, $0xb8;
	[tilespmem:$0x1AF80] =	vst v63  }
.Ltmp5:
0x11b: {  	_ =	swait.ge [sflag:s29], $0x1000;
	(pc) =	sbr.rel @p1 .LBB2_10-.Ltmp5, $3  }
0x11c: {  	[sflag:s29] =	ssyncset.done $0x0  }
0x11d: {  	[sflag:s29] =	ssyncadd.s32 $0xFFFFF000  }
0x11e: {  	[bflag:$0x0] =	sbarrier.arrive $0xFFFF;
	_ =	sdelay $0x1  }
.Ltmp6:
0x11f: {  	(pc) =	sbr.rel @p0 .LBB2_12-.Ltmp6, $2  }
0x120: {  	_ =	sdelay $0x2  }
0x121: {  	p2 =	por $0x0, $0x0  }
.Ltmp7:
0x122: {  	(pc) =	sbr.rel .LBB2_11-.Ltmp7, $3  }
0x123: {  	_ =	sdelay $0x1  }
0x124: {  	s5 =	sshrl.u32 s1, $0x3;
	s13 =	rddreg [dreg:$0x7];
	s16 =	simm.s32 $0x1C02  }
0x125: {  	[hbm:s13], [sflag:s16] =	dma.local [spmem:s5], $0x14500  }
.LBB2_13:
0x126: {  	_ =	sfence.sel $0x180000  }
0x127: {  	[bflag:$0x0] =	sbarrier.arrive $0xFFFF  }
0x128: {  	_ =	strace $0x9000004A  }
0x129: {  	s0 =	stileid.u32;
	[bflag:$0x2] =	sbarrier.arrive $0xFFFF  }
0x12a: {  	p0 =	sne.s32 s0, $0x0;
	s0 =	rddreg [dreg:$0x3]  }
0x12b: {  	s0 =	sadd.s32 @!p0 $0x100000, s0  }
0x12c: {  	[sflag:s0] =	ssyncadd.tile.s32 @!p0 $0x1;
	_ =	shalt  }
.Lfunc_end2:
_tile_overlayer_lowered:
.L_overlay_start_2:
0x12d: {  	(tag) =	ssettag $0x2  }
0x12e: {  	s0 =	rddreg [dreg:$0x0];
	s2 =	stileid.u32  }
0x12f: {  	s1 =	rddreg [dreg:$0x1];
	p0 =	sne.s32 s2, $0x0  }
0x130: {  	s3 =	rddreg [dreg:$0x2];
	[bflag:$0x3] =	sbarrier.arrive $0xFFFF;
	s2 =	simm.s32 @!p0 $0x1C02  }
0x131: {  	[timem:s3], [sflag:s2] =	dma.local @!p0 [hbm:s0], s1  }
0x132: {  	s0 =	simm.s32 @!p0 $0x2  }
0x133: {  	_ =	swait.ge @!p0 [sflag:s0], s1  }
0x134: {  	s1 =	ssub.s32 @!p0 $0x0, s1;
	[sflag:s0] =	ssyncset.done @!p0 $0x0  }
0x135: {  	[sflag:s0] =	ssyncadd.s32 @!p0 s1  }
0x136: {  	[bflag:$0x3] =	sbarrier.arrive $0xFFFF  }
0x137: {  	_ =	shalt  }

// kernel: kernel.17.cloned.1.call-start
scs
__scs_entry_jumppad:
0x0: {  	(pc) =	sbr.rel $0x88, $3  }
0x1: {  	(tag) =	ssettag $0x0;
	lr =	simm.s32 $0x1  }
0x2: {  	[smem:$0x3F9E] =	sst lr;
	_ =	strace $0xD0000000  }
0x3: {  	_ = 	snop  }
0x4: {  	_ = 	snop  }
0x5: {  	_ = 	snop  }
0x6: {  	_ = 	snop  }
0x7: {  	_ = 	snop  }
__scs_overlays_trampoline_lowered:
0x8: {  	[smem:$0x3FAD] =	sst s0  }
0x9: {  	[smem:$0x3FAE] =	sst s1  }
0xa: {  	[smem:$0x3FAF] =	sst s2  }
0xb: {  	[smem:$0x3FB0] =	sst s3  }
0xc: {  	[smem:$0x3FB1] =	sst s4  }
0xd: {  	[smem:$0x3FB2] =	sst s5  }
0xe: {  	[smem:$0x3FB3] =	sst s6  }
0xf: {  	[smem:$0x3FB4] =	sst s7  }
0x10: {  	[smem:$0x3FB5] =	sst s8  }
0x11: {  	[smem:$0x3FB6] =	sst s9;
	s0 =	simm.s32 @!p0 $0x0  }
0x12: {  	s1 =	sld [smem:$0x3F9C];
	s0 =	simm.s32 @p0 $0x1  }
0x13: {  	[smem:$0x3FB7] =	sst s0;
	s0 =	simm.s32 @!p1 $0x0  }
0x14: {  	s2 =	sld [smem:$0x3F9B];
	s0 =	simm.s32 @p1 $0x1  }
0x15: {  	[smem:$0x3FB8] =	sst s0;
	s0 =	simm.s32 @!p2 $0x0  }
0x16: {  	s3 =	sld [smem:$0x3FDB];
	s0 =	simm.s32 @p2 $0x1  }
0x17: {  	s4 =	simm.s32 $0x1BF5;
	[smem:$0x3FBA] =	sst s0  }
0x18: {  	s0 =	sld [smem:$0x3F9D];
	_ =	swait.ge [sflag:s4], $0x0  }
0x19: {  	s7 =	sld [smem:$0x3F9E]  }
0x1a: {  	s8 =	sadd.s32 $0xFFFFE003, lr  }
0x1b: {  	s9 =	sadd.s32 $0xFFFFFEF7, lr;
	s5 =	simm.s32 $0xFFFFFFFF;
	p2 =	slt.u32 s8, $0xFFFFF086  }
0x1c: {  	p1 =	slt.u32 s9, $0xF7A;
	s5 =	simm.s32 @!p2 $0x0  }
0x1d: {  	s5 =	simm.s32 @p1 $0x1;
	p0 =	seq.s32 s7, s2  }
0x1e: {  	s7 =	smul.u32 @!p0 $0xF7A, s2;
	p2 =	seq.s32 @!p0 s5, $0x0  }
0x1f: {  	s9 =	smul.u32 $0xF7A, s1;
	s8 =	simm.s32 @!p0 $0x1BF5;
	p2 =	por !p2, p0  }
0x20: {  	[sflag:s8] =	ssyncset.s32 @!p0 $0xFFFFF086;
	s6 =	sadd.s32 @!p0 s3, s7;
	s7 =	simm.s32 @!p0 $0x108  }
0x21: {  	s3 =	sadd.s32 s3, s9;
	s6 =	sadd.s32 @!p0 $0x88, s6;
	s7 =	simm.s32 @p2 $0x1082  }
0x22: {  	[simem:s7], [sflag:s8] =	dma.local @!p0 [hbm:s6], $0xF7A  }
0x23: {  	s9 =	sor.u32 $0xD0000000, s2;
	s6 =	simm.s32 $0x108;
	_ =	swait.ge @!p0 [sflag:s8], $0x0  }
0x24: {  	s3 =	sadd.s32 $0x88, s3;
	s6 =	simm.s32 @!p1 $0x1082;
	[sflag:s4] =	ssyncset.s32 $0xFFFFF086  }
0x25: {  	[simem:s6], [sflag:s4] =	dma.local [hbm:s3], $0xF7A  }
0x26: {  	[smem:$0x3F9E] =	sst s1;
	(tag) =	ssettag s2;
	_ =	strace s9  }
0x27: {  	s1 =	sld [smem:$0x3FAE]  }
0x28: {  	s2 =	sld [smem:$0x3FAF]  }
0x29: {  	s4 =	sld [smem:$0x3FB1]  }
0x2a: {  	p0 =	seq.s32 s5, $0x0;
	s5 =	sld [smem:$0x3FB2]  }
0x2b: {  	s6 =	sld [smem:$0x3FB3]  }
0x2c: {  	s7 =	sld [smem:$0x3FB4]  }
0x2d: {  	s3 =	simm.s32 $0x108;
	s8 =	sld [smem:$0x3FB5]  }
0x2e: {  	s3 =	simm.s32 @!p0 $0x1082;
	s9 =	sld [smem:$0x3FB6]  }
0x2f: {  	lr =	sadd.s32 s0, s3;
	s0 =	sld [smem:$0x3FAD]  }
0x30: {  	s3 =	sld [smem:$0x3FB0]  }
0x31: {  	[smem:$0x3FB9] =	sst s10  }
0x32: {  	s10 =	sld [smem:$0x3FB7];
	_ =	sdelay $0x3  }
0x33: {  	p0 =	seq.s32 s10, $0x1;
	s10 =	sld [smem:$0x3FB9];
	_ =	sdelay $0x3  }
0x34: {  	[smem:$0x3FB9] =	sst s10  }
0x35: {  	s10 =	sld [smem:$0x3FB8];
	_ =	sdelay $0x3  }
0x36: {  	p1 =	seq.s32 s10, $0x1;
	s10 =	sld [smem:$0x3FB9];
	_ =	sdelay $0x3  }
0x37: {  	[smem:$0x3FB9] =	sst s10  }
0x38: {  	s10 =	sld [smem:$0x3FBA]  }
0x39: {  	_ = 	snop;
	(pc) =	sbr.ind lr, $3  }
0x3a: {  	_ = 	snop  }
0x3b: {  	_ = 	snop  }
0x3c: {  	p2 =	seq.s32 s10, $0x1;
	s10 =	sld [smem:$0x3FB9]  }
0x3d: {  	_ =	shalt  }
0x3e: {  	_ =	shalt  }
0x3f: {  	_ =	shalt  }
0x40: {  	_ =	shalt  }
0x41: {  	_ =	shalt  }
0x42: {  	_ =	shalt  }
0x43: {  	_ =	shalt  }
0x44: {  	_ =	shalt  }
0x45: {  	_ =	shalt  }
0x46: {  	_ =	shalt  }
0x47: {  	_ =	shalt  }
0x48: {  	_ =	shalt  }
0x49: {  	_ =	shalt  }
0x4a: {  	_ =	shalt  }
0x4b: {  	_ =	shalt  }
0x4c: {  	_ =	shalt  }
0x4d: {  	_ =	shalt  }
0x4e: {  	_ =	shalt  }
0x4f: {  	_ =	shalt  }
0x50: {  	_ =	shalt  }
0x51: {  	_ =	shalt  }
0x52: {  	_ =	shalt  }
0x53: {  	_ =	shalt  }
0x54: {  	_ =	shalt  }
0x55: {  	_ =	shalt  }
0x56: {  	_ =	shalt  }
0x57: {  	_ =	shalt  }
0x58: {  	_ =	shalt  }
0x59: {  	_ =	shalt  }
0x5a: {  	_ =	shalt  }
0x5b: {  	_ =	shalt  }
0x5c: {  	_ =	shalt  }
0x5d: {  	_ =	shalt  }
0x5e: {  	_ =	shalt  }
0x5f: {  	_ =	shalt  }
0x60: {  	_ =	shalt  }
0x61: {  	_ =	shalt  }
0x62: {  	_ =	shalt  }
0x63: {  	_ =	shalt  }
0x64: {  	_ =	shalt  }
0x65: {  	_ =	shalt  }
0x66: {  	_ =	shalt  }
0x67: {  	_ =	shalt  }
0x68: {  	_ =	shalt  }
0x69: {  	_ =	shalt  }
0x6a: {  	_ =	shalt  }
0x6b: {  	_ =	shalt  }
0x6c: {  	_ =	shalt  }
0x6d: {  	_ =	shalt  }
0x6e: {  	_ =	shalt  }
0x6f: {  	_ =	shalt  }
0x70: {  	_ =	shalt  }
0x71: {  	_ =	shalt  }
0x72: {  	_ =	shalt  }
0x73: {  	_ =	shalt  }
0x74: {  	_ =	shalt  }
0x75: {  	_ =	shalt  }
0x76: {  	_ =	shalt  }
0x77: {  	_ =	shalt  }
0x78: {  	_ =	shalt  }
0x79: {  	_ =	shalt  }
0x7a: {  	_ =	shalt  }
0x7b: {  	_ =	shalt  }
0x7c: {  	_ =	shalt  }
0x7d: {  	_ =	shalt  }
0x7e: {  	_ =	shalt  }
0x7f: {  	_ =	shalt  }
0x80: {  	_ =	shalt  }
0x81: {  	_ =	shalt  }
0x82: {  	_ =	shalt  }
0x83: {  	_ =	shalt  }
0x84: {  	_ =	shalt  }
0x85: {  	_ =	shalt  }
0x86: {  	_ =	shalt  }
0x87: {  	_ =	shalt  }
.Lfunc_end0:
.L_simem_size_0:
called_computation.2_lowered:
.L_overlay_start_0:
0x88: {  	s2 =	sld [smem:$0x3FD9]  }
0x89: {  	s3 =	sld [smem:$0x3FFE];
	_ =	sdelay $0x1  }
0x8a: {  	s1 =	srdreg.scid  }
0x8b: {  	s0 =	sand.u32 $0x1, s1  }
0x8c: {  	s17 =	sshll.u32 s0, $0xA;
	s2 =	sadd.s32 s3, s2  }
0x8d: {  	s2 =	sadd.s32 s2, s17  }
0x8e: {  	[smem:$0x3FC5] =	sst s2  }
0x8f: {  	_ = 	snop  }
0x90: {  	(tm) =	ssettm $0x1  }
0x91: {  	s18 =	sld [smem:$0x3FFB];
	_ =	sdelay $0x3  }
0x92: {  	_ =	strace s18  }
0x93: {  	s2 =	sld [smem:$0x3FFC];
	_ =	sdelay $0x3  }
0x94: {  	_ =	strace s2  }
0x95: {  	s2 =	sld [smem:$0x3FFD];
	_ =	sdelay $0x3  }
0x96: {  	_ =	strace s2  }
0x97: {  	_ =	strace $0x8FFFFFFF  }
0x98: {  	s19 =	sld [smem:$0x3FDB];
	_ =	sdelay $0x1  }
0x99: {  	s20 =	simm.s32 $_scs_section_size  }
0x9a: {  	s4 =	simm.s32 $_size__tile_overlayer_lowered;
	s5 =	simm.s32 $_tile_overlayer_lowered  }
0x9b: {  	s6 =	simm.s32 $0x1BFF;
	s21 =	sshll.u32 s5, $0x1;
	s3 =	sadd.s32 s20, s19  }
0x9c: {  	s22 =	simm.s32 $0x0;
	s4 =	sshll.u32 s4, $0x1;
	s5 =	sadd.s32 s21, s3  }
0x9d: {  	[timem:s22], [sflag:s6] =	dma.local [hbm:s5], s4  }
0x9e: {  	_ =	swait.ge [sflag:s6], s4  }
0x9f: {  	s4 =	ssub.s32 $0x0, s4;
	[sflag:s6] =	ssyncset.done $0x0  }
0xa0: {  	[sflag:s6] =	ssyncadd.s32 s4;
	_ =	sdelay $0x1  }
0xa1: {  	s23 =	simm.s32 $0x1B8B  }
0xa2: {  	_ =	swait.ge [sflag:s23], $0x1  }
0xa3: {  	[sflag:s23] =	ssyncset.done $0x0  }
0xa4: {  	[sflag:s23] =	ssyncadd.s32 $0xFFFFFFFF  }
0xa5: {  	s4 =	sld [smem:$0x0]  }
0xa6: {  	s5 =	sand.u32 $0xFFFFFFFE, s1  }
0xa7: {  	p0 =	sne.s32 s1, s5  }
0xa8: {  	s5 =	sshll.u32 @p0 s5, $0xE  }
0xa9: {  	s5 =	sadd.s32 @p0 $0x11B8D, s5;
	s6 =	sshll.u32 @p0 s4, $0x11  }
0xaa: {  	s5 =	sor.u32 @p0 s6, s5  }
0xab: {  	[sflag:s5] =	ssyncadd.remote.s32 @p0 $0x1;
	_ =	sdelay $0x1  }
0xac: {  	s5 =	simm.s32 @p0 $0x1B8D  }
0xad: {  	_ =	swait.eq @p0 [sflag:s5], $0x1  }
0xae: {  	[sflag:s5] =	ssyncadd.s32 @p0 $0xFFFFFFFF  }
0xaf: {  	s6 =	sshll.u32 @!p0 s1, $0xE  }
0xb0: {  	s6 =	sor.u32 @!p0 $0x4000, s6;
	s5 =	simm.s32 @!p0 $0x1B8D  }
0xb1: {  	s4 =	sshll.u32 @!p0 s4, $0x11;
	s6 =	sadd.s32 @!p0 $0x11B8D, s6;
	_ =	swait.eq @!p0 [sflag:s5], $0x1  }
0xb2: {  	s4 =	sor.u32 @!p0 s4, s6;
	[sflag:s5] =	ssyncadd.s32 @!p0 $0xFFFFFFFF  }
0xb3: {  	s25 =	simm.s32 $0x1B8E;
	s24 =	sld [smem:$0x3FFE];
	[sflag:s4] =	ssyncadd.remote.s32 @!p0 $0x1  }
0xb4: {  	s26 =	simm.s32 $execute0_lowered;
	[smem:$0x3FD2] =	sst s25  }
0xb5: {  	s5 =	sshll.u32 s26, $0x1;
	_ =	strace $0x8000004C;
	[dreg:$0x1] =	wrdreg $0xFFFFFFFF  }
0xb6: {  	s28 =	simm.s32 $_size_execute0_lowered;
	s3 =	sadd.s32 s3, s5;
	[dreg:$0x0] =	wrdreg $0x0  }
0xb7: {  	s5 =	sshll.u32 s28, $0x1;
	[dreg:$0x2] =	wrdreg s3  }
0xb8: {  	[dreg:$0x3] =	wrdreg s5  }
0xb9: {  	[dreg:$0x4] =	wrdreg $0xC0  }
0xba: {  	_ =	task [dreg:s22], $0x5FFFF  }
0xbb: {  	[dreg:$0x1] =	wrdreg $0xFFFFFFFF  }
0xbc: {  	[dreg:$0x0] =	wrdreg $0x60  }
0xbd: {  	[dreg:$0x2] =	wrdreg s24  }
0xbe: {  	[dreg:$0x3] =	wrdreg $0x0  }
0xbf: {  	[dreg:$0x4] =	wrdreg $0xA3400  }
0xc0: {  	[dreg:$0x5] =	wrdreg $0xB  }
0xc1: {  	_ =	task.clear_ibuf [dreg:s22], $0x6FFFF;
	_ =	strace $0x9000004C  }
0xc2: {  	s29 =	simm.s32 $0xB;
	_ =	strace $0x8000004E  }
0xc3: {  	_ =	swait.ge [sflag:s29], $0x1  }
0xc4: {  	[sflag:s29] =	ssyncadd.s32 $0xFFFFFFFF  }
0xc5: {  	_ =	strace $0x9000004E  }
0xc6: {  	_ =	sfence  }
0xc7: {  	s30 =	sld [smem:$0x0];
	_ =	sdelay $0x2  }
0xc8: {  	s31 =	sshll.u32 s1, $0xD;
	s1 =	sshrl.u32 s1, $0x2  }
0xc9: {  	s4 =	sand.u32 $0x4000, s31;
	s1 =	sadd.s32 s1, s30  }
0xca: {  	s0 =	sor.u32 s4, s0;
	s1 =	sshll.u32 s1, $0x11  }
0xcb: {  	s0 =	sor.u32 s1, s0  }
0xcc: {  	s0 =	sadd.s32 $0x8F2B, s0  }
0xcd: {  	[sflag:s0] =	ssyncadd.remote.s32 $0x1  }
0xce: {  	_ =	sfence.sel $0xFFFF  }
0xcf: {  	[dreg:$0x0] =	wrdreg $0xFFFFFFFF;
	(pc) =	sbr.abs _section_cstart, $3  }
0xd0: {  	[dreg:$0x1] =	wrdreg $0xFFFFFFFF  }
0xd1: {  	_ =	task.clear_ibuf [dreg:s22], $0x2FFFF;
	_ =	strace $0x9FFFFFFF  }
0xd2: {  	(tm) =	ssettm $0x7FFFFFFF  }
0xd3: {  	_ =	shalt  }
tec
execute0_lowered:
.L_overlay_start_1:
0x0: {  	(tag) =	ssettag $0x1  }
0x1: {  	s0 =	rddreg [dreg:$0x0]  }
0x2: {  	s1 =	rddreg [dreg:$0x1]  }
0x3: {  	s3 =	rddreg [dreg:$0x2];
	s2 =	srdreg.scid;
	s4 =	simm.s32 $0x0  }
0x4: {  	s18 =	stileid.u32;
	s29 =	simm.s32 $0x2;
	s30 =	simm.s32 $0x17680  }
0x5: {  	s31 =	simm.s32 $0x1;
	s2 =	sand.u32 $0x1, s2;
	[smem:$0x7FF] =	sst s4  }
0x6: {  	s5 =	sshll.u32 s18, $0x9;
	s14 =	sadd.s32 $0x1400, s0;
	s10 =	smul.u32 $0xA340, s18  }
0x7: {  	s15 =	sadd.s32 $0x19400, s0;
	p0 =	sne.s32 s18, $0x0;
	p1 =	seq.s32 s18, $0x1  }
0x8: {  	s13 =	smul.u32 $0xA2800, s2;
	_ =	strace $0x8000004D;
	s6 =	sadd.s32 s5, s0  }
0x9: {  	s2 =	ssub.s32 $0x2, s2;
	s17 =	sor.u32 $0xC000, s5;
	s24 =	sor.u32 $0xE000, s5  }
0xa: {  	s5 =	sor.u32 $0x10000, s5;
	s21 =	sshrl.u32 s2, $0x1;
	s6 =	sadd.s32 $0x35400, s6  }
0xb: {  	s11 =	sadd.s32 $0x28D0, s10;
	s12 =	sadd.s32 $0x51A0, s10;
	s16 =	sadd.s32 $0x7A70, s10  }
0xc: {  	s19 =	sadd.s32 s14, s17;
	s20 =	sadd.s32 s14, s24;
	[dreg:$0x4] =	wrdreg s6  }
0xd: {  	s14 =	sadd.s32 s14, s5;
	s25 =	sadd.s32 s15, s17;
	[dreg:$0x5] =	wrdreg s19  }
0xe: {  	s26 =	sadd.s32 s15, s24;
	s5 =	sadd.s32 s15, s5;
	[dreg:$0x8] =	wrdreg s20  }
0xf: {  	s15 =	simm.s32 $0x0;
	s7 =	sshrl.u32 s13, $0x3;
	[dreg:$0x9] =	wrdreg s14  }
0x10: {  	s2 =	ssub.s32 s2, s21;
	s6 =	sadd.s32 s10, s1;
	[dreg:$0xa] =	wrdreg s25  }
0x11: {  	s8 =	sadd.s32 s12, s1;
	s9 =	sadd.s32 s16, s1;
	[dreg:$0xb] =	wrdreg s26  }
0x12: {  	s10 =	sadd.s32 s10, s3;
	s12 =	sadd.s32 s12, s3;
	[dreg:$0xc] =	wrdreg s5  }
0x13: {  	s14 =	simm.s32 $0x15680;
	s0 =	sadd.s32 s7, s0;
	s7 =	sadd.s32 s11, s1  }
.Ltmp0:
0x14: {  	s11 =	sadd.s32 s11, s3;
	s28 =	smax.u32 s2, $0x1;
	(pc) =	sbr.rel .LBB2_1-.Ltmp0, $4  }
0x15: {  	s2 =	simm.s32 $0x16680;
	s22 =	sadd.s32 $0x272000, s0;
	s23 =	sadd.s32 $0x365C00, s0  }
0x16: {  	s21 =	sadd.s32 $0x29AA00, s0;
	s24 =	sadd.s32 $0x2EBE00, s0;
	[dreg:$0x6] =	wrdreg s22  }
0x17: {  	v3 =	vlaneseq.u32;
	v1 =	vimm.f32 $0.0e+00;
	s25 =	sadd.s32 $0x314800, s0;
	s26 =	sadd.s32 $0x33D200, s0;
	[dreg:$0x7] =	wrdreg s23  }
0x18: {  	v2 =	vimm.f32 $1.000000000e+00;
	v3 =	vor.u32 $0xA2800, v3;
	v0 =	vmov s13;
	s22 =	sadd.s32 s16, s3;
	s23 =	sadd.s32 $0x2C3400, s0;
	s0 =	simm.s32 $0x1000  }
.LBB2_10:
0x19: {  	s5 =	sshrl.u32 s3, $0x3;
	s13 =	rddreg [dreg:$0x6];
	s16 =	simm.s32 $0x1C42  }
0x1a: {  	[hbm:s13], [sflag:s16] =	dma.local [spmem:s5], $0x14500  }
.LBB2_11:
0x1b: {  	_ =	swait.ge [sflag:s29], $0x14500  }
0x1c: {  	[sflag:s29] =	ssyncset.done $0x0  }
0x1d: {  	p2 =	por p0, p0;
	[sflag:s29] =	ssyncadd.s32 $0xFFFEBB00  }
.LBB2_12:
0x1e: {  	[bflag:$0x0] =	sbarrier.arrive $0xFFFF  }
0x1f: {  	[spmem:s6] =	stream.linear.scatter [tilespmem:s30], [sflag:$0x1], $0x28D0, $0x38;
	[tilespmem:$0x1AF80] =	vst v63  }
0x20: {  	_ = 	snop  }
0x21: {  	[spmem:s7] =	stream.linear.scatter [tilespmem:s30], [sflag:$0x1], $0x28D0, $0x38;
	[tilespmem:$0x1AF80] =	vst v63  }
0x22: {  	_ = 	snop  }
0x23: {  	[spmem:s8] =	stream.linear.scatter [tilespmem:s30], [sflag:$0x1], $0x28D0, $0x38;
	[tilespmem:$0x1AF80] =	vst v63  }
0x24: {  	_ = 	snop  }
0x25: {  	[spmem:s9] =	stream.linear.scatter [tilespmem:s30], [sflag:$0x1], $0x28D0, $0x38;
	[tilespmem:$0x1AF80] =	vst v63  }
0x26: {  	_ = 	snop  }
0x27: {  	[spmem:s10] =	stream.linear.scatter [tilespmem:s30], [sflag:$0x1], $0x28D0, $0x38;
	[tilespmem:$0x1AF80] =	vst v63  }
0x28: {  	_ = 	snop  }
0x29: {  	[spmem:s11] =	stream.linear.scatter [tilespmem:s30], [sflag:$0x1], $0x28D0, $0x38;
	[tilespmem:$0x1AF80] =	vst v63  }
0x2a: {  	_ = 	snop  }
0x2b: {  	[spmem:s12] =	stream.linear.scatter [tilespmem:s30], [sflag:$0x1], $0x28D0, $0x38;
	[tilespmem:$0x1AF80] =	vst v63  }
0x2c: {  	_ = 	snop  }
0x2d: {  	[spmem:s22] =	stream.linear.scatter [tilespmem:s30], [sflag:$0x1], $0x28D0, $0x38;
	[tilespmem:$0x1AF80] =	vst v63  }
0x2e: {  	_ =	swait.ge [sflag:s31], $0x28D0  }
0x2f: {  	[sflag:s31] =	ssyncset.done $0x0  }
0x30: {  	[sflag:s31] =	ssyncadd.s32 $0xFFFFD730  }
0x31: {  	_ =	swait.ge [sflag:s31], $0x28D0  }
0x32: {  	[sflag:s31] =	ssyncset.done $0x0  }
0x33: {  	[sflag:s31] =	ssyncadd.s32 $0xFFFFD730  }
0x34: {  	_ =	swait.ge [sflag:s31], $0x28D0  }
0x35: {  	[sflag:s31] =	ssyncset.done $0x0  }
0x36: {  	[sflag:s31] =	ssyncadd.s32 $0xFFFFD730  }
0x37: {  	_ =	swait.ge [sflag:s31], $0x28D0  }
0x38: {  	[sflag:s31] =	ssyncset.done $0x0  }
0x39: {  	[sflag:s31] =	ssyncadd.s32 $0xFFFFD730  }
0x3a: {  	_ =	swait.ge [sflag:s31], $0x28D0  }
0x3b: {  	[sflag:s31] =	ssyncset.done $0x0  }
0x3c: {  	[sflag:s31] =	ssyncadd.s32 $0xFFFFD730  }
0x3d: {  	_ =	swait.ge [sflag:s31], $0x28D0  }
0x3e: {  	[sflag:s31] =	ssyncset.done $0x0  }
0x3f: {  	[sflag:s31] =	ssyncadd.s32 $0xFFFFD730  }
0x40: {  	_ =	swait.ge [sflag:s31], $0x28D0  }
0x41: {  	[sflag:s31] =	ssyncset.done $0x0  }
0x42: {  	[sflag:s31] =	ssyncadd.s32 $0xFFFFD730  }
0x43: {  	_ =	swait.ge [sflag:s31], $0x28D0  }
0x44: {  	[sflag:s31] =	ssyncset.done $0x0  }
0x45: {  	[sflag:s31] =	ssyncadd.s32 $0xFFFFD730  }
0x46: {  	[bflag:$0x0] =	sbarrier.arrive $0xFFFF  }
0x47: {  	s5 =	rddreg [dreg:$0x8]  }
0x48: {  	[tilespmem:s2], [sflag:$0x2] =	stream.linear.gather [hbm4b:s5+s4], $0x1000, $0x38;
	[tilespmem:$0x1AF80] =	vst v63  }
0x49: {  	_ =	swait.ge [sflag:s29], $0x1000  }
0x4a: {  	[sflag:s29] =	ssyncset.done $0x0  }
0x4b: {  	[sflag:s29] =	ssyncadd.s32 $0xFFFFF000  }
0x4c: {  	[spmem:s1] =	stream.indirect.scatter.add.f32 [tilespmem:s2], [sflag:$0x2], $0x1, s14, s0, $0xb8;
	[tilespmem:$0x1AF80] =	vst v63  }
0x4d: {  	_ =	swait.ge [sflag:s29], $0x1000  }
0x4e: {  	[sflag:s29] =	ssyncset.done $0x0  }
0x4f: {  	s19 =	rddreg [dreg:$0x9];
	[sflag:s29] =	ssyncadd.s32 $0xFFFFF000  }
0x50: {  	[tilespmem:s2], [sflag:$0x2] =	stream.linear.gather [hbm4b:s19+s4], $0x1000, $0x38;
	[tilespmem:$0x1AF80] =	vst v63  }
0x51: {  	_ =	swait.ge [sflag:s29], $0x1000  }
0x52: {  	[sflag:s29] =	ssyncset.done $0x0  }
0x53: {  	[sflag:s29] =	ssyncadd.s32 $0xFFFFF000  }
0x54: {  	[spmem:s3] =	stream.indirect.scatter.add.f32 [tilespmem:s2], [sflag:$0x2], $0x1, s14, s0, $0xb8;
	[tilespmem:$0x1AF80] =	vst v63  }
0x55: {  	_ =	swait.ge [sflag:s29], $0x1000  }
0x56: {  	[sflag:s29] =	ssyncset.done $0x0  }
0x57: {  	s13 =	sshrl.u32 @!p0 s1, $0x3;
	[sflag:s29] =	ssyncadd.s32 $0xFFFFF000  }
0x58: {  	s16 =	simm.s32 @!p0 $0x1C02;
	s5 =	simm.s32 @!p0 $0x2;
	[bflag:$0x0] =	sbarrier.arrive $0xFFFF  }
0x59: {  	[hbm:s21], [sflag:s16] =	dma.local @!p0 [spmem:s13], $0x14500  }
0x5a: {  	s17 =	stileid.u32;
	_ =	swait.ge @!p0 [sflag:s5], $0x14500  }
0x5b: {  	s18 =	sshrl.u32 @p2 s3, $0x3;
	s17 =	sshll.u32 @p2 s17, $0x6;
	[sflag:s5] =	ssyncset.done @!p0 $0x0  }
0x5c: {  	s17 =	sor.u32 @p2 $0x1C02, s17;
	s19 =	simm.s32 @p2 $0x2;
	[sflag:s5] =	ssyncadd.s32 @!p0 $0xFFFEBB00  }
0x5d: {  	[hbm:s23], [sflag:s17] =	dma.local @p2 [spmem:s18], $0x14500  }
0x5e: {  	_ =	swait.ge @p2 [sflag:s19], $0x14500  }
0x5f: {  	[sflag:s19] =	ssyncset.done @p2 $0x0  }
0x60: {  	[sflag:s19] =	ssyncadd.s32 @p2 $0xFFFEBB00  }
0x61: {  	[bflag:$0x0] =	sbarrier.arrive $0xFFFF  }
0x62: {  	[spmem:s6] =	stream.linear.scatter [tilespmem:s30], [sflag:$0x1], $0x28D0, $0x38;
	[tilespmem:$0x1AF80] =	vst v63  }
0x63: {  	_ = 	snop  }
0x64: {  	[spmem:s7] =	stream.linear.scatter [tilespmem:s30], [sflag:$0x1], $0x28D0, $0x38;
	[tilespmem:$0x1AF80] =	vst v63  }
0x65: {  	_ = 	snop  }
0x66: {  	[spmem:s8] =	stream.linear.scatter [tilespmem:s30], [sflag:$0x1], $0x28D0, $0x38;
	[tilespmem:$0x1AF80] =	vst v63  }
0x67: {  	_ = 	snop  }
0x68: {  	[spmem:s9] =	stream.linear.scatter [tilespmem:s30], [sflag:$0x1], $0x28D0, $0x38;
	[tilespmem:$0x1AF80] =	vst v63  }
0x69: {  	_ = 	snop  }
0x6a: {  	[spmem:s10] =	stream.linear.scatter [tilespmem:s30], [sflag:$0x1], $0x28D0, $0x38;
	[tilespmem:$0x1AF80] =	vst v63  }
0x6b: {  	_ = 	snop  }
0x6c: {  	[spmem:s11] =	stream.linear.scatter [tilespmem:s30], [sflag:$0x1], $0x28D0, $0x38;
	[tilespmem:$0x1AF80] =	vst v63  }
0x6d: {  	_ = 	snop  }
0x6e: {  	[spmem:s12] =	stream.linear.scatter [tilespmem:s30], [sflag:$0x1], $0x28D0, $0x38;
	[tilespmem:$0x1AF80] =	vst v63  }
0x6f: {  	_ = 	snop  }
0x70: {  	[spmem:s22] =	stream.linear.scatter [tilespmem:s30], [sflag:$0x1], $0x28D0, $0x38;
	[tilespmem:$0x1AF80] =	vst v63  }
0x71: {  	_ =	swait.ge [sflag:s31], $0x28D0  }
0x72: {  	[sflag:s31] =	ssyncset.done $0x0  }
0x73: {  	[sflag:s31] =	ssyncadd.s32 $0xFFFFD730  }
0x74: {  	_ =	swait.ge [sflag:s31], $0x28D0  }
0x75: {  	[sflag:s31] =	ssyncset.done $0x0  }
0x76: {  	[sflag:s31] =	ssyncadd.s32 $0xFFFFD730  }
0x77: {  	_ =	swait.ge [sflag:s31], $0x28D0  }
0x78: {  	[sflag:s31] =	ssyncset.done $0x0  }
0x79: {  	[sflag:s31] =	ssyncadd.s32 $0xFFFFD730  }
0x7a: {  	_ =	swait.ge [sflag:s31], $0x28D0  }
0x7b: {  	[sflag:s31] =	ssyncset.done $0x0  }
0x7c: {  	[sflag:s31] =	ssyncadd.s32 $0xFFFFD730  }
0x7d: {  	_ =	swait.ge [sflag:s31], $0x28D0  }
0x7e: {  	[sflag:s31] =	ssyncset.done $0x0  }
0x7f: {  	[sflag:s31] =	ssyncadd.s32 $0xFFFFD730  }
0x80: {  	_ =	swait.ge [sflag:s31], $0x28D0  }
0x81: {  	[sflag:s31] =	ssyncset.done $0x0  }
0x82: {  	[sflag:s31] =	ssyncadd.s32 $0xFFFFD730  }
0x83: {  	_ =	swait.ge [sflag:s31], $0x28D0  }
0x84: {  	[sflag:s31] =	ssyncset.done $0x0  }
0x85: {  	[sflag:s31] =	ssyncadd.s32 $0xFFFFD730  }
0x86: {  	_ =	swait.ge [sflag:s31], $0x28D0  }
0x87: {  	[sflag:s31] =	ssyncset.done $0x0  }
0x88: {  	[sflag:s31] =	ssyncadd.s32 $0xFFFFD730  }
0x89: {  	[bflag:$0x0] =	sbarrier.arrive $0xFFFF  }
0x8a: {  	s20 =	rddreg [dreg:$0xa]  }
0x8b: {  	[tilespmem:s2], [sflag:$0x2] =	stream.linear.gather [hbm4b:s20+s4], $0x1000, $0x38;
	[tilespmem:$0x1AF80] =	vst v63  }
0x8c: {  	_ =	swait.ge [sflag:s29], $0x1000  }
0x8d: {  	[sflag:s29] =	ssyncset.done $0x0  }
0x8e: {  	[sflag:s29] =	ssyncadd.s32 $0xFFFFF000  }
0x8f: {  	[spmem:s1] =	stream.indirect.scatter.add.f32 [tilespmem:s2], [sflag:$0x2], $0x1, s14, s0, $0xb8;
	[tilespmem:$0x1AF80] =	vst v63  }
0x90: {  	_ =	swait.ge [sflag:s29], $0x1000  }
0x91: {  	[sflag:s29] =	ssyncset.done $0x0  }
0x92: {  	s20 =	rddreg [dreg:$0xb];
	[sflag:s29] =	ssyncadd.s32 $0xFFFFF000  }
0x93: {  	[tilespmem:s2], [sflag:$0x2] =	stream.linear.gather [hbm4b:s20+s4], $0x1000, $0x38;
	[tilespmem:$0x1AF80] =	vst v63  }
0x94: {  	_ =	swait.ge [sflag:s29], $0x1000  }
0x95: {  	[sflag:s29] =	ssyncset.done $0x0  }
0x96: {  	[sflag:s29] =	ssyncadd.s32 $0xFFFFF000  }
0x97: {  	[spmem:s3] =	stream.indirect.scatter.add.f32 [tilespmem:s2], [sflag:$0x2], $0x1, s14, s0, $0xb8;
	[tilespmem:$0x1AF80] =	vst v63  }
0x98: {  	_ =	swait.ge [sflag:s29], $0x1000  }
0x99: {  	[sflag:s29] =	ssyncset.done $0x0  }
0x9a: {  	[sflag:s29] =	ssyncadd.s32 $0xFFFFF000  }
0x9b: {  	[bflag:$0x0] =	sbarrier.arrive $0xFFFF  }
0x9c: {  	[hbm:s24], [sflag:s16] =	dma.local @!p0 [spmem:s13], $0x14500  }
0x9d: {  	_ =	swait.ge @!p0 [sflag:s5], $0x14500  }
0x9e: {  	[sflag:s5] =	ssyncset.done @!p0 $0x0  }
0x9f: {  	[sflag:s5] =	ssyncadd.s32 @!p0 $0xFFFEBB00  }
0xa0: {  	[hbm:s25], [sflag:s17] =	dma.local @p2 [spmem:s18], $0x14500  }
0xa1: {  	_ =	swait.ge @p2 [sflag:s19], $0x14500  }
0xa2: {  	[sflag:s19] =	ssyncset.done @p2 $0x0  }
0xa3: {  	[sflag:s19] =	ssyncadd.s32 @p2 $0xFFFEBB00  }
0xa4: {  	[bflag:$0x0] =	sbarrier.arrive $0xFFFF  }
0xa5: {  	[spmem:s6] =	stream.linear.scatter [tilespmem:s30], [sflag:$0x1], $0x28D0, $0x38;
	[tilespmem:$0x1AF80] =	vst v63  }
0xa6: {  	_ = 	snop  }
0xa7: {  	[spmem:s7] =	stream.linear.scatter [tilespmem:s30], [sflag:$0x1], $0x28D0, $0x38;
	[tilespmem:$0x1AF80] =	vst v63  }
0xa8: {  	_ = 	snop  }
0xa9: {  	[spmem:s8] =	stream.linear.scatter [tilespmem:s30], [sflag:$0x1], $0x28D0, $0x38;
	[tilespmem:$0x1AF80] =	vst v63  }
0xaa: {  	_ = 	snop  }
0xab: {  	[spmem:s9] =	stream.linear.scatter [tilespmem:s30], [sflag:$0x1], $0x28D0, $0x38;
	[tilespmem:$0x1AF80] =	vst v63  }
0xac: {  	_ =	swait.ge [sflag:s31], $0x28D0  }
0xad: {  	[sflag:s31] =	ssyncset.done $0x0  }
0xae: {  	[sflag:s31] =	ssyncadd.s32 $0xFFFFD730  }
0xaf: {  	_ =	swait.ge [sflag:s31], $0x28D0  }
0xb0: {  	[sflag:s31] =	ssyncset.done $0x0  }
0xb1: {  	[sflag:s31] =	ssyncadd.s32 $0xFFFFD730  }
0xb2: {  	_ =	swait.ge [sflag:s31], $0x28D0  }
0xb3: {  	[sflag:s31] =	ssyncset.done $0x0  }
0xb4: {  	[sflag:s31] =	ssyncadd.s32 $0xFFFFD730  }
0xb5: {  	_ =	swait.ge [sflag:s31], $0x28D0  }
0xb6: {  	[sflag:s31] =	ssyncset.done $0x0  }
0xb7: {  	[sflag:s31] =	ssyncadd.s32 $0xFFFFD730  }
0xb8: {  	[bflag:$0x0] =	sbarrier.arrive $0xFFFF  }
0xb9: {  	s20 =	rddreg [dreg:$0xc]  }
0xba: {  	[tilespmem:s2], [sflag:$0x2] =	stream.linear.gather [hbm4b:s20+s4], $0x1000, $0x38;
	[tilespmem:$0x1AF80] =	vst v63  }
0xbb: {  	_ =	swait.ge [sflag:s29], $0x1000  }
0xbc: {  	[sflag:s29] =	ssyncset.done $0x0  }
0xbd: {  	[sflag:s29] =	ssyncadd.s32 $0xFFFFF000  }
0xbe: {  	[spmem:s1] =	stream.indirect.scatter.add.f32 [tilespmem:s2], [sflag:$0x2], $0x1, s14, s0, $0xb8;
	[tilespmem:$0x1AF80] =	vst v63  }
0xbf: {  	_ =	swait.ge [sflag:s29], $0x1000  }
0xc0: {  	[sflag:s29] =	ssyncset.done $0x0  }
0xc1: {  	s15 =	sadd.s32 $0x1, s15;
	[sflag:s29] =	ssyncadd.s32 $0xFFFFF000  }
0xc2: {  	p2 =	sne.s32 s15, s28;
	[bflag:$0x0] =	sbarrier.arrive $0xFFFF  }
0xc3: {  	[hbm:s26], [sflag:s16] =	dma.local @!p0 [spmem:s13], $0x14500  }
.Ltmp1:
0xc4: {  	_ =	swait.ge @!p0 [sflag:s5], $0x14500;
	(pc) =	sbr.rel @!p2 .LBB2_13-.Ltmp1, $3  }
0xc5: {  	[sflag:s5] =	ssyncset.done @!p0 $0x0  }
0xc6: {  	[sflag:s5] =	ssyncadd.s32 @!p0 $0xFFFEBB00  }
0xc7: {  	[bflag:$0x0] =	sbarrier.arrive $0xFFFF;
	_ =	sdelay $0x1  }
.LBB2_1:
0xc8: {  	s5 =	simm.s32 $0x0  }
.LBB2_2:
0xc9: {  	p2 =	sne.s32 s5, $0xA300  }
.Ltmp2:
0xca: {  	_ = 	snop;
	(pc) =	sbr.rel @p2 .LBB2_2-.Ltmp2, $3  }
0xcb: {  	_ =	sdelay $0x1  }
0xcc: {  	s13 =	sshra.s32 s5, $0x2  }
0xcd: {  	s5 =	sadd.s32 $0x40, s5;
	[tilespmem:s13+$0x17680] =	vst v1  }
0xce: {  	s5 =	simm.s32 $0x40;
	s13 =	simm.s32 $0x0  }
.LBB2_4:
0xcf: {  	p2 =	sne.s32 s5, $0x3FC0;
	[tilespmem:s13+$0x19F80] =	vst v2;
	s13 =	smov.u32 s5;
	s5 =	sadd.s32 $0x40, s5  }
.Ltmp3:
0xd0: {  	(pc) =	sbr.rel @p2 .LBB2_4-.Ltmp3, $2  }
0xd1: {  	_ =	sdelay $0x2  }
0xd2: {  	s13 =	sshra.s32 s13, $0x2  }
0xd3: {  	[tilespmem:s13+$0x19F80] =	vst v2;
	s5 =	simm.s32 $0x0;
	s20 =	simm.s32 $0x14680;
	s16 =	rddreg [dreg:$0x4]  }
0xd4: {  	[tilespmem:s20], [sflag:$0x2] =	stream.linear.gather [hbm4b:s16+s5], $0x1000, $0x38;
	[tilespmem:$0x1AF80] =	vst v63  }
0xd5: {  	_ =	swait.ge [sflag:s29], $0x1000  }
0xd6: {  	[sflag:s29] =	ssyncset.done $0x0  }
0xd7: {  	[sflag:s29] =	ssyncadd.s32 $0xFFFFF000  }
0xd8: {  	v4 =	vld [tilespmem:s20+$0x0];
	_ =	sdelay $0x4  }
0xd9: {  	v4 =	vsub.s32 v4, v0  }
0xda: {  	v5 =	vor.u32 s5, v3;
	vm0 =	vlt.u32 v4, $0xA2800  }
0xdb: {  	s5 =	simm.s32 $0x15680;
	v4 =	vsel vm0, v4, v5  }
0xdc: {  	s16 =	simm.s32 $0x14690;
	[tilespmem:s5+$0x0] =	vst v4  }
0xdd: {  	s13 =	simm.s32 $0x10;
	s17 =	simm.s32 $0x20;
	v4 =	vld [tilespmem:s16+$0x0]  }
.LBB2_6:
0xde: {  	p2 =	sne.s32 s17, $0xFF0;
	_ =	sdelay $0x3  }
.Ltmp4:
0xdf: {  	v4 =	vsub.s32 v4, v0;
	(pc) =	sbr.rel @p2 .LBB2_6-.Ltmp4, $4  }
0xe0: {  	v5 =	vor.u32 s13, v3;
	s13 =	smov.u32 s17;
	vm0 =	vlt.u32 v4, $0xA2800  }
0xe1: {  	s5 =	sadd.s32 $0x10, s5;
	v4 =	vsel vm0, v4, v5  }
0xe2: {  	s16 =	sadd.s32 $0x10, s16;
	[tilespmem:s5+$0x0] =	vst v4  }
0xe3: {  	s17 =	sadd.s32 $0x10, s17;
	v4 =	vld [tilespmem:s16+$0x0]  }
0xe4: {  	_ =	sdelay $0x3  }
0xe5: {  	v4 =	vsub.s32 v4, v0  }
0xe6: {  	v5 =	vor.u32 s13, v3;
	vm0 =	vlt.u32 v4, $0xA2800  }
0xe7: {  	s5 =	sadd.s32 $0x10, s5;
	v4 =	vsel vm0, v4, v5  }
0xe8: {  	[tilespmem:s5+$0x0] =	vst v4  }
0xe9: {  	[bflag:$0x0] =	sbarrier.arrive $0xFFFF  }
0xea: {  	[spmem:s6] =	stream.linear.scatter [tilespmem:s30], [sflag:$0x1], $0x28D0, $0x38;
	[tilespmem:$0x1AF80] =	vst v63  }
0xeb: {  	_ = 	snop  }
0xec: {  	[spmem:s7] =	stream.linear.scatter [tilespmem:s30], [sflag:$0x1], $0x28D0, $0x38;
	[tilespmem:$0x1AF80] =	vst v63  }
0xed: {  	_ = 	snop  }
0xee: {  	[spmem:s8] =	stream.linear.scatter [tilespmem:s30], [sflag:$0x1], $0x28D0, $0x38;
	[tilespmem:$0x1AF80] =	vst v63  }
0xef: {  	_ = 	snop  }
0xf0: {  	[spmem:s9] =	stream.linear.scatter [tilespmem:s30], [sflag:$0x1], $0x28D0, $0x38;
	[tilespmem:$0x1AF80] =	vst v63  }
0xf1: {  	_ = 	snop  }
0xf2: {  	[spmem:s10] =	stream.linear.scatter [tilespmem:s30], [sflag:$0x1], $0x28D0, $0x38;
	[tilespmem:$0x1AF80] =	vst v63  }
0xf3: {  	_ = 	snop  }
0xf4: {  	[spmem:s11] =	stream.linear.scatter [tilespmem:s30], [sflag:$0x1], $0x28D0, $0x38;
	[tilespmem:$0x1AF80] =	vst v63  }
0xf5: {  	_ = 	snop  }
0xf6: {  	[spmem:s12] =	stream.linear.scatter [tilespmem:s30], [sflag:$0x1], $0x28D0, $0x38;
	[tilespmem:$0x1AF80] =	vst v63  }
0xf7: {  	_ = 	snop  }
0xf8: {  	[spmem:s22] =	stream.linear.scatter [tilespmem:s30], [sflag:$0x1], $0x28D0, $0x38;
	[tilespmem:$0x1AF80] =	vst v63  }
0xf9: {  	_ =	swait.ge [sflag:s31], $0x28D0  }
0xfa: {  	[sflag:s31] =	ssyncset.done $0x0  }
0xfb: {  	[sflag:s31] =	ssyncadd.s32 $0xFFFFD730  }
0xfc: {  	_ =	swait.ge [sflag:s31], $0x28D0  }
0xfd: {  	[sflag:s31] =	ssyncset.done $0x0  }
0xfe: {  	[sflag:s31] =	ssyncadd.s32 $0xFFFFD730  }
0xff: {  	_ =	swait.ge [sflag:s31], $0x28D0  }
0x100: {  	[sflag:s31] =	ssyncset.done $0x0  }
0x101: {  	[sflag:s31] =	ssyncadd.s32 $0xFFFFD730  }
0x102: {  	_ =	swait.ge [sflag:s31], $0x28D0  }
0x103: {  	[sflag:s31] =	ssyncset.done $0x0  }
0x104: {  	[sflag:s31] =	ssyncadd.s32 $0xFFFFD730  }
0x105: {  	_ =	swait.ge [sflag:s31], $0x28D0  }
0x106: {  	[sflag:s31] =	ssyncset.done $0x0  }
0x107: {  	[sflag:s31] =	ssyncadd.s32 $0xFFFFD730  }
0x108: {  	_ =	swait.ge [sflag:s31], $0x28D0  }
0x109: {  	[sflag:s31] =	ssyncset.done $0x0  }
0x10a: {  	[sflag:s31] =	ssyncadd.s32 $0xFFFFD730  }
0x10b: {  	_ =	swait.ge [sflag:s31], $0x28D0  }
0x10c: {  	[sflag:s31] =	ssyncset.done $0x0  }
0x10d: {  	[sflag:s31] =	ssyncadd.s32 $0xFFFFD730  }
0x10e: {  	_ =	swait.ge [sflag:s31], $0x28D0  }
0x10f: {  	[sflag:s31] =	ssyncset.done $0x0  }
0x110: {  	[sflag:s31] =	ssyncadd.s32 $0xFFFFD730  }
0x111: {  	s19 =	simm.s32 $0x19F80;
	[bflag:$0x0] =	sbarrier.arrive $0xFFFF  }
0x112: {  	[spmem:s1] =	stream.indirect.scatter.add.f32 [tilespmem:s19], [sflag:$0x2], $0x1, s14, s0, $0xb8;
	[tilespmem:$0x1AF80] =	vst v63  }
0x113: {  	_ =	swait.ge [sflag:s29], $0x1000  }
0x114: {  	[sflag:s29] =	ssyncset.done $0x0  }
0x115: {  	s20 =	rddreg [dreg:$0x5];
	[sflag:s29] =	ssyncadd.s32 $0xFFFFF000  }
0x116: {  	[tilespmem:s2], [sflag:$0x2] =	stream.linear.gather [hbm4b:s20+s4], $0x1000, $0x38;
	[tilespmem:$0x1AF80] =	vst v63  }
0x117: {  	_ =	swait.ge [sflag:s29], $0x1000  }
0x118: {  	[sflag:s29] =	ssyncset.done $0x0  }
0x119: {  	[sflag:s29] =	ssyncadd.s32 $0xFFFFF000  }
0x11a: {  	[spmem:s3] =	stream.indirect.scatter.add.f32 [tilespmem:s2], [sflag:$0x2], $0x1, s14, s0, $0xb8;
	[tilespmem:$0x1AF80] =	vst v63  }
.Ltmp5:
0x11b: {  	_ =	swait.ge [sflag:s29], $0x1000;
	(pc) =	sbr.rel @p1 .LBB2_10-.Ltmp5, $3  }
0x11c: {  	[sflag:s29] =	ssyncset.done $0x0  }
0x11d: {  	[sflag:s29] =	ssyncadd.s32 $0xFFFFF000  }
0x11e: {  	[bflag:$0x0] =	sbarrier.arrive $0xFFFF;
	_ =	sdelay $0x1  }
.Ltmp6:
0x11f: {  	(pc) =	sbr.rel @p0 .LBB2_12-.Ltmp6, $2  }
0x120: {  	_ =	sdelay $0x2  }
0x121: {  	p2 =	por $0x0, $0x0  }
.Ltmp7:
0x122: {  	(pc) =	sbr.rel .LBB2_11-.Ltmp7, $3  }
0x123: {  	_ =	sdelay $0x1  }
0x124: {  	s5 =	sshrl.u32 s1, $0x3;
	s13 =	rddreg [dreg:$0x7];
	s16 =	simm.s32 $0x1C02  }
0x125: {  	[hbm:s13], [sflag:s16] =	dma.local [spmem:s5], $0x14500  }
.LBB2_13:
0x126: {  	_ =	sfence.sel $0x180000  }
0x127: {  	[bflag:$0x0] =	sbarrier.arrive $0xFFFF  }
0x128: {  	_ =	strace $0x9000004D  }
0x129: {  	s0 =	stileid.u32;
	[bflag:$0x2] =	sbarrier.arrive $0xFFFF  }
0x12a: {  	p0 =	sne.s32 s0, $0x0;
	s0 =	rddreg [dreg:$0x3]  }
0x12b: {  	s0 =	sadd.s32 @!p0 $0x100000, s0  }
0x12c: {  	[sflag:s0] =	ssyncadd.tile.s32 @!p0 $0x1;
	_ =	shalt  }
.Lfunc_end2:
_tile_overlayer_lowered:
.L_overlay_start_2:
0x12d: {  	(tag) =	ssettag $0x2  }
0x12e: {  	s0 =	rddreg [dreg:$0x0];
	s2 =	stileid.u32  }
0x12f: {  	s1 =	rddreg [dreg:$0x1];
	p0 =	sne.s32 s2, $0x0  }
0x130: {  	s3 =	rddreg [dreg:$0x2];
	[bflag:$0x3] =	sbarrier.arrive $0xFFFF;
	s2 =	simm.s32 @!p0 $0x1C02  }
0x131: {  	[timem:s3], [sflag:s2] =	dma.local @!p0 [hbm:s0], s1  }
0x132: {  	s0 =	simm.s32 @!p0 $0x2  }
0x133: {  	_ =	swait.ge @!p0 [sflag:s0], s1  }
0x134: {  	s1 =	ssub.s32 @!p0 $0x0, s1;
	[sflag:s0] =	ssyncset.done @!p0 $0x0  }
0x135: {  	[sflag:s0] =	ssyncadd.s32 @!p0 s1  }
0x136: {  	[bflag:$0x3] =	sbarrier.arrive $0xFFFF  }
0x137: {  	_ =	shalt  }

// kernel: kernel.20.cloned.1.call-start
scs
__scs_entry_jumppad:
0x0: {  	(pc) =	sbr.rel $0x88, $3  }
0x1: {  	(tag) =	ssettag $0x0;
	lr =	simm.s32 $0x1  }
0x2: {  	[smem:$0x3F9E] =	sst lr;
	_ =	strace $0xD0000000  }
0x3: {  	_ = 	snop  }
0x4: {  	_ = 	snop  }
0x5: {  	_ = 	snop  }
0x6: {  	_ = 	snop  }
0x7: {  	_ = 	snop  }
__scs_overlays_trampoline_lowered:
0x8: {  	[smem:$0x3FAD] =	sst s0  }
0x9: {  	[smem:$0x3FAE] =	sst s1  }
0xa: {  	[smem:$0x3FAF] =	sst s2  }
0xb: {  	[smem:$0x3FB0] =	sst s3  }
0xc: {  	[smem:$0x3FB1] =	sst s4  }
0xd: {  	[smem:$0x3FB2] =	sst s5  }
0xe: {  	[smem:$0x3FB3] =	sst s6  }
0xf: {  	[smem:$0x3FB4] =	sst s7  }
0x10: {  	[smem:$0x3FB5] =	sst s8  }
0x11: {  	[smem:$0x3FB6] =	sst s9;
	s0 =	simm.s32 @!p0 $0x0  }
0x12: {  	s1 =	sld [smem:$0x3F9C];
	s0 =	simm.s32 @p0 $0x1  }
0x13: {  	[smem:$0x3FB7] =	sst s0;
	s0 =	simm.s32 @!p1 $0x0  }
0x14: {  	s2 =	sld [smem:$0x3F9B];
	s0 =	simm.s32 @p1 $0x1  }
0x15: {  	[smem:$0x3FB8] =	sst s0;
	s0 =	simm.s32 @!p2 $0x0  }
0x16: {  	s3 =	sld [smem:$0x3FDB];
	s0 =	simm.s32 @p2 $0x1  }
0x17: {  	s4 =	simm.s32 $0x1BF5;
	[smem:$0x3FBA] =	sst s0  }
0x18: {  	s0 =	sld [smem:$0x3F9D];
	_ =	swait.ge [sflag:s4], $0x0  }
0x19: {  	s7 =	sld [smem:$0x3F9E]  }
0x1a: {  	s8 =	sadd.s32 $0xFFFFE003, lr  }
0x1b: {  	s9 =	sadd.s32 $0xFFFFFEF7, lr;
	s5 =	simm.s32 $0xFFFFFFFF;
	p2 =	slt.u32 s8, $0xFFFFF086  }
0x1c: {  	p1 =	slt.u32 s9, $0xF7A;
	s5 =	simm.s32 @!p2 $0x0  }
0x1d: {  	s5 =	simm.s32 @p1 $0x1;
	p0 =	seq.s32 s7, s2  }
0x1e: {  	s7 =	smul.u32 @!p0 $0xF7A, s2;
	p2 =	seq.s32 @!p0 s5, $0x0  }
0x1f: {  	s9 =	smul.u32 $0xF7A, s1;
	s8 =	simm.s32 @!p0 $0x1BF5;
	p2 =	por !p2, p0  }
0x20: {  	[sflag:s8] =	ssyncset.s32 @!p0 $0xFFFFF086;
	s6 =	sadd.s32 @!p0 s3, s7;
	s7 =	simm.s32 @!p0 $0x108  }
0x21: {  	s3 =	sadd.s32 s3, s9;
	s6 =	sadd.s32 @!p0 $0x88, s6;
	s7 =	simm.s32 @p2 $0x1082  }
0x22: {  	[simem:s7], [sflag:s8] =	dma.local @!p0 [hbm:s6], $0xF7A  }
0x23: {  	s9 =	sor.u32 $0xD0000000, s2;
	s6 =	simm.s32 $0x108;
	_ =	swait.ge @!p0 [sflag:s8], $0x0  }
0x24: {  	s3 =	sadd.s32 $0x88, s3;
	s6 =	simm.s32 @!p1 $0x1082;
	[sflag:s4] =	ssyncset.s32 $0xFFFFF086  }
0x25: {  	[simem:s6], [sflag:s4] =	dma.local [hbm:s3], $0xF7A  }
0x26: {  	[smem:$0x3F9E] =	sst s1;
	(tag) =	ssettag s2;
	_ =	strace s9  }
0x27: {  	s1 =	sld [smem:$0x3FAE]  }
0x28: {  	s2 =	sld [smem:$0x3FAF]  }
0x29: {  	s4 =	sld [smem:$0x3FB1]  }
0x2a: {  	p0 =	seq.s32 s5, $0x0;
	s5 =	sld [smem:$0x3FB2]  }
0x2b: {  	s6 =	sld [smem:$0x3FB3]  }
0x2c: {  	s7 =	sld [smem:$0x3FB4]  }
0x2d: {  	s3 =	simm.s32 $0x108;
	s8 =	sld [smem:$0x3FB5]  }
0x2e: {  	s3 =	simm.s32 @!p0 $0x1082;
	s9 =	sld [smem:$0x3FB6]  }
0x2f: {  	lr =	sadd.s32 s0, s3;
	s0 =	sld [smem:$0x3FAD]  }
0x30: {  	s3 =	sld [smem:$0x3FB0]  }
0x31: {  	[smem:$0x3FB9] =	sst s10  }
0x32: {  	s10 =	sld [smem:$0x3FB7];
	_ =	sdelay $0x3  }
0x33: {  	p0 =	seq.s32 s10, $0x1;
	s10 =	sld [smem:$0x3FB9];
	_ =	sdelay $0x3  }
0x34: {  	[smem:$0x3FB9] =	sst s10  }
0x35: {  	s10 =	sld [smem:$0x3FB8];
	_ =	sdelay $0x3  }
0x36: {  	p1 =	seq.s32 s10, $0x1;
	s10 =	sld [smem:$0x3FB9];
	_ =	sdelay $0x3  }
0x37: {  	[smem:$0x3FB9] =	sst s10  }
0x38: {  	s10 =	sld [smem:$0x3FBA]  }
0x39: {  	_ = 	snop;
	(pc) =	sbr.ind lr, $3  }
0x3a: {  	_ = 	snop  }
0x3b: {  	_ = 	snop  }
0x3c: {  	p2 =	seq.s32 s10, $0x1;
	s10 =	sld [smem:$0x3FB9]  }
0x3d: {  	_ =	shalt  }
0x3e: {  	_ =	shalt  }
0x3f: {  	_ =	shalt  }
0x40: {  	_ =	shalt  }
0x41: {  	_ =	shalt  }
0x42: {  	_ =	shalt  }
0x43: {  	_ =	shalt  }
0x44: {  	_ =	shalt  }
0x45: {  	_ =	shalt  }
0x46: {  	_ =	shalt  }
0x47: {  	_ =	shalt  }
0x48: {  	_ =	shalt  }
0x49: {  	_ =	shalt  }
0x4a: {  	_ =	shalt  }
0x4b: {  	_ =	shalt  }
0x4c: {  	_ =	shalt  }
0x4d: {  	_ =	shalt  }
0x4e: {  	_ =	shalt  }
0x4f: {  	_ =	shalt  }
0x50: {  	_ =	shalt  }
0x51: {  	_ =	shalt  }
0x52: {  	_ =	shalt  }
0x53: {  	_ =	shalt  }
0x54: {  	_ =	shalt  }
0x55: {  	_ =	shalt  }
0x56: {  	_ =	shalt  }
0x57: {  	_ =	shalt  }
0x58: {  	_ =	shalt  }
0x59: {  	_ =	shalt  }
0x5a: {  	_ =	shalt  }
0x5b: {  	_ =	shalt  }
0x5c: {  	_ =	shalt  }
0x5d: {  	_ =	shalt  }
0x5e: {  	_ =	shalt  }
0x5f: {  	_ =	shalt  }
0x60: {  	_ =	shalt  }
0x61: {  	_ =	shalt  }
0x62: {  	_ =	shalt  }
0x63: {  	_ =	shalt  }
0x64: {  	_ =	shalt  }
0x65: {  	_ =	shalt  }
0x66: {  	_ =	shalt  }
0x67: {  	_ =	shalt  }
0x68: {  	_ =	shalt  }
0x69: {  	_ =	shalt  }
0x6a: {  	_ =	shalt  }
0x6b: {  	_ =	shalt  }
0x6c: {  	_ =	shalt  }
0x6d: {  	_ =	shalt  }
0x6e: {  	_ =	shalt  }
0x6f: {  	_ =	shalt  }
0x70: {  	_ =	shalt  }
0x71: {  	_ =	shalt  }
0x72: {  	_ =	shalt  }
0x73: {  	_ =	shalt  }
0x74: {  	_ =	shalt  }
0x75: {  	_ =	shalt  }
0x76: {  	_ =	shalt  }
0x77: {  	_ =	shalt  }
0x78: {  	_ =	shalt  }
0x79: {  	_ =	shalt  }
0x7a: {  	_ =	shalt  }
0x7b: {  	_ =	shalt  }
0x7c: {  	_ =	shalt  }
0x7d: {  	_ =	shalt  }
0x7e: {  	_ =	shalt  }
0x7f: {  	_ =	shalt  }
0x80: {  	_ =	shalt  }
0x81: {  	_ =	shalt  }
0x82: {  	_ =	shalt  }
0x83: {  	_ =	shalt  }
0x84: {  	_ =	shalt  }
0x85: {  	_ =	shalt  }
0x86: {  	_ =	shalt  }
0x87: {  	_ =	shalt  }
.Lfunc_end0:
.L_simem_size_0:
called_computation.3_lowered:
.L_overlay_start_0:
0x88: {  	s2 =	sld [smem:$0x3FD9]  }
0x89: {  	s3 =	sld [smem:$0x3FFE];
	_ =	sdelay $0x1  }
0x8a: {  	s1 =	srdreg.scid  }
0x8b: {  	s0 =	sand.u32 $0x1, s1  }
0x8c: {  	s17 =	sshll.u32 s0, $0xA;
	s2 =	sadd.s32 s3, s2  }
0x8d: {  	s2 =	sadd.s32 s2, s17  }
0x8e: {  	[smem:$0x3FC5] =	sst s2  }
0x8f: {  	_ = 	snop  }
0x90: {  	s18 =	sld [smem:$0x3FD0];
	(tm) =	ssettm $0x1  }
0x91: {  	s19 =	sld [smem:$0x3FFB];
	_ =	sdelay $0x3  }
0x92: {  	_ =	strace s19  }
0x93: {  	s2 =	sld [smem:$0x3FFC];
	_ =	sdelay $0x3  }
0x94: {  	_ =	strace s2  }
0x95: {  	s2 =	sld [smem:$0x3FFD];
	_ =	sdelay $0x3  }
0x96: {  	_ =	strace s2  }
0x97: {  	_ =	strace $0x8FFFFFFF  }
0x98: {  	s20 =	sld [smem:$0x3FDB];
	_ =	sdelay $0x1  }
0x99: {  	s4 =	simm.s32 $_scs_section_size  }
0x9a: {  	s5 =	simm.s32 $_size__tile_overlayer_lowered;
	s6 =	simm.s32 $_tile_overlayer_lowered  }
0x9b: {  	s7 =	simm.s32 $0x1BFF;
	s21 =	sshll.u32 s6, $0x1;
	s4 =	sadd.s32 s4, s20  }
0x9c: {  	s22 =	simm.s32 $0x0;
	s5 =	sshll.u32 s5, $0x1;
	s6 =	sadd.s32 s21, s4  }
0x9d: {  	[timem:s22], [sflag:s7] =	dma.local [hbm:s6], s5  }
0x9e: {  	_ =	swait.ge [sflag:s7], s5  }
0x9f: {  	s5 =	ssub.s32 $0x0, s5;
	[sflag:s7] =	ssyncset.done $0x0  }
0xa0: {  	[sflag:s7] =	ssyncadd.s32 s5;
	_ =	sdelay $0x1  }
0xa1: {  	s23 =	simm.s32 $0x1B8B  }
0xa2: {  	_ =	swait.ge [sflag:s23], $0x1  }
0xa3: {  	[sflag:s23] =	ssyncset.done $0x0  }
0xa4: {  	[sflag:s23] =	ssyncadd.s32 $0xFFFFFFFF  }
0xa5: {  	s5 =	sld [smem:$0x0]  }
0xa6: {  	s6 =	sand.u32 $0xFFFFFFFE, s1  }
0xa7: {  	p0 =	sne.s32 s1, s6  }
0xa8: {  	s6 =	sshll.u32 @p0 s6, $0xE  }
0xa9: {  	s6 =	sadd.s32 @p0 $0x11B8D, s6;
	s7 =	sshll.u32 @p0 s5, $0x11  }
0xaa: {  	s6 =	sor.u32 @p0 s7, s6  }
0xab: {  	[sflag:s6] =	ssyncadd.remote.s32 @p0 $0x1;
	_ =	sdelay $0x1  }
0xac: {  	s6 =	simm.s32 @p0 $0x1B8D  }
0xad: {  	_ =	swait.eq @p0 [sflag:s6], $0x1  }
0xae: {  	[sflag:s6] =	ssyncadd.s32 @p0 $0xFFFFFFFF  }
0xaf: {  	s7 =	sshll.u32 @!p0 s1, $0xE  }
0xb0: {  	s7 =	sor.u32 @!p0 $0x4000, s7;
	s6 =	simm.s32 @!p0 $0x1B8D  }
0xb1: {  	s5 =	sshll.u32 @!p0 s5, $0x11;
	s7 =	sadd.s32 @!p0 $0x11B8D, s7;
	_ =	swait.eq @!p0 [sflag:s6], $0x1  }
0xb2: {  	s5 =	sor.u32 @!p0 s5, s7;
	[sflag:s6] =	ssyncadd.s32 @!p0 $0xFFFFFFFF  }
0xb3: {  	s25 =	simm.s32 $0x1B8E;
	s24 =	sld [smem:$0x3FFE];
	[sflag:s5] =	ssyncadd.remote.s32 @!p0 $0x1  }
0xb4: {  	s26 =	simm.s32 $execute0_lowered;
	[smem:$0x3FD2] =	sst s25  }
0xb5: {  	s6 =	sshll.u32 s26, $0x1;
	_ =	strace $0x8000004F;
	[dreg:$0x1] =	wrdreg $0xFFFFFFFF  }
0xb6: {  	s28 =	simm.s32 $_size_execute0_lowered;
	s4 =	sadd.s32 s4, s6;
	[dreg:$0x0] =	wrdreg $0x0  }
0xb7: {  	s6 =	sshll.u32 s28, $0x1;
	[dreg:$0x2] =	wrdreg s4  }
0xb8: {  	[dreg:$0x3] =	wrdreg s6  }
0xb9: {  	[dreg:$0x4] =	wrdreg $0xC0  }
0xba: {  	_ =	task [dreg:s22], $0x5FFFF  }
0xbb: {  	[dreg:$0x1] =	wrdreg $0xFFFFFFFF  }
0xbc: {  	[dreg:$0x0] =	wrdreg $0x60  }
0xbd: {  	[dreg:$0x2] =	wrdreg s24  }
0xbe: {  	[dreg:$0x3] =	wrdreg s18  }
0xbf: {  	[dreg:$0x4] =	wrdreg $0x0  }
0xc0: {  	[dreg:$0x5] =	wrdreg $0xA3400  }
0xc1: {  	[dreg:$0x6] =	wrdreg $0xC  }
0xc2: {  	_ =	task.clear_ibuf [dreg:s22], $0x7FFFF;
	_ =	strace $0x9000004F  }
0xc3: {  	s29 =	simm.s32 $0xC;
	_ =	strace $0x80000051  }
0xc4: {  	_ =	swait.ge [sflag:s29], $0x1  }
0xc5: {  	[sflag:s29] =	ssyncadd.s32 $0xFFFFFFFF  }
0xc6: {  	_ =	strace $0x90000051  }
0xc7: {  	_ =	sfence  }
0xc8: {  	s30 =	sld [smem:$0x0];
	_ =	sdelay $0x2  }
0xc9: {  	s31 =	sshll.u32 s1, $0xD;
	s1 =	sshrl.u32 s1, $0x2  }
0xca: {  	s4 =	sand.u32 $0x4000, s31;
	s1 =	sadd.s32 s1, s30  }
0xcb: {  	s0 =	sor.u32 s4, s0;
	s1 =	sshll.u32 s1, $0x11  }
0xcc: {  	s0 =	sor.u32 s1, s0  }
0xcd: {  	s0 =	sadd.s32 $0x8F2B, s0  }
0xce: {  	[sflag:s0] =	ssyncadd.remote.s32 $0x1  }
0xcf: {  	_ =	sfence.sel $0xFFFF  }
0xd0: {  	[dreg:$0x0] =	wrdreg $0xFFFFFFFF;
	(pc) =	sbr.abs _section_cstart, $3  }
0xd1: {  	[dreg:$0x1] =	wrdreg $0xFFFFFFFF  }
0xd2: {  	_ =	task.clear_ibuf [dreg:s22], $0x2FFFF;
	_ =	strace $0x9FFFFFFF  }
0xd3: {  	(tm) =	ssettm $0x7FFFFFFF  }
tec
execute0_lowered:
.L_overlay_start_1:
0x0: {  	(tag) =	ssettag $0x1  }
0x1: {  	s0 =	rddreg [dreg:$0x0]  }
0x2: {  	s1 =	rddreg [dreg:$0x1]  }
0x3: {  	s2 =	rddreg [dreg:$0x2]  }
0x4: {  	s3 =	rddreg [dreg:$0x3];
	s4 =	simm.s32 $0x0  }
0x5: {  	s19 =	stileid.u32;
	s5 =	srdreg.scid;
	s29 =	simm.s32 $0x2  }
0x6: {  	s30 =	simm.s32 $0x17680;
	s31 =	simm.s32 $0x1;
	[smem:$0x7FF] =	sst s4  }
0x7: {  	s14 =	sshll.u32 s19, $0x9;
	s5 =	sand.u32 $0x1, s5;
	s15 =	sadd.s32 $0x1400, s0  }
0x8: {  	s10 =	smul.u32 $0xA340, s19;
	p0 =	sne.s32 s19, $0x0;
	p1 =	seq.s32 s19, $0x1  }
0x9: {  	_ =	strace $0x80000050;
	s6 =	sadd.s32 s14, s0;
	s7 =	ssub.s32 $0x2, s5  }
0xa: {  	s0 =	sadd.s32 $0x19400, s0;
	s5 =	smul.u32 $0xA2800, s5;
	s17 =	sor.u32 $0x12000, s14  }
0xb: {  	s23 =	sor.u32 $0x14000, s14;
	s14 =	sor.u32 $0x16000, s14;
	s8 =	sshrl.u32 s7, $0x1  }
0xc: {  	s6 =	sadd.s32 $0x37400, s6;
	s11 =	sadd.s32 $0x28D0, s10;
	s12 =	sadd.s32 $0x51A0, s10  }
0xd: {  	s13 =	sadd.s32 $0x7A70, s10;
	s18 =	sadd.s32 s15, s17;
	s24 =	sadd.s32 s15, s23  }
0xe: {  	s15 =	sadd.s32 s15, s14;
	s26 =	sadd.s32 s0, s17;
	s16 =	ssub.s32 s7, s8  }
0xf: {  	[dreg:$0x5] =	wrdreg s6;
	s6 =	sadd.s32 s10, s2;
	s7 =	sadd.s32 s11, s2  }
0x10: {  	s8 =	sadd.s32 s12, s2;
	s9 =	sadd.s32 s13, s2;
	[dreg:$0x6] =	wrdreg s18  }
0x11: {  	s10 =	sadd.s32 s10, s3;
	s11 =	sadd.s32 s11, s3;
	[dreg:$0x9] =	wrdreg s24  }
0x12: {  	s12 =	sadd.s32 s12, s3;
	s13 =	sadd.s32 s13, s3;
	[dreg:$0xa] =	wrdreg s15  }
0x13: {  	s22 =	sshrl.u32 s5, $0x3;
	[dreg:$0xc] =	wrdreg s26;
	s15 =	simm.s32 $0x0  }
0x14: {  	s18 =	sadd.s32 s1, s22;
	s1 =	sadd.s32 s0, s23;
	s22 =	sadd.s32 s0, s14  }
.Ltmp0:
0x15: {  	s24 =	smax.u32 s16, $0x1;
	s0 =	simm.s32 $0x1000;
	(pc) =	sbr.rel .LBB2_1-.Ltmp0, $4  }
0x16: {  	s16 =	simm.s32 $0x15680;
	s20 =	sadd.s32 $0xF3C00, s18;
	[dreg:$0xd] =	wrdreg s1  }
0x17: {  	s25 =	sadd.s32 $0x28A00, s18;
	s23 =	sadd.s32 $0x51400, s18;
	[dreg:$0x7] =	wrdreg s18  }
0x18: {  	v3 =	vlaneseq.u32;
	v1 =	vimm.f32 $0.0e+00;
	s26 =	sadd.s32 $0xA2800, s18;
	s28 =	sadd.s32 $0xCB200, s18;
	[dreg:$0x8] =	wrdreg s20  }
0x19: {  	v2 =	vimm.f32 $1.000000000e+00;
	v3 =	vor.u32 $0xA2800, v3;
	v0 =	vmov s5;
	s1 =	simm.s32 $0x16680;
	[dreg:$0xb] =	wrdreg s25;
	s25 =	sadd.s32 $0x79E00, s18  }
.LBB2_10:
0x1a: {  	s5 =	sshrl.u32 s3, $0x3;
	s14 =	rddreg [dreg:$0x7];
	s17 =	simm.s32 $0x1C42  }
0x1b: {  	[hbm:s14], [sflag:s17] =	dma.local [spmem:s5], $0x14500  }
.LBB2_11:
0x1c: {  	_ =	swait.ge [sflag:s29], $0x14500  }
0x1d: {  	[sflag:s29] =	ssyncset.done $0x0  }
0x1e: {  	p2 =	por p0, p0;
	[sflag:s29] =	ssyncadd.s32 $0xFFFEBB00  }
.LBB2_12:
0x1f: {  	[bflag:$0x0] =	sbarrier.arrive $0xFFFF  }
0x20: {  	[spmem:s6] =	stream.linear.scatter [tilespmem:s30], [sflag:$0x1], $0x28D0, $0x38;
	[tilespmem:$0x1AF80] =	vst v63  }
0x21: {  	_ = 	snop  }
0x22: {  	[spmem:s7] =	stream.linear.scatter [tilespmem:s30], [sflag:$0x1], $0x28D0, $0x38;
	[tilespmem:$0x1AF80] =	vst v63  }
0x23: {  	_ = 	snop  }
0x24: {  	[spmem:s8] =	stream.linear.scatter [tilespmem:s30], [sflag:$0x1], $0x28D0, $0x38;
	[tilespmem:$0x1AF80] =	vst v63  }
0x25: {  	_ = 	snop  }
0x26: {  	[spmem:s9] =	stream.linear.scatter [tilespmem:s30], [sflag:$0x1], $0x28D0, $0x38;
	[tilespmem:$0x1AF80] =	vst v63  }
0x27: {  	_ = 	snop  }
0x28: {  	[spmem:s10] =	stream.linear.scatter [tilespmem:s30], [sflag:$0x1], $0x28D0, $0x38;
	[tilespmem:$0x1AF80] =	vst v63  }
0x29: {  	_ = 	snop  }
0x2a: {  	[spmem:s11] =	stream.linear.scatter [tilespmem:s30], [sflag:$0x1], $0x28D0, $0x38;
	[tilespmem:$0x1AF80] =	vst v63  }
0x2b: {  	_ = 	snop  }
0x2c: {  	[spmem:s12] =	stream.linear.scatter [tilespmem:s30], [sflag:$0x1], $0x28D0, $0x38;
	[tilespmem:$0x1AF80] =	vst v63  }
0x2d: {  	_ = 	snop  }
0x2e: {  	[spmem:s13] =	stream.linear.scatter [tilespmem:s30], [sflag:$0x1], $0x28D0, $0x38;
	[tilespmem:$0x1AF80] =	vst v63  }
0x2f: {  	_ =	swait.ge [sflag:s31], $0x28D0  }
0x30: {  	[sflag:s31] =	ssyncset.done $0x0  }
0x31: {  	[sflag:s31] =	ssyncadd.s32 $0xFFFFD730  }
0x32: {  	_ =	swait.ge [sflag:s31], $0x28D0  }
0x33: {  	[sflag:s31] =	ssyncset.done $0x0  }
0x34: {  	[sflag:s31] =	ssyncadd.s32 $0xFFFFD730  }
0x35: {  	_ =	swait.ge [sflag:s31], $0x28D0  }
0x36: {  	[sflag:s31] =	ssyncset.done $0x0  }
0x37: {  	[sflag:s31] =	ssyncadd.s32 $0xFFFFD730  }
0x38: {  	_ =	swait.ge [sflag:s31], $0x28D0  }
0x39: {  	[sflag:s31] =	ssyncset.done $0x0  }
0x3a: {  	[sflag:s31] =	ssyncadd.s32 $0xFFFFD730  }
0x3b: {  	_ =	swait.ge [sflag:s31], $0x28D0  }
0x3c: {  	[sflag:s31] =	ssyncset.done $0x0  }
0x3d: {  	[sflag:s31] =	ssyncadd.s32 $0xFFFFD730  }
0x3e: {  	_ =	swait.ge [sflag:s31], $0x28D0  }
0x3f: {  	[sflag:s31] =	ssyncset.done $0x0  }
0x40: {  	[sflag:s31] =	ssyncadd.s32 $0xFFFFD730  }
0x41: {  	_ =	swait.ge [sflag:s31], $0x28D0  }
0x42: {  	[sflag:s31] =	ssyncset.done $0x0  }
0x43: {  	[sflag:s31] =	ssyncadd.s32 $0xFFFFD730  }
0x44: {  	_ =	swait.ge [sflag:s31], $0x28D0  }
0x45: {  	[sflag:s31] =	ssyncset.done $0x0  }
0x46: {  	[sflag:s31] =	ssyncadd.s32 $0xFFFFD730  }
0x47: {  	[bflag:$0x0] =	sbarrier.arrive $0xFFFF  }
0x48: {  	s5 =	rddreg [dreg:$0x9]  }
0x49: {  	[tilespmem:s1], [sflag:$0x2] =	stream.linear.gather [hbm4b:s5+s4], $0x1000, $0x38;
	[tilespmem:$0x1AF80] =	vst v63  }
0x4a: {  	_ =	swait.ge [sflag:s29], $0x1000  }
0x4b: {  	[sflag:s29] =	ssyncset.done $0x0  }
0x4c: {  	[sflag:s29] =	ssyncadd.s32 $0xFFFFF000  }
0x4d: {  	[spmem:s2] =	stream.indirect.scatter.add.f32 [tilespmem:s1], [sflag:$0x2], $0x1, s16, s0, $0xb8;
	[tilespmem:$0x1AF80] =	vst v63  }
0x4e: {  	_ =	swait.ge [sflag:s29], $0x1000  }
0x4f: {  	[sflag:s29] =	ssyncset.done $0x0  }
0x50: {  	s21 =	rddreg [dreg:$0xa];
	[sflag:s29] =	ssyncadd.s32 $0xFFFFF000  }
0x51: {  	[tilespmem:s1], [sflag:$0x2] =	stream.linear.gather [hbm4b:s21+s4], $0x1000, $0x38;
	[tilespmem:$0x1AF80] =	vst v63  }
0x52: {  	_ =	swait.ge [sflag:s29], $0x1000  }
0x53: {  	[sflag:s29] =	ssyncset.done $0x0  }
0x54: {  	[sflag:s29] =	ssyncadd.s32 $0xFFFFF000  }
0x55: {  	[spmem:s3] =	stream.indirect.scatter.add.f32 [tilespmem:s1], [sflag:$0x2], $0x1, s16, s0, $0xb8;
	[tilespmem:$0x1AF80] =	vst v63  }
0x56: {  	_ =	swait.ge [sflag:s29], $0x1000  }
0x57: {  	[sflag:s29] =	ssyncset.done $0x0  }
0x58: {  	[sflag:s29] =	ssyncadd.s32 $0xFFFFF000  }
0x59: {  	[bflag:$0x0] =	sbarrier.arrive $0xFFFF  }
0x5a: {  	s14 =	sshrl.u32 @!p0 s2, $0x3;
	s17 =	simm.s32 @!p0 $0x1C02;
	s5 =	rddreg [dreg:$0xb]  }
0x5b: {  	[hbm:s5], [sflag:s17] =	dma.local @!p0 [spmem:s14], $0x14500  }
0x5c: {  	s5 =	simm.s32 @!p0 $0x2  }
0x5d: {  	s18 =	stileid.u32;
	_ =	swait.ge @!p0 [sflag:s5], $0x14500  }
0x5e: {  	s19 =	sshrl.u32 @p2 s3, $0x3;
	s18 =	sshll.u32 @p2 s18, $0x6;
	[sflag:s5] =	ssyncset.done @!p0 $0x0  }
0x5f: {  	s20 =	simm.s32 @p2 $0x2;
	s18 =	sor.u32 @p2 $0x1C02, s18;
	[sflag:s5] =	ssyncadd.s32 @!p0 $0xFFFEBB00  }
0x60: {  	[hbm:s23], [sflag:s18] =	dma.local @p2 [spmem:s19], $0x14500  }
0x61: {  	_ =	swait.ge @p2 [sflag:s20], $0x14500  }
0x62: {  	[sflag:s20] =	ssyncset.done @p2 $0x0  }
0x63: {  	[sflag:s20] =	ssyncadd.s32 @p2 $0xFFFEBB00  }
0x64: {  	[bflag:$0x0] =	sbarrier.arrive $0xFFFF  }
0x65: {  	[spmem:s6] =	stream.linear.scatter [tilespmem:s30], [sflag:$0x1], $0x28D0, $0x38;
	[tilespmem:$0x1AF80] =	vst v63  }
0x66: {  	_ = 	snop  }
0x67: {  	[spmem:s7] =	stream.linear.scatter [tilespmem:s30], [sflag:$0x1], $0x28D0, $0x38;
	[tilespmem:$0x1AF80] =	vst v63  }
0x68: {  	_ = 	snop  }
0x69: {  	[spmem:s8] =	stream.linear.scatter [tilespmem:s30], [sflag:$0x1], $0x28D0, $0x38;
	[tilespmem:$0x1AF80] =	vst v63  }
0x6a: {  	_ = 	snop  }
0x6b: {  	[spmem:s9] =	stream.linear.scatter [tilespmem:s30], [sflag:$0x1], $0x28D0, $0x38;
	[tilespmem:$0x1AF80] =	vst v63  }
0x6c: {  	_ = 	snop  }
0x6d: {  	[spmem:s10] =	stream.linear.scatter [tilespmem:s30], [sflag:$0x1], $0x28D0, $0x38;
	[tilespmem:$0x1AF80] =	vst v63  }
0x6e: {  	_ = 	snop  }
0x6f: {  	[spmem:s11] =	stream.linear.scatter [tilespmem:s30], [sflag:$0x1], $0x28D0, $0x38;
	[tilespmem:$0x1AF80] =	vst v63  }
0x70: {  	_ = 	snop  }
0x71: {  	[spmem:s12] =	stream.linear.scatter [tilespmem:s30], [sflag:$0x1], $0x28D0, $0x38;
	[tilespmem:$0x1AF80] =	vst v63  }
0x72: {  	_ = 	snop  }
0x73: {  	[spmem:s13] =	stream.linear.scatter [tilespmem:s30], [sflag:$0x1], $0x28D0, $0x38;
	[tilespmem:$0x1AF80] =	vst v63  }
0x74: {  	_ =	swait.ge [sflag:s31], $0x28D0  }
0x75: {  	[sflag:s31] =	ssyncset.done $0x0  }
0x76: {  	[sflag:s31] =	ssyncadd.s32 $0xFFFFD730  }
0x77: {  	_ =	swait.ge [sflag:s31], $0x28D0  }
0x78: {  	[sflag:s31] =	ssyncset.done $0x0  }
0x79: {  	[sflag:s31] =	ssyncadd.s32 $0xFFFFD730  }
0x7a: {  	_ =	swait.ge [sflag:s31], $0x28D0  }
0x7b: {  	[sflag:s31] =	ssyncset.done $0x0  }
0x7c: {  	[sflag:s31] =	ssyncadd.s32 $0xFFFFD730  }
0x7d: {  	_ =	swait.ge [sflag:s31], $0x28D0  }
0x7e: {  	[sflag:s31] =	ssyncset.done $0x0  }
0x7f: {  	[sflag:s31] =	ssyncadd.s32 $0xFFFFD730  }
0x80: {  	_ =	swait.ge [sflag:s31], $0x28D0  }
0x81: {  	[sflag:s31] =	ssyncset.done $0x0  }
0x82: {  	[sflag:s31] =	ssyncadd.s32 $0xFFFFD730  }
0x83: {  	_ =	swait.ge [sflag:s31], $0x28D0  }
0x84: {  	[sflag:s31] =	ssyncset.done $0x0  }
0x85: {  	[sflag:s31] =	ssyncadd.s32 $0xFFFFD730  }
0x86: {  	_ =	swait.ge [sflag:s31], $0x28D0  }
0x87: {  	[sflag:s31] =	ssyncset.done $0x0  }
0x88: {  	[sflag:s31] =	ssyncadd.s32 $0xFFFFD730  }
0x89: {  	_ =	swait.ge [sflag:s31], $0x28D0  }
0x8a: {  	[sflag:s31] =	ssyncset.done $0x0  }
0x8b: {  	[sflag:s31] =	ssyncadd.s32 $0xFFFFD730  }
0x8c: {  	[bflag:$0x0] =	sbarrier.arrive $0xFFFF  }
0x8d: {  	s21 =	rddreg [dreg:$0xc]  }
0x8e: {  	[tilespmem:s1], [sflag:$0x2] =	stream.linear.gather [hbm4b:s21+s4], $0x1000, $0x38;
	[tilespmem:$0x1AF80] =	vst v63  }
0x8f: {  	_ =	swait.ge [sflag:s29], $0x1000  }
0x90: {  	[sflag:s29] =	ssyncset.done $0x0  }
0x91: {  	[sflag:s29] =	ssyncadd.s32 $0xFFFFF000  }
0x92: {  	[spmem:s2] =	stream.indirect.scatter.add.f32 [tilespmem:s1], [sflag:$0x2], $0x1, s16, s0, $0xb8;
	[tilespmem:$0x1AF80] =	vst v63  }
0x93: {  	_ =	swait.ge [sflag:s29], $0x1000  }
0x94: {  	[sflag:s29] =	ssyncset.done $0x0  }
0x95: {  	s21 =	rddreg [dreg:$0xd];
	[sflag:s29] =	ssyncadd.s32 $0xFFFFF000  }
0x96: {  	[tilespmem:s1], [sflag:$0x2] =	stream.linear.gather [hbm4b:s21+s4], $0x1000, $0x38;
	[tilespmem:$0x1AF80] =	vst v63  }
0x97: {  	_ =	swait.ge [sflag:s29], $0x1000  }
0x98: {  	[sflag:s29] =	ssyncset.done $0x0  }
0x99: {  	[sflag:s29] =	ssyncadd.s32 $0xFFFFF000  }
0x9a: {  	[spmem:s3] =	stream.indirect.scatter.add.f32 [tilespmem:s1], [sflag:$0x2], $0x1, s16, s0, $0xb8;
	[tilespmem:$0x1AF80] =	vst v63  }
0x9b: {  	_ =	swait.ge [sflag:s29], $0x1000  }
0x9c: {  	[sflag:s29] =	ssyncset.done $0x0  }
0x9d: {  	[sflag:s29] =	ssyncadd.s32 $0xFFFFF000  }
0x9e: {  	[bflag:$0x0] =	sbarrier.arrive $0xFFFF  }
0x9f: {  	[hbm:s25], [sflag:s17] =	dma.local @!p0 [spmem:s14], $0x14500  }
0xa0: {  	_ =	swait.ge @!p0 [sflag:s5], $0x14500  }
0xa1: {  	[sflag:s5] =	ssyncset.done @!p0 $0x0  }
0xa2: {  	[sflag:s5] =	ssyncadd.s32 @!p0 $0xFFFEBB00  }
0xa3: {  	[hbm:s26], [sflag:s18] =	dma.local @p2 [spmem:s19], $0x14500  }
0xa4: {  	_ =	swait.ge @p2 [sflag:s20], $0x14500  }
0xa5: {  	[sflag:s20] =	ssyncset.done @p2 $0x0  }
0xa6: {  	[sflag:s20] =	ssyncadd.s32 @p2 $0xFFFEBB00  }
0xa7: {  	[bflag:$0x0] =	sbarrier.arrive $0xFFFF  }
0xa8: {  	[spmem:s6] =	stream.linear.scatter [tilespmem:s30], [sflag:$0x1], $0x28D0, $0x38;
	[tilespmem:$0x1AF80] =	vst v63  }
0xa9: {  	_ = 	snop  }
0xaa: {  	[spmem:s7] =	stream.linear.scatter [tilespmem:s30], [sflag:$0x1], $0x28D0, $0x38;
	[tilespmem:$0x1AF80] =	vst v63  }
0xab: {  	_ = 	snop  }
0xac: {  	[spmem:s8] =	stream.linear.scatter [tilespmem:s30], [sflag:$0x1], $0x28D0, $0x38;
	[tilespmem:$0x1AF80] =	vst v63  }
0xad: {  	_ = 	snop  }
0xae: {  	[spmem:s9] =	stream.linear.scatter [tilespmem:s30], [sflag:$0x1], $0x28D0, $0x38;
	[tilespmem:$0x1AF80] =	vst v63  }
0xaf: {  	_ =	swait.ge [sflag:s31], $0x28D0  }
0xb0: {  	[sflag:s31] =	ssyncset.done $0x0  }
0xb1: {  	[sflag:s31] =	ssyncadd.s32 $0xFFFFD730  }
0xb2: {  	_ =	swait.ge [sflag:s31], $0x28D0  }
0xb3: {  	[sflag:s31] =	ssyncset.done $0x0  }
0xb4: {  	[sflag:s31] =	ssyncadd.s32 $0xFFFFD730  }
0xb5: {  	_ =	swait.ge [sflag:s31], $0x28D0  }
0xb6: {  	[sflag:s31] =	ssyncset.done $0x0  }
0xb7: {  	[sflag:s31] =	ssyncadd.s32 $0xFFFFD730  }
0xb8: {  	_ =	swait.ge [sflag:s31], $0x28D0  }
0xb9: {  	[sflag:s31] =	ssyncset.done $0x0  }
0xba: {  	[sflag:s31] =	ssyncadd.s32 $0xFFFFD730  }
0xbb: {  	[bflag:$0x0] =	sbarrier.arrive $0xFFFF  }
0xbc: {  	[tilespmem:s1], [sflag:$0x2] =	stream.linear.gather [hbm4b:s22+s4], $0x1000, $0x38;
	[tilespmem:$0x1AF80] =	vst v63  }
0xbd: {  	_ =	swait.ge [sflag:s29], $0x1000  }
0xbe: {  	[sflag:s29] =	ssyncset.done $0x0  }
0xbf: {  	[sflag:s29] =	ssyncadd.s32 $0xFFFFF000  }
0xc0: {  	[spmem:s2] =	stream.indirect.scatter.add.f32 [tilespmem:s1], [sflag:$0x2], $0x1, s16, s0, $0xb8;
	[tilespmem:$0x1AF80] =	vst v63  }
0xc1: {  	_ =	swait.ge [sflag:s29], $0x1000  }
0xc2: {  	[sflag:s29] =	ssyncset.done $0x0  }
0xc3: {  	s15 =	sadd.s32 $0x1, s15;
	[sflag:s29] =	ssyncadd.s32 $0xFFFFF000  }
0xc4: {  	p2 =	sne.s32 s15, s24;
	[bflag:$0x0] =	sbarrier.arrive $0xFFFF  }
0xc5: {  	[hbm:s28], [sflag:s17] =	dma.local @!p0 [spmem:s14], $0x14500  }
.Ltmp1:
0xc6: {  	_ =	swait.ge @!p0 [sflag:s5], $0x14500;
	(pc) =	sbr.rel @!p2 .LBB2_13-.Ltmp1, $3  }
0xc7: {  	[sflag:s5] =	ssyncset.done @!p0 $0x0  }
0xc8: {  	[sflag:s5] =	ssyncadd.s32 @!p0 $0xFFFEBB00  }
0xc9: {  	[bflag:$0x0] =	sbarrier.arrive $0xFFFF;
	_ =	sdelay $0x1  }
.LBB2_1:
0xca: {  	s5 =	simm.s32 $0x0  }
.LBB2_2:
0xcb: {  	p2 =	sne.s32 s5, $0xA300  }
.Ltmp2:
0xcc: {  	_ = 	snop;
	(pc) =	sbr.rel @p2 .LBB2_2-.Ltmp2, $3  }
0xcd: {  	_ =	sdelay $0x1  }
0xce: {  	s14 =	sshra.s32 s5, $0x2  }
0xcf: {  	s5 =	sadd.s32 $0x40, s5;
	[tilespmem:s14+$0x17680] =	vst v1  }
0xd0: {  	s5 =	simm.s32 $0x40;
	s14 =	simm.s32 $0x0  }
.LBB2_4:
0xd1: {  	p2 =	sne.s32 s5, $0x3FC0;
	[tilespmem:s14+$0x19F80] =	vst v2;
	s14 =	smov.u32 s5;
	s5 =	sadd.s32 $0x40, s5  }
.Ltmp3:
0xd2: {  	(pc) =	sbr.rel @p2 .LBB2_4-.Ltmp3, $2  }
0xd3: {  	_ =	sdelay $0x2  }
0xd4: {  	s14 =	sshra.s32 s14, $0x2  }
0xd5: {  	[tilespmem:s14+$0x19F80] =	vst v2;
	s5 =	simm.s32 $0x0;
	s21 =	simm.s32 $0x14680;
	s17 =	rddreg [dreg:$0x5]  }
0xd6: {  	[tilespmem:s21], [sflag:$0x2] =	stream.linear.gather [hbm4b:s17+s5], $0x1000, $0x38;
	[tilespmem:$0x1AF80] =	vst v63  }
0xd7: {  	_ =	swait.ge [sflag:s29], $0x1000  }
0xd8: {  	[sflag:s29] =	ssyncset.done $0x0  }
0xd9: {  	[sflag:s29] =	ssyncadd.s32 $0xFFFFF000  }
0xda: {  	v4 =	vld [tilespmem:s21+$0x0];
	_ =	sdelay $0x4  }
0xdb: {  	v4 =	vsub.s32 v4, v0  }
0xdc: {  	v5 =	vor.u32 s5, v3;
	vm0 =	vlt.u32 v4, $0xA2800  }
0xdd: {  	s5 =	simm.s32 $0x15680;
	v4 =	vsel vm0, v4, v5  }
0xde: {  	s17 =	simm.s32 $0x14690;
	[tilespmem:s5+$0x0] =	vst v4  }
0xdf: {  	s14 =	simm.s32 $0x10;
	s18 =	simm.s32 $0x20;
	v4 =	vld [tilespmem:s17+$0x0]  }
.LBB2_6:
0xe0: {  	p2 =	sne.s32 s18, $0xFF0;
	_ =	sdelay $0x3  }
.Ltmp4:
0xe1: {  	v4 =	vsub.s32 v4, v0;
	(pc) =	sbr.rel @p2 .LBB2_6-.Ltmp4, $4  }
0xe2: {  	v5 =	vor.u32 s14, v3;
	s14 =	smov.u32 s18;
	vm0 =	vlt.u32 v4, $0xA2800  }
0xe3: {  	s5 =	sadd.s32 $0x10, s5;
	v4 =	vsel vm0, v4, v5  }
0xe4: {  	s17 =	sadd.s32 $0x10, s17;
	[tilespmem:s5+$0x0] =	vst v4  }
0xe5: {  	s18 =	sadd.s32 $0x10, s18;
	v4 =	vld [tilespmem:s17+$0x0]  }
0xe6: {  	_ =	sdelay $0x3  }
0xe7: {  	v4 =	vsub.s32 v4, v0  }
0xe8: {  	v5 =	vor.u32 s14, v3;
	vm0 =	vlt.u32 v4, $0xA2800  }
0xe9: {  	s5 =	sadd.s32 $0x10, s5;
	v4 =	vsel vm0, v4, v5  }
0xea: {  	[tilespmem:s5+$0x0] =	vst v4  }
0xeb: {  	[bflag:$0x0] =	sbarrier.arrive $0xFFFF  }
0xec: {  	[spmem:s6] =	stream.linear.scatter [tilespmem:s30], [sflag:$0x1], $0x28D0, $0x38;
	[tilespmem:$0x1AF80] =	vst v63  }
0xed: {  	_ = 	snop  }
0xee: {  	[spmem:s7] =	stream.linear.scatter [tilespmem:s30], [sflag:$0x1], $0x28D0, $0x38;
	[tilespmem:$0x1AF80] =	vst v63  }
0xef: {  	_ = 	snop  }
0xf0: {  	[spmem:s8] =	stream.linear.scatter [tilespmem:s30], [sflag:$0x1], $0x28D0, $0x38;
	[tilespmem:$0x1AF80] =	vst v63  }
0xf1: {  	_ = 	snop  }
0xf2: {  	[spmem:s9] =	stream.linear.scatter [tilespmem:s30], [sflag:$0x1], $0x28D0, $0x38;
	[tilespmem:$0x1AF80] =	vst v63  }
0xf3: {  	_ = 	snop  }
0xf4: {  	[spmem:s10] =	stream.linear.scatter [tilespmem:s30], [sflag:$0x1], $0x28D0, $0x38;
	[tilespmem:$0x1AF80] =	vst v63  }
0xf5: {  	_ = 	snop  }
0xf6: {  	[spmem:s11] =	stream.linear.scatter [tilespmem:s30], [sflag:$0x1], $0x28D0, $0x38;
	[tilespmem:$0x1AF80] =	vst v63  }
0xf7: {  	_ = 	snop  }
0xf8: {  	[spmem:s12] =	stream.linear.scatter [tilespmem:s30], [sflag:$0x1], $0x28D0, $0x38;
	[tilespmem:$0x1AF80] =	vst v63  }
0xf9: {  	_ = 	snop  }
0xfa: {  	[spmem:s13] =	stream.linear.scatter [tilespmem:s30], [sflag:$0x1], $0x28D0, $0x38;
	[tilespmem:$0x1AF80] =	vst v63  }
0xfb: {  	_ =	swait.ge [sflag:s31], $0x28D0  }
0xfc: {  	[sflag:s31] =	ssyncset.done $0x0  }
0xfd: {  	[sflag:s31] =	ssyncadd.s32 $0xFFFFD730  }
0xfe: {  	_ =	swait.ge [sflag:s31], $0x28D0  }
0xff: {  	[sflag:s31] =	ssyncset.done $0x0  }
0x100: {  	[sflag:s31] =	ssyncadd.s32 $0xFFFFD730  }
0x101: {  	_ =	swait.ge [sflag:s31], $0x28D0  }
0x102: {  	[sflag:s31] =	ssyncset.done $0x0  }
0x103: {  	[sflag:s31] =	ssyncadd.s32 $0xFFFFD730  }
0x104: {  	_ =	swait.ge [sflag:s31], $0x28D0  }
0x105: {  	[sflag:s31] =	ssyncset.done $0x0  }
0x106: {  	[sflag:s31] =	ssyncadd.s32 $0xFFFFD730  }
0x107: {  	_ =	swait.ge [sflag:s31], $0x28D0  }
0x108: {  	[sflag:s31] =	ssyncset.done $0x0  }
0x109: {  	[sflag:s31] =	ssyncadd.s32 $0xFFFFD730  }
0x10a: {  	_ =	swait.ge [sflag:s31], $0x28D0  }
0x10b: {  	[sflag:s31] =	ssyncset.done $0x0  }
0x10c: {  	[sflag:s31] =	ssyncadd.s32 $0xFFFFD730  }
0x10d: {  	_ =	swait.ge [sflag:s31], $0x28D0  }
0x10e: {  	[sflag:s31] =	ssyncset.done $0x0  }
0x10f: {  	[sflag:s31] =	ssyncadd.s32 $0xFFFFD730  }
0x110: {  	_ =	swait.ge [sflag:s31], $0x28D0  }
0x111: {  	[sflag:s31] =	ssyncset.done $0x0  }
0x112: {  	[sflag:s31] =	ssyncadd.s32 $0xFFFFD730  }
0x113: {  	s20 =	simm.s32 $0x19F80;
	[bflag:$0x0] =	sbarrier.arrive $0xFFFF  }
0x114: {  	[spmem:s2] =	stream.indirect.scatter.add.f32 [tilespmem:s20], [sflag:$0x2], $0x1, s16, s0, $0xb8;
	[tilespmem:$0x1AF80] =	vst v63  }
0x115: {  	_ =	swait.ge [sflag:s29], $0x1000  }
0x116: {  	[sflag:s29] =	ssyncset.done $0x0  }
0x117: {  	s21 =	rddreg [dreg:$0x6];
	[sflag:s29] =	ssyncadd.s32 $0xFFFFF000  }
0x118: {  	[tilespmem:s1], [sflag:$0x2] =	stream.linear.gather [hbm4b:s21+s4], $0x1000, $0x38;
	[tilespmem:$0x1AF80] =	vst v63  }
0x119: {  	_ =	swait.ge [sflag:s29], $0x1000  }
0x11a: {  	[sflag:s29] =	ssyncset.done $0x0  }
0x11b: {  	[sflag:s29] =	ssyncadd.s32 $0xFFFFF000  }
0x11c: {  	[spmem:s3] =	stream.indirect.scatter.add.f32 [tilespmem:s1], [sflag:$0x2], $0x1, s16, s0, $0xb8;
	[tilespmem:$0x1AF80] =	vst v63  }
.Ltmp5:
0x11d: {  	_ =	swait.ge [sflag:s29], $0x1000;
	(pc) =	sbr.rel @p1 .LBB2_10-.Ltmp5, $3  }
0x11e: {  	[sflag:s29] =	ssyncset.done $0x0  }
0x11f: {  	[sflag:s29] =	ssyncadd.s32 $0xFFFFF000  }
0x120: {  	[bflag:$0x0] =	sbarrier.arrive $0xFFFF;
	_ =	sdelay $0x1  }
.Ltmp6:
0x121: {  	(pc) =	sbr.rel @p0 .LBB2_12-.Ltmp6, $2  }
0x122: {  	_ =	sdelay $0x2  }
0x123: {  	p2 =	por $0x0, $0x0  }
.Ltmp7:
0x124: {  	(pc) =	sbr.rel .LBB2_11-.Ltmp7, $3  }
0x125: {  	_ =	sdelay $0x1  }
0x126: {  	s5 =	sshrl.u32 s2, $0x3;
	s14 =	rddreg [dreg:$0x8];
	s17 =	simm.s32 $0x1C02  }
0x127: {  	[hbm:s14], [sflag:s17] =	dma.local [spmem:s5], $0x14500  }
.LBB2_13:
0x128: {  	_ =	sfence.sel $0x180000  }
0x129: {  	[bflag:$0x0] =	sbarrier.arrive $0xFFFF  }
0x12a: {  	_ =	strace $0x90000050  }
0x12b: {  	s0 =	stileid.u32;
	[bflag:$0x2] =	sbarrier.arrive $0xFFFF  }
0x12c: {  	p0 =	sne.s32 s0, $0x0;
	s0 =	rddreg [dreg:$0x4]  }
0x12d: {  	s0 =	sadd.s32 @!p0 $0x100000, s0  }
0x12e: {  	[sflag:s0] =	ssyncadd.tile.s32 @!p0 $0x1;
	_ =	shalt  }
.Lfunc_end2:
_tile_overlayer_lowered:
.L_overlay_start_2:
0x12f: {  	(tag) =	ssettag $0x2  }
0x130: {  	s0 =	rddreg [dreg:$0x0];
	s2 =	stileid.u32  }
0x131: {  	s1 =	rddreg [dreg:$0x1];
	p0 =	sne.s32 s2, $0x0  }
0x132: {  	s3 =	rddreg [dreg:$0x2];
	[bflag:$0x3] =	sbarrier.arrive $0xFFFF;
	s2 =	simm.s32 @!p0 $0x1C02  }
0x133: {  	[timem:s3], [sflag:s2] =	dma.local @!p0 [hbm:s0], s1  }
0x134: {  	s0 =	simm.s32 @!p0 $0x2  }
0x135: {  	_ =	swait.ge @!p0 [sflag:s0], s1  }
0x136: {  	s1 =	ssub.s32 @!p0 $0x0, s1;
	[sflag:s0] =	ssyncset.done @!p0 $0x0  }
0x137: {  	[sflag:s0] =	ssyncadd.s32 @!p0 s1  }
0x138: {  	[bflag:$0x3] =	sbarrier.arrive $0xFFFF  }
0x139: {  	_ =	shalt  }

</sc_bundles>
